<compile_context>
chip_gen: v7x
topology: tpu7x:2x2x1
jax: 0.10.2.dev20260603
libtpu: 0.0.44.dev20260713+nightly
codegen_flags: <defaults>
</compile_context>

<pallas_src>
import jax
import jax.numpy as jnp
from jax import lax
from jax.experimental import pallas as pl
from jax.experimental.pallas import tpu as pltpu
from jax.experimental.pallas import tpu_sc as plsc

N = 10000
E = 160000
D = 256
DOUT = 128
HB = 8
C = 256

NPAD = 10240
HALF = 5120
NTS = 16
SH_ROWS = 5136
DUMP = 5120
CSH = 384
ECH = 64
ER = 2560
EPAD = ER * ECH
ERT = 160
NPT = 320
SLR = 16
NSLA = 10
CHK = 48
CMAX = 10288
PKB = 14
ESL = 32
NSL = 80

_MESH = plsc.VectorSubcoreMesh(core_axis_name="c", subcore_axis_name="s")


def _sca_body(h_hbm, src_hbm, dst_hbm, agg_hbm, deg_hbm,
              cpk, gix, six, sl_src, sl_dst, rows, hist2d, rowidx,
              s_sem, d_sem, gsem, ssem, agg_sh, deg_sh):
    c = lax.axis_index("c")
    s = lax.axis_index("s")
    base = c * HALF
    zv = jnp.zeros((16,), jnp.float32)
    ov = jnp.ones((16,), jnp.float32)
    iot = lax.iota(jnp.int32, 16)

    def zrow(i, _):
        for q in range(2):
            for j in range(16):
                rows[q, i, pl.ds(j * 16, 16)] = zv
        return 0
    lax.fori_loop(0, CHK, zrow, 0)
    for k in range(NPT // ECH):
        pltpu.sync_copy(rows.at[0, pl.ds(0, 48)],
                        agg_sh.at[pl.ds(s * NPT + k * ECH, 48)])
        pltpu.sync_copy(rows.at[1, pl.ds(0, 16)],
                        agg_sh.at[pl.ds(s * NPT + k * ECH + 48, 16)])

    def zh(i, _):
        hist2d[i, pl.ds(0, 16)] = zv
        return 0
    lax.fori_loop(0, 384, zh, 0)
    for r in range(3):
        for j in range(8):
            v = r * 128 + j * 16 + iot
            rowidx[r, pl.ds(j * 16, 16)] = jnp.where(v < NPT, v, NPT)
    pltpu.sync_copy(hist2d.at[pl.ds(0, 20)], deg_sh.at[pl.ds(s * 20, 20)])

    @pl.when(s == 0)
    def _():
        pltpu.sync_copy(rows.at[0, pl.ds(0, 16)], agg_sh.at[pl.ds(DUMP, 16)])
        pltpu.sync_copy(hist2d.at[pl.ds(0, 8)], deg_sh.at[pl.ds(NPT, 8)])

    pltpu.async_copy(src_hbm.at[pl.ds(s * ERT, SLR)], sl_src.at[0],
                     s_sem.at[0])
    pltpu.async_copy(dst_hbm.at[pl.ds(s * ERT, SLR)], sl_dst.at[0],
                     d_sem.at[0])

    dump_row = DUMP + s

    def slab_body(t, cur):
        p = t % 2
        pltpu.make_async_copy(src_hbm.at[pl.ds(s * ERT + t * SLR, SLR)],
                              sl_src.at[p], s_sem.at[p]).wait()
        pltpu.make_async_copy(dst_hbm.at[pl.ds(s * ERT + t * SLR, SLR)],
                              sl_dst.at[p], d_sem.at[p]).wait()

        @pl.when(t + 1 < NSLA)
        def _():
            nt = t + 1
            pltpu.async_copy(
                src_hbm.at[pl.ds(s * ERT + nt * SLR, SLR)],
                sl_src.at[1 - p], s_sem.at[1 - p])
            pltpu.async_copy(
                dst_hbm.at[pl.ds(s * ERT + nt * SLR, SLR)],
                sl_dst.at[1 - p], d_sem.at[1 - p])

        def row_body(r, cur):
            for j in range(ECH // 16):
                sv = sl_src[p, r, pl.ds(j * 16, 16)]
                dv = sl_dst[p, r, pl.ds(j * 16, 16)]
                ld = dv - base
                ok = (ld >= 0) & (ld < HALF)
                ldm = jnp.where(ok, ld, 0)
                plsc.addupdate_scatter(
                    hist2d,
                    [lax.shift_right_logical(ldm, 4), ldm & 15],
                    ov, mask=ok)
                plsc.store_compressed(cpk.at[pl.ds(cur, 16)],
                                      sv | (ld << PKB), mask=ok)
                cur = cur + jnp.sum(ok.astype(jnp.int32))
            return cur
        return lax.fori_loop(0, SLR, row_body, cur)

    cur = lax.fori_loop(0, NSLA, slab_body, jnp.int32(0))

    for j in range(CHK // 16):
        cpk[pl.ds(cur + j * 16, 16)] = jnp.full(
            (16,), 0, jnp.int32) | (dump_row << PKB)
    nch = lax.div(cur + (CHK - 1), CHK)

    plsc.subcore_barrier()

    def unpack(i, q):
        for j in range(CHK // 16):
            v = cpk[pl.ds(i * CHK + j * 16, 16)]
            gix[q, pl.ds(j * 16, 16)] = v & ((1 << PKB) - 1)
            six[q, pl.ds(j * 16, 16)] = lax.shift_right_logical(v, PKB)

    nch = jnp.maximum(nch, 1)
    unpack(0, 0)
    pltpu.async_copy(h_hbm.at[gix.at[0]], rows.at[0], gsem.at[0])

    def gs_body(i, _):
        p = i % 2

        @pl.when(i + 1 < nch)
        def _():
            unpack(i + 1, 1 - p)
            pltpu.async_copy(h_hbm.at[gix.at[1 - p]], rows.at[1 - p],
                             gsem.at[1 - p])
        pltpu.make_async_copy(h_hbm.at[gix.at[p]], rows.at[p],
                              gsem.at[p]).wait()
        pltpu.sync_copy(rows.at[p], agg_sh.at[six.at[p]], add=True)
        return 0
    lax.fori_loop(0, nch, gs_body, 0)

    for r in range(3):
        pltpu.sync_copy(hist2d.at[pl.ds(r * 128, 128)],
                        deg_sh.at[rowidx.at[r]], add=True)

    plsc.subcore_barrier()

    for k in range(NPT // ECH):
        pltpu.sync_copy(agg_sh.at[pl.ds(s * NPT + k * ECH, ECH)],
                        agg_hbm.at[pl.ds(base + s * NPT + k * ECH, ECH)])
    pltpu.sync_copy(deg_sh.at[pl.ds(s * 20, 20)],
                    deg_hbm.at[pl.ds(c * NPT + s * 20, 20)])


def _sc_a(h, src2, dst2):
    return pl.kernel(
        _sca_body,
        out_type=[
            jax.ShapeDtypeStruct((NPAD, D), jnp.float32),
            jax.ShapeDtypeStruct((NPAD // 16, 16), jnp.float32),
        ],
        mesh=_MESH,
        compiler_params=pltpu.CompilerParams(use_tc_tiling_on_sc=False,
                                             needs_layout_passes=False),
        scratch_types=[
            pltpu.VMEM((CMAX,), jnp.int32),
            pltpu.VMEM((2, CHK), jnp.int32),
            pltpu.VMEM((2, CHK), jnp.int32),
            pltpu.VMEM((2, SLR, ECH), jnp.int32),
            pltpu.VMEM((2, SLR, ECH), jnp.int32),
            pltpu.VMEM((2, CHK, D), jnp.float32),
            pltpu.VMEM((384, 16), jnp.float32),
            pltpu.VMEM((3, 128), jnp.int32),
            pltpu.SemaphoreType.DMA((2,)),
            pltpu.SemaphoreType.DMA((2,)),
            pltpu.SemaphoreType.DMA((2,)),
            pltpu.SemaphoreType.DMA((2,)),
            pltpu.VMEM_SHARED((SH_ROWS, D), jnp.float32),
            pltpu.VMEM_SHARED((NPT + 8, 16), jnp.float32),
        ],
    )(h, src2, dst2)


def _scb_body(hp_hbm, ids_hbm, src_hbm, dst_hbm, csum_hbm, cnts_hbm,
              flat_hbm, ids_vm, cflat, rows2, cid_st, fa_src, fa_dst,
              fl_out, fe_st, fa_sem, fb_sem, fl_sem, csum_sh):
    c = lax.axis_index("c")
    s = lax.axis_index("s")
    gt = c * NTS + s
    nb = gt * NPT
    zv = jnp.zeros((16,), jnp.float32)
    ov = jnp.ones((16,), jnp.float32)
    iot = lax.iota(jnp.int32, 16)

    pltpu.sync_copy(ids_hbm, ids_vm)

    def zrow(i, _):
        for j in range(16):
            rows2[i, pl.ds(j * 16, 16)] = zv
        return 0
    lax.fori_loop(0, 64, zrow, 0)
    pltpu.sync_copy(rows2.at[pl.ds(0, 24)], csum_sh.at[pl.ds(s * 24, 24)])

    for i in range(20):
        iv = ids_vm[pl.ds(nb + i * 16, 16)]
        ok = (nb + i * 16 + iot) < N
        cid_st[i // 4, pl.ds((i % 4) * 16, 16)] = jnp.where(ok, iv, C)

    plsc.subcore_barrier()

    for j in range(5):
        pltpu.sync_copy(hp_hbm.at[pl.ds(nb + j * 64, 64)], rows2)
        pltpu.sync_copy(rows2, csum_sh.at[cid_st.at[j]], add=True)

    pltpu.async_copy(src_hbm.at[pl.ds(s * ERT, SLR)], fa_src.at[0],
                     fa_sem.at[0])
    pltpu.async_copy(dst_hbm.at[pl.ds(s * ERT, SLR)], fa_dst.at[0],
                     fb_sem.at[0])

    def fla_body(t, _):
        p = t % 2
        pltpu.make_async_copy(src_hbm.at[pl.ds(s * ERT + t * SLR, SLR)],
                              fa_src.at[p], fa_sem.at[p]).wait()
        pltpu.make_async_copy(dst_hbm.at[pl.ds(s * ERT + t * SLR, SLR)],
                              fa_dst.at[p], fb_sem.at[p]).wait()

        @pl.when(t + 1 < NSLA)
        def _():
            nt = t + 1
            pltpu.async_copy(
                src_hbm.at[pl.ds(s * ERT + nt * SLR, SLR)],
                fa_src.at[1 - p], fa_sem.at[1 - p])
            pltpu.async_copy(
                dst_hbm.at[pl.ds(s * ERT + nt * SLR, SLR)],
                fa_dst.at[1 - p], fb_sem.at[1 - p])

        def fr_body(r, _):
            for j in range(ECH // 16):
                sv = fa_src[p, r, pl.ds(j * 16, 16)]
                dv = fa_dst[p, r, pl.ds(j * 16, 16)]
                cid = plsc.load_gather(ids_vm, [sv])
                fl_out[r, pl.ds(j * 16, 16)] = dv * C + cid
            return 0
        lax.fori_loop(0, SLR, fr_body, 0)
        pltpu.sync_copy(fl_out, flat_hbm.at[pl.ds(s * ERT + t * SLR, SLR)])
        return 0
    lax.fori_loop(0, NSLA, fla_body, 0)

    def zc(i, _):
        for j in range(8):
            cflat[pl.ds(i * 128 + j * 16, 16)] = zv
        return 0
    lax.fori_loop(0, NPT * C // 128, zc, 0)
    for i in range(20):
        iv = ids_vm[pl.ds(nb + i * 16, 16)]
        ok = (nb + i * 16 + iot) < N
        flat = (i * 16 + iot) * C + iv
        plsc.addupdate_scatter(cflat, [flat], ov, mask=ok)

    plsc.subcore_barrier()

    nbc = nb * C
    pltpu.async_copy(flat_hbm.at[pl.ds(0, ESL)], fe_st.at[0], fl_sem.at[0])

    def slab_body(t, _):
        p = t % 2
        pltpu.make_async_copy(flat_hbm.at[pl.ds(t * ESL, ESL)],
                              fe_st.at[p], fl_sem.at[p]).wait()

        @pl.when(t + 1 < NSL)
        def _():
            nt = t + 1
            pltpu.async_copy(flat_hbm.at[pl.ds(nt * ESL, ESL)],
                             fe_st.at[1 - p], fl_sem.at[1 - p])

        def row_body(r, _):
            for j in range(ECH // 16):
                fv = fe_st[p, r, pl.ds(j * 16, 16)]
                ld = fv - nbc
                ok = (ld >= 0) & (ld < NPT * C)
                plsc.addupdate_scatter(cflat, [jnp.where(ok, ld, 0)], ov,
                                       mask=ok)
            return 0
        lax.fori_loop(0, ESL, row_body, 0)
        return 0
    lax.fori_loop(0, NSL, slab_body, 0)

    plsc.subcore_barrier()
    pltpu.sync_copy(csum_sh.at[pl.ds(s * 24, 24)],
                    csum_hbm.at[c, pl.ds(s * 24, 24)])
    pltpu.sync_copy(cflat, cnts_hbm.at[pl.ds(gt * (NPT * C), NPT * C)])


def _sc_b(hp, ids, src2, dst2):
    return pl.kernel(
        _scb_body,
        out_type=[
            jax.ShapeDtypeStruct((2, CSH, D), jnp.float32),
            jax.ShapeDtypeStruct((NPAD * C,), jnp.float32),
            jax.ShapeDtypeStruct((ER, ECH), jnp.int32),
        ],
        mesh=_MESH,
        compiler_params=pltpu.CompilerParams(use_tc_tiling_on_sc=False,
                                             needs_layout_passes=False),
        scratch_types=[
            pltpu.VMEM((NPAD,), jnp.int32),
            pltpu.VMEM((NPT * C,), jnp.float32),
            pltpu.VMEM((64, D), jnp.float32),
            pltpu.VMEM((5, 64), jnp.int32),
            pltpu.VMEM((2, SLR, ECH), jnp.int32),
            pltpu.VMEM((2, SLR, ECH), jnp.int32),
            pltpu.VMEM((SLR, ECH), jnp.int32),
            pltpu.VMEM((2, ESL, ECH), jnp.int32),
            pltpu.SemaphoreType.DMA((2,)),
            pltpu.SemaphoreType.DMA((2,)),
            pltpu.SemaphoreType.DMA((2,)),
            pltpu.VMEM_SHARED((CSH, D), jnp.float32),
        ],
    )(hp, ids, src2, dst2)


def _tc1_body(x_ref, w_ref, b_ref, o_ref):
    o_ref[...] = jnp.dot(x_ref[...], w_ref[...],
                         preferred_element_type=jnp.float32) + b_ref[...]


def _tc1(x, W1, b1, block_rows=1024):
    grid = (NPAD // block_rows,)
    return pl.pallas_call(
        _tc1_body,
        grid=grid,
        in_specs=[
            pl.BlockSpec((block_rows, D), lambda i: (i, 0)),
            pl.BlockSpec((D, D), lambda i: (0, 0)),
            pl.BlockSpec((D,), lambda i: (0,)),
        ],
        out_specs=pl.BlockSpec((block_rows, D), lambda i: (i, 0)),
        out_shape=jax.ShapeDtypeStruct((NPAD, D), jnp.float32),
    )(x, W1, b1)


def _tc2_body(agg_ref, h_ref, deg_ref, wsel_ref, hp_ref, ids_ref, cnt_ref):
    i = pl.program_id(0)
    deg = deg_ref[...]
    hp = (agg_ref[...] + h_ref[...]) / (deg[:, None] + 1.0)
    hp_ref[...] = hp
    bits = (hp > 0).astype(jnp.float32)
    idsf = jnp.dot(bits, wsel_ref[...], preferred_element_type=jnp.float32)
    ids = idsf[:, 0].astype(jnp.int32)
    ids_ref[...] = ids
    rows = hp.shape[0]
    gidx = i * rows + lax.broadcasted_iota(jnp.int32, (rows, 1), 0)
    onehot = ((ids[:, None] == lax.broadcasted_iota(jnp.int32, (rows, C), 1))
              & (gidx < N)).astype(jnp.float32)
    part = jnp.sum(onehot, axis=0)

    @pl.when(i == 0)
    def _():
        cnt_ref[...] = jnp.zeros_like(cnt_ref)
    cnt_ref[...] += part


def _tc2(agg, h, deg, wsel, block_rows=1024):
    grid = (NPAD // block_rows,)
    return pl.pallas_call(
        _tc2_body,
        grid=grid,
        in_specs=[
            pl.BlockSpec((block_rows, D), lambda i: (i, 0)),
            pl.BlockSpec((block_rows, D), lambda i: (i, 0)),
            pl.BlockSpec((block_rows,), lambda i: (i,)),
            pl.BlockSpec((D, DOUT), lambda i: (0, 0)),
        ],
        out_specs=[
            pl.BlockSpec((block_rows, D), lambda i: (i, 0)),
            pl.BlockSpec((block_rows,), lambda i: (i,)),
            pl.BlockSpec((C,), lambda i: (0,)),
        ],
        out_shape=[
            jax.ShapeDtypeStruct((NPAD, D), jnp.float32),
            jax.ShapeDtypeStruct((NPAD,), jnp.int32),
            jax.ShapeDtypeStruct((C,), jnp.float32),
        ],
    )(agg, h, deg, wsel)


def _tc3_body(counts_ref, deg_ref, csum_ref, cnt_ref, w2_ref, b2_ref, o_ref):
    csum = csum_ref[0, :C, :] + csum_ref[1, :C, :]
    cnt = cnt_ref[...]
    cmean = csum / jnp.maximum(cnt, 1.0)[:, None]
    z = jnp.dot(cmean, w2_ref[...], preferred_element_type=jnp.float32) \
        + b2_ref[...]
    agg2 = jnp.dot(counts_ref[...], z, preferred_element_type=jnp.float32)
    o_ref[...] = agg2 / (deg_ref[...][:, None] + 1.0)


def _tc3(counts, deg, csum, cnt, W2, b2, block_rows=1024):
    grid = (NPAD // block_rows,)
    return pl.pallas_call(
        _tc3_body,
        grid=grid,
        in_specs=[
            pl.BlockSpec((block_rows, C), lambda i: (i, 0)),
            pl.BlockSpec((block_rows,), lambda i: (i,)),
            pl.BlockSpec((2, CSH, D), lambda i: (0, 0, 0)),
            pl.BlockSpec((C,), lambda i: (0,)),
            pl.BlockSpec((D, DOUT), lambda i: (0, 0)),
            pl.BlockSpec((DOUT,), lambda i: (0,)),
        ],
        out_specs=pl.BlockSpec((block_rows, DOUT), lambda i: (i, 0)),
        out_shape=jax.ShapeDtypeStruct((NPAD, DOUT), jnp.float32),
    )(counts, deg, csum, cnt, W2, b2)


def kernel(x, edge_index, W1, b1, W2, b2):
    src2 = jnp.concatenate(
        [edge_index[0], jnp.zeros((EPAD - E,), jnp.int32)]).reshape(ER, ECH)
    dst2 = jnp.concatenate(
        [edge_index[1], jnp.full((EPAD - E,), NPAD, jnp.int32)]).reshape(
            ER, ECH)
    wsel = jnp.zeros((D, DOUT), jnp.float32).at[:HB, 0].set(
        (2 ** jnp.arange(HB)).astype(jnp.float32))

    h = _tc1(x, W1, b1)
    agg, deg2 = _sc_a(h, src2, dst2)
    deg = deg2.reshape(NPAD)
    hp, ids, cnt = _tc2(agg, h, deg, wsel)
    csum, cntsf, _flat = _sc_b(hp, ids, src2, dst2)
    counts = cntsf.reshape(NPAD, C)
    out = _tc3(counts, deg, csum, cnt, W2, b2)
    return out[:N]

# --- scband reference (transcript-rebuilt; emitter-appended) ---
"""Pipeline reference for scband-gcn-33208687133420 (READ-ONLY COPY).

The authoritative reference and input builder live on the scoring server;
editing this copy changes nothing except your own understanding.
"""

import jax, jax.numpy as jnp
import numpy as np

N = 10000
E = 160000
D = 256
DOUT = 128
H = 8  # param_H: number of hash bits for Kongming clustering -> 2**H clusters
C = 2 ** H


def setup_inputs(seed: int = 0) -> dict:
    key = jax.random.key(seed)
    k1, k2, k3, k4 = jax.random.split(key, 4)
    x = jax.random.normal(k1, (N, D), dtype=jnp.float32)
    edge_index = jax.random.randint(k2, (2, E), 0, N, dtype=jnp.int32)
    W1 = jax.random.normal(k3, (D, D), dtype=jnp.float32) * (1.0 / np.sqrt(D))
    b1 = jnp.zeros((D,), dtype=jnp.float32)
    W2 = jax.random.normal(k4, (D, DOUT), dtype=jnp.float32) * (1.0 / np.sqrt(D))
    b2 = jnp.zeros((DOUT,), dtype=jnp.float32)
    return {"x": x, "edge_index": edge_index, "W1": W1, "b1": b1, "W2": W2, "b2": b2}


def _sl_propagate(h, src, dst):
    # SLPropagate: self-loop mean aggregation over incoming edges
    agg = jax.ops.segment_sum(h[src], dst, num_segments=N)
    deg = jax.ops.segment_sum(jnp.ones((E,), dtype=h.dtype), dst, num_segments=N)
    return (agg + h) / (deg[:, None] + 1.0)


def _kongming_cluster(h):
    # hash nodes into 2**H buckets using sign bits of the first H feature dims,
    # cluster representation is the mean of member node features
    bits = (h[:, :H] > 0).astype(jnp.int32)
    ids = jnp.sum(bits * (2 ** jnp.arange(H, dtype=jnp.int32)), axis=1)
    csum = jax.ops.segment_sum(h, ids, num_segments=C)
    cnt = jax.ops.segment_sum(jnp.ones((N,), dtype=h.dtype), ids, num_segments=C)
    cmean = csum / jnp.maximum(cnt, 1.0)[:, None]
    return cmean, ids


def reference(x, edge_index, W1, b1, W2, b2):
    src = edge_index[0]
    dst = edge_index[1]
    h = x @ W1 + b1                      # lin1
    h = _sl_propagate(h, src, dst)        # P1
    hc, ids = _kongming_cluster(h)        # cluster
    z = hc @ W2 + b2                      # lin2
    h2 = z[ids]                           # reconstruct: gather cluster features back to nodes
    h2 = _sl_propagate(h2, src, dst)      # P2
    # original computes F.log_softmax(x, dim=1) into `out` but returns x (pre-softmax)
    return h2

if __name__ == "__main__":
    import jax
    _d = setup_inputs()
    print(jax.jit(kernel)(*tuple(_d.values())))

</pallas_src>

<mosaic_0001>
#map = affine_map<(d0, d1) -> (0, 0)>
#map1 = affine_map<(d0, d1) -> (0)>
#map2 = affine_map<(d0, d1) -> (0, 0, 0)>
module attributes {stable_mosaic.version = 14 : i64} {
  func.func @_scb_body(%arg0: i32, %arg1: i32, %arg2: memref<10240x256xf32, #tpu.memory_space<hbm>>, %arg3: memref<10240xi32, #tpu.memory_space<hbm>>, %arg4: memref<2560x64xi32, #tpu.memory_space<hbm>>, %arg5: memref<2560x64xi32, #tpu.memory_space<hbm>>, %arg6: memref<2x384x256xf32, #tpu.memory_space<hbm>>, %arg7: memref<2621440xf32, #tpu.memory_space<hbm>>, %arg8: memref<2560x64xi32, #tpu.memory_space<hbm>>, %arg9: memref<10240xi32, #tpu.memory_space<vmem>>, %arg10: memref<81920xf32, #tpu.memory_space<vmem>>, %arg11: memref<64x256xf32, #tpu.memory_space<vmem>>, %arg12: memref<5x64xi32, #tpu.memory_space<vmem>>, %arg13: memref<2x16x64xi32, #tpu.memory_space<vmem>>, %arg14: memref<2x16x64xi32, #tpu.memory_space<vmem>>, %arg15: memref<16x64xi32, #tpu.memory_space<vmem>>, %arg16: memref<2x32x64xi32, #tpu.memory_space<vmem>>, %arg17: memref<2x!tpu.dma_semaphore, #tpu.memory_space<semaphore_mem>>, %arg18: memref<2x!tpu.dma_semaphore, #tpu.memory_space<semaphore_mem>>, %arg19: memref<2x!tpu.dma_semaphore, #tpu.memory_space<semaphore_mem>>, %arg20: memref<384x256xf32, #tpu.memory_space<vmem_shared>>) attributes {dimension_semantics = [#tpu.dimension_semantics<core_parallel>, #tpu.dimension_semantics<subcore_parallel>], iteration_bounds = array<i64: 2, 16>, scalar_prefetch = 0 : i64, scratch_operands = 12 : i64, tpu.core_type = #tpu.core_type<sc_vector_subcore>, window_params = [{transform_indices = #map}, {transform_indices = #map1}, {transform_indices = #map}, {transform_indices = #map}, {transform_indices = #map2}, {transform_indices = #map1}, {transform_indices = #map}]} {
    %mul3A = arith.constant 16 : i32
    %mul3A_0 = arith.muli %arg0, %mul3A : i32
    %add3A = arith.addi %mul3A_0, %arg1 : i32
    %mul3A_1 = arith.constant 320 : i32
    %mul3A_2 = arith.muli %add3A, %mul3A_1 : i32
    %broadcast_in_dim3A = arith.constant 0.000000e+00 : f32
    %broadcast_in_dim3A_3 = vector.broadcast %broadcast_in_dim3A : f32 to vector<16xf32>
    %broadcast_in_dim3A_4 = arith.constant 1.000000e+00 : f32
    %broadcast_in_dim3A_5 = vector.broadcast %broadcast_in_dim3A_4 : f32 to vector<16xf32>
    %iota3A = tpu.iota {dimensions = array<i32: 0>} : vector<16xi32>
    "tpu.region"() ({
      %run_scoped3A_827 = tpu.sem_alloc : memref<!tpu.dma_semaphore, #tpu.memory_space<semaphore_mem>>
      tpu.enqueue_dma source(%arg3 : memref<10240xi32, #tpu.memory_space<hbm>>) target(%arg9 : memref<10240xi32, #tpu.memory_space<vmem>>) target_semaphore(%run_scoped3A_827 : memref<!tpu.dma_semaphore, #tpu.memory_space<semaphore_mem>>)
      tpu.wait_dma2 semaphore(%run_scoped3A_827 : memref<!tpu.dma_semaphore, #tpu.memory_space<semaphore_mem>>) src(%arg3 : memref<10240xi32, #tpu.memory_space<hbm>>) dst(%arg9 : memref<10240xi32, #tpu.memory_space<vmem>>)
      tpu.yield
    }) : () -> ()
    %scan3A = arith.constant 0 : i32
    %scan3A_6 = arith.constant 0 : i32
    %scan3A_7 = arith.constant 64 : i32
    %scan3A_8 = arith.addi %scan3A_6, %scan3A_7 : i32
    %scan3A_9 = arith.constant 1 : i32
    %scan3A_10 = scf.for %scan3A_827 = %scan3A_6 to %scan3A_8 step %scan3A_9 iter_args(%scan3A_828 = %scan3A) -> (i32)  : i32 {
      %swap3A_829 = arith.index_cast %scan3A_827 : i32 to index
      %swap3A_830 = arith.constant 0 : index
      %swap3A_831 = tpu.vector_load %arg11[%swap3A_829, %swap3A_830] {strides = array<i32>} : memref<64x256xf32, #tpu.memory_space<vmem>>, vector<16xf32>,
      tpu.vector_store %arg11[%swap3A_829, %swap3A_830], %broadcast_in_dim3A_3 {strides = array<i32>} : memref<64x256xf32, #tpu.memory_space<vmem>>, vector<16xf32>,
      %swap3A_832 = arith.index_cast %scan3A_827 : i32 to index
      %swap3A_833 = arith.constant 16 : index
      %swap3A_834 = tpu.vector_load %arg11[%swap3A_832, %swap3A_833] {strides = array<i32>} : memref<64x256xf32, #tpu.memory_space<vmem>>, vector<16xf32>,
      tpu.vector_store %arg11[%swap3A_832, %swap3A_833], %broadcast_in_dim3A_3 {strides = array<i32>} : memref<64x256xf32, #tpu.memory_space<vmem>>, vector<16xf32>,
      %swap3A_835 = arith.index_cast %scan3A_827 : i32 to index
      %swap3A_836 = arith.constant 32 : index
      %swap3A_837 = tpu.vector_load %arg11[%swap3A_835, %swap3A_836] {strides = array<i32>} : memref<64x256xf32, #tpu.memory_space<vmem>>, vector<16xf32>,
      tpu.vector_store %arg11[%swap3A_835, %swap3A_836], %broadcast_in_dim3A_3 {strides = array<i32>} : memref<64x256xf32, #tpu.memory_space<vmem>>, vector<16xf32>,
      %swap3A_838 = arith.index_cast %scan3A_827 : i32 to index
      %swap3A_839 = arith.constant 48 : index
      %swap3A_840 = tpu.vector_load %arg11[%swap3A_838, %swap3A_839] {strides = array<i32>} : memref<64x256xf32, #tpu.memory_space<vmem>>, vector<16xf32>,
      tpu.vector_store %arg11[%swap3A_838, %swap3A_839], %broadcast_in_dim3A_3 {strides = array<i32>} : memref<64x256xf32, #tpu.memory_space<vmem>>, vector<16xf32>,
      %swap3A_841 = arith.index_cast %scan3A_827 : i32 to index
      %swap3A_842 = arith.constant 64 : index
      %swap3A_843 = tpu.vector_load %arg11[%swap3A_841, %swap3A_842] {strides = array<i32>} : memref<64x256xf32, #tpu.memory_space<vmem>>, vector<16xf32>,
      tpu.vector_store %arg11[%swap3A_841, %swap3A_842], %broadcast_in_dim3A_3 {strides = array<i32>} : memref<64x256xf32, #tpu.memory_space<vmem>>, vector<16xf32>,
      %swap3A_844 = arith.index_cast %scan3A_827 : i32 to index
      %swap3A_845 = arith.constant 80 : index
      %swap3A_846 = tpu.vector_load %arg11[%swap3A_844, %swap3A_845] {strides = array<i32>} : memref<64x256xf32, #tpu.memory_space<vmem>>, vector<16xf32>,
      tpu.vector_store %arg11[%swap3A_844, %swap3A_845], %broadcast_in_dim3A_3 {strides = array<i32>} : memref<64x256xf32, #tpu.memory_space<vmem>>, vector<16xf32>,
      %swap3A_847 = arith.index_cast %scan3A_827 : i32 to index
      %swap3A_848 = arith.constant 96 : index
      %swap3A_849 = tpu.vector_load %arg11[%swap3A_847, %swap3A_848] {strides = array<i32>} : memref<64x256xf32, #tpu.memory_space<vmem>>, vector<16xf32>,
      tpu.vector_store %arg11[%swap3A_847, %swap3A_848], %broadcast_in_dim3A_3 {strides = array<i32>} : memref<64x256xf32, #tpu.memory_space<vmem>>, vector<16xf32>,
      %swap3A_850 = arith.index_cast %scan3A_827 : i32 to index
      %swap3A_851 = arith.constant 112 : index
      %swap3A_852 = tpu.vector_load %arg11[%swap3A_850, %swap3A_851] {strides = array<i32>} : memref<64x256xf32, #tpu.memory_space<vmem>>, vector<16xf32>,
      tpu.vector_store %arg11[%swap3A_850, %swap3A_851], %broadcast_in_dim3A_3 {strides = array<i32>} : memref<64x256xf32, #tpu.memory_space<vmem>>, vector<16xf32>,
      %swap3A_853 = arith.index_cast %scan3A_827 : i32 to index
      %swap3A_854 = arith.constant 128 : index
      %swap3A_855 = tpu.vector_load %arg11[%swap3A_853, %swap3A_854] {strides = array<i32>} : memref<64x256xf32, #tpu.memory_space<vmem>>, vector<16xf32>,
      tpu.vector_store %arg11[%swap3A_853, %swap3A_854], %broadcast_in_dim3A_3 {strides = array<i32>} : memref<64x256xf32, #tpu.memory_space<vmem>>, vector<16xf32>,
      %swap3A_856 = arith.index_cast %scan3A_827 : i32 to index
      %swap3A_857 = arith.constant 144 : index
      %swap3A_858 = tpu.vector_load %arg11[%swap3A_856, %swap3A_857] {strides = array<i32>} : memref<64x256xf32, #tpu.memory_space<vmem>>, vector<16xf32>,
      tpu.vector_store %arg11[%swap3A_856, %swap3A_857], %broadcast_in_dim3A_3 {strides = array<i32>} : memref<64x256xf32, #tpu.memory_space<vmem>>, vector<16xf32>,
      %swap3A_859 = arith.index_cast %scan3A_827 : i32 to index
      %swap3A_860 = arith.constant 160 : index
      %swap3A_861 = tpu.vector_load %arg11[%swap3A_859, %swap3A_860] {strides = array<i32>} : memref<64x256xf32, #tpu.memory_space<vmem>>, vector<16xf32>,
      tpu.vector_store %arg11[%swap3A_859, %swap3A_860], %broadcast_in_dim3A_3 {strides = array<i32>} : memref<64x256xf32, #tpu.memory_space<vmem>>, vector<16xf32>,
      %swap3A_862 = arith.index_cast %scan3A_827 : i32 to index
      %swap3A_863 = arith.constant 176 : index
      %swap3A_864 = tpu.vector_load %arg11[%swap3A_862, %swap3A_863] {strides = array<i32>} : memref<64x256xf32, #tpu.memory_space<vmem>>, vector<16xf32>,
      tpu.vector_store %arg11[%swap3A_862, %swap3A_863], %broadcast_in_dim3A_3 {strides = array<i32>} : memref<64x256xf32, #tpu.memory_space<vmem>>, vector<16xf32>,
      %swap3A_865 = arith.index_cast %scan3A_827 : i32 to index
      %swap3A_866 = arith.constant 192 : index
      %swap3A_867 = tpu.vector_load %arg11[%swap3A_865, %swap3A_866] {strides = array<i32>} : memref<64x256xf32, #tpu.memory_space<vmem>>, vector<16xf32>,
      tpu.vector_store %arg11[%swap3A_865, %swap3A_866], %broadcast_in_dim3A_3 {strides = array<i32>} : memref<64x256xf32, #tpu.memory_space<vmem>>, vector<16xf32>,
      %swap3A_868 = arith.index_cast %scan3A_827 : i32 to index
      %swap3A_869 = arith.constant 208 : index
      %swap3A_870 = tpu.vector_load %arg11[%swap3A_868, %swap3A_869] {strides = array<i32>} : memref<64x256xf32, #tpu.memory_space<vmem>>, vector<16xf32>,
      tpu.vector_store %arg11[%swap3A_868, %swap3A_869], %broadcast_in_dim3A_3 {strides = array<i32>} : memref<64x256xf32, #tpu.memory_space<vmem>>, vector<16xf32>,
      %swap3A_871 = arith.index_cast %scan3A_827 : i32 to index
      %swap3A_872 = arith.constant 224 : index
      %swap3A_873 = tpu.vector_load %arg11[%swap3A_871, %swap3A_872] {strides = array<i32>} : memref<64x256xf32, #tpu.memory_space<vmem>>, vector<16xf32>,
      tpu.vector_store %arg11[%swap3A_871, %swap3A_872], %broadcast_in_dim3A_3 {strides = array<i32>} : memref<64x256xf32, #tpu.memory_space<vmem>>, vector<16xf32>,
      %swap3A_874 = arith.index_cast %scan3A_827 : i32 to index
      %swap3A_875 = arith.constant 240 : index
      %swap3A_876 = tpu.vector_load %arg11[%swap3A_874, %swap3A_875] {strides = array<i32>} : memref<64x256xf32, #tpu.memory_space<vmem>>, vector<16xf32>,
      tpu.vector_store %arg11[%swap3A_874, %swap3A_875], %broadcast_in_dim3A_3 {strides = array<i32>} : memref<64x256xf32, #tpu.memory_space<vmem>>, vector<16xf32>,
      %scan3A_877 = arith.constant 0 : i32
      scf.yield %scan3A_877 : i32
    }
    %scan3A_11 = arith.constant 64 : i32
    %mul3A_12 = arith.constant 24 : i32
    %mul3A_13 = arith.muli %arg1, %mul3A_12 : i32
    "tpu.region"() ({
      %run_scoped3A_827 = tpu.sem_alloc : memref<!tpu.dma_semaphore, #tpu.memory_space<semaphore_mem>>
      %dma_start3A_828 = arith.constant 0 : i32
      %dma_start3A_829 = arith.constant 0 : i32
      %dma_start3A_830 = tpu.memref_slice %arg11[%dma_start3A_828, %dma_start3A_829] : memref<64x256xf32, #tpu.memory_space<vmem>> -> memref<24x256xf32, #tpu.memory_space<vmem>>
      %dma_start3A_831 = arith.constant 0 : i32
      %dma_start3A_832 = tpu.memref_slice %arg20[%mul3A_13, %dma_start3A_831] : memref<384x256xf32, #tpu.memory_space<vmem_shared>> -> memref<24x256xf32, #tpu.memory_space<vmem_shared>>
      %dma_start3A_833 = arith.constant 0 : i32
      %dma_start3A_834 = tpu.memref_slice %arg20[%mul3A_13, %dma_start3A_833] : memref<384x256xf32, #tpu.memory_space<vmem_shared>> -> memref<24x256xf32, #tpu.memory_space<vmem_shared>>
      %dma_start3A_835 = arith.constant 0 : i32
      %dma_start3A_836 = arith.constant 0 : i32
      %dma_start3A_837 = tpu.memref_slice %arg11[%dma_start3A_835, %dma_start3A_836] : memref<64x256xf32, #tpu.memory_space<vmem>> -> memref<24x256xf32, #tpu.memory_space<vmem>>
      tpu.enqueue_dma source(%dma_start3A_837 : memref<24x256xf32, #tpu.memory_space<vmem>>) target(%dma_start3A_834 : memref<24x256xf32, #tpu.memory_space<vmem_shared>>) target_semaphore(%run_scoped3A_827 : memref<!tpu.dma_semaphore, #tpu.memory_space<semaphore_mem>>)
      %dma_wait3A = arith.constant 0 : i32
      %dma_wait3A_838 = arith.constant 0 : i32
      %dma_wait3A_839 = tpu.memref_slice %arg11[%dma_wait3A, %dma_wait3A_838] : memref<64x256xf32, #tpu.memory_space<vmem>> -> memref<24x256xf32, #tpu.memory_space<vmem>>
      %dma_wait3A_840 = arith.constant 0 : i32
      %dma_wait3A_841 = tpu.memref_slice %arg20[%mul3A_13, %dma_wait3A_840] : memref<384x256xf32, #tpu.memory_space<vmem_shared>> -> memref<24x256xf32, #tpu.memory_space<vmem_shared>>
      %dma_wait3A_842 = arith.constant 0 : i32
      %dma_wait3A_843 = tpu.memref_slice %arg20[%mul3A_13, %dma_wait3A_842] : memref<384x256xf32, #tpu.memory_space<vmem_shared>> -> memref<24x256xf32, #tpu.memory_space<vmem_shared>>
      %dma_wait3A_844 = arith.constant 0 : i32
      %dma_wait3A_845 = arith.constant 0 : i32
      %dma_wait3A_846 = tpu.memref_slice %arg11[%dma_wait3A_844, %dma_wait3A_845] : memref<64x256xf32, #tpu.memory_space<vmem>> -> memref<24x256xf32, #tpu.memory_space<vmem>>
      tpu.wait_dma2 semaphore(%run_scoped3A_827 : memref<!tpu.dma_semaphore, #tpu.memory_space<semaphore_mem>>) src(%dma_wait3A_846 : memref<24x256xf32, #tpu.memory_space<vmem>>) dst(%dma_wait3A_843 : memref<24x256xf32, #tpu.memory_space<vmem_shared>>)
      tpu.yield
    }) : () -> ()
    %add3A_14 = arith.constant 0 : i32
    %add3A_15 = arith.addi %mul3A_2, %add3A_14 : i32
    %get3A = arith.index_cast %add3A_15 : i32 to index
    %get3A_16 = tpu.vector_load %arg9[%get3A] {strides = array<i32>} : memref<10240xi32, #tpu.memory_space<vmem>>, vector<16xi32>,
    %add3A_17 = arith.constant 0 : i32
    %add3A_18 = arith.addi %mul3A_2, %add3A_17 : i32
    %add3A_19 = vector.broadcast %add3A_18 : i32 to vector<16xi32>
    %add3A_20 = arith.addi %add3A_19, %iota3A : vector<16xi32>
    %lt3A = arith.constant 10000 : i32
    %lt3A_21 = vector.broadcast %lt3A : i32 to vector<16xi32>
    %lt3A_22 = arith.cmpi slt, %add3A_20, %lt3A_21 : vector<16xi32>
    %jit3A = arith.constant 256 : i32
    %broadcast_in_dim3A_23 = vector.broadcast %jit3A : i32 to vector<16xi32>
    %select_n3A = arith.select %lt3A_22, %get3A_16, %broadcast_in_dim3A_23 : vector<16xi1>, vector<16xi32>
    %swap3A = arith.constant 0 : i32
    %swap3A_24 = arith.index_cast %swap3A : i32 to index
    %swap3A_25 = arith.constant 0 : index
    %swap3A_26 = tpu.vector_load %arg12[%swap3A_24, %swap3A_25] {strides = array<i32>} : memref<5x64xi32, #tpu.memory_space<vmem>>, vector<16xi32>,
    tpu.vector_store %arg12[%swap3A_24, %swap3A_25], %select_n3A {strides = array<i32>} : memref<5x64xi32, #tpu.memory_space<vmem>>, vector<16xi32>,
    %add3A_27 = arith.constant 16 : i32
    %add3A_28 = arith.addi %mul3A_2, %add3A_27 : i32
    %get3A_29 = arith.index_cast %add3A_28 : i32 to index
    %get3A_30 = tpu.vector_load %arg9[%get3A_29] {strides = array<i32>} : memref<10240xi32, #tpu.memory_space<vmem>>, vector<16xi32>,
    %add3A_31 = arith.constant 16 : i32
    %add3A_32 = arith.addi %mul3A_2, %add3A_31 : i32
    %add3A_33 = vector.broadcast %add3A_32 : i32 to vector<16xi32>
    %add3A_34 = arith.addi %add3A_33, %iota3A : vector<16xi32>
    %lt3A_35 = arith.constant 10000 : i32
    %lt3A_36 = vector.broadcast %lt3A_35 : i32 to vector<16xi32>
    %lt3A_37 = arith.cmpi slt, %add3A_34, %lt3A_36 : vector<16xi32>
    %jit3A_38 = arith.constant 256 : i32
    %broadcast_in_dim3A_39 = vector.broadcast %jit3A_38 : i32 to vector<16xi32>
    %select_n3A_40 = arith.select %lt3A_37, %get3A_30, %broadcast_in_dim3A_39 : vector<16xi1>, vector<16xi32>
    %swap3A_41 = arith.constant 0 : i32
    %swap3A_42 = arith.index_cast %swap3A_41 : i32 to index
    %swap3A_43 = arith.constant 16 : index
    %swap3A_44 = tpu.vector_load %arg12[%swap3A_42, %swap3A_43] {strides = array<i32>} : memref<5x64xi32, #tpu.memory_space<vmem>>, vector<16xi32>,
    tpu.vector_store %arg12[%swap3A_42, %swap3A_43], %select_n3A_40 {strides = array<i32>} : memref<5x64xi32, #tpu.memory_space<vmem>>, vector<16xi32>,
    %add3A_45 = arith.constant 32 : i32
    %add3A_46 = arith.addi %mul3A_2, %add3A_45 : i32
    %get3A_47 = arith.index_cast %add3A_46 : i32 to index
    %get3A_48 = tpu.vector_load %arg9[%get3A_47] {strides = array<i32>} : memref<10240xi32, #tpu.memory_space<vmem>>, vector<16xi32>,
    %add3A_49 = arith.constant 32 : i32
    %add3A_50 = arith.addi %mul3A_2, %add3A_49 : i32
    %add3A_51 = vector.broadcast %add3A_50 : i32 to vector<16xi32>
    %add3A_52 = arith.addi %add3A_51, %iota3A : vector<16xi32>
    %lt3A_53 = arith.constant 10000 : i32
    %lt3A_54 = vector.broadcast %lt3A_53 : i32 to vector<16xi32>
    %lt3A_55 = arith.cmpi slt, %add3A_52, %lt3A_54 : vector<16xi32>
    %jit3A_56 = arith.constant 256 : i32
    %broadcast_in_dim3A_57 = vector.broadcast %jit3A_56 : i32 to vector<16xi32>
    %select_n3A_58 = arith.select %lt3A_55, %get3A_48, %broadcast_in_dim3A_57 : vector<16xi1>, vector<16xi32>
    %swap3A_59 = arith.constant 0 : i32
    %swap3A_60 = arith.index_cast %swap3A_59 : i32 to index
    %swap3A_61 = arith.constant 32 : index
    %swap3A_62 = tpu.vector_load %arg12[%swap3A_60, %swap3A_61] {strides = array<i32>} : memref<5x64xi32, #tpu.memory_space<vmem>>, vector<16xi32>,
    tpu.vector_store %arg12[%swap3A_60, %swap3A_61], %select_n3A_58 {strides = array<i32>} : memref<5x64xi32, #tpu.memory_space<vmem>>, vector<16xi32>,
    %add3A_63 = arith.constant 48 : i32
    %add3A_64 = arith.addi %mul3A_2, %add3A_63 : i32
    %get3A_65 = arith.index_cast %add3A_64 : i32 to index
    %get3A_66 = tpu.vector_load %arg9[%get3A_65] {strides = array<i32>} : memref<10240xi32, #tpu.memory_space<vmem>>, vector<16xi32>,
    %add3A_67 = arith.constant 48 : i32
    %add3A_68 = arith.addi %mul3A_2, %add3A_67 : i32
    %add3A_69 = vector.broadcast %add3A_68 : i32 to vector<16xi32>
    %add3A_70 = arith.addi %add3A_69, %iota3A : vector<16xi32>
    %lt3A_71 = arith.constant 10000 : i32
    %lt3A_72 = vector.broadcast %lt3A_71 : i32 to vector<16xi32>
    %lt3A_73 = arith.cmpi slt, %add3A_70, %lt3A_72 : vector<16xi32>
    %jit3A_74 = arith.constant 256 : i32
    %broadcast_in_dim3A_75 = vector.broadcast %jit3A_74 : i32 to vector<16xi32>
    %select_n3A_76 = arith.select %lt3A_73, %get3A_66, %broadcast_in_dim3A_75 : vector<16xi1>, vector<16xi32>
    %swap3A_77 = arith.constant 0 : i32
    %swap3A_78 = arith.index_cast %swap3A_77 : i32 to index
    %swap3A_79 = arith.constant 48 : index
    %swap3A_80 = tpu.vector_load %arg12[%swap3A_78, %swap3A_79] {strides = array<i32>} : memref<5x64xi32, #tpu.memory_space<vmem>>, vector<16xi32>,
    tpu.vector_store %arg12[%swap3A_78, %swap3A_79], %select_n3A_76 {strides = array<i32>} : memref<5x64xi32, #tpu.memory_space<vmem>>, vector<16xi32>,
    %add3A_81 = arith.constant 64 : i32
    %add3A_82 = arith.addi %mul3A_2, %add3A_81 : i32
    %get3A_83 = arith.index_cast %add3A_82 : i32 to index
    %get3A_84 = tpu.vector_load %arg9[%get3A_83] {strides = array<i32>} : memref<10240xi32, #tpu.memory_space<vmem>>, vector<16xi32>,
    %add3A_85 = arith.constant 64 : i32
    %add3A_86 = arith.addi %mul3A_2, %add3A_85 : i32
    %add3A_87 = vector.broadcast %add3A_86 : i32 to vector<16xi32>
    %add3A_88 = arith.addi %add3A_87, %iota3A : vector<16xi32>
    %lt3A_89 = arith.constant 10000 : i32
    %lt3A_90 = vector.broadcast %lt3A_89 : i32 to vector<16xi32>
    %lt3A_91 = arith.cmpi slt, %add3A_88, %lt3A_90 : vector<16xi32>
    %jit3A_92 = arith.constant 256 : i32
    %broadcast_in_dim3A_93 = vector.broadcast %jit3A_92 : i32 to vector<16xi32>
    %select_n3A_94 = arith.select %lt3A_91, %get3A_84, %broadcast_in_dim3A_93 : vector<16xi1>, vector<16xi32>
    %swap3A_95 = arith.constant 1 : i32
    %swap3A_96 = arith.index_cast %swap3A_95 : i32 to index
    %swap3A_97 = arith.constant 0 : index
    %swap3A_98 = tpu.vector_load %arg12[%swap3A_96, %swap3A_97] {strides = array<i32>} : memref<5x64xi32, #tpu.memory_space<vmem>>, vector<16xi32>,
    tpu.vector_store %arg12[%swap3A_96, %swap3A_97], %select_n3A_94 {strides = array<i32>} : memref<5x64xi32, #tpu.memory_space<vmem>>, vector<16xi32>,
    %add3A_99 = arith.constant 80 : i32
    %add3A_100 = arith.addi %mul3A_2, %add3A_99 : i32
    %get3A_101 = arith.index_cast %add3A_100 : i32 to index
    %get3A_102 = tpu.vector_load %arg9[%get3A_101] {strides = array<i32>} : memref<10240xi32, #tpu.memory_space<vmem>>, vector<16xi32>,
    %add3A_103 = arith.constant 80 : i32
    %add3A_104 = arith.addi %mul3A_2, %add3A_103 : i32
    %add3A_105 = vector.broadcast %add3A_104 : i32 to vector<16xi32>
    %add3A_106 = arith.addi %add3A_105, %iota3A : vector<16xi32>
    %lt3A_107 = arith.constant 10000 : i32
    %lt3A_108 = vector.broadcast %lt3A_107 : i32 to vector<16xi32>
    %lt3A_109 = arith.cmpi slt, %add3A_106, %lt3A_108 : vector<16xi32>
    %jit3A_110 = arith.constant 256 : i32
    %broadcast_in_dim3A_111 = vector.broadcast %jit3A_110 : i32 to vector<16xi32>
    %select_n3A_112 = arith.select %lt3A_109, %get3A_102, %broadcast_in_dim3A_111 : vector<16xi1>, vector<16xi32>
    %swap3A_113 = arith.constant 1 : i32
    %swap3A_114 = arith.index_cast %swap3A_113 : i32 to index
    %swap3A_115 = arith.constant 16 : index
    %swap3A_116 = tpu.vector_load %arg12[%swap3A_114, %swap3A_115] {strides = array<i32>} : memref<5x64xi32, #tpu.memory_space<vmem>>, vector<16xi32>,
    tpu.vector_store %arg12[%swap3A_114, %swap3A_115], %select_n3A_112 {strides = array<i32>} : memref<5x64xi32, #tpu.memory_space<vmem>>, vector<16xi32>,
    %add3A_117 = arith.constant 96 : i32
    %add3A_118 = arith.addi %mul3A_2, %add3A_117 : i32
    %get3A_119 = arith.index_cast %add3A_118 : i32 to index
    %get3A_120 = tpu.vector_load %arg9[%get3A_119] {strides = array<i32>} : memref<10240xi32, #tpu.memory_space<vmem>>, vector<16xi32>,
    %add3A_121 = arith.constant 96 : i32
    %add3A_122 = arith.addi %mul3A_2, %add3A_121 : i32
    %add3A_123 = vector.broadcast %add3A_122 : i32 to vector<16xi32>
    %add3A_124 = arith.addi %add3A_123, %iota3A : vector<16xi32>
    %lt3A_125 = arith.constant 10000 : i32
    %lt3A_126 = vector.broadcast %lt3A_125 : i32 to vector<16xi32>
    %lt3A_127 = arith.cmpi slt, %add3A_124, %lt3A_126 : vector<16xi32>
    %jit3A_128 = arith.constant 256 : i32
    %broadcast_in_dim3A_129 = vector.broadcast %jit3A_128 : i32 to vector<16xi32>
    %select_n3A_130 = arith.select %lt3A_127, %get3A_120, %broadcast_in_dim3A_129 : vector<16xi1>, vector<16xi32>
    %swap3A_131 = arith.constant 1 : i32
    %swap3A_132 = arith.index_cast %swap3A_131 : i32 to index
    %swap3A_133 = arith.constant 32 : index
    %swap3A_134 = tpu.vector_load %arg12[%swap3A_132, %swap3A_133] {strides = array<i32>} : memref<5x64xi32, #tpu.memory_space<vmem>>, vector<16xi32>,
    tpu.vector_store %arg12[%swap3A_132, %swap3A_133], %select_n3A_130 {strides = array<i32>} : memref<5x64xi32, #tpu.memory_space<vmem>>, vector<16xi32>,
    %add3A_135 = arith.constant 112 : i32
    %add3A_136 = arith.addi %mul3A_2, %add3A_135 : i32
    %get3A_137 = arith.index_cast %add3A_136 : i32 to index
    %get3A_138 = tpu.vector_load %arg9[%get3A_137] {strides = array<i32>} : memref<10240xi32, #tpu.memory_space<vmem>>, vector<16xi32>,
    %add3A_139 = arith.constant 112 : i32
    %add3A_140 = arith.addi %mul3A_2, %add3A_139 : i32
    %add3A_141 = vector.broadcast %add3A_140 : i32 to vector<16xi32>
    %add3A_142 = arith.addi %add3A_141, %iota3A : vector<16xi32>
    %lt3A_143 = arith.constant 10000 : i32
    %lt3A_144 = vector.broadcast %lt3A_143 : i32 to vector<16xi32>
    %lt3A_145 = arith.cmpi slt, %add3A_142, %lt3A_144 : vector<16xi32>
    %jit3A_146 = arith.constant 256 : i32
    %broadcast_in_dim3A_147 = vector.broadcast %jit3A_146 : i32 to vector<16xi32>
    %select_n3A_148 = arith.select %lt3A_145, %get3A_138, %broadcast_in_dim3A_147 : vector<16xi1>, vector<16xi32>
    %swap3A_149 = arith.constant 1 : i32
    %swap3A_150 = arith.index_cast %swap3A_149 : i32 to index
    %swap3A_151 = arith.constant 48 : index
    %swap3A_152 = tpu.vector_load %arg12[%swap3A_150, %swap3A_151] {strides = array<i32>} : memref<5x64xi32, #tpu.memory_space<vmem>>, vector<16xi32>,
    tpu.vector_store %arg12[%swap3A_150, %swap3A_151], %select_n3A_148 {strides = array<i32>} : memref<5x64xi32, #tpu.memory_space<vmem>>, vector<16xi32>,
    %add3A_153 = arith.constant 128 : i32
    %add3A_154 = arith.addi %mul3A_2, %add3A_153 : i32
    %get3A_155 = arith.index_cast %add3A_154 : i32 to index
    %get3A_156 = tpu.vector_load %arg9[%get3A_155] {strides = array<i32>} : memref<10240xi32, #tpu.memory_space<vmem>>, vector<16xi32>,
    %add3A_157 = arith.constant 128 : i32
    %add3A_158 = arith.addi %mul3A_2, %add3A_157 : i32
    %add3A_159 = vector.broadcast %add3A_158 : i32 to vector<16xi32>
    %add3A_160 = arith.addi %add3A_159, %iota3A : vector<16xi32>
    %lt3A_161 = arith.constant 10000 : i32
    %lt3A_162 = vector.broadcast %lt3A_161 : i32 to vector<16xi32>
    %lt3A_163 = arith.cmpi slt, %add3A_160, %lt3A_162 : vector<16xi32>
    %jit3A_164 = arith.constant 256 : i32
    %broadcast_in_dim3A_165 = vector.broadcast %jit3A_164 : i32 to vector<16xi32>
    %select_n3A_166 = arith.select %lt3A_163, %get3A_156, %broadcast_in_dim3A_165 : vector<16xi1>, vector<16xi32>
    %swap3A_167 = arith.constant 2 : i32
    %swap3A_168 = arith.index_cast %swap3A_167 : i32 to index
    %swap3A_169 = arith.constant 0 : index
    %swap3A_170 = tpu.vector_load %arg12[%swap3A_168, %swap3A_169] {strides = array<i32>} : memref<5x64xi32, #tpu.memory_space<vmem>>, vector<16xi32>,
    tpu.vector_store %arg12[%swap3A_168, %swap3A_169], %select_n3A_166 {strides = array<i32>} : memref<5x64xi32, #tpu.memory_space<vmem>>, vector<16xi32>,
    %add3A_171 = arith.constant 144 : i32
    %add3A_172 = arith.addi %mul3A_2, %add3A_171 : i32
    %get3A_173 = arith.index_cast %add3A_172 : i32 to index
    %get3A_174 = tpu.vector_load %arg9[%get3A_173] {strides = array<i32>} : memref<10240xi32, #tpu.memory_space<vmem>>, vector<16xi32>,
    %add3A_175 = arith.constant 144 : i32
    %add3A_176 = arith.addi %mul3A_2, %add3A_175 : i32
    %add3A_177 = vector.broadcast %add3A_176 : i32 to vector<16xi32>
    %add3A_178 = arith.addi %add3A_177, %iota3A : vector<16xi32>
    %lt3A_179 = arith.constant 10000 : i32
    %lt3A_180 = vector.broadcast %lt3A_179 : i32 to vector<16xi32>
    %lt3A_181 = arith.cmpi slt, %add3A_178, %lt3A_180 : vector<16xi32>
    %jit3A_182 = arith.constant 256 : i32
    %broadcast_in_dim3A_183 = vector.broadcast %jit3A_182 : i32 to vector<16xi32>
    %select_n3A_184 = arith.select %lt3A_181, %get3A_174, %broadcast_in_dim3A_183 : vector<16xi1>, vector<16xi32>
    %swap3A_185 = arith.constant 2 : i32
    %swap3A_186 = arith.index_cast %swap3A_185 : i32 to index
    %swap3A_187 = arith.constant 16 : index
    %swap3A_188 = tpu.vector_load %arg12[%swap3A_186, %swap3A_187] {strides = array<i32>} : memref<5x64xi32, #tpu.memory_space<vmem>>, vector<16xi32>,
    tpu.vector_store %arg12[%swap3A_186, %swap3A_187], %select_n3A_184 {strides = array<i32>} : memref<5x64xi32, #tpu.memory_space<vmem>>, vector<16xi32>,
    %add3A_189 = arith.constant 160 : i32
    %add3A_190 = arith.addi %mul3A_2, %add3A_189 : i32
    %get3A_191 = arith.index_cast %add3A_190 : i32 to index
    %get3A_192 = tpu.vector_load %arg9[%get3A_191] {strides = array<i32>} : memref<10240xi32, #tpu.memory_space<vmem>>, vector<16xi32>,
    %add3A_193 = arith.constant 160 : i32
    %add3A_194 = arith.addi %mul3A_2, %add3A_193 : i32
    %add3A_195 = vector.broadcast %add3A_194 : i32 to vector<16xi32>
    %add3A_196 = arith.addi %add3A_195, %iota3A : vector<16xi32>
    %lt3A_197 = arith.constant 10000 : i32
    %lt3A_198 = vector.broadcast %lt3A_197 : i32 to vector<16xi32>
    %lt3A_199 = arith.cmpi slt, %add3A_196, %lt3A_198 : vector<16xi32>
    %jit3A_200 = arith.constant 256 : i32
    %broadcast_in_dim3A_201 = vector.broadcast %jit3A_200 : i32 to vector<16xi32>
    %select_n3A_202 = arith.select %lt3A_199, %get3A_192, %broadcast_in_dim3A_201 : vector<16xi1>, vector<16xi32>
    %swap3A_203 = arith.constant 2 : i32
    %swap3A_204 = arith.index_cast %swap3A_203 : i32 to index
    %swap3A_205 = arith.constant 32 : index
    %swap3A_206 = tpu.vector_load %arg12[%swap3A_204, %swap3A_205] {strides = array<i32>} : memref<5x64xi32, #tpu.memory_space<vmem>>, vector<16xi32>,
    tpu.vector_store %arg12[%swap3A_204, %swap3A_205], %select_n3A_202 {strides = array<i32>} : memref<5x64xi32, #tpu.memory_space<vmem>>, vector<16xi32>,
    %add3A_207 = arith.constant 176 : i32
    %add3A_208 = arith.addi %mul3A_2, %add3A_207 : i32
    %get3A_209 = arith.index_cast %add3A_208 : i32 to index
    %get3A_210 = tpu.vector_load %arg9[%get3A_209] {strides = array<i32>} : memref<10240xi32, #tpu.memory_space<vmem>>, vector<16xi32>,
    %add3A_211 = arith.constant 176 : i32
    %add3A_212 = arith.addi %mul3A_2, %add3A_211 : i32
    %add3A_213 = vector.broadcast %add3A_212 : i32 to vector<16xi32>
    %add3A_214 = arith.addi %add3A_213, %iota3A : vector<16xi32>
    %lt3A_215 = arith.constant 10000 : i32
    %lt3A_216 = vector.broadcast %lt3A_215 : i32 to vector<16xi32>
    %lt3A_217 = arith.cmpi slt, %add3A_214, %lt3A_216 : vector<16xi32>
    %jit3A_218 = arith.constant 256 : i32
    %broadcast_in_dim3A_219 = vector.broadcast %jit3A_218 : i32 to vector<16xi32>
    %select_n3A_220 = arith.select %lt3A_217, %get3A_210, %broadcast_in_dim3A_219 : vector<16xi1>, vector<16xi32>
    %swap3A_221 = arith.constant 2 : i32
    %swap3A_222 = arith.index_cast %swap3A_221 : i32 to index
    %swap3A_223 = arith.constant 48 : index
    %swap3A_224 = tpu.vector_load %arg12[%swap3A_222, %swap3A_223] {strides = array<i32>} : memref<5x64xi32, #tpu.memory_space<vmem>>, vector<16xi32>,
    tpu.vector_store %arg12[%swap3A_222, %swap3A_223], %select_n3A_220 {strides = array<i32>} : memref<5x64xi32, #tpu.memory_space<vmem>>, vector<16xi32>,
    %add3A_225 = arith.constant 192 : i32
    %add3A_226 = arith.addi %mul3A_2, %add3A_225 : i32
    %get3A_227 = arith.index_cast %add3A_226 : i32 to index
    %get3A_228 = tpu.vector_load %arg9[%get3A_227] {strides = array<i32>} : memref<10240xi32, #tpu.memory_space<vmem>>, vector<16xi32>,
    %add3A_229 = arith.constant 192 : i32
    %add3A_230 = arith.addi %mul3A_2, %add3A_229 : i32
    %add3A_231 = vector.broadcast %add3A_230 : i32 to vector<16xi32>
    %add3A_232 = arith.addi %add3A_231, %iota3A : vector<16xi32>
    %lt3A_233 = arith.constant 10000 : i32
    %lt3A_234 = vector.broadcast %lt3A_233 : i32 to vector<16xi32>
    %lt3A_235 = arith.cmpi slt, %add3A_232, %lt3A_234 : vector<16xi32>
    %jit3A_236 = arith.constant 256 : i32
    %broadcast_in_dim3A_237 = vector.broadcast %jit3A_236 : i32 to vector<16xi32>
    %select_n3A_238 = arith.select %lt3A_235, %get3A_228, %broadcast_in_dim3A_237 : vector<16xi1>, vector<16xi32>
    %swap3A_239 = arith.constant 3 : i32
    %swap3A_240 = arith.index_cast %swap3A_239 : i32 to index
    %swap3A_241 = arith.constant 0 : index
    %swap3A_242 = tpu.vector_load %arg12[%swap3A_240, %swap3A_241] {strides = array<i32>} : memref<5x64xi32, #tpu.memory_space<vmem>>, vector<16xi32>,
    tpu.vector_store %arg12[%swap3A_240, %swap3A_241], %select_n3A_238 {strides = array<i32>} : memref<5x64xi32, #tpu.memory_space<vmem>>, vector<16xi32>,
    %add3A_243 = arith.constant 208 : i32
    %add3A_244 = arith.addi %mul3A_2, %add3A_243 : i32
    %get3A_245 = arith.index_cast %add3A_244 : i32 to index
    %get3A_246 = tpu.vector_load %arg9[%get3A_245] {strides = array<i32>} : memref<10240xi32, #tpu.memory_space<vmem>>, vector<16xi32>,
    %add3A_247 = arith.constant 208 : i32
    %add3A_248 = arith.addi %mul3A_2, %add3A_247 : i32
    %add3A_249 = vector.broadcast %add3A_248 : i32 to vector<16xi32>
    %add3A_250 = arith.addi %add3A_249, %iota3A : vector<16xi32>
    %lt3A_251 = arith.constant 10000 : i32
    %lt3A_252 = vector.broadcast %lt3A_251 : i32 to vector<16xi32>
    %lt3A_253 = arith.cmpi slt, %add3A_250, %lt3A_252 : vector<16xi32>
    %jit3A_254 = arith.constant 256 : i32
    %broadcast_in_dim3A_255 = vector.broadcast %jit3A_254 : i32 to vector<16xi32>
    %select_n3A_256 = arith.select %lt3A_253, %get3A_246, %broadcast_in_dim3A_255 : vector<16xi1>, vector<16xi32>
    %swap3A_257 = arith.constant 3 : i32
    %swap3A_258 = arith.index_cast %swap3A_257 : i32 to index
    %swap3A_259 = arith.constant 16 : index
    %swap3A_260 = tpu.vector_load %arg12[%swap3A_258, %swap3A_259] {strides = array<i32>} : memref<5x64xi32, #tpu.memory_space<vmem>>, vector<16xi32>,
    tpu.vector_store %arg12[%swap3A_258, %swap3A_259], %select_n3A_256 {strides = array<i32>} : memref<5x64xi32, #tpu.memory_space<vmem>>, vector<16xi32>,
    %add3A_261 = arith.constant 224 : i32
    %add3A_262 = arith.addi %mul3A_2, %add3A_261 : i32
    %get3A_263 = arith.index_cast %add3A_262 : i32 to index
    %get3A_264 = tpu.vector_load %arg9[%get3A_263] {strides = array<i32>} : memref<10240xi32, #tpu.memory_space<vmem>>, vector<16xi32>,
    %add3A_265 = arith.constant 224 : i32
    %add3A_266 = arith.addi %mul3A_2, %add3A_265 : i32
    %add3A_267 = vector.broadcast %add3A_266 : i32 to vector<16xi32>
    %add3A_268 = arith.addi %add3A_267, %iota3A : vector<16xi32>
    %lt3A_269 = arith.constant 10000 : i32
    %lt3A_270 = vector.broadcast %lt3A_269 : i32 to vector<16xi32>
    %lt3A_271 = arith.cmpi slt, %add3A_268, %lt3A_270 : vector<16xi32>
    %jit3A_272 = arith.constant 256 : i32
    %broadcast_in_dim3A_273 = vector.broadcast %jit3A_272 : i32 to vector<16xi32>
    %select_n3A_274 = arith.select %lt3A_271, %get3A_264, %broadcast_in_dim3A_273 : vector<16xi1>, vector<16xi32>
    %swap3A_275 = arith.constant 3 : i32
    %swap3A_276 = arith.index_cast %swap3A_275 : i32 to index
    %swap3A_277 = arith.constant 32 : index
    %swap3A_278 = tpu.vector_load %arg12[%swap3A_276, %swap3A_277] {strides = array<i32>} : memref<5x64xi32, #tpu.memory_space<vmem>>, vector<16xi32>,
    tpu.vector_store %arg12[%swap3A_276, %swap3A_277], %select_n3A_274 {strides = array<i32>} : memref<5x64xi32, #tpu.memory_space<vmem>>, vector<16xi32>,
    %add3A_279 = arith.constant 240 : i32
    %add3A_280 = arith.addi %mul3A_2, %add3A_279 : i32
    %get3A_281 = arith.index_cast %add3A_280 : i32 to index
    %get3A_282 = tpu.vector_load %arg9[%get3A_281] {strides = array<i32>} : memref<10240xi32, #tpu.memory_space<vmem>>, vector<16xi32>,
    %add3A_283 = arith.constant 240 : i32
    %add3A_284 = arith.addi %mul3A_2, %add3A_283 : i32
    %add3A_285 = vector.broadcast %add3A_284 : i32 to vector<16xi32>
    %add3A_286 = arith.addi %add3A_285, %iota3A : vector<16xi32>
    %lt3A_287 = arith.constant 10000 : i32
    %lt3A_288 = vector.broadcast %lt3A_287 : i32 to vector<16xi32>
    %lt3A_289 = arith.cmpi slt, %add3A_286, %lt3A_288 : vector<16xi32>
    %jit3A_290 = arith.constant 256 : i32
    %broadcast_in_dim3A_291 = vector.broadcast %jit3A_290 : i32 to vector<16xi32>
    %select_n3A_292 = arith.select %lt3A_289, %get3A_282, %broadcast_in_dim3A_291 : vector<16xi1>, vector<16xi32>
    %swap3A_293 = arith.constant 3 : i32
    %swap3A_294 = arith.index_cast %swap3A_293 : i32 to index
    %swap3A_295 = arith.constant 48 : index
    %swap3A_296 = tpu.vector_load %arg12[%swap3A_294, %swap3A_295] {strides = array<i32>} : memref<5x64xi32, #tpu.memory_space<vmem>>, vector<16xi32>,
    tpu.vector_store %arg12[%swap3A_294, %swap3A_295], %select_n3A_292 {strides = array<i32>} : memref<5x64xi32, #tpu.memory_space<vmem>>, vector<16xi32>,
    %add3A_297 = arith.constant 256 : i32
    %add3A_298 = arith.addi %mul3A_2, %add3A_297 : i32
    %get3A_299 = arith.index_cast %add3A_298 : i32 to index
    %get3A_300 = tpu.vector_load %arg9[%get3A_299] {strides = array<i32>} : memref<10240xi32, #tpu.memory_space<vmem>>, vector<16xi32>,
    %add3A_301 = arith.constant 256 : i32
    %add3A_302 = arith.addi %mul3A_2, %add3A_301 : i32
    %add3A_303 = vector.broadcast %add3A_302 : i32 to vector<16xi32>
    %add3A_304 = arith.addi %add3A_303, %iota3A : vector<16xi32>
    %lt3A_305 = arith.constant 10000 : i32
    %lt3A_306 = vector.broadcast %lt3A_305 : i32 to vector<16xi32>
    %lt3A_307 = arith.cmpi slt, %add3A_304, %lt3A_306 : vector<16xi32>
    %jit3A_308 = arith.constant 256 : i32
    %broadcast_in_dim3A_309 = vector.broadcast %jit3A_308 : i32 to vector<16xi32>
    %select_n3A_310 = arith.select %lt3A_307, %get3A_300, %broadcast_in_dim3A_309 : vector<16xi1>, vector<16xi32>
    %swap3A_311 = arith.constant 4 : i32
    %swap3A_312 = arith.index_cast %swap3A_311 : i32 to index
    %swap3A_313 = arith.constant 0 : index
    %swap3A_314 = tpu.vector_load %arg12[%swap3A_312, %swap3A_313] {strides = array<i32>} : memref<5x64xi32, #tpu.memory_space<vmem>>, vector<16xi32>,
    tpu.vector_store %arg12[%swap3A_312, %swap3A_313], %select_n3A_310 {strides = array<i32>} : memref<5x64xi32, #tpu.memory_space<vmem>>, vector<16xi32>,
    %add3A_315 = arith.constant 272 : i32
    %add3A_316 = arith.addi %mul3A_2, %add3A_315 : i32
    %get3A_317 = arith.index_cast %add3A_316 : i32 to index
    %get3A_318 = tpu.vector_load %arg9[%get3A_317] {strides = array<i32>} : memref<10240xi32, #tpu.memory_space<vmem>>, vector<16xi32>,
    %add3A_319 = arith.constant 272 : i32
    %add3A_320 = arith.addi %mul3A_2, %add3A_319 : i32
    %add3A_321 = vector.broadcast %add3A_320 : i32 to vector<16xi32>
    %add3A_322 = arith.addi %add3A_321, %iota3A : vector<16xi32>
    %lt3A_323 = arith.constant 10000 : i32
    %lt3A_324 = vector.broadcast %lt3A_323 : i32 to vector<16xi32>
    %lt3A_325 = arith.cmpi slt, %add3A_322, %lt3A_324 : vector<16xi32>
    %jit3A_326 = arith.constant 256 : i32
    %broadcast_in_dim3A_327 = vector.broadcast %jit3A_326 : i32 to vector<16xi32>
    %select_n3A_328 = arith.select %lt3A_325, %get3A_318, %broadcast_in_dim3A_327 : vector<16xi1>, vector<16xi32>
    %swap3A_329 = arith.constant 4 : i32
    %swap3A_330 = arith.index_cast %swap3A_329 : i32 to index
    %swap3A_331 = arith.constant 16 : index
    %swap3A_332 = tpu.vector_load %arg12[%swap3A_330, %swap3A_331] {strides = array<i32>} : memref<5x64xi32, #tpu.memory_space<vmem>>, vector<16xi32>,
    tpu.vector_store %arg12[%swap3A_330, %swap3A_331], %select_n3A_328 {strides = array<i32>} : memref<5x64xi32, #tpu.memory_space<vmem>>, vector<16xi32>,
    %add3A_333 = arith.constant 288 : i32
    %add3A_334 = arith.addi %mul3A_2, %add3A_333 : i32
    %get3A_335 = arith.index_cast %add3A_334 : i32 to index
    %get3A_336 = tpu.vector_load %arg9[%get3A_335] {strides = array<i32>} : memref<10240xi32, #tpu.memory_space<vmem>>, vector<16xi32>,
    %add3A_337 = arith.constant 288 : i32
    %add3A_338 = arith.addi %mul3A_2, %add3A_337 : i32
    %add3A_339 = vector.broadcast %add3A_338 : i32 to vector<16xi32>
    %add3A_340 = arith.addi %add3A_339, %iota3A : vector<16xi32>
    %lt3A_341 = arith.constant 10000 : i32
    %lt3A_342 = vector.broadcast %lt3A_341 : i32 to vector<16xi32>
    %lt3A_343 = arith.cmpi slt, %add3A_340, %lt3A_342 : vector<16xi32>
    %jit3A_344 = arith.constant 256 : i32
    %broadcast_in_dim3A_345 = vector.broadcast %jit3A_344 : i32 to vector<16xi32>
    %select_n3A_346 = arith.select %lt3A_343, %get3A_336, %broadcast_in_dim3A_345 : vector<16xi1>, vector<16xi32>
    %swap3A_347 = arith.constant 4 : i32
    %swap3A_348 = arith.index_cast %swap3A_347 : i32 to index
    %swap3A_349 = arith.constant 32 : index
    %swap3A_350 = tpu.vector_load %arg12[%swap3A_348, %swap3A_349] {strides = array<i32>} : memref<5x64xi32, #tpu.memory_space<vmem>>, vector<16xi32>,
    tpu.vector_store %arg12[%swap3A_348, %swap3A_349], %select_n3A_346 {strides = array<i32>} : memref<5x64xi32, #tpu.memory_space<vmem>>, vector<16xi32>,
    %add3A_351 = arith.constant 304 : i32
    %add3A_352 = arith.addi %mul3A_2, %add3A_351 : i32
    %get3A_353 = arith.index_cast %add3A_352 : i32 to index
    %get3A_354 = tpu.vector_load %arg9[%get3A_353] {strides = array<i32>} : memref<10240xi32, #tpu.memory_space<vmem>>, vector<16xi32>,
    %add3A_355 = arith.constant 304 : i32
    %add3A_356 = arith.addi %mul3A_2, %add3A_355 : i32
    %add3A_357 = vector.broadcast %add3A_356 : i32 to vector<16xi32>
    %add3A_358 = arith.addi %add3A_357, %iota3A : vector<16xi32>
    %lt3A_359 = arith.constant 10000 : i32
    %lt3A_360 = vector.broadcast %lt3A_359 : i32 to vector<16xi32>
    %lt3A_361 = arith.cmpi slt, %add3A_358, %lt3A_360 : vector<16xi32>
    %jit3A_362 = arith.constant 256 : i32
    %broadcast_in_dim3A_363 = vector.broadcast %jit3A_362 : i32 to vector<16xi32>
    %select_n3A_364 = arith.select %lt3A_361, %get3A_354, %broadcast_in_dim3A_363 : vector<16xi1>, vector<16xi32>
    %swap3A_365 = arith.constant 4 : i32
    %swap3A_366 = arith.index_cast %swap3A_365 : i32 to index
    %swap3A_367 = arith.constant 48 : index
    %swap3A_368 = tpu.vector_load %arg12[%swap3A_366, %swap3A_367] {strides = array<i32>} : memref<5x64xi32, #tpu.memory_space<vmem>>, vector<16xi32>,
    tpu.vector_store %arg12[%swap3A_366, %swap3A_367], %select_n3A_364 {strides = array<i32>} : memref<5x64xi32, #tpu.memory_space<vmem>>, vector<16xi32>,
    %barrier3A = arith.constant 0 : index
    tpu.barrier barrier_id(%barrier3A)
    %add3A_369 = arith.constant 0 : i32
    %add3A_370 = arith.addi %mul3A_2, %add3A_369 : i32
    "tpu.region"() ({
      %run_scoped3A_827 = tpu.sem_alloc : memref<!tpu.dma_semaphore, #tpu.memory_space<semaphore_mem>>
      %dma_start3A_828 = arith.constant 0 : i32
      %dma_start3A_829 = tpu.memref_slice %arg2[%add3A_370, %dma_start3A_828] : memref<10240x256xf32, #tpu.memory_space<hbm>> -> memref<64x256xf32, #tpu.memory_space<hbm>>
      %dma_start3A_830 = arith.constant 0 : i32
      %dma_start3A_831 = tpu.memref_slice %arg2[%add3A_370, %dma_start3A_830] : memref<10240x256xf32, #tpu.memory_space<hbm>> -> memref<64x256xf32, #tpu.memory_space<hbm>>
      tpu.enqueue_dma source(%dma_start3A_831 : memref<64x256xf32, #tpu.memory_space<hbm>>) target(%arg11 : memref<64x256xf32, #tpu.memory_space<vmem>>) target_semaphore(%run_scoped3A_827 : memref<!tpu.dma_semaphore, #tpu.memory_space<semaphore_mem>>)
      %dma_wait3A = arith.constant 0 : i32
      %dma_wait3A_832 = tpu.memref_slice %arg2[%add3A_370, %dma_wait3A] : memref<10240x256xf32, #tpu.memory_space<hbm>> -> memref<64x256xf32, #tpu.memory_space<hbm>>
      %dma_wait3A_833 = arith.constant 0 : i32
      %dma_wait3A_834 = tpu.memref_slice %arg2[%add3A_370, %dma_wait3A_833] : memref<10240x256xf32, #tpu.memory_space<hbm>> -> memref<64x256xf32, #tpu.memory_space<hbm>>
      tpu.wait_dma2 semaphore(%run_scoped3A_827 : memref<!tpu.dma_semaphore, #tpu.memory_space<semaphore_mem>>) src(%dma_wait3A_834 : memref<64x256xf32, #tpu.memory_space<hbm>>) dst(%arg11 : memref<64x256xf32, #tpu.memory_space<vmem>>)
      tpu.yield
    }) : () -> ()
    %run_scoped3A = arith.constant 0 : i32
    "tpu.region"() ({
      %run_scoped3A_827 = tpu.sem_alloc : memref<!tpu.dma_semaphore, #tpu.memory_space<semaphore_mem>>
      %dma_start3A_828 = arith.constant 0 : i32
      %dma_start3A_829 = tpu.memref_slice %arg12[%run_scoped3A, %dma_start3A_828] : memref<5x64xi32, #tpu.memory_space<vmem>> -> memref<1x64xi32, #tpu.memory_space<vmem>>
      %dma_start3A_830 = tpu.memref_squeeze %dma_start3A_829 : memref<1x64xi32, #tpu.memory_space<vmem>> -> memref<64xi32, #tpu.memory_space<vmem>>
      %dma_start3A_831 = arith.constant 0 : i32
      %dma_start3A_832 = arith.constant 0 : i32
      %dma_start3A_833 = tpu.memref_slice %arg20[%dma_start3A_831, %dma_start3A_832] : memref<384x256xf32, #tpu.memory_space<vmem_shared>> -> memref<384x256xf32, #tpu.memory_space<vmem_shared>>
      tpu.enqueue_indirect_dma source(%arg11 : memref<64x256xf32, #tpu.memory_space<vmem>>) target(%dma_start3A_833 : memref<384x256xf32, #tpu.memory_space<vmem_shared>>) offsets(%dma_start3A_830 : memref<64xi32, #tpu.memory_space<vmem>>) semaphore(%run_scoped3A_827 : memref<!tpu.dma_semaphore, #tpu.memory_space<semaphore_mem>>) {add = true}
      %dma_wait3A = arith.constant 0 : i32
      %dma_wait3A_834 = tpu.memref_slice %arg12[%run_scoped3A, %dma_wait3A] : memref<5x64xi32, #tpu.memory_space<vmem>> -> memref<1x64xi32, #tpu.memory_space<vmem>>
      %dma_wait3A_835 = tpu.memref_squeeze %dma_wait3A_834 : memref<1x64xi32, #tpu.memory_space<vmem>> -> memref<64xi32, #tpu.memory_space<vmem>>
      %dma_wait3A_836 = arith.constant 0 : i32
      %dma_wait3A_837 = arith.constant 0 : i32
      %dma_wait3A_838 = tpu.memref_slice %arg20[%dma_wait3A_836, %dma_wait3A_837] : memref<384x256xf32, #tpu.memory_space<vmem_shared>> -> memref<384x256xf32, #tpu.memory_space<vmem_shared>>
      tpu.wait_indirect_dma semaphore(%run_scoped3A_827 : memref<!tpu.dma_semaphore, #tpu.memory_space<semaphore_mem>>) src(%arg11 : memref<64x256xf32, #tpu.memory_space<vmem>>) dst(%dma_wait3A_838 : memref<384x256xf32, #tpu.memory_space<vmem_shared>>)
      tpu.yield
    }) : () -> ()
    %add3A_371 = arith.constant 64 : i32
    %add3A_372 = arith.addi %mul3A_2, %add3A_371 : i32
    "tpu.region"() ({
      %run_scoped3A_827 = tpu.sem_alloc : memref<!tpu.dma_semaphore, #tpu.memory_space<semaphore_mem>>
      %dma_start3A_828 = arith.constant 0 : i32
      %dma_start3A_829 = tpu.memref_slice %arg2[%add3A_372, %dma_start3A_828] : memref<10240x256xf32, #tpu.memory_space<hbm>> -> memref<64x256xf32, #tpu.memory_space<hbm>>
      %dma_start3A_830 = arith.constant 0 : i32
      %dma_start3A_831 = tpu.memref_slice %arg2[%add3A_372, %dma_start3A_830] : memref<10240x256xf32, #tpu.memory_space<hbm>> -> memref<64x256xf32, #tpu.memory_space<hbm>>
      tpu.enqueue_dma source(%dma_start3A_831 : memref<64x256xf32, #tpu.memory_space<hbm>>) target(%arg11 : memref<64x256xf32, #tpu.memory_space<vmem>>) target_semaphore(%run_scoped3A_827 : memref<!tpu.dma_semaphore, #tpu.memory_space<semaphore_mem>>)
      %dma_wait3A = arith.constant 0 : i32
      %dma_wait3A_832 = tpu.memref_slice %arg2[%add3A_372, %dma_wait3A] : memref<10240x256xf32, #tpu.memory_space<hbm>> -> memref<64x256xf32, #tpu.memory_space<hbm>>
      %dma_wait3A_833 = arith.constant 0 : i32
      %dma_wait3A_834 = tpu.memref_slice %arg2[%add3A_372, %dma_wait3A_833] : memref<10240x256xf32, #tpu.memory_space<hbm>> -> memref<64x256xf32, #tpu.memory_space<hbm>>
      tpu.wait_dma2 semaphore(%run_scoped3A_827 : memref<!tpu.dma_semaphore, #tpu.memory_space<semaphore_mem>>) src(%dma_wait3A_834 : memref<64x256xf32, #tpu.memory_space<hbm>>) dst(%arg11 : memref<64x256xf32, #tpu.memory_space<vmem>>)
      tpu.yield
    }) : () -> ()
    %run_scoped3A_373 = arith.constant 1 : i32
    "tpu.region"() ({
      %run_scoped3A_827 = tpu.sem_alloc : memref<!tpu.dma_semaphore, #tpu.memory_space<semaphore_mem>>
      %dma_start3A_828 = arith.constant 0 : i32
      %dma_start3A_829 = tpu.memref_slice %arg12[%run_scoped3A_373, %dma_start3A_828] : memref<5x64xi32, #tpu.memory_space<vmem>> -> memref<1x64xi32, #tpu.memory_space<vmem>>
      %dma_start3A_830 = tpu.memref_squeeze %dma_start3A_829 : memref<1x64xi32, #tpu.memory_space<vmem>> -> memref<64xi32, #tpu.memory_space<vmem>>
      %dma_start3A_831 = arith.constant 0 : i32
      %dma_start3A_832 = arith.constant 0 : i32
      %dma_start3A_833 = tpu.memref_slice %arg20[%dma_start3A_831, %dma_start3A_832] : memref<384x256xf32, #tpu.memory_space<vmem_shared>> -> memref<384x256xf32, #tpu.memory_space<vmem_shared>>
      tpu.enqueue_indirect_dma source(%arg11 : memref<64x256xf32, #tpu.memory_space<vmem>>) target(%dma_start3A_833 : memref<384x256xf32, #tpu.memory_space<vmem_shared>>) offsets(%dma_start3A_830 : memref<64xi32, #tpu.memory_space<vmem>>) semaphore(%run_scoped3A_827 : memref<!tpu.dma_semaphore, #tpu.memory_space<semaphore_mem>>) {add = true}
      %dma_wait3A = arith.constant 0 : i32
      %dma_wait3A_834 = tpu.memref_slice %arg12[%run_scoped3A_373, %dma_wait3A] : memref<5x64xi32, #tpu.memory_space<vmem>> -> memref<1x64xi32, #tpu.memory_space<vmem>>
      %dma_wait3A_835 = tpu.memref_squeeze %dma_wait3A_834 : memref<1x64xi32, #tpu.memory_space<vmem>> -> memref<64xi32, #tpu.memory_space<vmem>>
      %dma_wait3A_836 = arith.constant 0 : i32
      %dma_wait3A_837 = arith.constant 0 : i32
      %dma_wait3A_838 = tpu.memref_slice %arg20[%dma_wait3A_836, %dma_wait3A_837] : memref<384x256xf32, #tpu.memory_space<vmem_shared>> -> memref<384x256xf32, #tpu.memory_space<vmem_shared>>
      tpu.wait_indirect_dma semaphore(%run_scoped3A_827 : memref<!tpu.dma_semaphore, #tpu.memory_space<semaphore_mem>>) src(%arg11 : memref<64x256xf32, #tpu.memory_space<vmem>>) dst(%dma_wait3A_838 : memref<384x256xf32, #tpu.memory_space<vmem_shared>>)
      tpu.yield
    }) : () -> ()
    %add3A_374 = arith.constant 128 : i32
    %add3A_375 = arith.addi %mul3A_2, %add3A_374 : i32
    "tpu.region"() ({
      %run_scoped3A_827 = tpu.sem_alloc : memref<!tpu.dma_semaphore, #tpu.memory_space<semaphore_mem>>
      %dma_start3A_828 = arith.constant 0 : i32
      %dma_start3A_829 = tpu.memref_slice %arg2[%add3A_375, %dma_start3A_828] : memref<10240x256xf32, #tpu.memory_space<hbm>> -> memref<64x256xf32, #tpu.memory_space<hbm>>
      %dma_start3A_830 = arith.constant 0 : i32
      %dma_start3A_831 = tpu.memref_slice %arg2[%add3A_375, %dma_start3A_830] : memref<10240x256xf32, #tpu.memory_space<hbm>> -> memref<64x256xf32, #tpu.memory_space<hbm>>
      tpu.enqueue_dma source(%dma_start3A_831 : memref<64x256xf32, #tpu.memory_space<hbm>>) target(%arg11 : memref<64x256xf32, #tpu.memory_space<vmem>>) target_semaphore(%run_scoped3A_827 : memref<!tpu.dma_semaphore, #tpu.memory_space<semaphore_mem>>)
      %dma_wait3A = arith.constant 0 : i32
      %dma_wait3A_832 = tpu.memref_slice %arg2[%add3A_375, %dma_wait3A] : memref<10240x256xf32, #tpu.memory_space<hbm>> -> memref<64x256xf32, #tpu.memory_space<hbm>>
      %dma_wait3A_833 = arith.constant 0 : i32
      %dma_wait3A_834 = tpu.memref_slice %arg2[%add3A_375, %dma_wait3A_833] : memref<10240x256xf32, #tpu.memory_space<hbm>> -> memref<64x256xf32, #tpu.memory_space<hbm>>
      tpu.wait_dma2 semaphore(%run_scoped3A_827 : memref<!tpu.dma_semaphore, #tpu.memory_space<semaphore_mem>>) src(%dma_wait3A_834 : memref<64x256xf32, #tpu.memory_space<hbm>>) dst(%arg11 : memref<64x256xf32, #tpu.memory_space<vmem>>)
      tpu.yield
    }) : () -> ()
    %run_scoped3A_376 = arith.constant 2 : i32
    "tpu.region"() ({
      %run_scoped3A_827 = tpu.sem_alloc : memref<!tpu.dma_semaphore, #tpu.memory_space<semaphore_mem>>
      %dma_start3A_828 = arith.constant 0 : i32
      %dma_start3A_829 = tpu.memref_slice %arg12[%run_scoped3A_376, %dma_start3A_828] : memref<5x64xi32, #tpu.memory_space<vmem>> -> memref<1x64xi32, #tpu.memory_space<vmem>>
      %dma_start3A_830 = tpu.memref_squeeze %dma_start3A_829 : memref<1x64xi32, #tpu.memory_space<vmem>> -> memref<64xi32, #tpu.memory_space<vmem>>
      %dma_start3A_831 = arith.constant 0 : i32
      %dma_start3A_832 = arith.constant 0 : i32
      %dma_start3A_833 = tpu.memref_slice %arg20[%dma_start3A_831, %dma_start3A_832] : memref<384x256xf32, #tpu.memory_space<vmem_shared>> -> memref<384x256xf32, #tpu.memory_space<vmem_shared>>
      tpu.enqueue_indirect_dma source(%arg11 : memref<64x256xf32, #tpu.memory_space<vmem>>) target(%dma_start3A_833 : memref<384x256xf32, #tpu.memory_space<vmem_shared>>) offsets(%dma_start3A_830 : memref<64xi32, #tpu.memory_space<vmem>>) semaphore(%run_scoped3A_827 : memref<!tpu.dma_semaphore, #tpu.memory_space<semaphore_mem>>) {add = true}
      %dma_wait3A = arith.constant 0 : i32
      %dma_wait3A_834 = tpu.memref_slice %arg12[%run_scoped3A_376, %dma_wait3A] : memref<5x64xi32, #tpu.memory_space<vmem>> -> memref<1x64xi32, #tpu.memory_space<vmem>>
      %dma_wait3A_835 = tpu.memref_squeeze %dma_wait3A_834 : memref<1x64xi32, #tpu.memory_space<vmem>> -> memref<64xi32, #tpu.memory_space<vmem>>
      %dma_wait3A_836 = arith.constant 0 : i32
      %dma_wait3A_837 = arith.constant 0 : i32
      %dma_wait3A_838 = tpu.memref_slice %arg20[%dma_wait3A_836, %dma_wait3A_837] : memref<384x256xf32, #tpu.memory_space<vmem_shared>> -> memref<384x256xf32, #tpu.memory_space<vmem_shared>>
      tpu.wait_indirect_dma semaphore(%run_scoped3A_827 : memref<!tpu.dma_semaphore, #tpu.memory_space<semaphore_mem>>) src(%arg11 : memref<64x256xf32, #tpu.memory_space<vmem>>) dst(%dma_wait3A_838 : memref<384x256xf32, #tpu.memory_space<vmem_shared>>)
      tpu.yield
    }) : () -> ()
    %add3A_377 = arith.constant 192 : i32
    %add3A_378 = arith.addi %mul3A_2, %add3A_377 : i32
    "tpu.region"() ({
      %run_scoped3A_827 = tpu.sem_alloc : memref<!tpu.dma_semaphore, #tpu.memory_space<semaphore_mem>>
      %dma_start3A_828 = arith.constant 0 : i32
      %dma_start3A_829 = tpu.memref_slice %arg2[%add3A_378, %dma_start3A_828] : memref<10240x256xf32, #tpu.memory_space<hbm>> -> memref<64x256xf32, #tpu.memory_space<hbm>>
      %dma_start3A_830 = arith.constant 0 : i32
      %dma_start3A_831 = tpu.memref_slice %arg2[%add3A_378, %dma_start3A_830] : memref<10240x256xf32, #tpu.memory_space<hbm>> -> memref<64x256xf32, #tpu.memory_space<hbm>>
      tpu.enqueue_dma source(%dma_start3A_831 : memref<64x256xf32, #tpu.memory_space<hbm>>) target(%arg11 : memref<64x256xf32, #tpu.memory_space<vmem>>) target_semaphore(%run_scoped3A_827 : memref<!tpu.dma_semaphore, #tpu.memory_space<semaphore_mem>>)
      %dma_wait3A = arith.constant 0 : i32
      %dma_wait3A_832 = tpu.memref_slice %arg2[%add3A_378, %dma_wait3A] : memref<10240x256xf32, #tpu.memory_space<hbm>> -> memref<64x256xf32, #tpu.memory_space<hbm>>
      %dma_wait3A_833 = arith.constant 0 : i32
      %dma_wait3A_834 = tpu.memref_slice %arg2[%add3A_378, %dma_wait3A_833] : memref<10240x256xf32, #tpu.memory_space<hbm>> -> memref<64x256xf32, #tpu.memory_space<hbm>>
      tpu.wait_dma2 semaphore(%run_scoped3A_827 : memref<!tpu.dma_semaphore, #tpu.memory_space<semaphore_mem>>) src(%dma_wait3A_834 : memref<64x256xf32, #tpu.memory_space<hbm>>) dst(%arg11 : memref<64x256xf32, #tpu.memory_space<vmem>>)
      tpu.yield
    }) : () -> ()
    %run_scoped3A_379 = arith.constant 3 : i32
    "tpu.region"() ({
      %run_scoped3A_827 = tpu.sem_alloc : memref<!tpu.dma_semaphore, #tpu.memory_space<semaphore_mem>>
      %dma_start3A_828 = arith.constant 0 : i32
      %dma_start3A_829 = tpu.memref_slice %arg12[%run_scoped3A_379, %dma_start3A_828] : memref<5x64xi32, #tpu.memory_space<vmem>> -> memref<1x64xi32, #tpu.memory_space<vmem>>
      %dma_start3A_830 = tpu.memref_squeeze %dma_start3A_829 : memref<1x64xi32, #tpu.memory_space<vmem>> -> memref<64xi32, #tpu.memory_space<vmem>>
      %dma_start3A_831 = arith.constant 0 : i32
      %dma_start3A_832 = arith.constant 0 : i32
      %dma_start3A_833 = tpu.memref_slice %arg20[%dma_start3A_831, %dma_start3A_832] : memref<384x256xf32, #tpu.memory_space<vmem_shared>> -> memref<384x256xf32, #tpu.memory_space<vmem_shared>>
      tpu.enqueue_indirect_dma source(%arg11 : memref<64x256xf32, #tpu.memory_space<vmem>>) target(%dma_start3A_833 : memref<384x256xf32, #tpu.memory_space<vmem_shared>>) offsets(%dma_start3A_830 : memref<64xi32, #tpu.memory_space<vmem>>) semaphore(%run_scoped3A_827 : memref<!tpu.dma_semaphore, #tpu.memory_space<semaphore_mem>>) {add = true}
      %dma_wait3A = arith.constant 0 : i32
      %dma_wait3A_834 = tpu.memref_slice %arg12[%run_scoped3A_379, %dma_wait3A] : memref<5x64xi32, #tpu.memory_space<vmem>> -> memref<1x64xi32, #tpu.memory_space<vmem>>
      %dma_wait3A_835 = tpu.memref_squeeze %dma_wait3A_834 : memref<1x64xi32, #tpu.memory_space<vmem>> -> memref<64xi32, #tpu.memory_space<vmem>>
      %dma_wait3A_836 = arith.constant 0 : i32
      %dma_wait3A_837 = arith.constant 0 : i32
      %dma_wait3A_838 = tpu.memref_slice %arg20[%dma_wait3A_836, %dma_wait3A_837] : memref<384x256xf32, #tpu.memory_space<vmem_shared>> -> memref<384x256xf32, #tpu.memory_space<vmem_shared>>
      tpu.wait_indirect_dma semaphore(%run_scoped3A_827 : memref<!tpu.dma_semaphore, #tpu.memory_space<semaphore_mem>>) src(%arg11 : memref<64x256xf32, #tpu.memory_space<vmem>>) dst(%dma_wait3A_838 : memref<384x256xf32, #tpu.memory_space<vmem_shared>>)
      tpu.yield
    }) : () -> ()
    %add3A_380 = arith.constant 256 : i32
    %add3A_381 = arith.addi %mul3A_2, %add3A_380 : i32
    "tpu.region"() ({
      %run_scoped3A_827 = tpu.sem_alloc : memref<!tpu.dma_semaphore, #tpu.memory_space<semaphore_mem>>
      %dma_start3A_828 = arith.constant 0 : i32
      %dma_start3A_829 = tpu.memref_slice %arg2[%add3A_381, %dma_start3A_828] : memref<10240x256xf32, #tpu.memory_space<hbm>> -> memref<64x256xf32, #tpu.memory_space<hbm>>
      %dma_start3A_830 = arith.constant 0 : i32
      %dma_start3A_831 = tpu.memref_slice %arg2[%add3A_381, %dma_start3A_830] : memref<10240x256xf32, #tpu.memory_space<hbm>> -> memref<64x256xf32, #tpu.memory_space<hbm>>
      tpu.enqueue_dma source(%dma_start3A_831 : memref<64x256xf32, #tpu.memory_space<hbm>>) target(%arg11 : memref<64x256xf32, #tpu.memory_space<vmem>>) target_semaphore(%run_scoped3A_827 : memref<!tpu.dma_semaphore, #tpu.memory_space<semaphore_mem>>)
      %dma_wait3A = arith.constant 0 : i32
      %dma_wait3A_832 = tpu.memref_slice %arg2[%add3A_381, %dma_wait3A] : memref<10240x256xf32, #tpu.memory_space<hbm>> -> memref<64x256xf32, #tpu.memory_space<hbm>>
      %dma_wait3A_833 = arith.constant 0 : i32
      %dma_wait3A_834 = tpu.memref_slice %arg2[%add3A_381, %dma_wait3A_833] : memref<10240x256xf32, #tpu.memory_space<hbm>> -> memref<64x256xf32, #tpu.memory_space<hbm>>
      tpu.wait_dma2 semaphore(%run_scoped3A_827 : memref<!tpu.dma_semaphore, #tpu.memory_space<semaphore_mem>>) src(%dma_wait3A_834 : memref<64x256xf32, #tpu.memory_space<hbm>>) dst(%arg11 : memref<64x256xf32, #tpu.memory_space<vmem>>)
      tpu.yield
    }) : () -> ()
    %run_scoped3A_382 = arith.constant 4 : i32
    "tpu.region"() ({
      %run_scoped3A_827 = tpu.sem_alloc : memref<!tpu.dma_semaphore, #tpu.memory_space<semaphore_mem>>
      %dma_start3A_828 = arith.constant 0 : i32
      %dma_start3A_829 = tpu.memref_slice %arg12[%run_scoped3A_382, %dma_start3A_828] : memref<5x64xi32, #tpu.memory_space<vmem>> -> memref<1x64xi32, #tpu.memory_space<vmem>>
      %dma_start3A_830 = tpu.memref_squeeze %dma_start3A_829 : memref<1x64xi32, #tpu.memory_space<vmem>> -> memref<64xi32, #tpu.memory_space<vmem>>
      %dma_start3A_831 = arith.constant 0 : i32
      %dma_start3A_832 = arith.constant 0 : i32
      %dma_start3A_833 = tpu.memref_slice %arg20[%dma_start3A_831, %dma_start3A_832] : memref<384x256xf32, #tpu.memory_space<vmem_shared>> -> memref<384x256xf32, #tpu.memory_space<vmem_shared>>
      tpu.enqueue_indirect_dma source(%arg11 : memref<64x256xf32, #tpu.memory_space<vmem>>) target(%dma_start3A_833 : memref<384x256xf32, #tpu.memory_space<vmem_shared>>) offsets(%dma_start3A_830 : memref<64xi32, #tpu.memory_space<vmem>>) semaphore(%run_scoped3A_827 : memref<!tpu.dma_semaphore, #tpu.memory_space<semaphore_mem>>) {add = true}
      %dma_wait3A = arith.constant 0 : i32
      %dma_wait3A_834 = tpu.memref_slice %arg12[%run_scoped3A_382, %dma_wait3A] : memref<5x64xi32, #tpu.memory_space<vmem>> -> memref<1x64xi32, #tpu.memory_space<vmem>>
      %dma_wait3A_835 = tpu.memref_squeeze %dma_wait3A_834 : memref<1x64xi32, #tpu.memory_space<vmem>> -> memref<64xi32, #tpu.memory_space<vmem>>
      %dma_wait3A_836 = arith.constant 0 : i32
      %dma_wait3A_837 = arith.constant 0 : i32
      %dma_wait3A_838 = tpu.memref_slice %arg20[%dma_wait3A_836, %dma_wait3A_837] : memref<384x256xf32, #tpu.memory_space<vmem_shared>> -> memref<384x256xf32, #tpu.memory_space<vmem_shared>>
      tpu.wait_indirect_dma semaphore(%run_scoped3A_827 : memref<!tpu.dma_semaphore, #tpu.memory_space<semaphore_mem>>) src(%arg11 : memref<64x256xf32, #tpu.memory_space<vmem>>) dst(%dma_wait3A_838 : memref<384x256xf32, #tpu.memory_space<vmem_shared>>)
      tpu.yield
    }) : () -> ()
    %mul3A_383 = arith.constant 160 : i32
    %mul3A_384 = arith.muli %arg1, %mul3A_383 : i32
    %dma_start3A = arith.constant 0 : i32
    %dma_start3A_385 = arith.constant 0 : i32
    %dma_start3A_386 = arith.constant 0 : i32
    %dma_start3A_387 = arith.constant 0 : i32
    %dma_start3A_388 = tpu.memref_slice %arg13[%dma_start3A, %dma_start3A_386, %dma_start3A_387] : memref<2x16x64xi32, #tpu.memory_space<vmem>> -> memref<1x16x64xi32, #tpu.memory_space<vmem>>
    %dma_start3A_389 = tpu.memref_squeeze %dma_start3A_388 : memref<1x16x64xi32, #tpu.memory_space<vmem>> -> memref<16x64xi32, #tpu.memory_space<vmem>>
    %dma_start3A_390 = arith.constant 0 : i32
    %dma_start3A_391 = tpu.memref_slice %arg4[%mul3A_384, %dma_start3A_390] : memref<2560x64xi32, #tpu.memory_space<hbm>> -> memref<16x64xi32, #tpu.memory_space<hbm>>
    %dma_start3A_392 = tpu.memref_slice %arg17[%dma_start3A_385] : memref<2x!tpu.dma_semaphore, #tpu.memory_space<semaphore_mem>> -> memref<1x!tpu.dma_semaphore, #tpu.memory_space<semaphore_mem>>
    %dma_start3A_393 = tpu.memref_squeeze %dma_start3A_392 : memref<1x!tpu.dma_semaphore, #tpu.memory_space<semaphore_mem>> -> memref<!tpu.dma_semaphore, #tpu.memory_space<semaphore_mem>>
    %dma_start3A_394 = arith.constant 0 : i32
    %dma_start3A_395 = arith.constant 0 : i32
    %dma_start3A_396 = tpu.memref_slice %arg13[%dma_start3A, %dma_start3A_394, %dma_start3A_395] : memref<2x16x64xi32, #tpu.memory_space<vmem>> -> memref<1x16x64xi32, #tpu.memory_space<vmem>>
    %dma_start3A_397 = tpu.memref_squeeze %dma_start3A_396 : memref<1x16x64xi32, #tpu.memory_space<vmem>> -> memref<16x64xi32, #tpu.memory_space<vmem>>
    %dma_start3A_398 = arith.constant 0 : i32
    %dma_start3A_399 = tpu.memref_slice %arg4[%mul3A_384, %dma_start3A_398] : memref<2560x64xi32, #tpu.memory_space<hbm>> -> memref<16x64xi32, #tpu.memory_space<hbm>>
    tpu.enqueue_dma source(%dma_start3A_399 : memref<16x64xi32, #tpu.memory_space<hbm>>) target(%dma_start3A_397 : memref<16x64xi32, #tpu.memory_space<vmem>>) target_semaphore(%dma_start3A_393 : memref<!tpu.dma_semaphore, #tpu.memory_space<semaphore_mem>>)
    %mul3A_400 = arith.constant 160 : i32
    %mul3A_401 = arith.muli %arg1, %mul3A_400 : i32
    %dma_start3A_402 = arith.constant 0 : i32
    %dma_start3A_403 = arith.constant 0 : i32
    %dma_start3A_404 = arith.constant 0 : i32
    %dma_start3A_405 = arith.constant 0 : i32
    %dma_start3A_406 = tpu.memref_slice %arg14[%dma_start3A_402, %dma_start3A_404, %dma_start3A_405] : memref<2x16x64xi32, #tpu.memory_space<vmem>> -> memref<1x16x64xi32, #tpu.memory_space<vmem>>
    %dma_start3A_407 = tpu.memref_squeeze %dma_start3A_406 : memref<1x16x64xi32, #tpu.memory_space<vmem>> -> memref<16x64xi32, #tpu.memory_space<vmem>>
    %dma_start3A_408 = arith.constant 0 : i32
    %dma_start3A_409 = tpu.memref_slice %arg5[%mul3A_401, %dma_start3A_408] : memref<2560x64xi32, #tpu.memory_space<hbm>> -> memref<16x64xi32, #tpu.memory_space<hbm>>
    %dma_start3A_410 = tpu.memref_slice %arg18[%dma_start3A_403] : memref<2x!tpu.dma_semaphore, #tpu.memory_space<semaphore_mem>> -> memref<1x!tpu.dma_semaphore, #tpu.memory_space<semaphore_mem>>
    %dma_start3A_411 = tpu.memref_squeeze %dma_start3A_410 : memref<1x!tpu.dma_semaphore, #tpu.memory_space<semaphore_mem>> -> memref<!tpu.dma_semaphore, #tpu.memory_space<semaphore_mem>>
    %dma_start3A_412 = arith.constant 0 : i32
    %dma_start3A_413 = arith.constant 0 : i32
    %dma_start3A_414 = tpu.memref_slice %arg14[%dma_start3A_402, %dma_start3A_412, %dma_start3A_413] : memref<2x16x64xi32, #tpu.memory_space<vmem>> -> memref<1x16x64xi32, #tpu.memory_space<vmem>>
    %dma_start3A_415 = tpu.memref_squeeze %dma_start3A_414 : memref<1x16x64xi32, #tpu.memory_space<vmem>> -> memref<16x64xi32, #tpu.memory_space<vmem>>
    %dma_start3A_416 = arith.constant 0 : i32
    %dma_start3A_417 = tpu.memref_slice %arg5[%mul3A_401, %dma_start3A_416] : memref<2560x64xi32, #tpu.memory_space<hbm>> -> memref<16x64xi32, #tpu.memory_space<hbm>>
    tpu.enqueue_dma source(%dma_start3A_417 : memref<16x64xi32, #tpu.memory_space<hbm>>) target(%dma_start3A_415 : memref<16x64xi32, #tpu.memory_space<vmem>>) target_semaphore(%dma_start3A_411 : memref<!tpu.dma_semaphore, #tpu.memory_space<semaphore_mem>>)
    %scan3A_418 = arith.constant 0 : i32
    %scan3A_419 = arith.constant 0 : i32
    %scan3A_420 = arith.constant 10 : i32
    %scan3A_421 = arith.addi %scan3A_419, %scan3A_420 : i32
    %scan3A_422 = arith.constant 1 : i32
    %scan3A_423 = scf.for %scan3A_827 = %scan3A_419 to %scan3A_421 step %scan3A_422 iter_args(%scan3A_828 = %scan3A_418) -> (i32)  : i32 {
      %jit3A_829 = arith.constant 2 : i32
      %eq3A = arith.constant 0 : i32
      %eq3A_830 = arith.cmpi eq, %jit3A_829, %eq3A : i32
      %jit3A_831 = arith.constant 1 : i32
      %select_n3A_832 = arith.select %eq3A_830, %jit3A_831, %jit3A_829 : i32
      %rem3A = arith.remsi %scan3A_827, %select_n3A_832 : i32
      %ne3A = arith.constant 0 : i32
      %ne3A_833 = arith.cmpi ne, %rem3A, %ne3A : i32
      %lt3A_834 = arith.constant 0 : i32
      %lt3A_835 = arith.cmpi slt, %rem3A, %lt3A_834 : i32
      %lt3A_836 = arith.constant 0 : i32
      %lt3A_837 = arith.cmpi slt, %select_n3A_832, %lt3A_836 : i32
      %ne3A_838 = arith.xori %lt3A_835, %lt3A_837 : i1
      %and3A = arith.andi %ne3A_838, %ne3A_833 : i1
      %add3A_839 = arith.addi %rem3A, %select_n3A_832 : i32
      %select_n3A_840 = arith.select %and3A, %add3A_839, %rem3A : i32
      %mul3A_841 = arith.constant 160 : i32
      %mul3A_842 = arith.muli %arg1, %mul3A_841 : i32
      %mul3A_843 = arith.constant 16 : i32
      %mul3A_844 = arith.muli %scan3A_827, %mul3A_843 : i32
      %add3A_845 = arith.addi %mul3A_842, %mul3A_844 : i32
      %dma_wait3A = arith.constant 0 : i32
      %dma_wait3A_846 = arith.constant 0 : i32
      %dma_wait3A_847 = tpu.memref_slice %arg13[%select_n3A_840, %dma_wait3A, %dma_wait3A_846] : memref<2x16x64xi32, #tpu.memory_space<vmem>> -> memref<1x16x64xi32, #tpu.memory_space<vmem>>
      %dma_wait3A_848 = tpu.memref_squeeze %dma_wait3A_847 : memref<1x16x64xi32, #tpu.memory_space<vmem>> -> memref<16x64xi32, #tpu.memory_space<vmem>>
      %dma_wait3A_849 = arith.constant 0 : i32
      %dma_wait3A_850 = tpu.memref_slice %arg4[%add3A_845, %dma_wait3A_849] : memref<2560x64xi32, #tpu.memory_space<hbm>> -> memref<16x64xi32, #tpu.memory_space<hbm>>
      %dma_wait3A_851 = tpu.memref_slice %arg17[%select_n3A_840] : memref<2x!tpu.dma_semaphore, #tpu.memory_space<semaphore_mem>> -> memref<1x!tpu.dma_semaphore, #tpu.memory_space<semaphore_mem>>
      %dma_wait3A_852 = tpu.memref_squeeze %dma_wait3A_851 : memref<1x!tpu.dma_semaphore, #tpu.memory_space<semaphore_mem>> -> memref<!tpu.dma_semaphore, #tpu.memory_space<semaphore_mem>>
      %dma_wait3A_853 = arith.constant 0 : i32
      %dma_wait3A_854 = arith.constant 0 : i32
      %dma_wait3A_855 = tpu.memref_slice %arg13[%select_n3A_840, %dma_wait3A_853, %dma_wait3A_854] : memref<2x16x64xi32, #tpu.memory_space<vmem>> -> memref<1x16x64xi32, #tpu.memory_space<vmem>>
      %dma_wait3A_856 = tpu.memref_squeeze %dma_wait3A_855 : memref<1x16x64xi32, #tpu.memory_space<vmem>> -> memref<16x64xi32, #tpu.memory_space<vmem>>
      %dma_wait3A_857 = arith.constant 0 : i32
      %dma_wait3A_858 = tpu.memref_slice %arg4[%add3A_845, %dma_wait3A_857] : memref<2560x64xi32, #tpu.memory_space<hbm>> -> memref<16x64xi32, #tpu.memory_space<hbm>>
      tpu.wait_dma2 semaphore(%dma_wait3A_852 : memref<!tpu.dma_semaphore, #tpu.memory_space<semaphore_mem>>) src(%dma_wait3A_858 : memref<16x64xi32, #tpu.memory_space<hbm>>) dst(%dma_wait3A_856 : memref<16x64xi32, #tpu.memory_space<vmem>>)
      %mul3A_859 = arith.constant 160 : i32
      %mul3A_860 = arith.muli %arg1, %mul3A_859 : i32
      %mul3A_861 = arith.constant 16 : i32
      %mul3A_862 = arith.muli %scan3A_827, %mul3A_861 : i32
      %add3A_863 = arith.addi %mul3A_860, %mul3A_862 : i32
      %dma_wait3A_864 = arith.constant 0 : i32
      %dma_wait3A_865 = arith.constant 0 : i32
      %dma_wait3A_866 = tpu.memref_slice %arg14[%select_n3A_840, %dma_wait3A_864, %dma_wait3A_865] : memref<2x16x64xi32, #tpu.memory_space<vmem>> -> memref<1x16x64xi32, #tpu.memory_space<vmem>>
      %dma_wait3A_867 = tpu.memref_squeeze %dma_wait3A_866 : memref<1x16x64xi32, #tpu.memory_space<vmem>> -> memref<16x64xi32, #tpu.memory_space<vmem>>
      %dma_wait3A_868 = arith.constant 0 : i32
      %dma_wait3A_869 = tpu.memref_slice %arg5[%add3A_863, %dma_wait3A_868] : memref<2560x64xi32, #tpu.memory_space<hbm>> -> memref<16x64xi32, #tpu.memory_space<hbm>>
      %dma_wait3A_870 = tpu.memref_slice %arg18[%select_n3A_840] : memref<2x!tpu.dma_semaphore, #tpu.memory_space<semaphore_mem>> -> memref<1x!tpu.dma_semaphore, #tpu.memory_space<semaphore_mem>>
      %dma_wait3A_871 = tpu.memref_squeeze %dma_wait3A_870 : memref<1x!tpu.dma_semaphore, #tpu.memory_space<semaphore_mem>> -> memref<!tpu.dma_semaphore, #tpu.memory_space<semaphore_mem>>
      %dma_wait3A_872 = arith.constant 0 : i32
      %dma_wait3A_873 = arith.constant 0 : i32
      %dma_wait3A_874 = tpu.memref_slice %arg14[%select_n3A_840, %dma_wait3A_872, %dma_wait3A_873] : memref<2x16x64xi32, #tpu.memory_space<vmem>> -> memref<1x16x64xi32, #tpu.memory_space<vmem>>
      %dma_wait3A_875 = tpu.memref_squeeze %dma_wait3A_874 : memref<1x16x64xi32, #tpu.memory_space<vmem>> -> memref<16x64xi32, #tpu.memory_space<vmem>>
      %dma_wait3A_876 = arith.constant 0 : i32
      %dma_wait3A_877 = tpu.memref_slice %arg5[%add3A_863, %dma_wait3A_876] : memref<2560x64xi32, #tpu.memory_space<hbm>> -> memref<16x64xi32, #tpu.memory_space<hbm>>
      tpu.wait_dma2 semaphore(%dma_wait3A_871 : memref<!tpu.dma_semaphore, #tpu.memory_space<semaphore_mem>>) src(%dma_wait3A_877 : memref<16x64xi32, #tpu.memory_space<hbm>>) dst(%dma_wait3A_875 : memref<16x64xi32, #tpu.memory_space<vmem>>)
      %add3A_878 = arith.constant 1 : i32
      %add3A_879 = arith.addi %scan3A_827, %add3A_878 : i32
      %lt3A_880 = arith.constant 10 : i32
      %lt3A_881 = arith.cmpi slt, %add3A_879, %lt3A_880 : i32
      %convert_element_type3A = arith.extui %lt3A_881 : i1 to i32
      %cond3A = arith.constant 0 : i32
      %cond3A_882 = arith.cmpi ne, %convert_element_type3A, %cond3A : i32
      scf.if %cond3A_882 {
        %add3A_896 = arith.constant 1 : i32
        %add3A_897 = arith.addi %scan3A_827, %add3A_896 : i32
        %mul3A_898 = arith.constant 160 : i32
        %mul3A_899 = arith.muli %arg1, %mul3A_898 : i32
        %mul3A_900 = arith.constant 16 : i32
        %mul3A_901 = arith.muli %add3A_897, %mul3A_900 : i32
        %add3A_902 = arith.addi %mul3A_899, %mul3A_901 : i32
        %sub3A = arith.constant 1 : i32
        %sub3A_903 = arith.subi %sub3A, %select_n3A_840 : i32
        %sub3A_904 = arith.constant 1 : i32
        %sub3A_905 = arith.subi %sub3A_904, %select_n3A_840 : i32
        %dma_start3A_906 = arith.constant 0 : i32
        %dma_start3A_907 = arith.constant 0 : i32
        %dma_start3A_908 = tpu.memref_slice %arg13[%sub3A_903, %dma_start3A_906, %dma_start3A_907] : memref<2x16x64xi32, #tpu.memory_space<vmem>> -> memref<1x16x64xi32, #tpu.memory_space<vmem>>
        %dma_start3A_909 = tpu.memref_squeeze %dma_start3A_908 : memref<1x16x64xi32, #tpu.memory_space<vmem>> -> memref<16x64xi32, #tpu.memory_space<vmem>>
        %dma_start3A_910 = arith.constant 0 : i32
        %dma_start3A_911 = tpu.memref_slice %arg4[%add3A_902, %dma_start3A_910] : memref<2560x64xi32, #tpu.memory_space<hbm>> -> memref<16x64xi32, #tpu.memory_space<hbm>>
        %dma_start3A_912 = tpu.memref_slice %arg17[%sub3A_905] : memref<2x!tpu.dma_semaphore, #tpu.memory_space<semaphore_mem>> -> memref<1x!tpu.dma_semaphore, #tpu.memory_space<semaphore_mem>>
        %dma_start3A_913 = tpu.memref_squeeze %dma_start3A_912 : memref<1x!tpu.dma_semaphore, #tpu.memory_space<semaphore_mem>> -> memref<!tpu.dma_semaphore, #tpu.memory_space<semaphore_mem>>
        %dma_start3A_914 = arith.constant 0 : i32
        %dma_start3A_915 = arith.constant 0 : i32
        %dma_start3A_916 = tpu.memref_slice %arg13[%sub3A_903, %dma_start3A_914, %dma_start3A_915] : memref<2x16x64xi32, #tpu.memory_space<vmem>> -> memref<1x16x64xi32, #tpu.memory_space<vmem>>
        %dma_start3A_917 = tpu.memref_squeeze %dma_start3A_916 : memref<1x16x64xi32, #tpu.memory_space<vmem>> -> memref<16x64xi32, #tpu.memory_space<vmem>>
        %dma_start3A_918 = arith.constant 0 : i32
        %dma_start3A_919 = tpu.memref_slice %arg4[%add3A_902, %dma_start3A_918] : memref<2560x64xi32, #tpu.memory_space<hbm>> -> memref<16x64xi32, #tpu.memory_space<hbm>>
        tpu.enqueue_dma source(%dma_start3A_919 : memref<16x64xi32, #tpu.memory_space<hbm>>) target(%dma_start3A_917 : memref<16x64xi32, #tpu.memory_space<vmem>>) target_semaphore(%dma_start3A_913 : memref<!tpu.dma_semaphore, #tpu.memory_space<semaphore_mem>>)
        %mul3A_920 = arith.constant 160 : i32
        %mul3A_921 = arith.muli %arg1, %mul3A_920 : i32
        %mul3A_922 = arith.constant 16 : i32
        %mul3A_923 = arith.muli %add3A_897, %mul3A_922 : i32
        %add3A_924 = arith.addi %mul3A_921, %mul3A_923 : i32
        %sub3A_925 = arith.constant 1 : i32
        %sub3A_926 = arith.subi %sub3A_925, %select_n3A_840 : i32
        %sub3A_927 = arith.constant 1 : i32
        %sub3A_928 = arith.subi %sub3A_927, %select_n3A_840 : i32
        %dma_start3A_929 = arith.constant 0 : i32
        %dma_start3A_930 = arith.constant 0 : i32
        %dma_start3A_931 = tpu.memref_slice %arg14[%sub3A_926, %dma_start3A_929, %dma_start3A_930] : memref<2x16x64xi32, #tpu.memory_space<vmem>> -> memref<1x16x64xi32, #tpu.memory_space<vmem>>
        %dma_start3A_932 = tpu.memref_squeeze %dma_start3A_931 : memref<1x16x64xi32, #tpu.memory_space<vmem>> -> memref<16x64xi32, #tpu.memory_space<vmem>>
        %dma_start3A_933 = arith.constant 0 : i32
        %dma_start3A_934 = tpu.memref_slice %arg5[%add3A_924, %dma_start3A_933] : memref<2560x64xi32, #tpu.memory_space<hbm>> -> memref<16x64xi32, #tpu.memory_space<hbm>>
        %dma_start3A_935 = tpu.memref_slice %arg18[%sub3A_928] : memref<2x!tpu.dma_semaphore, #tpu.memory_space<semaphore_mem>> -> memref<1x!tpu.dma_semaphore, #tpu.memory_space<semaphore_mem>>
        %dma_start3A_936 = tpu.memref_squeeze %dma_start3A_935 : memref<1x!tpu.dma_semaphore, #tpu.memory_space<semaphore_mem>> -> memref<!tpu.dma_semaphore, #tpu.memory_space<semaphore_mem>>
        %dma_start3A_937 = arith.constant 0 : i32
        %dma_start3A_938 = arith.constant 0 : i32
        %dma_start3A_939 = tpu.memref_slice %arg14[%sub3A_926, %dma_start3A_937, %dma_start3A_938] : memref<2x16x64xi32, #tpu.memory_space<vmem>> -> memref<1x16x64xi32, #tpu.memory_space<vmem>>
        %dma_start3A_940 = tpu.memref_squeeze %dma_start3A_939 : memref<1x16x64xi32, #tpu.memory_space<vmem>> -> memref<16x64xi32, #tpu.memory_space<vmem>>
        %dma_start3A_941 = arith.constant 0 : i32
        %dma_start3A_942 = tpu.memref_slice %arg5[%add3A_924, %dma_start3A_941] : memref<2560x64xi32, #tpu.memory_space<hbm>> -> memref<16x64xi32, #tpu.memory_space<hbm>>
        tpu.enqueue_dma source(%dma_start3A_942 : memref<16x64xi32, #tpu.memory_space<hbm>>) target(%dma_start3A_940 : memref<16x64xi32, #tpu.memory_space<vmem>>) target_semaphore(%dma_start3A_936 : memref<!tpu.dma_semaphore, #tpu.memory_space<semaphore_mem>>)
      } else {
      }
      %scan3A_883 = arith.constant 0 : i32
      %scan3A_884 = arith.constant 0 : i32
      %scan3A_885 = arith.constant 16 : i32
      %scan3A_886 = arith.addi %scan3A_884, %scan3A_885 : i32
      %scan3A_887 = arith.constant 1 : i32
      %scan3A_888 = scf.for %scan3A_896 = %scan3A_884 to %scan3A_886 step %scan3A_887 iter_args(%scan3A_897 = %scan3A_883) -> (i32)  : i32 {
        %get3A_898 = arith.index_cast %select_n3A_840 : i32 to index
        %get3A_899 = arith.index_cast %scan3A_896 : i32 to index
        %get3A_900 = arith.constant 0 : index
        %get3A_901 = tpu.vector_load %arg13[%get3A_898, %get3A_899, %get3A_900] {strides = array<i32>} : memref<2x16x64xi32, #tpu.memory_space<vmem>>, vector<16xi32>,
        %get3A_902 = arith.index_cast %select_n3A_840 : i32 to index
        %get3A_903 = arith.index_cast %scan3A_896 : i32 to index
        %get3A_904 = arith.constant 0 : index
        %get3A_905 = tpu.vector_load %arg14[%get3A_902, %get3A_903, %get3A_904] {strides = array<i32>} : memref<2x16x64xi32, #tpu.memory_space<vmem>>, vector<16xi32>,
        %gather3A = tpu.vector_load_idx %arg9[%get3A_901] : memref<10240xi32, #tpu.memory_space<vmem>>[vector<16xi32>], vector<16xi32>,
        %mul3A_906 = arith.constant 256 : i32
        %mul3A_907 = vector.broadcast %mul3A_906 : i32 to vector<16xi32>
        %mul3A_908 = arith.muli %get3A_905, %mul3A_907 : vector<16xi32>
        %add3A_909 = arith.addi %mul3A_908, %gather3A : vector<16xi32>
        %swap3A_910 = arith.index_cast %scan3A_896 : i32 to index
        %swap3A_911 = arith.constant 0 : index
        %swap3A_912 = tpu.vector_load %arg15[%swap3A_910, %swap3A_911] {strides = array<i32>} : memref<16x64xi32, #tpu.memory_space<vmem>>, vector<16xi32>,
        tpu.vector_store %arg15[%swap3A_910, %swap3A_911], %add3A_909 {strides = array<i32>} : memref<16x64xi32, #tpu.memory_space<vmem>>, vector<16xi32>,
        %get3A_913 = arith.index_cast %select_n3A_840 : i32 to index
        %get3A_914 = arith.index_cast %scan3A_896 : i32 to index
        %get3A_915 = arith.constant 16 : index
        %get3A_916 = tpu.vector_load %arg13[%get3A_913, %get3A_914, %get3A_915] {strides = array<i32>} : memref<2x16x64xi32, #tpu.memory_space<vmem>>, vector<16xi32>,
        %get3A_917 = arith.index_cast %select_n3A_840 : i32 to index
        %get3A_918 = arith.index_cast %scan3A_896 : i32 to index
        %get3A_919 = arith.constant 16 : index
        %get3A_920 = tpu.vector_load %arg14[%get3A_917, %get3A_918, %get3A_919] {strides = array<i32>} : memref<2x16x64xi32, #tpu.memory_space<vmem>>, vector<16xi32>,
        %gather3A_921 = tpu.vector_load_idx %arg9[%get3A_916] : memref<10240xi32, #tpu.memory_space<vmem>>[vector<16xi32>], vector<16xi32>,
        %mul3A_922 = arith.constant 256 : i32
        %mul3A_923 = vector.broadcast %mul3A_922 : i32 to vector<16xi32>
        %mul3A_924 = arith.muli %get3A_920, %mul3A_923 : vector<16xi32>
        %add3A_925 = arith.addi %mul3A_924, %gather3A_921 : vector<16xi32>
        %swap3A_926 = arith.index_cast %scan3A_896 : i32 to index
        %swap3A_927 = arith.constant 16 : index
        %swap3A_928 = tpu.vector_load %arg15[%swap3A_926, %swap3A_927] {strides = array<i32>} : memref<16x64xi32, #tpu.memory_space<vmem>>, vector<16xi32>,
        tpu.vector_store %arg15[%swap3A_926, %swap3A_927], %add3A_925 {strides = array<i32>} : memref<16x64xi32, #tpu.memory_space<vmem>>, vector<16xi32>,
        %get3A_929 = arith.index_cast %select_n3A_840 : i32 to index
        %get3A_930 = arith.index_cast %scan3A_896 : i32 to index
        %get3A_931 = arith.constant 32 : index
        %get3A_932 = tpu.vector_load %arg13[%get3A_929, %get3A_930, %get3A_931] {strides = array<i32>} : memref<2x16x64xi32, #tpu.memory_space<vmem>>, vector<16xi32>,
        %get3A_933 = arith.index_cast %select_n3A_840 : i32 to index
        %get3A_934 = arith.index_cast %scan3A_896 : i32 to index
        %get3A_935 = arith.constant 32 : index
        %get3A_936 = tpu.vector_load %arg14[%get3A_933, %get3A_934, %get3A_935] {strides = array<i32>} : memref<2x16x64xi32, #tpu.memory_space<vmem>>, vector<16xi32>,
        %gather3A_937 = tpu.vector_load_idx %arg9[%get3A_932] : memref<10240xi32, #tpu.memory_space<vmem>>[vector<16xi32>], vector<16xi32>,
        %mul3A_938 = arith.constant 256 : i32
        %mul3A_939 = vector.broadcast %mul3A_938 : i32 to vector<16xi32>
        %mul3A_940 = arith.muli %get3A_936, %mul3A_939 : vector<16xi32>
        %add3A_941 = arith.addi %mul3A_940, %gather3A_937 : vector<16xi32>
        %swap3A_942 = arith.index_cast %scan3A_896 : i32 to index
        %swap3A_943 = arith.constant 32 : index
        %swap3A_944 = tpu.vector_load %arg15[%swap3A_942, %swap3A_943] {strides = array<i32>} : memref<16x64xi32, #tpu.memory_space<vmem>>, vector<16xi32>,
        tpu.vector_store %arg15[%swap3A_942, %swap3A_943], %add3A_941 {strides = array<i32>} : memref<16x64xi32, #tpu.memory_space<vmem>>, vector<16xi32>,
        %get3A_945 = arith.index_cast %select_n3A_840 : i32 to index
        %get3A_946 = arith.index_cast %scan3A_896 : i32 to index
        %get3A_947 = arith.constant 48 : index
        %get3A_948 = tpu.vector_load %arg13[%get3A_945, %get3A_946, %get3A_947] {strides = array<i32>} : memref<2x16x64xi32, #tpu.memory_space<vmem>>, vector<16xi32>,
        %get3A_949 = arith.index_cast %select_n3A_840 : i32 to index
        %get3A_950 = arith.index_cast %scan3A_896 : i32 to index
        %get3A_951 = arith.constant 48 : index
        %get3A_952 = tpu.vector_load %arg14[%get3A_949, %get3A_950, %get3A_951] {strides = array<i32>} : memref<2x16x64xi32, #tpu.memory_space<vmem>>, vector<16xi32>,
        %gather3A_953 = tpu.vector_load_idx %arg9[%get3A_948] : memref<10240xi32, #tpu.memory_space<vmem>>[vector<16xi32>], vector<16xi32>,
        %mul3A_954 = arith.constant 256 : i32
        %mul3A_955 = vector.broadcast %mul3A_954 : i32 to vector<16xi32>
        %mul3A_956 = arith.muli %get3A_952, %mul3A_955 : vector<16xi32>
        %add3A_957 = arith.addi %mul3A_956, %gather3A_953 : vector<16xi32>
        %swap3A_958 = arith.index_cast %scan3A_896 : i32 to index
        %swap3A_959 = arith.constant 48 : index
        %swap3A_960 = tpu.vector_load %arg15[%swap3A_958, %swap3A_959] {strides = array<i32>} : memref<16x64xi32, #tpu.memory_space<vmem>>, vector<16xi32>,
        tpu.vector_store %arg15[%swap3A_958, %swap3A_959], %add3A_957 {strides = array<i32>} : memref<16x64xi32, #tpu.memory_space<vmem>>, vector<16xi32>,
        %scan3A_961 = arith.constant 0 : i32
        scf.yield %scan3A_961 : i32
      }
      %scan3A_889 = arith.constant 16 : i32
      %mul3A_890 = arith.constant 160 : i32
      %mul3A_891 = arith.muli %arg1, %mul3A_890 : i32
      %mul3A_892 = arith.constant 16 : i32
      %mul3A_893 = arith.muli %scan3A_827, %mul3A_892 : i32
      %add3A_894 = arith.addi %mul3A_891, %mul3A_893 : i32
      "tpu.region"() ({
        %run_scoped3A_896 = tpu.sem_alloc : memref<!tpu.dma_semaphore, #tpu.memory_space<semaphore_mem>>
        %dma_start3A_897 = arith.constant 0 : i32
        %dma_start3A_898 = tpu.memref_slice %arg8[%add3A_894, %dma_start3A_897] : memref<2560x64xi32, #tpu.memory_space<hbm>> -> memref<16x64xi32, #tpu.memory_space<hbm>>
        %dma_start3A_899 = arith.constant 0 : i32
        %dma_start3A_900 = tpu.memref_slice %arg8[%add3A_894, %dma_start3A_899] : memref<2560x64xi32, #tpu.memory_space<hbm>> -> memref<16x64xi32, #tpu.memory_space<hbm>>
        tpu.enqueue_dma source(%arg15 : memref<16x64xi32, #tpu.memory_space<vmem>>) target(%dma_start3A_900 : memref<16x64xi32, #tpu.memory_space<hbm>>) target_semaphore(%run_scoped3A_896 : memref<!tpu.dma_semaphore, #tpu.memory_space<semaphore_mem>>)
        %dma_wait3A_901 = arith.constant 0 : i32
        %dma_wait3A_902 = tpu.memref_slice %arg8[%add3A_894, %dma_wait3A_901] : memref<2560x64xi32, #tpu.memory_space<hbm>> -> memref<16x64xi32, #tpu.memory_space<hbm>>
        %dma_wait3A_903 = arith.constant 0 : i32
        %dma_wait3A_904 = tpu.memref_slice %arg8[%add3A_894, %dma_wait3A_903] : memref<2560x64xi32, #tpu.memory_space<hbm>> -> memref<16x64xi32, #tpu.memory_space<hbm>>
        tpu.wait_dma2 semaphore(%run_scoped3A_896 : memref<!tpu.dma_semaphore, #tpu.memory_space<semaphore_mem>>) src(%arg15 : memref<16x64xi32, #tpu.memory_space<vmem>>) dst(%dma_wait3A_904 : memref<16x64xi32, #tpu.memory_space<hbm>>)
        tpu.yield
      }) : () -> ()
      %scan3A_895 = arith.constant 0 : i32
      scf.yield %scan3A_895 : i32
    }
    %scan3A_424 = arith.constant 10 : i32
    %scan3A_425 = arith.constant 0 : i32
    %scan3A_426 = arith.constant 0 : i32
    %scan3A_427 = arith.constant 640 : i32
    %scan3A_428 = arith.addi %scan3A_426, %scan3A_427 : i32
    %scan3A_429 = arith.constant 1 : i32
    %scan3A_430 = scf.for %scan3A_827 = %scan3A_426 to %scan3A_428 step %scan3A_429 iter_args(%scan3A_828 = %scan3A_425) -> (i32)  : i32 {
      %mul3A_829 = arith.constant 128 : i32
      %mul3A_830 = arith.muli %scan3A_827, %mul3A_829 : i32
      %add3A_831 = arith.constant 0 : i32
      %add3A_832 = arith.addi %mul3A_830, %add3A_831 : i32
      %swap3A_833 = arith.index_cast %add3A_832 : i32 to index
      %swap3A_834 = tpu.vector_load %arg10[%swap3A_833] {strides = array<i32>} : memref<81920xf32, #tpu.memory_space<vmem>>, vector<16xf32>,
      tpu.vector_store %arg10[%swap3A_833], %broadcast_in_dim3A_3 {strides = array<i32>} : memref<81920xf32, #tpu.memory_space<vmem>>, vector<16xf32>,
      %mul3A_835 = arith.constant 128 : i32
      %mul3A_836 = arith.muli %scan3A_827, %mul3A_835 : i32
      %add3A_837 = arith.constant 16 : i32
      %add3A_838 = arith.addi %mul3A_836, %add3A_837 : i32
      %swap3A_839 = arith.index_cast %add3A_838 : i32 to index
      %swap3A_840 = tpu.vector_load %arg10[%swap3A_839] {strides = array<i32>} : memref<81920xf32, #tpu.memory_space<vmem>>, vector<16xf32>,
      tpu.vector_store %arg10[%swap3A_839], %broadcast_in_dim3A_3 {strides = array<i32>} : memref<81920xf32, #tpu.memory_space<vmem>>, vector<16xf32>,
      %mul3A_841 = arith.constant 128 : i32
      %mul3A_842 = arith.muli %scan3A_827, %mul3A_841 : i32
      %add3A_843 = arith.constant 32 : i32
      %add3A_844 = arith.addi %mul3A_842, %add3A_843 : i32
      %swap3A_845 = arith.index_cast %add3A_844 : i32 to index
      %swap3A_846 = tpu.vector_load %arg10[%swap3A_845] {strides = array<i32>} : memref<81920xf32, #tpu.memory_space<vmem>>, vector<16xf32>,
      tpu.vector_store %arg10[%swap3A_845], %broadcast_in_dim3A_3 {strides = array<i32>} : memref<81920xf32, #tpu.memory_space<vmem>>, vector<16xf32>,
      %mul3A_847 = arith.constant 128 : i32
      %mul3A_848 = arith.muli %scan3A_827, %mul3A_847 : i32
      %add3A_849 = arith.constant 48 : i32
      %add3A_850 = arith.addi %mul3A_848, %add3A_849 : i32
      %swap3A_851 = arith.index_cast %add3A_850 : i32 to index
      %swap3A_852 = tpu.vector_load %arg10[%swap3A_851] {strides = array<i32>} : memref<81920xf32, #tpu.memory_space<vmem>>, vector<16xf32>,
      tpu.vector_store %arg10[%swap3A_851], %broadcast_in_dim3A_3 {strides = array<i32>} : memref<81920xf32, #tpu.memory_space<vmem>>, vector<16xf32>,
      %mul3A_853 = arith.constant 128 : i32
      %mul3A_854 = arith.muli %scan3A_827, %mul3A_853 : i32
      %add3A_855 = arith.constant 64 : i32
      %add3A_856 = arith.addi %mul3A_854, %add3A_855 : i32
      %swap3A_857 = arith.index_cast %add3A_856 : i32 to index
      %swap3A_858 = tpu.vector_load %arg10[%swap3A_857] {strides = array<i32>} : memref<81920xf32, #tpu.memory_space<vmem>>, vector<16xf32>,
      tpu.vector_store %arg10[%swap3A_857], %broadcast_in_dim3A_3 {strides = array<i32>} : memref<81920xf32, #tpu.memory_space<vmem>>, vector<16xf32>,
      %mul3A_859 = arith.constant 128 : i32
      %mul3A_860 = arith.muli %scan3A_827, %mul3A_859 : i32
      %add3A_861 = arith.constant 80 : i32
      %add3A_862 = arith.addi %mul3A_860, %add3A_861 : i32
      %swap3A_863 = arith.index_cast %add3A_862 : i32 to index
      %swap3A_864 = tpu.vector_load %arg10[%swap3A_863] {strides = array<i32>} : memref<81920xf32, #tpu.memory_space<vmem>>, vector<16xf32>,
      tpu.vector_store %arg10[%swap3A_863], %broadcast_in_dim3A_3 {strides = array<i32>} : memref<81920xf32, #tpu.memory_space<vmem>>, vector<16xf32>,
      %mul3A_865 = arith.constant 128 : i32
      %mul3A_866 = arith.muli %scan3A_827, %mul3A_865 : i32
      %add3A_867 = arith.constant 96 : i32
      %add3A_868 = arith.addi %mul3A_866, %add3A_867 : i32
      %swap3A_869 = arith.index_cast %add3A_868 : i32 to index
      %swap3A_870 = tpu.vector_load %arg10[%swap3A_869] {strides = array<i32>} : memref<81920xf32, #tpu.memory_space<vmem>>, vector<16xf32>,
      tpu.vector_store %arg10[%swap3A_869], %broadcast_in_dim3A_3 {strides = array<i32>} : memref<81920xf32, #tpu.memory_space<vmem>>, vector<16xf32>,
      %mul3A_871 = arith.constant 128 : i32
      %mul3A_872 = arith.muli %scan3A_827, %mul3A_871 : i32
      %add3A_873 = arith.constant 112 : i32
      %add3A_874 = arith.addi %mul3A_872, %add3A_873 : i32
      %swap3A_875 = arith.index_cast %add3A_874 : i32 to index
      %swap3A_876 = tpu.vector_load %arg10[%swap3A_875] {strides = array<i32>} : memref<81920xf32, #tpu.memory_space<vmem>>, vector<16xf32>,
      tpu.vector_store %arg10[%swap3A_875], %broadcast_in_dim3A_3 {strides = array<i32>} : memref<81920xf32, #tpu.memory_space<vmem>>, vector<16xf32>,
      %scan3A_877 = arith.constant 0 : i32
      scf.yield %scan3A_877 : i32
    }
    %scan3A_431 = arith.constant 640 : i32
    %add3A_432 = arith.constant 0 : i32
    %add3A_433 = arith.addi %mul3A_2, %add3A_432 : i32
    %get3A_434 = arith.index_cast %add3A_433 : i32 to index
    %get3A_435 = tpu.vector_load %arg9[%get3A_434] {strides = array<i32>} : memref<10240xi32, #tpu.memory_space<vmem>>, vector<16xi32>,
    %add3A_436 = arith.constant 0 : i32
    %add3A_437 = arith.addi %mul3A_2, %add3A_436 : i32
    %add3A_438 = vector.broadcast %add3A_437 : i32 to vector<16xi32>
    %add3A_439 = arith.addi %add3A_438, %iota3A : vector<16xi32>
    %lt3A_440 = arith.constant 10000 : i32
    %lt3A_441 = vector.broadcast %lt3A_440 : i32 to vector<16xi32>
    %lt3A_442 = arith.cmpi slt, %add3A_439, %lt3A_441 : vector<16xi32>
    %add3A_443 = arith.constant 0 : i32
    %add3A_444 = vector.broadcast %add3A_443 : i32 to vector<16xi32>
    %add3A_445 = arith.addi %add3A_444, %iota3A : vector<16xi32>
    %mul3A_446 = arith.constant 256 : i32
    %mul3A_447 = vector.broadcast %mul3A_446 : i32 to vector<16xi32>
    %mul3A_448 = arith.muli %add3A_445, %mul3A_447 : vector<16xi32>
    %add3A_449 = arith.addi %mul3A_448, %get3A_435 : vector<16xi32>
    tpu.vector_store_idx %arg10[%add3A_449], %broadcast_in_dim3A_5 masked %lt3A_442 {add = true} : memref<81920xf32, #tpu.memory_space<vmem>>[vector<16xi32>], vector<16xf32>, vector<16xi1>
    %add3A_450 = arith.constant 16 : i32
    %add3A_451 = arith.addi %mul3A_2, %add3A_450 : i32
    %get3A_452 = arith.index_cast %add3A_451 : i32 to index
    %get3A_453 = tpu.vector_load %arg9[%get3A_452] {strides = array<i32>} : memref<10240xi32, #tpu.memory_space<vmem>>, vector<16xi32>,
    %add3A_454 = arith.constant 16 : i32
    %add3A_455 = arith.addi %mul3A_2, %add3A_454 : i32
    %add3A_456 = vector.broadcast %add3A_455 : i32 to vector<16xi32>
    %add3A_457 = arith.addi %add3A_456, %iota3A : vector<16xi32>
    %lt3A_458 = arith.constant 10000 : i32
    %lt3A_459 = vector.broadcast %lt3A_458 : i32 to vector<16xi32>
    %lt3A_460 = arith.cmpi slt, %add3A_457, %lt3A_459 : vector<16xi32>
    %add3A_461 = arith.constant 16 : i32
    %add3A_462 = vector.broadcast %add3A_461 : i32 to vector<16xi32>
    %add3A_463 = arith.addi %add3A_462, %iota3A : vector<16xi32>
    %mul3A_464 = arith.constant 256 : i32
    %mul3A_465 = vector.broadcast %mul3A_464 : i32 to vector<16xi32>
    %mul3A_466 = arith.muli %add3A_463, %mul3A_465 : vector<16xi32>
    %add3A_467 = arith.addi %mul3A_466, %get3A_453 : vector<16xi32>
    tpu.vector_store_idx %arg10[%add3A_467], %broadcast_in_dim3A_5 masked %lt3A_460 {add = true} : memref<81920xf32, #tpu.memory_space<vmem>>[vector<16xi32>], vector<16xf32>, vector<16xi1>
    %add3A_468 = arith.constant 32 : i32
    %add3A_469 = arith.addi %mul3A_2, %add3A_468 : i32
    %get3A_470 = arith.index_cast %add3A_469 : i32 to index
    %get3A_471 = tpu.vector_load %arg9[%get3A_470] {strides = array<i32>} : memref<10240xi32, #tpu.memory_space<vmem>>, vector<16xi32>,
    %add3A_472 = arith.constant 32 : i32
    %add3A_473 = arith.addi %mul3A_2, %add3A_472 : i32
    %add3A_474 = vector.broadcast %add3A_473 : i32 to vector<16xi32>
    %add3A_475 = arith.addi %add3A_474, %iota3A : vector<16xi32>
    %lt3A_476 = arith.constant 10000 : i32
    %lt3A_477 = vector.broadcast %lt3A_476 : i32 to vector<16xi32>
    %lt3A_478 = arith.cmpi slt, %add3A_475, %lt3A_477 : vector<16xi32>
    %add3A_479 = arith.constant 32 : i32
    %add3A_480 = vector.broadcast %add3A_479 : i32 to vector<16xi32>
    %add3A_481 = arith.addi %add3A_480, %iota3A : vector<16xi32>
    %mul3A_482 = arith.constant 256 : i32
    %mul3A_483 = vector.broadcast %mul3A_482 : i32 to vector<16xi32>
    %mul3A_484 = arith.muli %add3A_481, %mul3A_483 : vector<16xi32>
    %add3A_485 = arith.addi %mul3A_484, %get3A_471 : vector<16xi32>
    tpu.vector_store_idx %arg10[%add3A_485], %broadcast_in_dim3A_5 masked %lt3A_478 {add = true} : memref<81920xf32, #tpu.memory_space<vmem>>[vector<16xi32>], vector<16xf32>, vector<16xi1>
    %add3A_486 = arith.constant 48 : i32
    %add3A_487 = arith.addi %mul3A_2, %add3A_486 : i32
    %get3A_488 = arith.index_cast %add3A_487 : i32 to index
    %get3A_489 = tpu.vector_load %arg9[%get3A_488] {strides = array<i32>} : memref<10240xi32, #tpu.memory_space<vmem>>, vector<16xi32>,
    %add3A_490 = arith.constant 48 : i32
    %add3A_491 = arith.addi %mul3A_2, %add3A_490 : i32
    %add3A_492 = vector.broadcast %add3A_491 : i32 to vector<16xi32>
    %add3A_493 = arith.addi %add3A_492, %iota3A : vector<16xi32>
    %lt3A_494 = arith.constant 10000 : i32
    %lt3A_495 = vector.broadcast %lt3A_494 : i32 to vector<16xi32>
    %lt3A_496 = arith.cmpi slt, %add3A_493, %lt3A_495 : vector<16xi32>
    %add3A_497 = arith.constant 48 : i32
    %add3A_498 = vector.broadcast %add3A_497 : i32 to vector<16xi32>
    %add3A_499 = arith.addi %add3A_498, %iota3A : vector<16xi32>
    %mul3A_500 = arith.constant 256 : i32
    %mul3A_501 = vector.broadcast %mul3A_500 : i32 to vector<16xi32>
    %mul3A_502 = arith.muli %add3A_499, %mul3A_501 : vector<16xi32>
    %add3A_503 = arith.addi %mul3A_502, %get3A_489 : vector<16xi32>
    tpu.vector_store_idx %arg10[%add3A_503], %broadcast_in_dim3A_5 masked %lt3A_496 {add = true} : memref<81920xf32, #tpu.memory_space<vmem>>[vector<16xi32>], vector<16xf32>, vector<16xi1>
    %add3A_504 = arith.constant 64 : i32
    %add3A_505 = arith.addi %mul3A_2, %add3A_504 : i32
    %get3A_506 = arith.index_cast %add3A_505 : i32 to index
    %get3A_507 = tpu.vector_load %arg9[%get3A_506] {strides = array<i32>} : memref<10240xi32, #tpu.memory_space<vmem>>, vector<16xi32>,
    %add3A_508 = arith.constant 64 : i32
    %add3A_509 = arith.addi %mul3A_2, %add3A_508 : i32
    %add3A_510 = vector.broadcast %add3A_509 : i32 to vector<16xi32>
    %add3A_511 = arith.addi %add3A_510, %iota3A : vector<16xi32>
    %lt3A_512 = arith.constant 10000 : i32
    %lt3A_513 = vector.broadcast %lt3A_512 : i32 to vector<16xi32>
    %lt3A_514 = arith.cmpi slt, %add3A_511, %lt3A_513 : vector<16xi32>
    %add3A_515 = arith.constant 64 : i32
    %add3A_516 = vector.broadcast %add3A_515 : i32 to vector<16xi32>
    %add3A_517 = arith.addi %add3A_516, %iota3A : vector<16xi32>
    %mul3A_518 = arith.constant 256 : i32
    %mul3A_519 = vector.broadcast %mul3A_518 : i32 to vector<16xi32>
    %mul3A_520 = arith.muli %add3A_517, %mul3A_519 : vector<16xi32>
    %add3A_521 = arith.addi %mul3A_520, %get3A_507 : vector<16xi32>
    tpu.vector_store_idx %arg10[%add3A_521], %broadcast_in_dim3A_5 masked %lt3A_514 {add = true} : memref<81920xf32, #tpu.memory_space<vmem>>[vector<16xi32>], vector<16xf32>, vector<16xi1>
    %add3A_522 = arith.constant 80 : i32
    %add3A_523 = arith.addi %mul3A_2, %add3A_522 : i32
    %get3A_524 = arith.index_cast %add3A_523 : i32 to index
    %get3A_525 = tpu.vector_load %arg9[%get3A_524] {strides = array<i32>} : memref<10240xi32, #tpu.memory_space<vmem>>, vector<16xi32>,
    %add3A_526 = arith.constant 80 : i32
    %add3A_527 = arith.addi %mul3A_2, %add3A_526 : i32
    %add3A_528 = vector.broadcast %add3A_527 : i32 to vector<16xi32>
    %add3A_529 = arith.addi %add3A_528, %iota3A : vector<16xi32>
    %lt3A_530 = arith.constant 10000 : i32
    %lt3A_531 = vector.broadcast %lt3A_530 : i32 to vector<16xi32>
    %lt3A_532 = arith.cmpi slt, %add3A_529, %lt3A_531 : vector<16xi32>
    %add3A_533 = arith.constant 80 : i32
    %add3A_534 = vector.broadcast %add3A_533 : i32 to vector<16xi32>
    %add3A_535 = arith.addi %add3A_534, %iota3A : vector<16xi32>
    %mul3A_536 = arith.constant 256 : i32
    %mul3A_537 = vector.broadcast %mul3A_536 : i32 to vector<16xi32>
    %mul3A_538 = arith.muli %add3A_535, %mul3A_537 : vector<16xi32>
    %add3A_539 = arith.addi %mul3A_538, %get3A_525 : vector<16xi32>
    tpu.vector_store_idx %arg10[%add3A_539], %broadcast_in_dim3A_5 masked %lt3A_532 {add = true} : memref<81920xf32, #tpu.memory_space<vmem>>[vector<16xi32>], vector<16xf32>, vector<16xi1>
    %add3A_540 = arith.constant 96 : i32
    %add3A_541 = arith.addi %mul3A_2, %add3A_540 : i32
    %get3A_542 = arith.index_cast %add3A_541 : i32 to index
    %get3A_543 = tpu.vector_load %arg9[%get3A_542] {strides = array<i32>} : memref<10240xi32, #tpu.memory_space<vmem>>, vector<16xi32>,
    %add3A_544 = arith.constant 96 : i32
    %add3A_545 = arith.addi %mul3A_2, %add3A_544 : i32
    %add3A_546 = vector.broadcast %add3A_545 : i32 to vector<16xi32>
    %add3A_547 = arith.addi %add3A_546, %iota3A : vector<16xi32>
    %lt3A_548 = arith.constant 10000 : i32
    %lt3A_549 = vector.broadcast %lt3A_548 : i32 to vector<16xi32>
    %lt3A_550 = arith.cmpi slt, %add3A_547, %lt3A_549 : vector<16xi32>
    %add3A_551 = arith.constant 96 : i32
    %add3A_552 = vector.broadcast %add3A_551 : i32 to vector<16xi32>
    %add3A_553 = arith.addi %add3A_552, %iota3A : vector<16xi32>
    %mul3A_554 = arith.constant 256 : i32
    %mul3A_555 = vector.broadcast %mul3A_554 : i32 to vector<16xi32>
    %mul3A_556 = arith.muli %add3A_553, %mul3A_555 : vector<16xi32>
    %add3A_557 = arith.addi %mul3A_556, %get3A_543 : vector<16xi32>
    tpu.vector_store_idx %arg10[%add3A_557], %broadcast_in_dim3A_5 masked %lt3A_550 {add = true} : memref<81920xf32, #tpu.memory_space<vmem>>[vector<16xi32>], vector<16xf32>, vector<16xi1>
    %add3A_558 = arith.constant 112 : i32
    %add3A_559 = arith.addi %mul3A_2, %add3A_558 : i32
    %get3A_560 = arith.index_cast %add3A_559 : i32 to index
    %get3A_561 = tpu.vector_load %arg9[%get3A_560] {strides = array<i32>} : memref<10240xi32, #tpu.memory_space<vmem>>, vector<16xi32>,
    %add3A_562 = arith.constant 112 : i32
    %add3A_563 = arith.addi %mul3A_2, %add3A_562 : i32
    %add3A_564 = vector.broadcast %add3A_563 : i32 to vector<16xi32>
    %add3A_565 = arith.addi %add3A_564, %iota3A : vector<16xi32>
    %lt3A_566 = arith.constant 10000 : i32
    %lt3A_567 = vector.broadcast %lt3A_566 : i32 to vector<16xi32>
    %lt3A_568 = arith.cmpi slt, %add3A_565, %lt3A_567 : vector<16xi32>
    %add3A_569 = arith.constant 112 : i32
    %add3A_570 = vector.broadcast %add3A_569 : i32 to vector<16xi32>
    %add3A_571 = arith.addi %add3A_570, %iota3A : vector<16xi32>
    %mul3A_572 = arith.constant 256 : i32
    %mul3A_573 = vector.broadcast %mul3A_572 : i32 to vector<16xi32>
    %mul3A_574 = arith.muli %add3A_571, %mul3A_573 : vector<16xi32>
    %add3A_575 = arith.addi %mul3A_574, %get3A_561 : vector<16xi32>
    tpu.vector_store_idx %arg10[%add3A_575], %broadcast_in_dim3A_5 masked %lt3A_568 {add = true} : memref<81920xf32, #tpu.memory_space<vmem>>[vector<16xi32>], vector<16xf32>, vector<16xi1>
    %add3A_576 = arith.constant 128 : i32
    %add3A_577 = arith.addi %mul3A_2, %add3A_576 : i32
    %get3A_578 = arith.index_cast %add3A_577 : i32 to index
    %get3A_579 = tpu.vector_load %arg9[%get3A_578] {strides = array<i32>} : memref<10240xi32, #tpu.memory_space<vmem>>, vector<16xi32>,
    %add3A_580 = arith.constant 128 : i32
    %add3A_581 = arith.addi %mul3A_2, %add3A_580 : i32
    %add3A_582 = vector.broadcast %add3A_581 : i32 to vector<16xi32>
    %add3A_583 = arith.addi %add3A_582, %iota3A : vector<16xi32>
    %lt3A_584 = arith.constant 10000 : i32
    %lt3A_585 = vector.broadcast %lt3A_584 : i32 to vector<16xi32>
    %lt3A_586 = arith.cmpi slt, %add3A_583, %lt3A_585 : vector<16xi32>
    %add3A_587 = arith.constant 128 : i32
    %add3A_588 = vector.broadcast %add3A_587 : i32 to vector<16xi32>
    %add3A_589 = arith.addi %add3A_588, %iota3A : vector<16xi32>
    %mul3A_590 = arith.constant 256 : i32
    %mul3A_591 = vector.broadcast %mul3A_590 : i32 to vector<16xi32>
    %mul3A_592 = arith.muli %add3A_589, %mul3A_591 : vector<16xi32>
    %add3A_593 = arith.addi %mul3A_592, %get3A_579 : vector<16xi32>
    tpu.vector_store_idx %arg10[%add3A_593], %broadcast_in_dim3A_5 masked %lt3A_586 {add = true} : memref<81920xf32, #tpu.memory_space<vmem>>[vector<16xi32>], vector<16xf32>, vector<16xi1>
    %add3A_594 = arith.constant 144 : i32
    %add3A_595 = arith.addi %mul3A_2, %add3A_594 : i32
    %get3A_596 = arith.index_cast %add3A_595 : i32 to index
    %get3A_597 = tpu.vector_load %arg9[%get3A_596] {strides = array<i32>} : memref<10240xi32, #tpu.memory_space<vmem>>, vector<16xi32>,
    %add3A_598 = arith.constant 144 : i32
    %add3A_599 = arith.addi %mul3A_2, %add3A_598 : i32
    %add3A_600 = vector.broadcast %add3A_599 : i32 to vector<16xi32>
    %add3A_601 = arith.addi %add3A_600, %iota3A : vector<16xi32>
    %lt3A_602 = arith.constant 10000 : i32
    %lt3A_603 = vector.broadcast %lt3A_602 : i32 to vector<16xi32>
    %lt3A_604 = arith.cmpi slt, %add3A_601, %lt3A_603 : vector<16xi32>
    %add3A_605 = arith.constant 144 : i32
    %add3A_606 = vector.broadcast %add3A_605 : i32 to vector<16xi32>
    %add3A_607 = arith.addi %add3A_606, %iota3A : vector<16xi32>
    %mul3A_608 = arith.constant 256 : i32
    %mul3A_609 = vector.broadcast %mul3A_608 : i32 to vector<16xi32>
    %mul3A_610 = arith.muli %add3A_607, %mul3A_609 : vector<16xi32>
    %add3A_611 = arith.addi %mul3A_610, %get3A_597 : vector<16xi32>
    tpu.vector_store_idx %arg10[%add3A_611], %broadcast_in_dim3A_5 masked %lt3A_604 {add = true} : memref<81920xf32, #tpu.memory_space<vmem>>[vector<16xi32>], vector<16xf32>, vector<16xi1>
    %add3A_612 = arith.constant 160 : i32
    %add3A_613 = arith.addi %mul3A_2, %add3A_612 : i32
    %get3A_614 = arith.index_cast %add3A_613 : i32 to index
    %get3A_615 = tpu.vector_load %arg9[%get3A_614] {strides = array<i32>} : memref<10240xi32, #tpu.memory_space<vmem>>, vector<16xi32>,
    %add3A_616 = arith.constant 160 : i32
    %add3A_617 = arith.addi %mul3A_2, %add3A_616 : i32
    %add3A_618 = vector.broadcast %add3A_617 : i32 to vector<16xi32>
    %add3A_619 = arith.addi %add3A_618, %iota3A : vector<16xi32>
    %lt3A_620 = arith.constant 10000 : i32
    %lt3A_621 = vector.broadcast %lt3A_620 : i32 to vector<16xi32>
    %lt3A_622 = arith.cmpi slt, %add3A_619, %lt3A_621 : vector<16xi32>
    %add3A_623 = arith.constant 160 : i32
    %add3A_624 = vector.broadcast %add3A_623 : i32 to vector<16xi32>
    %add3A_625 = arith.addi %add3A_624, %iota3A : vector<16xi32>
    %mul3A_626 = arith.constant 256 : i32
    %mul3A_627 = vector.broadcast %mul3A_626 : i32 to vector<16xi32>
    %mul3A_628 = arith.muli %add3A_625, %mul3A_627 : vector<16xi32>
    %add3A_629 = arith.addi %mul3A_628, %get3A_615 : vector<16xi32>
    tpu.vector_store_idx %arg10[%add3A_629], %broadcast_in_dim3A_5 masked %lt3A_622 {add = true} : memref<81920xf32, #tpu.memory_space<vmem>>[vector<16xi32>], vector<16xf32>, vector<16xi1>
    %add3A_630 = arith.constant 176 : i32
    %add3A_631 = arith.addi %mul3A_2, %add3A_630 : i32
    %get3A_632 = arith.index_cast %add3A_631 : i32 to index
    %get3A_633 = tpu.vector_load %arg9[%get3A_632] {strides = array<i32>} : memref<10240xi32, #tpu.memory_space<vmem>>, vector<16xi32>,
    %add3A_634 = arith.constant 176 : i32
    %add3A_635 = arith.addi %mul3A_2, %add3A_634 : i32
    %add3A_636 = vector.broadcast %add3A_635 : i32 to vector<16xi32>
    %add3A_637 = arith.addi %add3A_636, %iota3A : vector<16xi32>
    %lt3A_638 = arith.constant 10000 : i32
    %lt3A_639 = vector.broadcast %lt3A_638 : i32 to vector<16xi32>
    %lt3A_640 = arith.cmpi slt, %add3A_637, %lt3A_639 : vector<16xi32>
    %add3A_641 = arith.constant 176 : i32
    %add3A_642 = vector.broadcast %add3A_641 : i32 to vector<16xi32>
    %add3A_643 = arith.addi %add3A_642, %iota3A : vector<16xi32>
    %mul3A_644 = arith.constant 256 : i32
    %mul3A_645 = vector.broadcast %mul3A_644 : i32 to vector<16xi32>
    %mul3A_646 = arith.muli %add3A_643, %mul3A_645 : vector<16xi32>
    %add3A_647 = arith.addi %mul3A_646, %get3A_633 : vector<16xi32>
    tpu.vector_store_idx %arg10[%add3A_647], %broadcast_in_dim3A_5 masked %lt3A_640 {add = true} : memref<81920xf32, #tpu.memory_space<vmem>>[vector<16xi32>], vector<16xf32>, vector<16xi1>
    %add3A_648 = arith.constant 192 : i32
    %add3A_649 = arith.addi %mul3A_2, %add3A_648 : i32
    %get3A_650 = arith.index_cast %add3A_649 : i32 to index
    %get3A_651 = tpu.vector_load %arg9[%get3A_650] {strides = array<i32>} : memref<10240xi32, #tpu.memory_space<vmem>>, vector<16xi32>,
    %add3A_652 = arith.constant 192 : i32
    %add3A_653 = arith.addi %mul3A_2, %add3A_652 : i32
    %add3A_654 = vector.broadcast %add3A_653 : i32 to vector<16xi32>
    %add3A_655 = arith.addi %add3A_654, %iota3A : vector<16xi32>
    %lt3A_656 = arith.constant 10000 : i32
    %lt3A_657 = vector.broadcast %lt3A_656 : i32 to vector<16xi32>
    %lt3A_658 = arith.cmpi slt, %add3A_655, %lt3A_657 : vector<16xi32>
    %add3A_659 = arith.constant 192 : i32
    %add3A_660 = vector.broadcast %add3A_659 : i32 to vector<16xi32>
    %add3A_661 = arith.addi %add3A_660, %iota3A : vector<16xi32>
    %mul3A_662 = arith.constant 256 : i32
    %mul3A_663 = vector.broadcast %mul3A_662 : i32 to vector<16xi32>
    %mul3A_664 = arith.muli %add3A_661, %mul3A_663 : vector<16xi32>
    %add3A_665 = arith.addi %mul3A_664, %get3A_651 : vector<16xi32>
    tpu.vector_store_idx %arg10[%add3A_665], %broadcast_in_dim3A_5 masked %lt3A_658 {add = true} : memref<81920xf32, #tpu.memory_space<vmem>>[vector<16xi32>], vector<16xf32>, vector<16xi1>
    %add3A_666 = arith.constant 208 : i32
    %add3A_667 = arith.addi %mul3A_2, %add3A_666 : i32
    %get3A_668 = arith.index_cast %add3A_667 : i32 to index
    %get3A_669 = tpu.vector_load %arg9[%get3A_668] {strides = array<i32>} : memref<10240xi32, #tpu.memory_space<vmem>>, vector<16xi32>,
    %add3A_670 = arith.constant 208 : i32
    %add3A_671 = arith.addi %mul3A_2, %add3A_670 : i32
    %add3A_672 = vector.broadcast %add3A_671 : i32 to vector<16xi32>
    %add3A_673 = arith.addi %add3A_672, %iota3A : vector<16xi32>
    %lt3A_674 = arith.constant 10000 : i32
    %lt3A_675 = vector.broadcast %lt3A_674 : i32 to vector<16xi32>
    %lt3A_676 = arith.cmpi slt, %add3A_673, %lt3A_675 : vector<16xi32>
    %add3A_677 = arith.constant 208 : i32
    %add3A_678 = vector.broadcast %add3A_677 : i32 to vector<16xi32>
    %add3A_679 = arith.addi %add3A_678, %iota3A : vector<16xi32>
    %mul3A_680 = arith.constant 256 : i32
    %mul3A_681 = vector.broadcast %mul3A_680 : i32 to vector<16xi32>
    %mul3A_682 = arith.muli %add3A_679, %mul3A_681 : vector<16xi32>
    %add3A_683 = arith.addi %mul3A_682, %get3A_669 : vector<16xi32>
    tpu.vector_store_idx %arg10[%add3A_683], %broadcast_in_dim3A_5 masked %lt3A_676 {add = true} : memref<81920xf32, #tpu.memory_space<vmem>>[vector<16xi32>], vector<16xf32>, vector<16xi1>
    %add3A_684 = arith.constant 224 : i32
    %add3A_685 = arith.addi %mul3A_2, %add3A_684 : i32
    %get3A_686 = arith.index_cast %add3A_685 : i32 to index
    %get3A_687 = tpu.vector_load %arg9[%get3A_686] {strides = array<i32>} : memref<10240xi32, #tpu.memory_space<vmem>>, vector<16xi32>,
    %add3A_688 = arith.constant 224 : i32
    %add3A_689 = arith.addi %mul3A_2, %add3A_688 : i32
    %add3A_690 = vector.broadcast %add3A_689 : i32 to vector<16xi32>
    %add3A_691 = arith.addi %add3A_690, %iota3A : vector<16xi32>
    %lt3A_692 = arith.constant 10000 : i32
    %lt3A_693 = vector.broadcast %lt3A_692 : i32 to vector<16xi32>
    %lt3A_694 = arith.cmpi slt, %add3A_691, %lt3A_693 : vector<16xi32>
    %add3A_695 = arith.constant 224 : i32
    %add3A_696 = vector.broadcast %add3A_695 : i32 to vector<16xi32>
    %add3A_697 = arith.addi %add3A_696, %iota3A : vector<16xi32>
    %mul3A_698 = arith.constant 256 : i32
    %mul3A_699 = vector.broadcast %mul3A_698 : i32 to vector<16xi32>
    %mul3A_700 = arith.muli %add3A_697, %mul3A_699 : vector<16xi32>
    %add3A_701 = arith.addi %mul3A_700, %get3A_687 : vector<16xi32>
    tpu.vector_store_idx %arg10[%add3A_701], %broadcast_in_dim3A_5 masked %lt3A_694 {add = true} : memref<81920xf32, #tpu.memory_space<vmem>>[vector<16xi32>], vector<16xf32>, vector<16xi1>
    %add3A_702 = arith.constant 240 : i32
    %add3A_703 = arith.addi %mul3A_2, %add3A_702 : i32
    %get3A_704 = arith.index_cast %add3A_703 : i32 to index
    %get3A_705 = tpu.vector_load %arg9[%get3A_704] {strides = array<i32>} : memref<10240xi32, #tpu.memory_space<vmem>>, vector<16xi32>,
    %add3A_706 = arith.constant 240 : i32
    %add3A_707 = arith.addi %mul3A_2, %add3A_706 : i32
    %add3A_708 = vector.broadcast %add3A_707 : i32 to vector<16xi32>
    %add3A_709 = arith.addi %add3A_708, %iota3A : vector<16xi32>
    %lt3A_710 = arith.constant 10000 : i32
    %lt3A_711 = vector.broadcast %lt3A_710 : i32 to vector<16xi32>
    %lt3A_712 = arith.cmpi slt, %add3A_709, %lt3A_711 : vector<16xi32>
    %add3A_713 = arith.constant 240 : i32
    %add3A_714 = vector.broadcast %add3A_713 : i32 to vector<16xi32>
    %add3A_715 = arith.addi %add3A_714, %iota3A : vector<16xi32>
    %mul3A_716 = arith.constant 256 : i32
    %mul3A_717 = vector.broadcast %mul3A_716 : i32 to vector<16xi32>
    %mul3A_718 = arith.muli %add3A_715, %mul3A_717 : vector<16xi32>
    %add3A_719 = arith.addi %mul3A_718, %get3A_705 : vector<16xi32>
    tpu.vector_store_idx %arg10[%add3A_719], %broadcast_in_dim3A_5 masked %lt3A_712 {add = true} : memref<81920xf32, #tpu.memory_space<vmem>>[vector<16xi32>], vector<16xf32>, vector<16xi1>
    %add3A_720 = arith.constant 256 : i32
    %add3A_721 = arith.addi %mul3A_2, %add3A_720 : i32
    %get3A_722 = arith.index_cast %add3A_721 : i32 to index
    %get3A_723 = tpu.vector_load %arg9[%get3A_722] {strides = array<i32>} : memref<10240xi32, #tpu.memory_space<vmem>>, vector<16xi32>,
    %add3A_724 = arith.constant 256 : i32
    %add3A_725 = arith.addi %mul3A_2, %add3A_724 : i32
    %add3A_726 = vector.broadcast %add3A_725 : i32 to vector<16xi32>
    %add3A_727 = arith.addi %add3A_726, %iota3A : vector<16xi32>
    %lt3A_728 = arith.constant 10000 : i32
    %lt3A_729 = vector.broadcast %lt3A_728 : i32 to vector<16xi32>
    %lt3A_730 = arith.cmpi slt, %add3A_727, %lt3A_729 : vector<16xi32>
    %add3A_731 = arith.constant 256 : i32
    %add3A_732 = vector.broadcast %add3A_731 : i32 to vector<16xi32>
    %add3A_733 = arith.addi %add3A_732, %iota3A : vector<16xi32>
    %mul3A_734 = arith.constant 256 : i32
    %mul3A_735 = vector.broadcast %mul3A_734 : i32 to vector<16xi32>
    %mul3A_736 = arith.muli %add3A_733, %mul3A_735 : vector<16xi32>
    %add3A_737 = arith.addi %mul3A_736, %get3A_723 : vector<16xi32>
    tpu.vector_store_idx %arg10[%add3A_737], %broadcast_in_dim3A_5 masked %lt3A_730 {add = true} : memref<81920xf32, #tpu.memory_space<vmem>>[vector<16xi32>], vector<16xf32>, vector<16xi1>
    %add3A_738 = arith.constant 272 : i32
    %add3A_739 = arith.addi %mul3A_2, %add3A_738 : i32
    %get3A_740 = arith.index_cast %add3A_739 : i32 to index
    %get3A_741 = tpu.vector_load %arg9[%get3A_740] {strides = array<i32>} : memref<10240xi32, #tpu.memory_space<vmem>>, vector<16xi32>,
    %add3A_742 = arith.constant 272 : i32
    %add3A_743 = arith.addi %mul3A_2, %add3A_742 : i32
    %add3A_744 = vector.broadcast %add3A_743 : i32 to vector<16xi32>
    %add3A_745 = arith.addi %add3A_744, %iota3A : vector<16xi32>
    %lt3A_746 = arith.constant 10000 : i32
    %lt3A_747 = vector.broadcast %lt3A_746 : i32 to vector<16xi32>
    %lt3A_748 = arith.cmpi slt, %add3A_745, %lt3A_747 : vector<16xi32>
    %add3A_749 = arith.constant 272 : i32
    %add3A_750 = vector.broadcast %add3A_749 : i32 to vector<16xi32>
    %add3A_751 = arith.addi %add3A_750, %iota3A : vector<16xi32>
    %mul3A_752 = arith.constant 256 : i32
    %mul3A_753 = vector.broadcast %mul3A_752 : i32 to vector<16xi32>
    %mul3A_754 = arith.muli %add3A_751, %mul3A_753 : vector<16xi32>
    %add3A_755 = arith.addi %mul3A_754, %get3A_741 : vector<16xi32>
    tpu.vector_store_idx %arg10[%add3A_755], %broadcast_in_dim3A_5 masked %lt3A_748 {add = true} : memref<81920xf32, #tpu.memory_space<vmem>>[vector<16xi32>], vector<16xf32>, vector<16xi1>
    %add3A_756 = arith.constant 288 : i32
    %add3A_757 = arith.addi %mul3A_2, %add3A_756 : i32
    %get3A_758 = arith.index_cast %add3A_757 : i32 to index
    %get3A_759 = tpu.vector_load %arg9[%get3A_758] {strides = array<i32>} : memref<10240xi32, #tpu.memory_space<vmem>>, vector<16xi32>,
    %add3A_760 = arith.constant 288 : i32
    %add3A_761 = arith.addi %mul3A_2, %add3A_760 : i32
    %add3A_762 = vector.broadcast %add3A_761 : i32 to vector<16xi32>
    %add3A_763 = arith.addi %add3A_762, %iota3A : vector<16xi32>
    %lt3A_764 = arith.constant 10000 : i32
    %lt3A_765 = vector.broadcast %lt3A_764 : i32 to vector<16xi32>
    %lt3A_766 = arith.cmpi slt, %add3A_763, %lt3A_765 : vector<16xi32>
    %add3A_767 = arith.constant 288 : i32
    %add3A_768 = vector.broadcast %add3A_767 : i32 to vector<16xi32>
    %add3A_769 = arith.addi %add3A_768, %iota3A : vector<16xi32>
    %mul3A_770 = arith.constant 256 : i32
    %mul3A_771 = vector.broadcast %mul3A_770 : i32 to vector<16xi32>
    %mul3A_772 = arith.muli %add3A_769, %mul3A_771 : vector<16xi32>
    %add3A_773 = arith.addi %mul3A_772, %get3A_759 : vector<16xi32>
    tpu.vector_store_idx %arg10[%add3A_773], %broadcast_in_dim3A_5 masked %lt3A_766 {add = true} : memref<81920xf32, #tpu.memory_space<vmem>>[vector<16xi32>], vector<16xf32>, vector<16xi1>
    %add3A_774 = arith.constant 304 : i32
    %add3A_775 = arith.addi %mul3A_2, %add3A_774 : i32
    %get3A_776 = arith.index_cast %add3A_775 : i32 to index
    %get3A_777 = tpu.vector_load %arg9[%get3A_776] {strides = array<i32>} : memref<10240xi32, #tpu.memory_space<vmem>>, vector<16xi32>,
    %add3A_778 = arith.constant 304 : i32
    %add3A_779 = arith.addi %mul3A_2, %add3A_778 : i32
    %add3A_780 = vector.broadcast %add3A_779 : i32 to vector<16xi32>
    %add3A_781 = arith.addi %add3A_780, %iota3A : vector<16xi32>
    %lt3A_782 = arith.constant 10000 : i32
    %lt3A_783 = vector.broadcast %lt3A_782 : i32 to vector<16xi32>
    %lt3A_784 = arith.cmpi slt, %add3A_781, %lt3A_783 : vector<16xi32>
    %add3A_785 = arith.constant 304 : i32
    %add3A_786 = vector.broadcast %add3A_785 : i32 to vector<16xi32>
    %add3A_787 = arith.addi %add3A_786, %iota3A : vector<16xi32>
    %mul3A_788 = arith.constant 256 : i32
    %mul3A_789 = vector.broadcast %mul3A_788 : i32 to vector<16xi32>
    %mul3A_790 = arith.muli %add3A_787, %mul3A_789 : vector<16xi32>
    %add3A_791 = arith.addi %mul3A_790, %get3A_777 : vector<16xi32>
    tpu.vector_store_idx %arg10[%add3A_791], %broadcast_in_dim3A_5 masked %lt3A_784 {add = true} : memref<81920xf32, #tpu.memory_space<vmem>>[vector<16xi32>], vector<16xf32>, vector<16xi1>
    %barrier3A_792 = arith.constant 0 : index
    tpu.barrier barrier_id(%barrier3A_792)
    %mul3A_793 = arith.constant 256 : i32
    %mul3A_794 = arith.muli %mul3A_2, %mul3A_793 : i32
    %dma_start3A_795 = arith.constant 0 : i32
    %dma_start3A_796 = arith.constant 0 : i32
    %dma_start3A_797 = arith.constant 0 : i32
    %dma_start3A_798 = arith.constant 0 : i32
    %dma_start3A_799 = tpu.memref_slice %arg16[%dma_start3A_795, %dma_start3A_797, %dma_start3A_798] : memref<2x32x64xi32, #tpu.memory_space<vmem>> -> memref<1x32x64xi32, #tpu.memory_space<vmem>>
    %dma_start3A_800 = tpu.memref_squeeze %dma_start3A_799 : memref<1x32x64xi32, #tpu.memory_space<vmem>> -> memref<32x64xi32, #tpu.memory_space<vmem>>
    %dma_start3A_801 = arith.constant 0 : i32
    %dma_start3A_802 = arith.constant 0 : i32
    %dma_start3A_803 = tpu.memref_slice %arg8[%dma_start3A_801, %dma_start3A_802] : memref<2560x64xi32, #tpu.memory_space<hbm>> -> memref<32x64xi32, #tpu.memory_space<hbm>>
    %dma_start3A_804 = tpu.memref_slice %arg19[%dma_start3A_796] : memref<2x!tpu.dma_semaphore, #tpu.memory_space<semaphore_mem>> -> memref<1x!tpu.dma_semaphore, #tpu.memory_space<semaphore_mem>>
    %dma_start3A_805 = tpu.memref_squeeze %dma_start3A_804 : memref<1x!tpu.dma_semaphore, #tpu.memory_space<semaphore_mem>> -> memref<!tpu.dma_semaphore, #tpu.memory_space<semaphore_mem>>
    %dma_start3A_806 = arith.constant 0 : i32
    %dma_start3A_807 = arith.constant 0 : i32
    %dma_start3A_808 = tpu.memref_slice %arg16[%dma_start3A_795, %dma_start3A_806, %dma_start3A_807] : memref<2x32x64xi32, #tpu.memory_space<vmem>> -> memref<1x32x64xi32, #tpu.memory_space<vmem>>
    %dma_start3A_809 = tpu.memref_squeeze %dma_start3A_808 : memref<1x32x64xi32, #tpu.memory_space<vmem>> -> memref<32x64xi32, #tpu.memory_space<vmem>>
    %dma_start3A_810 = arith.constant 0 : i32
    %dma_start3A_811 = arith.constant 0 : i32
    %dma_start3A_812 = tpu.memref_slice %arg8[%dma_start3A_810, %dma_start3A_811] : memref<2560x64xi32, #tpu.memory_space<hbm>> -> memref<32x64xi32, #tpu.memory_space<hbm>>
    tpu.enqueue_dma source(%dma_start3A_812 : memref<32x64xi32, #tpu.memory_space<hbm>>) target(%dma_start3A_809 : memref<32x64xi32, #tpu.memory_space<vmem>>) target_semaphore(%dma_start3A_805 : memref<!tpu.dma_semaphore, #tpu.memory_space<semaphore_mem>>)
    %scan3A_813 = arith.constant 0 : i32
    %scan3A_814 = arith.constant 0 : i32
    %scan3A_815 = arith.constant 80 : i32
    %scan3A_816 = arith.addi %scan3A_814, %scan3A_815 : i32
    %scan3A_817 = arith.constant 1 : i32
    %scan3A_818 = scf.for %scan3A_827 = %scan3A_814 to %scan3A_816 step %scan3A_817 iter_args(%scan3A_828 = %scan3A_813) -> (i32)  : i32 {
      %jit3A_829 = arith.constant 2 : i32
      %eq3A = arith.constant 0 : i32
      %eq3A_830 = arith.cmpi eq, %jit3A_829, %eq3A : i32
      %jit3A_831 = arith.constant 1 : i32
      %select_n3A_832 = arith.select %eq3A_830, %jit3A_831, %jit3A_829 : i32
      %rem3A = arith.remsi %scan3A_827, %select_n3A_832 : i32
      %ne3A = arith.constant 0 : i32
      %ne3A_833 = arith.cmpi ne, %rem3A, %ne3A : i32
      %lt3A_834 = arith.constant 0 : i32
      %lt3A_835 = arith.cmpi slt, %rem3A, %lt3A_834 : i32
      %lt3A_836 = arith.constant 0 : i32
      %lt3A_837 = arith.cmpi slt, %select_n3A_832, %lt3A_836 : i32
      %ne3A_838 = arith.xori %lt3A_835, %lt3A_837 : i1
      %and3A = arith.andi %ne3A_838, %ne3A_833 : i1
      %add3A_839 = arith.addi %rem3A, %select_n3A_832 : i32
      %select_n3A_840 = arith.select %and3A, %add3A_839, %rem3A : i32
      %mul3A_841 = arith.constant 32 : i32
      %mul3A_842 = arith.muli %scan3A_827, %mul3A_841 : i32
      %dma_wait3A = arith.constant 0 : i32
      %dma_wait3A_843 = arith.constant 0 : i32
      %dma_wait3A_844 = tpu.memref_slice %arg16[%select_n3A_840, %dma_wait3A, %dma_wait3A_843] : memref<2x32x64xi32, #tpu.memory_space<vmem>> -> memref<1x32x64xi32, #tpu.memory_space<vmem>>
      %dma_wait3A_845 = tpu.memref_squeeze %dma_wait3A_844 : memref<1x32x64xi32, #tpu.memory_space<vmem>> -> memref<32x64xi32, #tpu.memory_space<vmem>>
      %dma_wait3A_846 = arith.constant 0 : i32
      %dma_wait3A_847 = tpu.memref_slice %arg8[%mul3A_842, %dma_wait3A_846] : memref<2560x64xi32, #tpu.memory_space<hbm>> -> memref<32x64xi32, #tpu.memory_space<hbm>>
      %dma_wait3A_848 = tpu.memref_slice %arg19[%select_n3A_840] : memref<2x!tpu.dma_semaphore, #tpu.memory_space<semaphore_mem>> -> memref<1x!tpu.dma_semaphore, #tpu.memory_space<semaphore_mem>>
      %dma_wait3A_849 = tpu.memref_squeeze %dma_wait3A_848 : memref<1x!tpu.dma_semaphore, #tpu.memory_space<semaphore_mem>> -> memref<!tpu.dma_semaphore, #tpu.memory_space<semaphore_mem>>
      %dma_wait3A_850 = arith.constant 0 : i32
      %dma_wait3A_851 = arith.constant 0 : i32
      %dma_wait3A_852 = tpu.memref_slice %arg16[%select_n3A_840, %dma_wait3A_850, %dma_wait3A_851] : memref<2x32x64xi32, #tpu.memory_space<vmem>> -> memref<1x32x64xi32, #tpu.memory_space<vmem>>
      %dma_wait3A_853 = tpu.memref_squeeze %dma_wait3A_852 : memref<1x32x64xi32, #tpu.memory_space<vmem>> -> memref<32x64xi32, #tpu.memory_space<vmem>>
      %dma_wait3A_854 = arith.constant 0 : i32
      %dma_wait3A_855 = tpu.memref_slice %arg8[%mul3A_842, %dma_wait3A_854] : memref<2560x64xi32, #tpu.memory_space<hbm>> -> memref<32x64xi32, #tpu.memory_space<hbm>>
      tpu.wait_dma2 semaphore(%dma_wait3A_849 : memref<!tpu.dma_semaphore, #tpu.memory_space<semaphore_mem>>) src(%dma_wait3A_855 : memref<32x64xi32, #tpu.memory_space<hbm>>) dst(%dma_wait3A_853 : memref<32x64xi32, #tpu.memory_space<vmem>>)
      %add3A_856 = arith.constant 1 : i32
      %add3A_857 = arith.addi %scan3A_827, %add3A_856 : i32
      %lt3A_858 = arith.constant 80 : i32
      %lt3A_859 = arith.cmpi slt, %add3A_857, %lt3A_858 : i32
      %convert_element_type3A = arith.extui %lt3A_859 : i1 to i32
      %cond3A = arith.constant 0 : i32
      %cond3A_860 = arith.cmpi ne, %convert_element_type3A, %cond3A : i32
      scf.if %cond3A_860 {
        %add3A_869 = arith.constant 1 : i32
        %add3A_870 = arith.addi %scan3A_827, %add3A_869 : i32
        %mul3A_871 = arith.constant 32 : i32
        %mul3A_872 = arith.muli %add3A_870, %mul3A_871 : i32
        %sub3A = arith.constant 1 : i32
        %sub3A_873 = arith.subi %sub3A, %select_n3A_840 : i32
        %sub3A_874 = arith.constant 1 : i32
        %sub3A_875 = arith.subi %sub3A_874, %select_n3A_840 : i32
        %dma_start3A_876 = arith.constant 0 : i32
        %dma_start3A_877 = arith.constant 0 : i32
        %dma_start3A_878 = tpu.memref_slice %arg16[%sub3A_873, %dma_start3A_876, %dma_start3A_877] : memref<2x32x64xi32, #tpu.memory_space<vmem>> -> memref<1x32x64xi32, #tpu.memory_space<vmem>>
        %dma_start3A_879 = tpu.memref_squeeze %dma_start3A_878 : memref<1x32x64xi32, #tpu.memory_space<vmem>> -> memref<32x64xi32, #tpu.memory_space<vmem>>
        %dma_start3A_880 = arith.constant 0 : i32
        %dma_start3A_881 = tpu.memref_slice %arg8[%mul3A_872, %dma_start3A_880] : memref<2560x64xi32, #tpu.memory_space<hbm>> -> memref<32x64xi32, #tpu.memory_space<hbm>>
        %dma_start3A_882 = tpu.memref_slice %arg19[%sub3A_875] : memref<2x!tpu.dma_semaphore, #tpu.memory_space<semaphore_mem>> -> memref<1x!tpu.dma_semaphore, #tpu.memory_space<semaphore_mem>>
        %dma_start3A_883 = tpu.memref_squeeze %dma_start3A_882 : memref<1x!tpu.dma_semaphore, #tpu.memory_space<semaphore_mem>> -> memref<!tpu.dma_semaphore, #tpu.memory_space<semaphore_mem>>
        %dma_start3A_884 = arith.constant 0 : i32
        %dma_start3A_885 = arith.constant 0 : i32
        %dma_start3A_886 = tpu.memref_slice %arg16[%sub3A_873, %dma_start3A_884, %dma_start3A_885] : memref<2x32x64xi32, #tpu.memory_space<vmem>> -> memref<1x32x64xi32, #tpu.memory_space<vmem>>
        %dma_start3A_887 = tpu.memref_squeeze %dma_start3A_886 : memref<1x32x64xi32, #tpu.memory_space<vmem>> -> memref<32x64xi32, #tpu.memory_space<vmem>>
        %dma_start3A_888 = arith.constant 0 : i32
        %dma_start3A_889 = tpu.memref_slice %arg8[%mul3A_872, %dma_start3A_888] : memref<2560x64xi32, #tpu.memory_space<hbm>> -> memref<32x64xi32, #tpu.memory_space<hbm>>
        tpu.enqueue_dma source(%dma_start3A_889 : memref<32x64xi32, #tpu.memory_space<hbm>>) target(%dma_start3A_887 : memref<32x64xi32, #tpu.memory_space<vmem>>) target_semaphore(%dma_start3A_883 : memref<!tpu.dma_semaphore, #tpu.memory_space<semaphore_mem>>)
      } else {
      }
      %scan3A_861 = arith.constant 0 : i32
      %scan3A_862 = arith.constant 0 : i32
      %scan3A_863 = arith.constant 32 : i32
      %scan3A_864 = arith.addi %scan3A_862, %scan3A_863 : i32
      %scan3A_865 = arith.constant 1 : i32
      %scan3A_866 = scf.for %scan3A_869 = %scan3A_862 to %scan3A_864 step %scan3A_865 iter_args(%scan3A_870 = %scan3A_861) -> (i32)  : i32 {
        %get3A_871 = arith.index_cast %select_n3A_840 : i32 to index
        %get3A_872 = arith.index_cast %scan3A_869 : i32 to index
        %get3A_873 = arith.constant 0 : index
        %get3A_874 = tpu.vector_load %arg16[%get3A_871, %get3A_872, %get3A_873] {strides = array<i32>} : memref<2x32x64xi32, #tpu.memory_space<vmem>>, vector<16xi32>,
        %sub3A = vector.broadcast %mul3A_794 : i32 to vector<16xi32>
        %sub3A_875 = arith.subi %get3A_874, %sub3A : vector<16xi32>
        %ge3A = arith.constant 0 : i32
        %ge3A_876 = vector.broadcast %ge3A : i32 to vector<16xi32>
        %ge3A_877 = arith.cmpi sge, %sub3A_875, %ge3A_876 : vector<16xi32>
        %lt3A_878 = arith.constant 81920 : i32
        %lt3A_879 = vector.broadcast %lt3A_878 : i32 to vector<16xi32>
        %lt3A_880 = arith.cmpi slt, %sub3A_875, %lt3A_879 : vector<16xi32>
        %and3A_881 = arith.andi %ge3A_877, %lt3A_880 : vector<16xi1>
        %jit3A_882 = arith.constant 0 : i32
        %broadcast_in_dim3A_883 = vector.broadcast %jit3A_882 : i32 to vector<16xi32>
        %select_n3A_884 = arith.select %and3A_881, %sub3A_875, %broadcast_in_dim3A_883 : vector<16xi1>, vector<16xi32>
        tpu.vector_store_idx %arg10[%select_n3A_884], %broadcast_in_dim3A_5 masked %and3A_881 {add = true} : memref<81920xf32, #tpu.memory_space<vmem>>[vector<16xi32>], vector<16xf32>, vector<16xi1>
        %get3A_885 = arith.index_cast %select_n3A_840 : i32 to index
        %get3A_886 = arith.index_cast %scan3A_869 : i32 to index
        %get3A_887 = arith.constant 16 : index
        %get3A_888 = tpu.vector_load %arg16[%get3A_885, %get3A_886, %get3A_887] {strides = array<i32>} : memref<2x32x64xi32, #tpu.memory_space<vmem>>, vector<16xi32>,
        %sub3A_889 = vector.broadcast %mul3A_794 : i32 to vector<16xi32>
        %sub3A_890 = arith.subi %get3A_888, %sub3A_889 : vector<16xi32>
        %ge3A_891 = arith.constant 0 : i32
        %ge3A_892 = vector.broadcast %ge3A_891 : i32 to vector<16xi32>
        %ge3A_893 = arith.cmpi sge, %sub3A_890, %ge3A_892 : vector<16xi32>
        %lt3A_894 = arith.constant 81920 : i32
        %lt3A_895 = vector.broadcast %lt3A_894 : i32 to vector<16xi32>
        %lt3A_896 = arith.cmpi slt, %sub3A_890, %lt3A_895 : vector<16xi32>
        %and3A_897 = arith.andi %ge3A_893, %lt3A_896 : vector<16xi1>
        %jit3A_898 = arith.constant 0 : i32
        %broadcast_in_dim3A_899 = vector.broadcast %jit3A_898 : i32 to vector<16xi32>
        %select_n3A_900 = arith.select %and3A_897, %sub3A_890, %broadcast_in_dim3A_899 : vector<16xi1>, vector<16xi32>
        tpu.vector_store_idx %arg10[%select_n3A_900], %broadcast_in_dim3A_5 masked %and3A_897 {add = true} : memref<81920xf32, #tpu.memory_space<vmem>>[vector<16xi32>], vector<16xf32>, vector<16xi1>
        %get3A_901 = arith.index_cast %select_n3A_840 : i32 to index
        %get3A_902 = arith.index_cast %scan3A_869 : i32 to index
        %get3A_903 = arith.constant 32 : index
        %get3A_904 = tpu.vector_load %arg16[%get3A_901, %get3A_902, %get3A_903] {strides = array<i32>} : memref<2x32x64xi32, #tpu.memory_space<vmem>>, vector<16xi32>,
        %sub3A_905 = vector.broadcast %mul3A_794 : i32 to vector<16xi32>
        %sub3A_906 = arith.subi %get3A_904, %sub3A_905 : vector<16xi32>
        %ge3A_907 = arith.constant 0 : i32
        %ge3A_908 = vector.broadcast %ge3A_907 : i32 to vector<16xi32>
        %ge3A_909 = arith.cmpi sge, %sub3A_906, %ge3A_908 : vector<16xi32>
        %lt3A_910 = arith.constant 81920 : i32
        %lt3A_911 = vector.broadcast %lt3A_910 : i32 to vector<16xi32>
        %lt3A_912 = arith.cmpi slt, %sub3A_906, %lt3A_911 : vector<16xi32>
        %and3A_913 = arith.andi %ge3A_909, %lt3A_912 : vector<16xi1>
        %jit3A_914 = arith.constant 0 : i32
        %broadcast_in_dim3A_915 = vector.broadcast %jit3A_914 : i32 to vector<16xi32>
        %select_n3A_916 = arith.select %and3A_913, %sub3A_906, %broadcast_in_dim3A_915 : vector<16xi1>, vector<16xi32>
        tpu.vector_store_idx %arg10[%select_n3A_916], %broadcast_in_dim3A_5 masked %and3A_913 {add = true} : memref<81920xf32, #tpu.memory_space<vmem>>[vector<16xi32>], vector<16xf32>, vector<16xi1>
        %get3A_917 = arith.index_cast %select_n3A_840 : i32 to index
        %get3A_918 = arith.index_cast %scan3A_869 : i32 to index
        %get3A_919 = arith.constant 48 : index
        %get3A_920 = tpu.vector_load %arg16[%get3A_917, %get3A_918, %get3A_919] {strides = array<i32>} : memref<2x32x64xi32, #tpu.memory_space<vmem>>, vector<16xi32>,
        %sub3A_921 = vector.broadcast %mul3A_794 : i32 to vector<16xi32>
        %sub3A_922 = arith.subi %get3A_920, %sub3A_921 : vector<16xi32>
        %ge3A_923 = arith.constant 0 : i32
        %ge3A_924 = vector.broadcast %ge3A_923 : i32 to vector<16xi32>
        %ge3A_925 = arith.cmpi sge, %sub3A_922, %ge3A_924 : vector<16xi32>
        %lt3A_926 = arith.constant 81920 : i32
        %lt3A_927 = vector.broadcast %lt3A_926 : i32 to vector<16xi32>
        %lt3A_928 = arith.cmpi slt, %sub3A_922, %lt3A_927 : vector<16xi32>
        %and3A_929 = arith.andi %ge3A_925, %lt3A_928 : vector<16xi1>
        %jit3A_930 = arith.constant 0 : i32
        %broadcast_in_dim3A_931 = vector.broadcast %jit3A_930 : i32 to vector<16xi32>
        %select_n3A_932 = arith.select %and3A_929, %sub3A_922, %broadcast_in_dim3A_931 : vector<16xi1>, vector<16xi32>
        tpu.vector_store_idx %arg10[%select_n3A_932], %broadcast_in_dim3A_5 masked %and3A_929 {add = true} : memref<81920xf32, #tpu.memory_space<vmem>>[vector<16xi32>], vector<16xf32>, vector<16xi1>
        %scan3A_933 = arith.constant 0 : i32
        scf.yield %scan3A_933 : i32
      }
      %scan3A_867 = arith.constant 32 : i32
      %scan3A_868 = arith.constant 0 : i32
      scf.yield %scan3A_868 : i32
    }
    %scan3A_819 = arith.constant 80 : i32
    %barrier3A_820 = arith.constant 0 : index
    tpu.barrier barrier_id(%barrier3A_820)
    %mul3A_821 = arith.constant 24 : i32
    %mul3A_822 = arith.muli %arg1, %mul3A_821 : i32
    %mul3A_823 = arith.constant 24 : i32
    %mul3A_824 = arith.muli %arg1, %mul3A_823 : i32
    "tpu.region"() ({
      %run_scoped3A_827 = tpu.sem_alloc : memref<!tpu.dma_semaphore, #tpu.memory_space<semaphore_mem>>
      %dma_start3A_828 = arith.constant 0 : i32
      %dma_start3A_829 = tpu.memref_slice %arg6[%arg0, %mul3A_824, %dma_start3A_828] : memref<2x384x256xf32, #tpu.memory_space<hbm>> -> memref<1x24x256xf32, #tpu.memory_space<hbm>>
      %dma_start3A_830 = tpu.memref_squeeze %dma_start3A_829 : memref<1x24x256xf32, #tpu.memory_space<hbm>> -> memref<24x256xf32, #tpu.memory_space<hbm>>
      %dma_start3A_831 = arith.constant 0 : i32
      %dma_start3A_832 = tpu.memref_slice %arg20[%mul3A_822, %dma_start3A_831] : memref<384x256xf32, #tpu.memory_space<vmem_shared>> -> memref<24x256xf32, #tpu.memory_space<vmem_shared>>
      tpu.enqueue_dma source(%dma_start3A_832 : memref<24x256xf32, #tpu.memory_space<vmem_shared>>) target(%dma_start3A_830 : memref<24x256xf32, #tpu.memory_space<hbm>>) target_semaphore(%run_scoped3A_827 : memref<!tpu.dma_semaphore, #tpu.memory_space<semaphore_mem>>)
      %dma_wait3A = arith.constant 0 : i32
      %dma_wait3A_833 = tpu.memref_slice %arg6[%arg0, %mul3A_824, %dma_wait3A] : memref<2x384x256xf32, #tpu.memory_space<hbm>> -> memref<1x24x256xf32, #tpu.memory_space<hbm>>
      %dma_wait3A_834 = tpu.memref_squeeze %dma_wait3A_833 : memref<1x24x256xf32, #tpu.memory_space<hbm>> -> memref<24x256xf32, #tpu.memory_space<hbm>>
      %dma_wait3A_835 = arith.constant 0 : i32
      %dma_wait3A_836 = tpu.memref_slice %arg20[%mul3A_822, %dma_wait3A_835] : memref<384x256xf32, #tpu.memory_space<vmem_shared>> -> memref<24x256xf32, #tpu.memory_space<vmem_shared>>
      tpu.wait_dma2 semaphore(%run_scoped3A_827 : memref<!tpu.dma_semaphore, #tpu.memory_space<semaphore_mem>>) src(%dma_wait3A_836 : memref<24x256xf32, #tpu.memory_space<vmem_shared>>) dst(%dma_wait3A_834 : memref<24x256xf32, #tpu.memory_space<hbm>>)
      tpu.yield
    }) : () -> ()
    %mul3A_825 = arith.constant 81920 : i32
    %mul3A_826 = arith.muli %add3A, %mul3A_825 : i32
    "tpu.region"() ({
      %run_scoped3A_827 = tpu.sem_alloc : memref<!tpu.dma_semaphore, #tpu.memory_space<semaphore_mem>>
      %dma_start3A_828 = tpu.memref_slice %arg7[%mul3A_826] : memref<2621440xf32, #tpu.memory_space<hbm>> -> memref<81920xf32, #tpu.memory_space<hbm>>
      %dma_start3A_829 = tpu.memref_slice %arg7[%mul3A_826] : memref<2621440xf32, #tpu.memory_space<hbm>> -> memref<81920xf32, #tpu.memory_space<hbm>>
      tpu.enqueue_dma source(%arg10 : memref<81920xf32, #tpu.memory_space<vmem>>) target(%dma_start3A_829 : memref<81920xf32, #tpu.memory_space<hbm>>) target_semaphore(%run_scoped3A_827 : memref<!tpu.dma_semaphore, #tpu.memory_space<semaphore_mem>>)
      %dma_wait3A = tpu.memref_slice %arg7[%mul3A_826] : memref<2621440xf32, #tpu.memory_space<hbm>> -> memref<81920xf32, #tpu.memory_space<hbm>>
      %dma_wait3A_830 = tpu.memref_slice %arg7[%mul3A_826] : memref<2621440xf32, #tpu.memory_space<hbm>> -> memref<81920xf32, #tpu.memory_space<hbm>>
      tpu.wait_dma2 semaphore(%run_scoped3A_827 : memref<!tpu.dma_semaphore, #tpu.memory_space<semaphore_mem>>) src(%arg10 : memref<81920xf32, #tpu.memory_space<vmem>>) dst(%dma_wait3A_830 : memref<81920xf32, #tpu.memory_space<hbm>>)
      tpu.yield
    }) : () -> ()
    return
  }
}

#map = affine_map<(d0, d1) -> (0, 0)>
module attributes {stable_mosaic.version = 14 : i64} {
  func.func @_sca_body(%arg0: i32, %arg1: i32, %arg2: memref<10240x256xf32, #tpu.memory_space<hbm>>, %arg3: memref<2560x64xi32, #tpu.memory_space<hbm>>, %arg4: memref<2560x64xi32, #tpu.memory_space<hbm>>, %arg5: memref<10240x256xf32, #tpu.memory_space<hbm>>, %arg6: memref<640x16xf32, #tpu.memory_space<hbm>>, %arg7: memref<10288xi32, #tpu.memory_space<vmem>>, %arg8: memref<2x48xi32, #tpu.memory_space<vmem>>, %arg9: memref<2x48xi32, #tpu.memory_space<vmem>>, %arg10: memref<2x16x64xi32, #tpu.memory_space<vmem>>, %arg11: memref<2x16x64xi32, #tpu.memory_space<vmem>>, %arg12: memref<2x48x256xf32, #tpu.memory_space<vmem>>, %arg13: memref<384x16xf32, #tpu.memory_space<vmem>>, %arg14: memref<3x128xi32, #tpu.memory_space<vmem>>, %arg15: memref<2x!tpu.dma_semaphore, #tpu.memory_space<semaphore_mem>>, %arg16: memref<2x!tpu.dma_semaphore, #tpu.memory_space<semaphore_mem>>, %arg17: memref<2x!tpu.dma_semaphore, #tpu.memory_space<semaphore_mem>>, %arg18: memref<2x!tpu.dma_semaphore, #tpu.memory_space<semaphore_mem>>, %arg19: memref<5136x256xf32, #tpu.memory_space<vmem_shared>>, %arg20: memref<328x16xf32, #tpu.memory_space<vmem_shared>>) attributes {dimension_semantics = [#tpu.dimension_semantics<core_parallel>, #tpu.dimension_semantics<subcore_parallel>], iteration_bounds = array<i64: 2, 16>, scalar_prefetch = 0 : i64, scratch_operands = 14 : i64, tpu.core_type = #tpu.core_type<sc_vector_subcore>, window_params = [{transform_indices = #map}, {transform_indices = #map}, {transform_indices = #map}, {transform_indices = #map}, {transform_indices = #map}]} {
    %mul3A = arith.constant 5120 : i32
    %mul3A_0 = arith.muli %arg0, %mul3A : i32
    %broadcast_in_dim3A = arith.constant 0.000000e+00 : f32
    %broadcast_in_dim3A_1 = vector.broadcast %broadcast_in_dim3A : f32 to vector<16xf32>
    %broadcast_in_dim3A_2 = arith.constant 1.000000e+00 : f32
    %broadcast_in_dim3A_3 = vector.broadcast %broadcast_in_dim3A_2 : f32 to vector<16xf32>
    %iota3A = tpu.iota {dimensions = array<i32: 0>} : vector<16xi32>
    %scan3A = arith.constant 0 : i32
    %scan3A_4 = arith.constant 0 : i32
    %scan3A_5 = arith.constant 48 : i32
    %scan3A_6 = arith.addi %scan3A_4, %scan3A_5 : i32
    %scan3A_7 = arith.constant 1 : i32
    %scan3A_8 = scf.for %scan3A_590 = %scan3A_4 to %scan3A_6 step %scan3A_7 iter_args(%scan3A_591 = %scan3A) -> (i32)  : i32 {
      %swap3A_592 = arith.constant 0 : i32
      %swap3A_593 = arith.index_cast %swap3A_592 : i32 to index
      %swap3A_594 = arith.index_cast %scan3A_590 : i32 to index
      %swap3A_595 = arith.constant 0 : index
      %swap3A_596 = tpu.vector_load %arg12[%swap3A_593, %swap3A_594, %swap3A_595] {strides = array<i32>} : memref<2x48x256xf32, #tpu.memory_space<vmem>>, vector<16xf32>,
      tpu.vector_store %arg12[%swap3A_593, %swap3A_594, %swap3A_595], %broadcast_in_dim3A_1 {strides = array<i32>} : memref<2x48x256xf32, #tpu.memory_space<vmem>>, vector<16xf32>,
      %swap3A_597 = arith.constant 0 : i32
      %swap3A_598 = arith.index_cast %swap3A_597 : i32 to index
      %swap3A_599 = arith.index_cast %scan3A_590 : i32 to index
      %swap3A_600 = arith.constant 16 : index
      %swap3A_601 = tpu.vector_load %arg12[%swap3A_598, %swap3A_599, %swap3A_600] {strides = array<i32>} : memref<2x48x256xf32, #tpu.memory_space<vmem>>, vector<16xf32>,
      tpu.vector_store %arg12[%swap3A_598, %swap3A_599, %swap3A_600], %broadcast_in_dim3A_1 {strides = array<i32>} : memref<2x48x256xf32, #tpu.memory_space<vmem>>, vector<16xf32>,
      %swap3A_602 = arith.constant 0 : i32
      %swap3A_603 = arith.index_cast %swap3A_602 : i32 to index
      %swap3A_604 = arith.index_cast %scan3A_590 : i32 to index
      %swap3A_605 = arith.constant 32 : index
      %swap3A_606 = tpu.vector_load %arg12[%swap3A_603, %swap3A_604, %swap3A_605] {strides = array<i32>} : memref<2x48x256xf32, #tpu.memory_space<vmem>>, vector<16xf32>,
      tpu.vector_store %arg12[%swap3A_603, %swap3A_604, %swap3A_605], %broadcast_in_dim3A_1 {strides = array<i32>} : memref<2x48x256xf32, #tpu.memory_space<vmem>>, vector<16xf32>,
      %swap3A_607 = arith.constant 0 : i32
      %swap3A_608 = arith.index_cast %swap3A_607 : i32 to index
      %swap3A_609 = arith.index_cast %scan3A_590 : i32 to index
      %swap3A_610 = arith.constant 48 : index
      %swap3A_611 = tpu.vector_load %arg12[%swap3A_608, %swap3A_609, %swap3A_610] {strides = array<i32>} : memref<2x48x256xf32, #tpu.memory_space<vmem>>, vector<16xf32>,
      tpu.vector_store %arg12[%swap3A_608, %swap3A_609, %swap3A_610], %broadcast_in_dim3A_1 {strides = array<i32>} : memref<2x48x256xf32, #tpu.memory_space<vmem>>, vector<16xf32>,
      %swap3A_612 = arith.constant 0 : i32
      %swap3A_613 = arith.index_cast %swap3A_612 : i32 to index
      %swap3A_614 = arith.index_cast %scan3A_590 : i32 to index
      %swap3A_615 = arith.constant 64 : index
      %swap3A_616 = tpu.vector_load %arg12[%swap3A_613, %swap3A_614, %swap3A_615] {strides = array<i32>} : memref<2x48x256xf32, #tpu.memory_space<vmem>>, vector<16xf32>,
      tpu.vector_store %arg12[%swap3A_613, %swap3A_614, %swap3A_615], %broadcast_in_dim3A_1 {strides = array<i32>} : memref<2x48x256xf32, #tpu.memory_space<vmem>>, vector<16xf32>,
      %swap3A_617 = arith.constant 0 : i32
      %swap3A_618 = arith.index_cast %swap3A_617 : i32 to index
      %swap3A_619 = arith.index_cast %scan3A_590 : i32 to index
      %swap3A_620 = arith.constant 80 : index
      %swap3A_621 = tpu.vector_load %arg12[%swap3A_618, %swap3A_619, %swap3A_620] {strides = array<i32>} : memref<2x48x256xf32, #tpu.memory_space<vmem>>, vector<16xf32>,
      tpu.vector_store %arg12[%swap3A_618, %swap3A_619, %swap3A_620], %broadcast_in_dim3A_1 {strides = array<i32>} : memref<2x48x256xf32, #tpu.memory_space<vmem>>, vector<16xf32>,
      %swap3A_622 = arith.constant 0 : i32
      %swap3A_623 = arith.index_cast %swap3A_622 : i32 to index
      %swap3A_624 = arith.index_cast %scan3A_590 : i32 to index
      %swap3A_625 = arith.constant 96 : index
      %swap3A_626 = tpu.vector_load %arg12[%swap3A_623, %swap3A_624, %swap3A_625] {strides = array<i32>} : memref<2x48x256xf32, #tpu.memory_space<vmem>>, vector<16xf32>,
      tpu.vector_store %arg12[%swap3A_623, %swap3A_624, %swap3A_625], %broadcast_in_dim3A_1 {strides = array<i32>} : memref<2x48x256xf32, #tpu.memory_space<vmem>>, vector<16xf32>,
      %swap3A_627 = arith.constant 0 : i32
      %swap3A_628 = arith.index_cast %swap3A_627 : i32 to index
      %swap3A_629 = arith.index_cast %scan3A_590 : i32 to index
      %swap3A_630 = arith.constant 112 : index
      %swap3A_631 = tpu.vector_load %arg12[%swap3A_628, %swap3A_629, %swap3A_630] {strides = array<i32>} : memref<2x48x256xf32, #tpu.memory_space<vmem>>, vector<16xf32>,
      tpu.vector_store %arg12[%swap3A_628, %swap3A_629, %swap3A_630], %broadcast_in_dim3A_1 {strides = array<i32>} : memref<2x48x256xf32, #tpu.memory_space<vmem>>, vector<16xf32>,
      %swap3A_632 = arith.constant 0 : i32
      %swap3A_633 = arith.index_cast %swap3A_632 : i32 to index
      %swap3A_634 = arith.index_cast %scan3A_590 : i32 to index
      %swap3A_635 = arith.constant 128 : index
      %swap3A_636 = tpu.vector_load %arg12[%swap3A_633, %swap3A_634, %swap3A_635] {strides = array<i32>} : memref<2x48x256xf32, #tpu.memory_space<vmem>>, vector<16xf32>,
      tpu.vector_store %arg12[%swap3A_633, %swap3A_634, %swap3A_635], %broadcast_in_dim3A_1 {strides = array<i32>} : memref<2x48x256xf32, #tpu.memory_space<vmem>>, vector<16xf32>,
      %swap3A_637 = arith.constant 0 : i32
      %swap3A_638 = arith.index_cast %swap3A_637 : i32 to index
      %swap3A_639 = arith.index_cast %scan3A_590 : i32 to index
      %swap3A_640 = arith.constant 144 : index
      %swap3A_641 = tpu.vector_load %arg12[%swap3A_638, %swap3A_639, %swap3A_640] {strides = array<i32>} : memref<2x48x256xf32, #tpu.memory_space<vmem>>, vector<16xf32>,
      tpu.vector_store %arg12[%swap3A_638, %swap3A_639, %swap3A_640], %broadcast_in_dim3A_1 {strides = array<i32>} : memref<2x48x256xf32, #tpu.memory_space<vmem>>, vector<16xf32>,
      %swap3A_642 = arith.constant 0 : i32
      %swap3A_643 = arith.index_cast %swap3A_642 : i32 to index
      %swap3A_644 = arith.index_cast %scan3A_590 : i32 to index
      %swap3A_645 = arith.constant 160 : index
      %swap3A_646 = tpu.vector_load %arg12[%swap3A_643, %swap3A_644, %swap3A_645] {strides = array<i32>} : memref<2x48x256xf32, #tpu.memory_space<vmem>>, vector<16xf32>,
      tpu.vector_store %arg12[%swap3A_643, %swap3A_644, %swap3A_645], %broadcast_in_dim3A_1 {strides = array<i32>} : memref<2x48x256xf32, #tpu.memory_space<vmem>>, vector<16xf32>,
      %swap3A_647 = arith.constant 0 : i32
      %swap3A_648 = arith.index_cast %swap3A_647 : i32 to index
      %swap3A_649 = arith.index_cast %scan3A_590 : i32 to index
      %swap3A_650 = arith.constant 176 : index
      %swap3A_651 = tpu.vector_load %arg12[%swap3A_648, %swap3A_649, %swap3A_650] {strides = array<i32>} : memref<2x48x256xf32, #tpu.memory_space<vmem>>, vector<16xf32>,
      tpu.vector_store %arg12[%swap3A_648, %swap3A_649, %swap3A_650], %broadcast_in_dim3A_1 {strides = array<i32>} : memref<2x48x256xf32, #tpu.memory_space<vmem>>, vector<16xf32>,
      %swap3A_652 = arith.constant 0 : i32
      %swap3A_653 = arith.index_cast %swap3A_652 : i32 to index
      %swap3A_654 = arith.index_cast %scan3A_590 : i32 to index
      %swap3A_655 = arith.constant 192 : index
      %swap3A_656 = tpu.vector_load %arg12[%swap3A_653, %swap3A_654, %swap3A_655] {strides = array<i32>} : memref<2x48x256xf32, #tpu.memory_space<vmem>>, vector<16xf32>,
      tpu.vector_store %arg12[%swap3A_653, %swap3A_654, %swap3A_655], %broadcast_in_dim3A_1 {strides = array<i32>} : memref<2x48x256xf32, #tpu.memory_space<vmem>>, vector<16xf32>,
      %swap3A_657 = arith.constant 0 : i32
      %swap3A_658 = arith.index_cast %swap3A_657 : i32 to index
      %swap3A_659 = arith.index_cast %scan3A_590 : i32 to index
      %swap3A_660 = arith.constant 208 : index
      %swap3A_661 = tpu.vector_load %arg12[%swap3A_658, %swap3A_659, %swap3A_660] {strides = array<i32>} : memref<2x48x256xf32, #tpu.memory_space<vmem>>, vector<16xf32>,
      tpu.vector_store %arg12[%swap3A_658, %swap3A_659, %swap3A_660], %broadcast_in_dim3A_1 {strides = array<i32>} : memref<2x48x256xf32, #tpu.memory_space<vmem>>, vector<16xf32>,
      %swap3A_662 = arith.constant 0 : i32
      %swap3A_663 = arith.index_cast %swap3A_662 : i32 to index
      %swap3A_664 = arith.index_cast %scan3A_590 : i32 to index
      %swap3A_665 = arith.constant 224 : index
      %swap3A_666 = tpu.vector_load %arg12[%swap3A_663, %swap3A_664, %swap3A_665] {strides = array<i32>} : memref<2x48x256xf32, #tpu.memory_space<vmem>>, vector<16xf32>,
      tpu.vector_store %arg12[%swap3A_663, %swap3A_664, %swap3A_665], %broadcast_in_dim3A_1 {strides = array<i32>} : memref<2x48x256xf32, #tpu.memory_space<vmem>>, vector<16xf32>,
      %swap3A_667 = arith.constant 0 : i32
      %swap3A_668 = arith.index_cast %swap3A_667 : i32 to index
      %swap3A_669 = arith.index_cast %scan3A_590 : i32 to index
      %swap3A_670 = arith.constant 240 : index
      %swap3A_671 = tpu.vector_load %arg12[%swap3A_668, %swap3A_669, %swap3A_670] {strides = array<i32>} : memref<2x48x256xf32, #tpu.memory_space<vmem>>, vector<16xf32>,
      tpu.vector_store %arg12[%swap3A_668, %swap3A_669, %swap3A_670], %broadcast_in_dim3A_1 {strides = array<i32>} : memref<2x48x256xf32, #tpu.memory_space<vmem>>, vector<16xf32>,
      %swap3A_672 = arith.constant 1 : i32
      %swap3A_673 = arith.index_cast %swap3A_672 : i32 to index
      %swap3A_674 = arith.index_cast %scan3A_590 : i32 to index
      %swap3A_675 = arith.constant 0 : index
      %swap3A_676 = tpu.vector_load %arg12[%swap3A_673, %swap3A_674, %swap3A_675] {strides = array<i32>} : memref<2x48x256xf32, #tpu.memory_space<vmem>>, vector<16xf32>,
      tpu.vector_store %arg12[%swap3A_673, %swap3A_674, %swap3A_675], %broadcast_in_dim3A_1 {strides = array<i32>} : memref<2x48x256xf32, #tpu.memory_space<vmem>>, vector<16xf32>,
      %swap3A_677 = arith.constant 1 : i32
      %swap3A_678 = arith.index_cast %swap3A_677 : i32 to index
      %swap3A_679 = arith.index_cast %scan3A_590 : i32 to index
      %swap3A_680 = arith.constant 16 : index
      %swap3A_681 = tpu.vector_load %arg12[%swap3A_678, %swap3A_679, %swap3A_680] {strides = array<i32>} : memref<2x48x256xf32, #tpu.memory_space<vmem>>, vector<16xf32>,
      tpu.vector_store %arg12[%swap3A_678, %swap3A_679, %swap3A_680], %broadcast_in_dim3A_1 {strides = array<i32>} : memref<2x48x256xf32, #tpu.memory_space<vmem>>, vector<16xf32>,
      %swap3A_682 = arith.constant 1 : i32
      %swap3A_683 = arith.index_cast %swap3A_682 : i32 to index
      %swap3A_684 = arith.index_cast %scan3A_590 : i32 to index
      %swap3A_685 = arith.constant 32 : index
      %swap3A_686 = tpu.vector_load %arg12[%swap3A_683, %swap3A_684, %swap3A_685] {strides = array<i32>} : memref<2x48x256xf32, #tpu.memory_space<vmem>>, vector<16xf32>,
      tpu.vector_store %arg12[%swap3A_683, %swap3A_684, %swap3A_685], %broadcast_in_dim3A_1 {strides = array<i32>} : memref<2x48x256xf32, #tpu.memory_space<vmem>>, vector<16xf32>,
      %swap3A_687 = arith.constant 1 : i32
      %swap3A_688 = arith.index_cast %swap3A_687 : i32 to index
      %swap3A_689 = arith.index_cast %scan3A_590 : i32 to index
      %swap3A_690 = arith.constant 48 : index
      %swap3A_691 = tpu.vector_load %arg12[%swap3A_688, %swap3A_689, %swap3A_690] {strides = array<i32>} : memref<2x48x256xf32, #tpu.memory_space<vmem>>, vector<16xf32>,
      tpu.vector_store %arg12[%swap3A_688, %swap3A_689, %swap3A_690], %broadcast_in_dim3A_1 {strides = array<i32>} : memref<2x48x256xf32, #tpu.memory_space<vmem>>, vector<16xf32>,
      %swap3A_692 = arith.constant 1 : i32
      %swap3A_693 = arith.index_cast %swap3A_692 : i32 to index
      %swap3A_694 = arith.index_cast %scan3A_590 : i32 to index
      %swap3A_695 = arith.constant 64 : index
      %swap3A_696 = tpu.vector_load %arg12[%swap3A_693, %swap3A_694, %swap3A_695] {strides = array<i32>} : memref<2x48x256xf32, #tpu.memory_space<vmem>>, vector<16xf32>,
      tpu.vector_store %arg12[%swap3A_693, %swap3A_694, %swap3A_695], %broadcast_in_dim3A_1 {strides = array<i32>} : memref<2x48x256xf32, #tpu.memory_space<vmem>>, vector<16xf32>,
      %swap3A_697 = arith.constant 1 : i32
      %swap3A_698 = arith.index_cast %swap3A_697 : i32 to index
      %swap3A_699 = arith.index_cast %scan3A_590 : i32 to index
      %swap3A_700 = arith.constant 80 : index
      %swap3A_701 = tpu.vector_load %arg12[%swap3A_698, %swap3A_699, %swap3A_700] {strides = array<i32>} : memref<2x48x256xf32, #tpu.memory_space<vmem>>, vector<16xf32>,
      tpu.vector_store %arg12[%swap3A_698, %swap3A_699, %swap3A_700], %broadcast_in_dim3A_1 {strides = array<i32>} : memref<2x48x256xf32, #tpu.memory_space<vmem>>, vector<16xf32>,
      %swap3A_702 = arith.constant 1 : i32
      %swap3A_703 = arith.index_cast %swap3A_702 : i32 to index
      %swap3A_704 = arith.index_cast %scan3A_590 : i32 to index
      %swap3A_705 = arith.constant 96 : index
      %swap3A_706 = tpu.vector_load %arg12[%swap3A_703, %swap3A_704, %swap3A_705] {strides = array<i32>} : memref<2x48x256xf32, #tpu.memory_space<vmem>>, vector<16xf32>,
      tpu.vector_store %arg12[%swap3A_703, %swap3A_704, %swap3A_705], %broadcast_in_dim3A_1 {strides = array<i32>} : memref<2x48x256xf32, #tpu.memory_space<vmem>>, vector<16xf32>,
      %swap3A_707 = arith.constant 1 : i32
      %swap3A_708 = arith.index_cast %swap3A_707 : i32 to index
      %swap3A_709 = arith.index_cast %scan3A_590 : i32 to index
      %swap3A_710 = arith.constant 112 : index
      %swap3A_711 = tpu.vector_load %arg12[%swap3A_708, %swap3A_709, %swap3A_710] {strides = array<i32>} : memref<2x48x256xf32, #tpu.memory_space<vmem>>, vector<16xf32>,
      tpu.vector_store %arg12[%swap3A_708, %swap3A_709, %swap3A_710], %broadcast_in_dim3A_1 {strides = array<i32>} : memref<2x48x256xf32, #tpu.memory_space<vmem>>, vector<16xf32>,
      %swap3A_712 = arith.constant 1 : i32
      %swap3A_713 = arith.index_cast %swap3A_712 : i32 to index
      %swap3A_714 = arith.index_cast %scan3A_590 : i32 to index
      %swap3A_715 = arith.constant 128 : index
      %swap3A_716 = tpu.vector_load %arg12[%swap3A_713, %swap3A_714, %swap3A_715] {strides = array<i32>} : memref<2x48x256xf32, #tpu.memory_space<vmem>>, vector<16xf32>,
      tpu.vector_store %arg12[%swap3A_713, %swap3A_714, %swap3A_715], %broadcast_in_dim3A_1 {strides = array<i32>} : memref<2x48x256xf32, #tpu.memory_space<vmem>>, vector<16xf32>,
      %swap3A_717 = arith.constant 1 : i32
      %swap3A_718 = arith.index_cast %swap3A_717 : i32 to index
      %swap3A_719 = arith.index_cast %scan3A_590 : i32 to index
      %swap3A_720 = arith.constant 144 : index
      %swap3A_721 = tpu.vector_load %arg12[%swap3A_718, %swap3A_719, %swap3A_720] {strides = array<i32>} : memref<2x48x256xf32, #tpu.memory_space<vmem>>, vector<16xf32>,
      tpu.vector_store %arg12[%swap3A_718, %swap3A_719, %swap3A_720], %broadcast_in_dim3A_1 {strides = array<i32>} : memref<2x48x256xf32, #tpu.memory_space<vmem>>, vector<16xf32>,
      %swap3A_722 = arith.constant 1 : i32
      %swap3A_723 = arith.index_cast %swap3A_722 : i32 to index
      %swap3A_724 = arith.index_cast %scan3A_590 : i32 to index
      %swap3A_725 = arith.constant 160 : index
      %swap3A_726 = tpu.vector_load %arg12[%swap3A_723, %swap3A_724, %swap3A_725] {strides = array<i32>} : memref<2x48x256xf32, #tpu.memory_space<vmem>>, vector<16xf32>,
      tpu.vector_store %arg12[%swap3A_723, %swap3A_724, %swap3A_725], %broadcast_in_dim3A_1 {strides = array<i32>} : memref<2x48x256xf32, #tpu.memory_space<vmem>>, vector<16xf32>,
      %swap3A_727 = arith.constant 1 : i32
      %swap3A_728 = arith.index_cast %swap3A_727 : i32 to index
      %swap3A_729 = arith.index_cast %scan3A_590 : i32 to index
      %swap3A_730 = arith.constant 176 : index
      %swap3A_731 = tpu.vector_load %arg12[%swap3A_728, %swap3A_729, %swap3A_730] {strides = array<i32>} : memref<2x48x256xf32, #tpu.memory_space<vmem>>, vector<16xf32>,
      tpu.vector_store %arg12[%swap3A_728, %swap3A_729, %swap3A_730], %broadcast_in_dim3A_1 {strides = array<i32>} : memref<2x48x256xf32, #tpu.memory_space<vmem>>, vector<16xf32>,
      %swap3A_732 = arith.constant 1 : i32
      %swap3A_733 = arith.index_cast %swap3A_732 : i32 to index
      %swap3A_734 = arith.index_cast %scan3A_590 : i32 to index
      %swap3A_735 = arith.constant 192 : index
      %swap3A_736 = tpu.vector_load %arg12[%swap3A_733, %swap3A_734, %swap3A_735] {strides = array<i32>} : memref<2x48x256xf32, #tpu.memory_space<vmem>>, vector<16xf32>,
      tpu.vector_store %arg12[%swap3A_733, %swap3A_734, %swap3A_735], %broadcast_in_dim3A_1 {strides = array<i32>} : memref<2x48x256xf32, #tpu.memory_space<vmem>>, vector<16xf32>,
      %swap3A_737 = arith.constant 1 : i32
      %swap3A_738 = arith.index_cast %swap3A_737 : i32 to index
      %swap3A_739 = arith.index_cast %scan3A_590 : i32 to index
      %swap3A_740 = arith.constant 208 : index
      %swap3A_741 = tpu.vector_load %arg12[%swap3A_738, %swap3A_739, %swap3A_740] {strides = array<i32>} : memref<2x48x256xf32, #tpu.memory_space<vmem>>, vector<16xf32>,
      tpu.vector_store %arg12[%swap3A_738, %swap3A_739, %swap3A_740], %broadcast_in_dim3A_1 {strides = array<i32>} : memref<2x48x256xf32, #tpu.memory_space<vmem>>, vector<16xf32>,
      %swap3A_742 = arith.constant 1 : i32
      %swap3A_743 = arith.index_cast %swap3A_742 : i32 to index
      %swap3A_744 = arith.index_cast %scan3A_590 : i32 to index
      %swap3A_745 = arith.constant 224 : index
      %swap3A_746 = tpu.vector_load %arg12[%swap3A_743, %swap3A_744, %swap3A_745] {strides = array<i32>} : memref<2x48x256xf32, #tpu.memory_space<vmem>>, vector<16xf32>,
      tpu.vector_store %arg12[%swap3A_743, %swap3A_744, %swap3A_745], %broadcast_in_dim3A_1 {strides = array<i32>} : memref<2x48x256xf32, #tpu.memory_space<vmem>>, vector<16xf32>,
      %swap3A_747 = arith.constant 1 : i32
      %swap3A_748 = arith.index_cast %swap3A_747 : i32 to index
      %swap3A_749 = arith.index_cast %scan3A_590 : i32 to index
      %swap3A_750 = arith.constant 240 : index
      %swap3A_751 = tpu.vector_load %arg12[%swap3A_748, %swap3A_749, %swap3A_750] {strides = array<i32>} : memref<2x48x256xf32, #tpu.memory_space<vmem>>, vector<16xf32>,
      tpu.vector_store %arg12[%swap3A_748, %swap3A_749, %swap3A_750], %broadcast_in_dim3A_1 {strides = array<i32>} : memref<2x48x256xf32, #tpu.memory_space<vmem>>, vector<16xf32>,
      %scan3A_752 = arith.constant 0 : i32
      scf.yield %scan3A_752 : i32
    }
    %scan3A_9 = arith.constant 48 : i32
    %mul3A_10 = arith.constant 320 : i32
    %mul3A_11 = arith.muli %arg1, %mul3A_10 : i32
    %add3A = arith.constant 0 : i32
    %add3A_12 = arith.addi %mul3A_11, %add3A : i32
    %run_scoped3A = arith.constant 0 : i32
    "tpu.region"() ({
      %run_scoped3A_590 = tpu.sem_alloc : memref<!tpu.dma_semaphore, #tpu.memory_space<semaphore_mem>>
      %dma_start3A_591 = arith.constant 0 : i32
      %dma_start3A_592 = arith.constant 0 : i32
      %dma_start3A_593 = tpu.memref_slice %arg12[%run_scoped3A, %dma_start3A_591, %dma_start3A_592] : memref<2x48x256xf32, #tpu.memory_space<vmem>> -> memref<1x48x256xf32, #tpu.memory_space<vmem>>
      %dma_start3A_594 = tpu.memref_squeeze %dma_start3A_593 : memref<1x48x256xf32, #tpu.memory_space<vmem>> -> memref<48x256xf32, #tpu.memory_space<vmem>>
      %dma_start3A_595 = arith.constant 0 : i32
      %dma_start3A_596 = tpu.memref_slice %arg19[%add3A_12, %dma_start3A_595] : memref<5136x256xf32, #tpu.memory_space<vmem_shared>> -> memref<48x256xf32, #tpu.memory_space<vmem_shared>>
      %dma_start3A_597 = arith.constant 0 : i32
      %dma_start3A_598 = tpu.memref_slice %arg19[%add3A_12, %dma_start3A_597] : memref<5136x256xf32, #tpu.memory_space<vmem_shared>> -> memref<48x256xf32, #tpu.memory_space<vmem_shared>>
      %dma_start3A_599 = arith.constant 0 : i32
      %dma_start3A_600 = arith.constant 0 : i32
      %dma_start3A_601 = tpu.memref_slice %arg12[%run_scoped3A, %dma_start3A_599, %dma_start3A_600] : memref<2x48x256xf32, #tpu.memory_space<vmem>> -> memref<1x48x256xf32, #tpu.memory_space<vmem>>
      %dma_start3A_602 = tpu.memref_squeeze %dma_start3A_601 : memref<1x48x256xf32, #tpu.memory_space<vmem>> -> memref<48x256xf32, #tpu.memory_space<vmem>>
      tpu.enqueue_dma source(%dma_start3A_602 : memref<48x256xf32, #tpu.memory_space<vmem>>) target(%dma_start3A_598 : memref<48x256xf32, #tpu.memory_space<vmem_shared>>) target_semaphore(%run_scoped3A_590 : memref<!tpu.dma_semaphore, #tpu.memory_space<semaphore_mem>>)
      %dma_wait3A = arith.constant 0 : i32
      %dma_wait3A_603 = arith.constant 0 : i32
      %dma_wait3A_604 = tpu.memref_slice %arg12[%run_scoped3A, %dma_wait3A, %dma_wait3A_603] : memref<2x48x256xf32, #tpu.memory_space<vmem>> -> memref<1x48x256xf32, #tpu.memory_space<vmem>>
      %dma_wait3A_605 = tpu.memref_squeeze %dma_wait3A_604 : memref<1x48x256xf32, #tpu.memory_space<vmem>> -> memref<48x256xf32, #tpu.memory_space<vmem>>
      %dma_wait3A_606 = arith.constant 0 : i32
      %dma_wait3A_607 = tpu.memref_slice %arg19[%add3A_12, %dma_wait3A_606] : memref<5136x256xf32, #tpu.memory_space<vmem_shared>> -> memref<48x256xf32, #tpu.memory_space<vmem_shared>>
      %dma_wait3A_608 = arith.constant 0 : i32
      %dma_wait3A_609 = tpu.memref_slice %arg19[%add3A_12, %dma_wait3A_608] : memref<5136x256xf32, #tpu.memory_space<vmem_shared>> -> memref<48x256xf32, #tpu.memory_space<vmem_shared>>
      %dma_wait3A_610 = arith.constant 0 : i32
      %dma_wait3A_611 = arith.constant 0 : i32
      %dma_wait3A_612 = tpu.memref_slice %arg12[%run_scoped3A, %dma_wait3A_610, %dma_wait3A_611] : memref<2x48x256xf32, #tpu.memory_space<vmem>> -> memref<1x48x256xf32, #tpu.memory_space<vmem>>
      %dma_wait3A_613 = tpu.memref_squeeze %dma_wait3A_612 : memref<1x48x256xf32, #tpu.memory_space<vmem>> -> memref<48x256xf32, #tpu.memory_space<vmem>>
      tpu.wait_dma2 semaphore(%run_scoped3A_590 : memref<!tpu.dma_semaphore, #tpu.memory_space<semaphore_mem>>) src(%dma_wait3A_613 : memref<48x256xf32, #tpu.memory_space<vmem>>) dst(%dma_wait3A_609 : memref<48x256xf32, #tpu.memory_space<vmem_shared>>)
      tpu.yield
    }) : () -> ()
    %mul3A_13 = arith.constant 320 : i32
    %mul3A_14 = arith.muli %arg1, %mul3A_13 : i32
    %add3A_15 = arith.constant 0 : i32
    %add3A_16 = arith.addi %mul3A_14, %add3A_15 : i32
    %add3A_17 = arith.constant 48 : i32
    %add3A_18 = arith.addi %add3A_16, %add3A_17 : i32
    %run_scoped3A_19 = arith.constant 1 : i32
    "tpu.region"() ({
      %run_scoped3A_590 = tpu.sem_alloc : memref<!tpu.dma_semaphore, #tpu.memory_space<semaphore_mem>>
      %dma_start3A_591 = arith.constant 0 : i32
      %dma_start3A_592 = arith.constant 0 : i32
      %dma_start3A_593 = tpu.memref_slice %arg12[%run_scoped3A_19, %dma_start3A_591, %dma_start3A_592] : memref<2x48x256xf32, #tpu.memory_space<vmem>> -> memref<1x16x256xf32, #tpu.memory_space<vmem>>
      %dma_start3A_594 = tpu.memref_squeeze %dma_start3A_593 : memref<1x16x256xf32, #tpu.memory_space<vmem>> -> memref<16x256xf32, #tpu.memory_space<vmem>>
      %dma_start3A_595 = arith.constant 0 : i32
      %dma_start3A_596 = tpu.memref_slice %arg19[%add3A_18, %dma_start3A_595] : memref<5136x256xf32, #tpu.memory_space<vmem_shared>> -> memref<16x256xf32, #tpu.memory_space<vmem_shared>>
      %dma_start3A_597 = arith.constant 0 : i32
      %dma_start3A_598 = tpu.memref_slice %arg19[%add3A_18, %dma_start3A_597] : memref<5136x256xf32, #tpu.memory_space<vmem_shared>> -> memref<16x256xf32, #tpu.memory_space<vmem_shared>>
      %dma_start3A_599 = arith.constant 0 : i32
      %dma_start3A_600 = arith.constant 0 : i32
      %dma_start3A_601 = tpu.memref_slice %arg12[%run_scoped3A_19, %dma_start3A_599, %dma_start3A_600] : memref<2x48x256xf32, #tpu.memory_space<vmem>> -> memref<1x16x256xf32, #tpu.memory_space<vmem>>
      %dma_start3A_602 = tpu.memref_squeeze %dma_start3A_601 : memref<1x16x256xf32, #tpu.memory_space<vmem>> -> memref<16x256xf32, #tpu.memory_space<vmem>>
      tpu.enqueue_dma source(%dma_start3A_602 : memref<16x256xf32, #tpu.memory_space<vmem>>) target(%dma_start3A_598 : memref<16x256xf32, #tpu.memory_space<vmem_shared>>) target_semaphore(%run_scoped3A_590 : memref<!tpu.dma_semaphore, #tpu.memory_space<semaphore_mem>>)
      %dma_wait3A = arith.constant 0 : i32
      %dma_wait3A_603 = arith.constant 0 : i32
      %dma_wait3A_604 = tpu.memref_slice %arg12[%run_scoped3A_19, %dma_wait3A, %dma_wait3A_603] : memref<2x48x256xf32, #tpu.memory_space<vmem>> -> memref<1x16x256xf32, #tpu.memory_space<vmem>>
      %dma_wait3A_605 = tpu.memref_squeeze %dma_wait3A_604 : memref<1x16x256xf32, #tpu.memory_space<vmem>> -> memref<16x256xf32, #tpu.memory_space<vmem>>
      %dma_wait3A_606 = arith.constant 0 : i32
      %dma_wait3A_607 = tpu.memref_slice %arg19[%add3A_18, %dma_wait3A_606] : memref<5136x256xf32, #tpu.memory_space<vmem_shared>> -> memref<16x256xf32, #tpu.memory_space<vmem_shared>>
      %dma_wait3A_608 = arith.constant 0 : i32
      %dma_wait3A_609 = tpu.memref_slice %arg19[%add3A_18, %dma_wait3A_608] : memref<5136x256xf32, #tpu.memory_space<vmem_shared>> -> memref<16x256xf32, #tpu.memory_space<vmem_shared>>
      %dma_wait3A_610 = arith.constant 0 : i32
      %dma_wait3A_611 = arith.constant 0 : i32
      %dma_wait3A_612 = tpu.memref_slice %arg12[%run_scoped3A_19, %dma_wait3A_610, %dma_wait3A_611] : memref<2x48x256xf32, #tpu.memory_space<vmem>> -> memref<1x16x256xf32, #tpu.memory_space<vmem>>
      %dma_wait3A_613 = tpu.memref_squeeze %dma_wait3A_612 : memref<1x16x256xf32, #tpu.memory_space<vmem>> -> memref<16x256xf32, #tpu.memory_space<vmem>>
      tpu.wait_dma2 semaphore(%run_scoped3A_590 : memref<!tpu.dma_semaphore, #tpu.memory_space<semaphore_mem>>) src(%dma_wait3A_613 : memref<16x256xf32, #tpu.memory_space<vmem>>) dst(%dma_wait3A_609 : memref<16x256xf32, #tpu.memory_space<vmem_shared>>)
      tpu.yield
    }) : () -> ()
    %mul3A_20 = arith.constant 320 : i32
    %mul3A_21 = arith.muli %arg1, %mul3A_20 : i32
    %add3A_22 = arith.constant 64 : i32
    %add3A_23 = arith.addi %mul3A_21, %add3A_22 : i32
    %run_scoped3A_24 = arith.constant 0 : i32
    "tpu.region"() ({
      %run_scoped3A_590 = tpu.sem_alloc : memref<!tpu.dma_semaphore, #tpu.memory_space<semaphore_mem>>
      %dma_start3A_591 = arith.constant 0 : i32
      %dma_start3A_592 = arith.constant 0 : i32
      %dma_start3A_593 = tpu.memref_slice %arg12[%run_scoped3A_24, %dma_start3A_591, %dma_start3A_592] : memref<2x48x256xf32, #tpu.memory_space<vmem>> -> memref<1x48x256xf32, #tpu.memory_space<vmem>>
      %dma_start3A_594 = tpu.memref_squeeze %dma_start3A_593 : memref<1x48x256xf32, #tpu.memory_space<vmem>> -> memref<48x256xf32, #tpu.memory_space<vmem>>
      %dma_start3A_595 = arith.constant 0 : i32
      %dma_start3A_596 = tpu.memref_slice %arg19[%add3A_23, %dma_start3A_595] : memref<5136x256xf32, #tpu.memory_space<vmem_shared>> -> memref<48x256xf32, #tpu.memory_space<vmem_shared>>
      %dma_start3A_597 = arith.constant 0 : i32
      %dma_start3A_598 = tpu.memref_slice %arg19[%add3A_23, %dma_start3A_597] : memref<5136x256xf32, #tpu.memory_space<vmem_shared>> -> memref<48x256xf32, #tpu.memory_space<vmem_shared>>
      %dma_start3A_599 = arith.constant 0 : i32
      %dma_start3A_600 = arith.constant 0 : i32
      %dma_start3A_601 = tpu.memref_slice %arg12[%run_scoped3A_24, %dma_start3A_599, %dma_start3A_600] : memref<2x48x256xf32, #tpu.memory_space<vmem>> -> memref<1x48x256xf32, #tpu.memory_space<vmem>>
      %dma_start3A_602 = tpu.memref_squeeze %dma_start3A_601 : memref<1x48x256xf32, #tpu.memory_space<vmem>> -> memref<48x256xf32, #tpu.memory_space<vmem>>
      tpu.enqueue_dma source(%dma_start3A_602 : memref<48x256xf32, #tpu.memory_space<vmem>>) target(%dma_start3A_598 : memref<48x256xf32, #tpu.memory_space<vmem_shared>>) target_semaphore(%run_scoped3A_590 : memref<!tpu.dma_semaphore, #tpu.memory_space<semaphore_mem>>)
      %dma_wait3A = arith.constant 0 : i32
      %dma_wait3A_603 = arith.constant 0 : i32
      %dma_wait3A_604 = tpu.memref_slice %arg12[%run_scoped3A_24, %dma_wait3A, %dma_wait3A_603] : memref<2x48x256xf32, #tpu.memory_space<vmem>> -> memref<1x48x256xf32, #tpu.memory_space<vmem>>
      %dma_wait3A_605 = tpu.memref_squeeze %dma_wait3A_604 : memref<1x48x256xf32, #tpu.memory_space<vmem>> -> memref<48x256xf32, #tpu.memory_space<vmem>>
      %dma_wait3A_606 = arith.constant 0 : i32
      %dma_wait3A_607 = tpu.memref_slice %arg19[%add3A_23, %dma_wait3A_606] : memref<5136x256xf32, #tpu.memory_space<vmem_shared>> -> memref<48x256xf32, #tpu.memory_space<vmem_shared>>
      %dma_wait3A_608 = arith.constant 0 : i32
      %dma_wait3A_609 = tpu.memref_slice %arg19[%add3A_23, %dma_wait3A_608] : memref<5136x256xf32, #tpu.memory_space<vmem_shared>> -> memref<48x256xf32, #tpu.memory_space<vmem_shared>>
      %dma_wait3A_610 = arith.constant 0 : i32
      %dma_wait3A_611 = arith.constant 0 : i32
      %dma_wait3A_612 = tpu.memref_slice %arg12[%run_scoped3A_24, %dma_wait3A_610, %dma_wait3A_611] : memref<2x48x256xf32, #tpu.memory_space<vmem>> -> memref<1x48x256xf32, #tpu.memory_space<vmem>>
      %dma_wait3A_613 = tpu.memref_squeeze %dma_wait3A_612 : memref<1x48x256xf32, #tpu.memory_space<vmem>> -> memref<48x256xf32, #tpu.memory_space<vmem>>
      tpu.wait_dma2 semaphore(%run_scoped3A_590 : memref<!tpu.dma_semaphore, #tpu.memory_space<semaphore_mem>>) src(%dma_wait3A_613 : memref<48x256xf32, #tpu.memory_space<vmem>>) dst(%dma_wait3A_609 : memref<48x256xf32, #tpu.memory_space<vmem_shared>>)
      tpu.yield
    }) : () -> ()
    %mul3A_25 = arith.constant 320 : i32
    %mul3A_26 = arith.muli %arg1, %mul3A_25 : i32
    %add3A_27 = arith.constant 64 : i32
    %add3A_28 = arith.addi %mul3A_26, %add3A_27 : i32
    %add3A_29 = arith.constant 48 : i32
    %add3A_30 = arith.addi %add3A_28, %add3A_29 : i32
    %run_scoped3A_31 = arith.constant 1 : i32
    "tpu.region"() ({
      %run_scoped3A_590 = tpu.sem_alloc : memref<!tpu.dma_semaphore, #tpu.memory_space<semaphore_mem>>
      %dma_start3A_591 = arith.constant 0 : i32
      %dma_start3A_592 = arith.constant 0 : i32
      %dma_start3A_593 = tpu.memref_slice %arg12[%run_scoped3A_31, %dma_start3A_591, %dma_start3A_592] : memref<2x48x256xf32, #tpu.memory_space<vmem>> -> memref<1x16x256xf32, #tpu.memory_space<vmem>>
      %dma_start3A_594 = tpu.memref_squeeze %dma_start3A_593 : memref<1x16x256xf32, #tpu.memory_space<vmem>> -> memref<16x256xf32, #tpu.memory_space<vmem>>
      %dma_start3A_595 = arith.constant 0 : i32
      %dma_start3A_596 = tpu.memref_slice %arg19[%add3A_30, %dma_start3A_595] : memref<5136x256xf32, #tpu.memory_space<vmem_shared>> -> memref<16x256xf32, #tpu.memory_space<vmem_shared>>
      %dma_start3A_597 = arith.constant 0 : i32
      %dma_start3A_598 = tpu.memref_slice %arg19[%add3A_30, %dma_start3A_597] : memref<5136x256xf32, #tpu.memory_space<vmem_shared>> -> memref<16x256xf32, #tpu.memory_space<vmem_shared>>
      %dma_start3A_599 = arith.constant 0 : i32
      %dma_start3A_600 = arith.constant 0 : i32
      %dma_start3A_601 = tpu.memref_slice %arg12[%run_scoped3A_31, %dma_start3A_599, %dma_start3A_600] : memref<2x48x256xf32, #tpu.memory_space<vmem>> -> memref<1x16x256xf32, #tpu.memory_space<vmem>>
      %dma_start3A_602 = tpu.memref_squeeze %dma_start3A_601 : memref<1x16x256xf32, #tpu.memory_space<vmem>> -> memref<16x256xf32, #tpu.memory_space<vmem>>
      tpu.enqueue_dma source(%dma_start3A_602 : memref<16x256xf32, #tpu.memory_space<vmem>>) target(%dma_start3A_598 : memref<16x256xf32, #tpu.memory_space<vmem_shared>>) target_semaphore(%run_scoped3A_590 : memref<!tpu.dma_semaphore, #tpu.memory_space<semaphore_mem>>)
      %dma_wait3A = arith.constant 0 : i32
      %dma_wait3A_603 = arith.constant 0 : i32
      %dma_wait3A_604 = tpu.memref_slice %arg12[%run_scoped3A_31, %dma_wait3A, %dma_wait3A_603] : memref<2x48x256xf32, #tpu.memory_space<vmem>> -> memref<1x16x256xf32, #tpu.memory_space<vmem>>
      %dma_wait3A_605 = tpu.memref_squeeze %dma_wait3A_604 : memref<1x16x256xf32, #tpu.memory_space<vmem>> -> memref<16x256xf32, #tpu.memory_space<vmem>>
      %dma_wait3A_606 = arith.constant 0 : i32
      %dma_wait3A_607 = tpu.memref_slice %arg19[%add3A_30, %dma_wait3A_606] : memref<5136x256xf32, #tpu.memory_space<vmem_shared>> -> memref<16x256xf32, #tpu.memory_space<vmem_shared>>
      %dma_wait3A_608 = arith.constant 0 : i32
      %dma_wait3A_609 = tpu.memref_slice %arg19[%add3A_30, %dma_wait3A_608] : memref<5136x256xf32, #tpu.memory_space<vmem_shared>> -> memref<16x256xf32, #tpu.memory_space<vmem_shared>>
      %dma_wait3A_610 = arith.constant 0 : i32
      %dma_wait3A_611 = arith.constant 0 : i32
      %dma_wait3A_612 = tpu.memref_slice %arg12[%run_scoped3A_31, %dma_wait3A_610, %dma_wait3A_611] : memref<2x48x256xf32, #tpu.memory_space<vmem>> -> memref<1x16x256xf32, #tpu.memory_space<vmem>>
      %dma_wait3A_613 = tpu.memref_squeeze %dma_wait3A_612 : memref<1x16x256xf32, #tpu.memory_space<vmem>> -> memref<16x256xf32, #tpu.memory_space<vmem>>
      tpu.wait_dma2 semaphore(%run_scoped3A_590 : memref<!tpu.dma_semaphore, #tpu.memory_space<semaphore_mem>>) src(%dma_wait3A_613 : memref<16x256xf32, #tpu.memory_space<vmem>>) dst(%dma_wait3A_609 : memref<16x256xf32, #tpu.memory_space<vmem_shared>>)
      tpu.yield
    }) : () -> ()
    %mul3A_32 = arith.constant 320 : i32
    %mul3A_33 = arith.muli %arg1, %mul3A_32 : i32
    %add3A_34 = arith.constant 128 : i32
    %add3A_35 = arith.addi %mul3A_33, %add3A_34 : i32
    %run_scoped3A_36 = arith.constant 0 : i32
    "tpu.region"() ({
      %run_scoped3A_590 = tpu.sem_alloc : memref<!tpu.dma_semaphore, #tpu.memory_space<semaphore_mem>>
      %dma_start3A_591 = arith.constant 0 : i32
      %dma_start3A_592 = arith.constant 0 : i32
      %dma_start3A_593 = tpu.memref_slice %arg12[%run_scoped3A_36, %dma_start3A_591, %dma_start3A_592] : memref<2x48x256xf32, #tpu.memory_space<vmem>> -> memref<1x48x256xf32, #tpu.memory_space<vmem>>
      %dma_start3A_594 = tpu.memref_squeeze %dma_start3A_593 : memref<1x48x256xf32, #tpu.memory_space<vmem>> -> memref<48x256xf32, #tpu.memory_space<vmem>>
      %dma_start3A_595 = arith.constant 0 : i32
      %dma_start3A_596 = tpu.memref_slice %arg19[%add3A_35, %dma_start3A_595] : memref<5136x256xf32, #tpu.memory_space<vmem_shared>> -> memref<48x256xf32, #tpu.memory_space<vmem_shared>>
      %dma_start3A_597 = arith.constant 0 : i32
      %dma_start3A_598 = tpu.memref_slice %arg19[%add3A_35, %dma_start3A_597] : memref<5136x256xf32, #tpu.memory_space<vmem_shared>> -> memref<48x256xf32, #tpu.memory_space<vmem_shared>>
      %dma_start3A_599 = arith.constant 0 : i32
      %dma_start3A_600 = arith.constant 0 : i32
      %dma_start3A_601 = tpu.memref_slice %arg12[%run_scoped3A_36, %dma_start3A_599, %dma_start3A_600] : memref<2x48x256xf32, #tpu.memory_space<vmem>> -> memref<1x48x256xf32, #tpu.memory_space<vmem>>
      %dma_start3A_602 = tpu.memref_squeeze %dma_start3A_601 : memref<1x48x256xf32, #tpu.memory_space<vmem>> -> memref<48x256xf32, #tpu.memory_space<vmem>>
      tpu.enqueue_dma source(%dma_start3A_602 : memref<48x256xf32, #tpu.memory_space<vmem>>) target(%dma_start3A_598 : memref<48x256xf32, #tpu.memory_space<vmem_shared>>) target_semaphore(%run_scoped3A_590 : memref<!tpu.dma_semaphore, #tpu.memory_space<semaphore_mem>>)
      %dma_wait3A = arith.constant 0 : i32
      %dma_wait3A_603 = arith.constant 0 : i32
      %dma_wait3A_604 = tpu.memref_slice %arg12[%run_scoped3A_36, %dma_wait3A, %dma_wait3A_603] : memref<2x48x256xf32, #tpu.memory_space<vmem>> -> memref<1x48x256xf32, #tpu.memory_space<vmem>>
      %dma_wait3A_605 = tpu.memref_squeeze %dma_wait3A_604 : memref<1x48x256xf32, #tpu.memory_space<vmem>> -> memref<48x256xf32, #tpu.memory_space<vmem>>
      %dma_wait3A_606 = arith.constant 0 : i32
      %dma_wait3A_607 = tpu.memref_slice %arg19[%add3A_35, %dma_wait3A_606] : memref<5136x256xf32, #tpu.memory_space<vmem_shared>> -> memref<48x256xf32, #tpu.memory_space<vmem_shared>>
      %dma_wait3A_608 = arith.constant 0 : i32
      %dma_wait3A_609 = tpu.memref_slice %arg19[%add3A_35, %dma_wait3A_608] : memref<5136x256xf32, #tpu.memory_space<vmem_shared>> -> memref<48x256xf32, #tpu.memory_space<vmem_shared>>
      %dma_wait3A_610 = arith.constant 0 : i32
      %dma_wait3A_611 = arith.constant 0 : i32
      %dma_wait3A_612 = tpu.memref_slice %arg12[%run_scoped3A_36, %dma_wait3A_610, %dma_wait3A_611] : memref<2x48x256xf32, #tpu.memory_space<vmem>> -> memref<1x48x256xf32, #tpu.memory_space<vmem>>
      %dma_wait3A_613 = tpu.memref_squeeze %dma_wait3A_612 : memref<1x48x256xf32, #tpu.memory_space<vmem>> -> memref<48x256xf32, #tpu.memory_space<vmem>>
      tpu.wait_dma2 semaphore(%run_scoped3A_590 : memref<!tpu.dma_semaphore, #tpu.memory_space<semaphore_mem>>) src(%dma_wait3A_613 : memref<48x256xf32, #tpu.memory_space<vmem>>) dst(%dma_wait3A_609 : memref<48x256xf32, #tpu.memory_space<vmem_shared>>)
      tpu.yield
    }) : () -> ()
    %mul3A_37 = arith.constant 320 : i32
    %mul3A_38 = arith.muli %arg1, %mul3A_37 : i32
    %add3A_39 = arith.constant 128 : i32
    %add3A_40 = arith.addi %mul3A_38, %add3A_39 : i32
    %add3A_41 = arith.constant 48 : i32
    %add3A_42 = arith.addi %add3A_40, %add3A_41 : i32
    %run_scoped3A_43 = arith.constant 1 : i32
    "tpu.region"() ({
      %run_scoped3A_590 = tpu.sem_alloc : memref<!tpu.dma_semaphore, #tpu.memory_space<semaphore_mem>>
      %dma_start3A_591 = arith.constant 0 : i32
      %dma_start3A_592 = arith.constant 0 : i32
      %dma_start3A_593 = tpu.memref_slice %arg12[%run_scoped3A_43, %dma_start3A_591, %dma_start3A_592] : memref<2x48x256xf32, #tpu.memory_space<vmem>> -> memref<1x16x256xf32, #tpu.memory_space<vmem>>
      %dma_start3A_594 = tpu.memref_squeeze %dma_start3A_593 : memref<1x16x256xf32, #tpu.memory_space<vmem>> -> memref<16x256xf32, #tpu.memory_space<vmem>>
      %dma_start3A_595 = arith.constant 0 : i32
      %dma_start3A_596 = tpu.memref_slice %arg19[%add3A_42, %dma_start3A_595] : memref<5136x256xf32, #tpu.memory_space<vmem_shared>> -> memref<16x256xf32, #tpu.memory_space<vmem_shared>>
      %dma_start3A_597 = arith.constant 0 : i32
      %dma_start3A_598 = tpu.memref_slice %arg19[%add3A_42, %dma_start3A_597] : memref<5136x256xf32, #tpu.memory_space<vmem_shared>> -> memref<16x256xf32, #tpu.memory_space<vmem_shared>>
      %dma_start3A_599 = arith.constant 0 : i32
      %dma_start3A_600 = arith.constant 0 : i32
      %dma_start3A_601 = tpu.memref_slice %arg12[%run_scoped3A_43, %dma_start3A_599, %dma_start3A_600] : memref<2x48x256xf32, #tpu.memory_space<vmem>> -> memref<1x16x256xf32, #tpu.memory_space<vmem>>
      %dma_start3A_602 = tpu.memref_squeeze %dma_start3A_601 : memref<1x16x256xf32, #tpu.memory_space<vmem>> -> memref<16x256xf32, #tpu.memory_space<vmem>>
      tpu.enqueue_dma source(%dma_start3A_602 : memref<16x256xf32, #tpu.memory_space<vmem>>) target(%dma_start3A_598 : memref<16x256xf32, #tpu.memory_space<vmem_shared>>) target_semaphore(%run_scoped3A_590 : memref<!tpu.dma_semaphore, #tpu.memory_space<semaphore_mem>>)
      %dma_wait3A = arith.constant 0 : i32
      %dma_wait3A_603 = arith.constant 0 : i32
      %dma_wait3A_604 = tpu.memref_slice %arg12[%run_scoped3A_43, %dma_wait3A, %dma_wait3A_603] : memref<2x48x256xf32, #tpu.memory_space<vmem>> -> memref<1x16x256xf32, #tpu.memory_space<vmem>>
      %dma_wait3A_605 = tpu.memref_squeeze %dma_wait3A_604 : memref<1x16x256xf32, #tpu.memory_space<vmem>> -> memref<16x256xf32, #tpu.memory_space<vmem>>
      %dma_wait3A_606 = arith.constant 0 : i32
      %dma_wait3A_607 = tpu.memref_slice %arg19[%add3A_42, %dma_wait3A_606] : memref<5136x256xf32, #tpu.memory_space<vmem_shared>> -> memref<16x256xf32, #tpu.memory_space<vmem_shared>>
      %dma_wait3A_608 = arith.constant 0 : i32
      %dma_wait3A_609 = tpu.memref_slice %arg19[%add3A_42, %dma_wait3A_608] : memref<5136x256xf32, #tpu.memory_space<vmem_shared>> -> memref<16x256xf32, #tpu.memory_space<vmem_shared>>
      %dma_wait3A_610 = arith.constant 0 : i32
      %dma_wait3A_611 = arith.constant 0 : i32
      %dma_wait3A_612 = tpu.memref_slice %arg12[%run_scoped3A_43, %dma_wait3A_610, %dma_wait3A_611] : memref<2x48x256xf32, #tpu.memory_space<vmem>> -> memref<1x16x256xf32, #tpu.memory_space<vmem>>
      %dma_wait3A_613 = tpu.memref_squeeze %dma_wait3A_612 : memref<1x16x256xf32, #tpu.memory_space<vmem>> -> memref<16x256xf32, #tpu.memory_space<vmem>>
      tpu.wait_dma2 semaphore(%run_scoped3A_590 : memref<!tpu.dma_semaphore, #tpu.memory_space<semaphore_mem>>) src(%dma_wait3A_613 : memref<16x256xf32, #tpu.memory_space<vmem>>) dst(%dma_wait3A_609 : memref<16x256xf32, #tpu.memory_space<vmem_shared>>)
      tpu.yield
    }) : () -> ()
    %mul3A_44 = arith.constant 320 : i32
    %mul3A_45 = arith.muli %arg1, %mul3A_44 : i32
    %add3A_46 = arith.constant 192 : i32
    %add3A_47 = arith.addi %mul3A_45, %add3A_46 : i32
    %run_scoped3A_48 = arith.constant 0 : i32
    "tpu.region"() ({
      %run_scoped3A_590 = tpu.sem_alloc : memref<!tpu.dma_semaphore, #tpu.memory_space<semaphore_mem>>
      %dma_start3A_591 = arith.constant 0 : i32
      %dma_start3A_592 = arith.constant 0 : i32
      %dma_start3A_593 = tpu.memref_slice %arg12[%run_scoped3A_48, %dma_start3A_591, %dma_start3A_592] : memref<2x48x256xf32, #tpu.memory_space<vmem>> -> memref<1x48x256xf32, #tpu.memory_space<vmem>>
      %dma_start3A_594 = tpu.memref_squeeze %dma_start3A_593 : memref<1x48x256xf32, #tpu.memory_space<vmem>> -> memref<48x256xf32, #tpu.memory_space<vmem>>
      %dma_start3A_595 = arith.constant 0 : i32
      %dma_start3A_596 = tpu.memref_slice %arg19[%add3A_47, %dma_start3A_595] : memref<5136x256xf32, #tpu.memory_space<vmem_shared>> -> memref<48x256xf32, #tpu.memory_space<vmem_shared>>
      %dma_start3A_597 = arith.constant 0 : i32
      %dma_start3A_598 = tpu.memref_slice %arg19[%add3A_47, %dma_start3A_597] : memref<5136x256xf32, #tpu.memory_space<vmem_shared>> -> memref<48x256xf32, #tpu.memory_space<vmem_shared>>
      %dma_start3A_599 = arith.constant 0 : i32
      %dma_start3A_600 = arith.constant 0 : i32
      %dma_start3A_601 = tpu.memref_slice %arg12[%run_scoped3A_48, %dma_start3A_599, %dma_start3A_600] : memref<2x48x256xf32, #tpu.memory_space<vmem>> -> memref<1x48x256xf32, #tpu.memory_space<vmem>>
      %dma_start3A_602 = tpu.memref_squeeze %dma_start3A_601 : memref<1x48x256xf32, #tpu.memory_space<vmem>> -> memref<48x256xf32, #tpu.memory_space<vmem>>
      tpu.enqueue_dma source(%dma_start3A_602 : memref<48x256xf32, #tpu.memory_space<vmem>>) target(%dma_start3A_598 : memref<48x256xf32, #tpu.memory_space<vmem_shared>>) target_semaphore(%run_scoped3A_590 : memref<!tpu.dma_semaphore, #tpu.memory_space<semaphore_mem>>)
      %dma_wait3A = arith.constant 0 : i32
      %dma_wait3A_603 = arith.constant 0 : i32
      %dma_wait3A_604 = tpu.memref_slice %arg12[%run_scoped3A_48, %dma_wait3A, %dma_wait3A_603] : memref<2x48x256xf32, #tpu.memory_space<vmem>> -> memref<1x48x256xf32, #tpu.memory_space<vmem>>
      %dma_wait3A_605 = tpu.memref_squeeze %dma_wait3A_604 : memref<1x48x256xf32, #tpu.memory_space<vmem>> -> memref<48x256xf32, #tpu.memory_space<vmem>>
      %dma_wait3A_606 = arith.constant 0 : i32
      %dma_wait3A_607 = tpu.memref_slice %arg19[%add3A_47, %dma_wait3A_606] : memref<5136x256xf32, #tpu.memory_space<vmem_shared>> -> memref<48x256xf32, #tpu.memory_space<vmem_shared>>
      %dma_wait3A_608 = arith.constant 0 : i32
      %dma_wait3A_609 = tpu.memref_slice %arg19[%add3A_47, %dma_wait3A_608] : memref<5136x256xf32, #tpu.memory_space<vmem_shared>> -> memref<48x256xf32, #tpu.memory_space<vmem_shared>>
      %dma_wait3A_610 = arith.constant 0 : i32
      %dma_wait3A_611 = arith.constant 0 : i32
      %dma_wait3A_612 = tpu.memref_slice %arg12[%run_scoped3A_48, %dma_wait3A_610, %dma_wait3A_611] : memref<2x48x256xf32, #tpu.memory_space<vmem>> -> memref<1x48x256xf32, #tpu.memory_space<vmem>>
      %dma_wait3A_613 = tpu.memref_squeeze %dma_wait3A_612 : memref<1x48x256xf32, #tpu.memory_space<vmem>> -> memref<48x256xf32, #tpu.memory_space<vmem>>
      tpu.wait_dma2 semaphore(%run_scoped3A_590 : memref<!tpu.dma_semaphore, #tpu.memory_space<semaphore_mem>>) src(%dma_wait3A_613 : memref<48x256xf32, #tpu.memory_space<vmem>>) dst(%dma_wait3A_609 : memref<48x256xf32, #tpu.memory_space<vmem_shared>>)
      tpu.yield
    }) : () -> ()
    %mul3A_49 = arith.constant 320 : i32
    %mul3A_50 = arith.muli %arg1, %mul3A_49 : i32
    %add3A_51 = arith.constant 192 : i32
    %add3A_52 = arith.addi %mul3A_50, %add3A_51 : i32
    %add3A_53 = arith.constant 48 : i32
    %add3A_54 = arith.addi %add3A_52, %add3A_53 : i32
    %run_scoped3A_55 = arith.constant 1 : i32
    "tpu.region"() ({
      %run_scoped3A_590 = tpu.sem_alloc : memref<!tpu.dma_semaphore, #tpu.memory_space<semaphore_mem>>
      %dma_start3A_591 = arith.constant 0 : i32
      %dma_start3A_592 = arith.constant 0 : i32
      %dma_start3A_593 = tpu.memref_slice %arg12[%run_scoped3A_55, %dma_start3A_591, %dma_start3A_592] : memref<2x48x256xf32, #tpu.memory_space<vmem>> -> memref<1x16x256xf32, #tpu.memory_space<vmem>>
      %dma_start3A_594 = tpu.memref_squeeze %dma_start3A_593 : memref<1x16x256xf32, #tpu.memory_space<vmem>> -> memref<16x256xf32, #tpu.memory_space<vmem>>
      %dma_start3A_595 = arith.constant 0 : i32
      %dma_start3A_596 = tpu.memref_slice %arg19[%add3A_54, %dma_start3A_595] : memref<5136x256xf32, #tpu.memory_space<vmem_shared>> -> memref<16x256xf32, #tpu.memory_space<vmem_shared>>
      %dma_start3A_597 = arith.constant 0 : i32
      %dma_start3A_598 = tpu.memref_slice %arg19[%add3A_54, %dma_start3A_597] : memref<5136x256xf32, #tpu.memory_space<vmem_shared>> -> memref<16x256xf32, #tpu.memory_space<vmem_shared>>
      %dma_start3A_599 = arith.constant 0 : i32
      %dma_start3A_600 = arith.constant 0 : i32
      %dma_start3A_601 = tpu.memref_slice %arg12[%run_scoped3A_55, %dma_start3A_599, %dma_start3A_600] : memref<2x48x256xf32, #tpu.memory_space<vmem>> -> memref<1x16x256xf32, #tpu.memory_space<vmem>>
      %dma_start3A_602 = tpu.memref_squeeze %dma_start3A_601 : memref<1x16x256xf32, #tpu.memory_space<vmem>> -> memref<16x256xf32, #tpu.memory_space<vmem>>
      tpu.enqueue_dma source(%dma_start3A_602 : memref<16x256xf32, #tpu.memory_space<vmem>>) target(%dma_start3A_598 : memref<16x256xf32, #tpu.memory_space<vmem_shared>>) target_semaphore(%run_scoped3A_590 : memref<!tpu.dma_semaphore, #tpu.memory_space<semaphore_mem>>)
      %dma_wait3A = arith.constant 0 : i32
      %dma_wait3A_603 = arith.constant 0 : i32
      %dma_wait3A_604 = tpu.memref_slice %arg12[%run_scoped3A_55, %dma_wait3A, %dma_wait3A_603] : memref<2x48x256xf32, #tpu.memory_space<vmem>> -> memref<1x16x256xf32, #tpu.memory_space<vmem>>
      %dma_wait3A_605 = tpu.memref_squeeze %dma_wait3A_604 : memref<1x16x256xf32, #tpu.memory_space<vmem>> -> memref<16x256xf32, #tpu.memory_space<vmem>>
      %dma_wait3A_606 = arith.constant 0 : i32
      %dma_wait3A_607 = tpu.memref_slice %arg19[%add3A_54, %dma_wait3A_606] : memref<5136x256xf32, #tpu.memory_space<vmem_shared>> -> memref<16x256xf32, #tpu.memory_space<vmem_shared>>
      %dma_wait3A_608 = arith.constant 0 : i32
      %dma_wait3A_609 = tpu.memref_slice %arg19[%add3A_54, %dma_wait3A_608] : memref<5136x256xf32, #tpu.memory_space<vmem_shared>> -> memref<16x256xf32, #tpu.memory_space<vmem_shared>>
      %dma_wait3A_610 = arith.constant 0 : i32
      %dma_wait3A_611 = arith.constant 0 : i32
      %dma_wait3A_612 = tpu.memref_slice %arg12[%run_scoped3A_55, %dma_wait3A_610, %dma_wait3A_611] : memref<2x48x256xf32, #tpu.memory_space<vmem>> -> memref<1x16x256xf32, #tpu.memory_space<vmem>>
      %dma_wait3A_613 = tpu.memref_squeeze %dma_wait3A_612 : memref<1x16x256xf32, #tpu.memory_space<vmem>> -> memref<16x256xf32, #tpu.memory_space<vmem>>
      tpu.wait_dma2 semaphore(%run_scoped3A_590 : memref<!tpu.dma_semaphore, #tpu.memory_space<semaphore_mem>>) src(%dma_wait3A_613 : memref<16x256xf32, #tpu.memory_space<vmem>>) dst(%dma_wait3A_609 : memref<16x256xf32, #tpu.memory_space<vmem_shared>>)
      tpu.yield
    }) : () -> ()
    %mul3A_56 = arith.constant 320 : i32
    %mul3A_57 = arith.muli %arg1, %mul3A_56 : i32
    %add3A_58 = arith.constant 256 : i32
    %add3A_59 = arith.addi %mul3A_57, %add3A_58 : i32
    %run_scoped3A_60 = arith.constant 0 : i32
    "tpu.region"() ({
      %run_scoped3A_590 = tpu.sem_alloc : memref<!tpu.dma_semaphore, #tpu.memory_space<semaphore_mem>>
      %dma_start3A_591 = arith.constant 0 : i32
      %dma_start3A_592 = arith.constant 0 : i32
      %dma_start3A_593 = tpu.memref_slice %arg12[%run_scoped3A_60, %dma_start3A_591, %dma_start3A_592] : memref<2x48x256xf32, #tpu.memory_space<vmem>> -> memref<1x48x256xf32, #tpu.memory_space<vmem>>
      %dma_start3A_594 = tpu.memref_squeeze %dma_start3A_593 : memref<1x48x256xf32, #tpu.memory_space<vmem>> -> memref<48x256xf32, #tpu.memory_space<vmem>>
      %dma_start3A_595 = arith.constant 0 : i32
      %dma_start3A_596 = tpu.memref_slice %arg19[%add3A_59, %dma_start3A_595] : memref<5136x256xf32, #tpu.memory_space<vmem_shared>> -> memref<48x256xf32, #tpu.memory_space<vmem_shared>>
      %dma_start3A_597 = arith.constant 0 : i32
      %dma_start3A_598 = tpu.memref_slice %arg19[%add3A_59, %dma_start3A_597] : memref<5136x256xf32, #tpu.memory_space<vmem_shared>> -> memref<48x256xf32, #tpu.memory_space<vmem_shared>>
      %dma_start3A_599 = arith.constant 0 : i32
      %dma_start3A_600 = arith.constant 0 : i32
      %dma_start3A_601 = tpu.memref_slice %arg12[%run_scoped3A_60, %dma_start3A_599, %dma_start3A_600] : memref<2x48x256xf32, #tpu.memory_space<vmem>> -> memref<1x48x256xf32, #tpu.memory_space<vmem>>
      %dma_start3A_602 = tpu.memref_squeeze %dma_start3A_601 : memref<1x48x256xf32, #tpu.memory_space<vmem>> -> memref<48x256xf32, #tpu.memory_space<vmem>>
      tpu.enqueue_dma source(%dma_start3A_602 : memref<48x256xf32, #tpu.memory_space<vmem>>) target(%dma_start3A_598 : memref<48x256xf32, #tpu.memory_space<vmem_shared>>) target_semaphore(%run_scoped3A_590 : memref<!tpu.dma_semaphore, #tpu.memory_space<semaphore_mem>>)
      %dma_wait3A = arith.constant 0 : i32
      %dma_wait3A_603 = arith.constant 0 : i32
      %dma_wait3A_604 = tpu.memref_slice %arg12[%run_scoped3A_60, %dma_wait3A, %dma_wait3A_603] : memref<2x48x256xf32, #tpu.memory_space<vmem>> -> memref<1x48x256xf32, #tpu.memory_space<vmem>>
      %dma_wait3A_605 = tpu.memref_squeeze %dma_wait3A_604 : memref<1x48x256xf32, #tpu.memory_space<vmem>> -> memref<48x256xf32, #tpu.memory_space<vmem>>
      %dma_wait3A_606 = arith.constant 0 : i32
      %dma_wait3A_607 = tpu.memref_slice %arg19[%add3A_59, %dma_wait3A_606] : memref<5136x256xf32, #tpu.memory_space<vmem_shared>> -> memref<48x256xf32, #tpu.memory_space<vmem_shared>>
      %dma_wait3A_608 = arith.constant 0 : i32
      %dma_wait3A_609 = tpu.memref_slice %arg19[%add3A_59, %dma_wait3A_608] : memref<5136x256xf32, #tpu.memory_space<vmem_shared>> -> memref<48x256xf32, #tpu.memory_space<vmem_shared>>
      %dma_wait3A_610 = arith.constant 0 : i32
      %dma_wait3A_611 = arith.constant 0 : i32
      %dma_wait3A_612 = tpu.memref_slice %arg12[%run_scoped3A_60, %dma_wait3A_610, %dma_wait3A_611] : memref<2x48x256xf32, #tpu.memory_space<vmem>> -> memref<1x48x256xf32, #tpu.memory_space<vmem>>
      %dma_wait3A_613 = tpu.memref_squeeze %dma_wait3A_612 : memref<1x48x256xf32, #tpu.memory_space<vmem>> -> memref<48x256xf32, #tpu.memory_space<vmem>>
      tpu.wait_dma2 semaphore(%run_scoped3A_590 : memref<!tpu.dma_semaphore, #tpu.memory_space<semaphore_mem>>) src(%dma_wait3A_613 : memref<48x256xf32, #tpu.memory_space<vmem>>) dst(%dma_wait3A_609 : memref<48x256xf32, #tpu.memory_space<vmem_shared>>)
      tpu.yield
    }) : () -> ()
    %mul3A_61 = arith.constant 320 : i32
    %mul3A_62 = arith.muli %arg1, %mul3A_61 : i32
    %add3A_63 = arith.constant 256 : i32
    %add3A_64 = arith.addi %mul3A_62, %add3A_63 : i32
    %add3A_65 = arith.constant 48 : i32
    %add3A_66 = arith.addi %add3A_64, %add3A_65 : i32
    %run_scoped3A_67 = arith.constant 1 : i32
    "tpu.region"() ({
      %run_scoped3A_590 = tpu.sem_alloc : memref<!tpu.dma_semaphore, #tpu.memory_space<semaphore_mem>>
      %dma_start3A_591 = arith.constant 0 : i32
      %dma_start3A_592 = arith.constant 0 : i32
      %dma_start3A_593 = tpu.memref_slice %arg12[%run_scoped3A_67, %dma_start3A_591, %dma_start3A_592] : memref<2x48x256xf32, #tpu.memory_space<vmem>> -> memref<1x16x256xf32, #tpu.memory_space<vmem>>
      %dma_start3A_594 = tpu.memref_squeeze %dma_start3A_593 : memref<1x16x256xf32, #tpu.memory_space<vmem>> -> memref<16x256xf32, #tpu.memory_space<vmem>>
      %dma_start3A_595 = arith.constant 0 : i32
      %dma_start3A_596 = tpu.memref_slice %arg19[%add3A_66, %dma_start3A_595] : memref<5136x256xf32, #tpu.memory_space<vmem_shared>> -> memref<16x256xf32, #tpu.memory_space<vmem_shared>>
      %dma_start3A_597 = arith.constant 0 : i32
      %dma_start3A_598 = tpu.memref_slice %arg19[%add3A_66, %dma_start3A_597] : memref<5136x256xf32, #tpu.memory_space<vmem_shared>> -> memref<16x256xf32, #tpu.memory_space<vmem_shared>>
      %dma_start3A_599 = arith.constant 0 : i32
      %dma_start3A_600 = arith.constant 0 : i32
      %dma_start3A_601 = tpu.memref_slice %arg12[%run_scoped3A_67, %dma_start3A_599, %dma_start3A_600] : memref<2x48x256xf32, #tpu.memory_space<vmem>> -> memref<1x16x256xf32, #tpu.memory_space<vmem>>
      %dma_start3A_602 = tpu.memref_squeeze %dma_start3A_601 : memref<1x16x256xf32, #tpu.memory_space<vmem>> -> memref<16x256xf32, #tpu.memory_space<vmem>>
      tpu.enqueue_dma source(%dma_start3A_602 : memref<16x256xf32, #tpu.memory_space<vmem>>) target(%dma_start3A_598 : memref<16x256xf32, #tpu.memory_space<vmem_shared>>) target_semaphore(%run_scoped3A_590 : memref<!tpu.dma_semaphore, #tpu.memory_space<semaphore_mem>>)
      %dma_wait3A = arith.constant 0 : i32
      %dma_wait3A_603 = arith.constant 0 : i32
      %dma_wait3A_604 = tpu.memref_slice %arg12[%run_scoped3A_67, %dma_wait3A, %dma_wait3A_603] : memref<2x48x256xf32, #tpu.memory_space<vmem>> -> memref<1x16x256xf32, #tpu.memory_space<vmem>>
      %dma_wait3A_605 = tpu.memref_squeeze %dma_wait3A_604 : memref<1x16x256xf32, #tpu.memory_space<vmem>> -> memref<16x256xf32, #tpu.memory_space<vmem>>
      %dma_wait3A_606 = arith.constant 0 : i32
      %dma_wait3A_607 = tpu.memref_slice %arg19[%add3A_66, %dma_wait3A_606] : memref<5136x256xf32, #tpu.memory_space<vmem_shared>> -> memref<16x256xf32, #tpu.memory_space<vmem_shared>>
      %dma_wait3A_608 = arith.constant 0 : i32
      %dma_wait3A_609 = tpu.memref_slice %arg19[%add3A_66, %dma_wait3A_608] : memref<5136x256xf32, #tpu.memory_space<vmem_shared>> -> memref<16x256xf32, #tpu.memory_space<vmem_shared>>
      %dma_wait3A_610 = arith.constant 0 : i32
      %dma_wait3A_611 = arith.constant 0 : i32
      %dma_wait3A_612 = tpu.memref_slice %arg12[%run_scoped3A_67, %dma_wait3A_610, %dma_wait3A_611] : memref<2x48x256xf32, #tpu.memory_space<vmem>> -> memref<1x16x256xf32, #tpu.memory_space<vmem>>
      %dma_wait3A_613 = tpu.memref_squeeze %dma_wait3A_612 : memref<1x16x256xf32, #tpu.memory_space<vmem>> -> memref<16x256xf32, #tpu.memory_space<vmem>>
      tpu.wait_dma2 semaphore(%run_scoped3A_590 : memref<!tpu.dma_semaphore, #tpu.memory_space<semaphore_mem>>) src(%dma_wait3A_613 : memref<16x256xf32, #tpu.memory_space<vmem>>) dst(%dma_wait3A_609 : memref<16x256xf32, #tpu.memory_space<vmem_shared>>)
      tpu.yield
    }) : () -> ()
    %scan3A_68 = arith.constant 0 : i32
    %scan3A_69 = arith.constant 0 : i32
    %scan3A_70 = arith.constant 384 : i32
    %scan3A_71 = arith.addi %scan3A_69, %scan3A_70 : i32
    %scan3A_72 = arith.constant 1 : i32
    %scan3A_73 = scf.for %scan3A_590 = %scan3A_69 to %scan3A_71 step %scan3A_72 iter_args(%scan3A_591 = %scan3A_68) -> (i32)  : i32 {
      %swap3A_592 = arith.index_cast %scan3A_590 : i32 to index
      %swap3A_593 = arith.constant 0 : index
      %swap3A_594 = tpu.vector_load %arg13[%swap3A_592, %swap3A_593] {strides = array<i32>} : memref<384x16xf32, #tpu.memory_space<vmem>>, vector<16xf32>,
      tpu.vector_store %arg13[%swap3A_592, %swap3A_593], %broadcast_in_dim3A_1 {strides = array<i32>} : memref<384x16xf32, #tpu.memory_space<vmem>>, vector<16xf32>,
      %scan3A_595 = arith.constant 0 : i32
      scf.yield %scan3A_595 : i32
    }
    %scan3A_74 = arith.constant 384 : i32
    %add3A_75 = arith.constant 0 : i32
    %add3A_76 = vector.broadcast %add3A_75 : i32 to vector<16xi32>
    %add3A_77 = arith.addi %add3A_76, %iota3A : vector<16xi32>
    %lt3A = arith.constant 320 : i32
    %lt3A_78 = vector.broadcast %lt3A : i32 to vector<16xi32>
    %lt3A_79 = arith.cmpi slt, %add3A_77, %lt3A_78 : vector<16xi32>
    %jit3A = arith.constant 320 : i32
    %broadcast_in_dim3A_80 = vector.broadcast %jit3A : i32 to vector<16xi32>
    %select_n3A = arith.select %lt3A_79, %add3A_77, %broadcast_in_dim3A_80 : vector<16xi1>, vector<16xi32>
    %swap3A = arith.constant 0 : i32
    %swap3A_81 = arith.index_cast %swap3A : i32 to index
    %swap3A_82 = arith.constant 0 : index
    %swap3A_83 = tpu.vector_load %arg14[%swap3A_81, %swap3A_82] {strides = array<i32>} : memref<3x128xi32, #tpu.memory_space<vmem>>, vector<16xi32>,
    tpu.vector_store %arg14[%swap3A_81, %swap3A_82], %select_n3A {strides = array<i32>} : memref<3x128xi32, #tpu.memory_space<vmem>>, vector<16xi32>,
    %add3A_84 = arith.constant 16 : i32
    %add3A_85 = vector.broadcast %add3A_84 : i32 to vector<16xi32>
    %add3A_86 = arith.addi %add3A_85, %iota3A : vector<16xi32>
    %lt3A_87 = arith.constant 320 : i32
    %lt3A_88 = vector.broadcast %lt3A_87 : i32 to vector<16xi32>
    %lt3A_89 = arith.cmpi slt, %add3A_86, %lt3A_88 : vector<16xi32>
    %jit3A_90 = arith.constant 320 : i32
    %broadcast_in_dim3A_91 = vector.broadcast %jit3A_90 : i32 to vector<16xi32>
    %select_n3A_92 = arith.select %lt3A_89, %add3A_86, %broadcast_in_dim3A_91 : vector<16xi1>, vector<16xi32>
    %swap3A_93 = arith.constant 0 : i32
    %swap3A_94 = arith.index_cast %swap3A_93 : i32 to index
    %swap3A_95 = arith.constant 16 : index
    %swap3A_96 = tpu.vector_load %arg14[%swap3A_94, %swap3A_95] {strides = array<i32>} : memref<3x128xi32, #tpu.memory_space<vmem>>, vector<16xi32>,
    tpu.vector_store %arg14[%swap3A_94, %swap3A_95], %select_n3A_92 {strides = array<i32>} : memref<3x128xi32, #tpu.memory_space<vmem>>, vector<16xi32>,
    %add3A_97 = arith.constant 32 : i32
    %add3A_98 = vector.broadcast %add3A_97 : i32 to vector<16xi32>
    %add3A_99 = arith.addi %add3A_98, %iota3A : vector<16xi32>
    %lt3A_100 = arith.constant 320 : i32
    %lt3A_101 = vector.broadcast %lt3A_100 : i32 to vector<16xi32>
    %lt3A_102 = arith.cmpi slt, %add3A_99, %lt3A_101 : vector<16xi32>
    %jit3A_103 = arith.constant 320 : i32
    %broadcast_in_dim3A_104 = vector.broadcast %jit3A_103 : i32 to vector<16xi32>
    %select_n3A_105 = arith.select %lt3A_102, %add3A_99, %broadcast_in_dim3A_104 : vector<16xi1>, vector<16xi32>
    %swap3A_106 = arith.constant 0 : i32
    %swap3A_107 = arith.index_cast %swap3A_106 : i32 to index
    %swap3A_108 = arith.constant 32 : index
    %swap3A_109 = tpu.vector_load %arg14[%swap3A_107, %swap3A_108] {strides = array<i32>} : memref<3x128xi32, #tpu.memory_space<vmem>>, vector<16xi32>,
    tpu.vector_store %arg14[%swap3A_107, %swap3A_108], %select_n3A_105 {strides = array<i32>} : memref<3x128xi32, #tpu.memory_space<vmem>>, vector<16xi32>,
    %add3A_110 = arith.constant 48 : i32
    %add3A_111 = vector.broadcast %add3A_110 : i32 to vector<16xi32>
    %add3A_112 = arith.addi %add3A_111, %iota3A : vector<16xi32>
    %lt3A_113 = arith.constant 320 : i32
    %lt3A_114 = vector.broadcast %lt3A_113 : i32 to vector<16xi32>
    %lt3A_115 = arith.cmpi slt, %add3A_112, %lt3A_114 : vector<16xi32>
    %jit3A_116 = arith.constant 320 : i32
    %broadcast_in_dim3A_117 = vector.broadcast %jit3A_116 : i32 to vector<16xi32>
    %select_n3A_118 = arith.select %lt3A_115, %add3A_112, %broadcast_in_dim3A_117 : vector<16xi1>, vector<16xi32>
    %swap3A_119 = arith.constant 0 : i32
    %swap3A_120 = arith.index_cast %swap3A_119 : i32 to index
    %swap3A_121 = arith.constant 48 : index
    %swap3A_122 = tpu.vector_load %arg14[%swap3A_120, %swap3A_121] {strides = array<i32>} : memref<3x128xi32, #tpu.memory_space<vmem>>, vector<16xi32>,
    tpu.vector_store %arg14[%swap3A_120, %swap3A_121], %select_n3A_118 {strides = array<i32>} : memref<3x128xi32, #tpu.memory_space<vmem>>, vector<16xi32>,
    %add3A_123 = arith.constant 64 : i32
    %add3A_124 = vector.broadcast %add3A_123 : i32 to vector<16xi32>
    %add3A_125 = arith.addi %add3A_124, %iota3A : vector<16xi32>
    %lt3A_126 = arith.constant 320 : i32
    %lt3A_127 = vector.broadcast %lt3A_126 : i32 to vector<16xi32>
    %lt3A_128 = arith.cmpi slt, %add3A_125, %lt3A_127 : vector<16xi32>
    %jit3A_129 = arith.constant 320 : i32
    %broadcast_in_dim3A_130 = vector.broadcast %jit3A_129 : i32 to vector<16xi32>
    %select_n3A_131 = arith.select %lt3A_128, %add3A_125, %broadcast_in_dim3A_130 : vector<16xi1>, vector<16xi32>
    %swap3A_132 = arith.constant 0 : i32
    %swap3A_133 = arith.index_cast %swap3A_132 : i32 to index
    %swap3A_134 = arith.constant 64 : index
    %swap3A_135 = tpu.vector_load %arg14[%swap3A_133, %swap3A_134] {strides = array<i32>} : memref<3x128xi32, #tpu.memory_space<vmem>>, vector<16xi32>,
    tpu.vector_store %arg14[%swap3A_133, %swap3A_134], %select_n3A_131 {strides = array<i32>} : memref<3x128xi32, #tpu.memory_space<vmem>>, vector<16xi32>,
    %add3A_136 = arith.constant 80 : i32
    %add3A_137 = vector.broadcast %add3A_136 : i32 to vector<16xi32>
    %add3A_138 = arith.addi %add3A_137, %iota3A : vector<16xi32>
    %lt3A_139 = arith.constant 320 : i32
    %lt3A_140 = vector.broadcast %lt3A_139 : i32 to vector<16xi32>
    %lt3A_141 = arith.cmpi slt, %add3A_138, %lt3A_140 : vector<16xi32>
    %jit3A_142 = arith.constant 320 : i32
    %broadcast_in_dim3A_143 = vector.broadcast %jit3A_142 : i32 to vector<16xi32>
    %select_n3A_144 = arith.select %lt3A_141, %add3A_138, %broadcast_in_dim3A_143 : vector<16xi1>, vector<16xi32>
    %swap3A_145 = arith.constant 0 : i32
    %swap3A_146 = arith.index_cast %swap3A_145 : i32 to index
    %swap3A_147 = arith.constant 80 : index
    %swap3A_148 = tpu.vector_load %arg14[%swap3A_146, %swap3A_147] {strides = array<i32>} : memref<3x128xi32, #tpu.memory_space<vmem>>, vector<16xi32>,
    tpu.vector_store %arg14[%swap3A_146, %swap3A_147], %select_n3A_144 {strides = array<i32>} : memref<3x128xi32, #tpu.memory_space<vmem>>, vector<16xi32>,
    %add3A_149 = arith.constant 96 : i32
    %add3A_150 = vector.broadcast %add3A_149 : i32 to vector<16xi32>
    %add3A_151 = arith.addi %add3A_150, %iota3A : vector<16xi32>
    %lt3A_152 = arith.constant 320 : i32
    %lt3A_153 = vector.broadcast %lt3A_152 : i32 to vector<16xi32>
    %lt3A_154 = arith.cmpi slt, %add3A_151, %lt3A_153 : vector<16xi32>
    %jit3A_155 = arith.constant 320 : i32
    %broadcast_in_dim3A_156 = vector.broadcast %jit3A_155 : i32 to vector<16xi32>
    %select_n3A_157 = arith.select %lt3A_154, %add3A_151, %broadcast_in_dim3A_156 : vector<16xi1>, vector<16xi32>
    %swap3A_158 = arith.constant 0 : i32
    %swap3A_159 = arith.index_cast %swap3A_158 : i32 to index
    %swap3A_160 = arith.constant 96 : index
    %swap3A_161 = tpu.vector_load %arg14[%swap3A_159, %swap3A_160] {strides = array<i32>} : memref<3x128xi32, #tpu.memory_space<vmem>>, vector<16xi32>,
    tpu.vector_store %arg14[%swap3A_159, %swap3A_160], %select_n3A_157 {strides = array<i32>} : memref<3x128xi32, #tpu.memory_space<vmem>>, vector<16xi32>,
    %add3A_162 = arith.constant 112 : i32
    %add3A_163 = vector.broadcast %add3A_162 : i32 to vector<16xi32>
    %add3A_164 = arith.addi %add3A_163, %iota3A : vector<16xi32>
    %lt3A_165 = arith.constant 320 : i32
    %lt3A_166 = vector.broadcast %lt3A_165 : i32 to vector<16xi32>
    %lt3A_167 = arith.cmpi slt, %add3A_164, %lt3A_166 : vector<16xi32>
    %jit3A_168 = arith.constant 320 : i32
    %broadcast_in_dim3A_169 = vector.broadcast %jit3A_168 : i32 to vector<16xi32>
    %select_n3A_170 = arith.select %lt3A_167, %add3A_164, %broadcast_in_dim3A_169 : vector<16xi1>, vector<16xi32>
    %swap3A_171 = arith.constant 0 : i32
    %swap3A_172 = arith.index_cast %swap3A_171 : i32 to index
    %swap3A_173 = arith.constant 112 : index
    %swap3A_174 = tpu.vector_load %arg14[%swap3A_172, %swap3A_173] {strides = array<i32>} : memref<3x128xi32, #tpu.memory_space<vmem>>, vector<16xi32>,
    tpu.vector_store %arg14[%swap3A_172, %swap3A_173], %select_n3A_170 {strides = array<i32>} : memref<3x128xi32, #tpu.memory_space<vmem>>, vector<16xi32>,
    %add3A_175 = arith.constant 128 : i32
    %add3A_176 = vector.broadcast %add3A_175 : i32 to vector<16xi32>
    %add3A_177 = arith.addi %add3A_176, %iota3A : vector<16xi32>
    %lt3A_178 = arith.constant 320 : i32
    %lt3A_179 = vector.broadcast %lt3A_178 : i32 to vector<16xi32>
    %lt3A_180 = arith.cmpi slt, %add3A_177, %lt3A_179 : vector<16xi32>
    %jit3A_181 = arith.constant 320 : i32
    %broadcast_in_dim3A_182 = vector.broadcast %jit3A_181 : i32 to vector<16xi32>
    %select_n3A_183 = arith.select %lt3A_180, %add3A_177, %broadcast_in_dim3A_182 : vector<16xi1>, vector<16xi32>
    %swap3A_184 = arith.constant 1 : i32
    %swap3A_185 = arith.index_cast %swap3A_184 : i32 to index
    %swap3A_186 = arith.constant 0 : index
    %swap3A_187 = tpu.vector_load %arg14[%swap3A_185, %swap3A_186] {strides = array<i32>} : memref<3x128xi32, #tpu.memory_space<vmem>>, vector<16xi32>,
    tpu.vector_store %arg14[%swap3A_185, %swap3A_186], %select_n3A_183 {strides = array<i32>} : memref<3x128xi32, #tpu.memory_space<vmem>>, vector<16xi32>,
    %add3A_188 = arith.constant 144 : i32
    %add3A_189 = vector.broadcast %add3A_188 : i32 to vector<16xi32>
    %add3A_190 = arith.addi %add3A_189, %iota3A : vector<16xi32>
    %lt3A_191 = arith.constant 320 : i32
    %lt3A_192 = vector.broadcast %lt3A_191 : i32 to vector<16xi32>
    %lt3A_193 = arith.cmpi slt, %add3A_190, %lt3A_192 : vector<16xi32>
    %jit3A_194 = arith.constant 320 : i32
    %broadcast_in_dim3A_195 = vector.broadcast %jit3A_194 : i32 to vector<16xi32>
    %select_n3A_196 = arith.select %lt3A_193, %add3A_190, %broadcast_in_dim3A_195 : vector<16xi1>, vector<16xi32>
    %swap3A_197 = arith.constant 1 : i32
    %swap3A_198 = arith.index_cast %swap3A_197 : i32 to index
    %swap3A_199 = arith.constant 16 : index
    %swap3A_200 = tpu.vector_load %arg14[%swap3A_198, %swap3A_199] {strides = array<i32>} : memref<3x128xi32, #tpu.memory_space<vmem>>, vector<16xi32>,
    tpu.vector_store %arg14[%swap3A_198, %swap3A_199], %select_n3A_196 {strides = array<i32>} : memref<3x128xi32, #tpu.memory_space<vmem>>, vector<16xi32>,
    %add3A_201 = arith.constant 160 : i32
    %add3A_202 = vector.broadcast %add3A_201 : i32 to vector<16xi32>
    %add3A_203 = arith.addi %add3A_202, %iota3A : vector<16xi32>
    %lt3A_204 = arith.constant 320 : i32
    %lt3A_205 = vector.broadcast %lt3A_204 : i32 to vector<16xi32>
    %lt3A_206 = arith.cmpi slt, %add3A_203, %lt3A_205 : vector<16xi32>
    %jit3A_207 = arith.constant 320 : i32
    %broadcast_in_dim3A_208 = vector.broadcast %jit3A_207 : i32 to vector<16xi32>
    %select_n3A_209 = arith.select %lt3A_206, %add3A_203, %broadcast_in_dim3A_208 : vector<16xi1>, vector<16xi32>
    %swap3A_210 = arith.constant 1 : i32
    %swap3A_211 = arith.index_cast %swap3A_210 : i32 to index
    %swap3A_212 = arith.constant 32 : index
    %swap3A_213 = tpu.vector_load %arg14[%swap3A_211, %swap3A_212] {strides = array<i32>} : memref<3x128xi32, #tpu.memory_space<vmem>>, vector<16xi32>,
    tpu.vector_store %arg14[%swap3A_211, %swap3A_212], %select_n3A_209 {strides = array<i32>} : memref<3x128xi32, #tpu.memory_space<vmem>>, vector<16xi32>,
    %add3A_214 = arith.constant 176 : i32
    %add3A_215 = vector.broadcast %add3A_214 : i32 to vector<16xi32>
    %add3A_216 = arith.addi %add3A_215, %iota3A : vector<16xi32>
    %lt3A_217 = arith.constant 320 : i32
    %lt3A_218 = vector.broadcast %lt3A_217 : i32 to vector<16xi32>
    %lt3A_219 = arith.cmpi slt, %add3A_216, %lt3A_218 : vector<16xi32>
    %jit3A_220 = arith.constant 320 : i32
    %broadcast_in_dim3A_221 = vector.broadcast %jit3A_220 : i32 to vector<16xi32>
    %select_n3A_222 = arith.select %lt3A_219, %add3A_216, %broadcast_in_dim3A_221 : vector<16xi1>, vector<16xi32>
    %swap3A_223 = arith.constant 1 : i32
    %swap3A_224 = arith.index_cast %swap3A_223 : i32 to index
    %swap3A_225 = arith.constant 48 : index
    %swap3A_226 = tpu.vector_load %arg14[%swap3A_224, %swap3A_225] {strides = array<i32>} : memref<3x128xi32, #tpu.memory_space<vmem>>, vector<16xi32>,
    tpu.vector_store %arg14[%swap3A_224, %swap3A_225], %select_n3A_222 {strides = array<i32>} : memref<3x128xi32, #tpu.memory_space<vmem>>, vector<16xi32>,
    %add3A_227 = arith.constant 192 : i32
    %add3A_228 = vector.broadcast %add3A_227 : i32 to vector<16xi32>
    %add3A_229 = arith.addi %add3A_228, %iota3A : vector<16xi32>
    %lt3A_230 = arith.constant 320 : i32
    %lt3A_231 = vector.broadcast %lt3A_230 : i32 to vector<16xi32>
    %lt3A_232 = arith.cmpi slt, %add3A_229, %lt3A_231 : vector<16xi32>
    %jit3A_233 = arith.constant 320 : i32
    %broadcast_in_dim3A_234 = vector.broadcast %jit3A_233 : i32 to vector<16xi32>
    %select_n3A_235 = arith.select %lt3A_232, %add3A_229, %broadcast_in_dim3A_234 : vector<16xi1>, vector<16xi32>
    %swap3A_236 = arith.constant 1 : i32
    %swap3A_237 = arith.index_cast %swap3A_236 : i32 to index
    %swap3A_238 = arith.constant 64 : index
    %swap3A_239 = tpu.vector_load %arg14[%swap3A_237, %swap3A_238] {strides = array<i32>} : memref<3x128xi32, #tpu.memory_space<vmem>>, vector<16xi32>,
    tpu.vector_store %arg14[%swap3A_237, %swap3A_238], %select_n3A_235 {strides = array<i32>} : memref<3x128xi32, #tpu.memory_space<vmem>>, vector<16xi32>,
    %add3A_240 = arith.constant 208 : i32
    %add3A_241 = vector.broadcast %add3A_240 : i32 to vector<16xi32>
    %add3A_242 = arith.addi %add3A_241, %iota3A : vector<16xi32>
    %lt3A_243 = arith.constant 320 : i32
    %lt3A_244 = vector.broadcast %lt3A_243 : i32 to vector<16xi32>
    %lt3A_245 = arith.cmpi slt, %add3A_242, %lt3A_244 : vector<16xi32>
    %jit3A_246 = arith.constant 320 : i32
    %broadcast_in_dim3A_247 = vector.broadcast %jit3A_246 : i32 to vector<16xi32>
    %select_n3A_248 = arith.select %lt3A_245, %add3A_242, %broadcast_in_dim3A_247 : vector<16xi1>, vector<16xi32>
    %swap3A_249 = arith.constant 1 : i32
    %swap3A_250 = arith.index_cast %swap3A_249 : i32 to index
    %swap3A_251 = arith.constant 80 : index
    %swap3A_252 = tpu.vector_load %arg14[%swap3A_250, %swap3A_251] {strides = array<i32>} : memref<3x128xi32, #tpu.memory_space<vmem>>, vector<16xi32>,
    tpu.vector_store %arg14[%swap3A_250, %swap3A_251], %select_n3A_248 {strides = array<i32>} : memref<3x128xi32, #tpu.memory_space<vmem>>, vector<16xi32>,
    %add3A_253 = arith.constant 224 : i32
    %add3A_254 = vector.broadcast %add3A_253 : i32 to vector<16xi32>
    %add3A_255 = arith.addi %add3A_254, %iota3A : vector<16xi32>
    %lt3A_256 = arith.constant 320 : i32
    %lt3A_257 = vector.broadcast %lt3A_256 : i32 to vector<16xi32>
    %lt3A_258 = arith.cmpi slt, %add3A_255, %lt3A_257 : vector<16xi32>
    %jit3A_259 = arith.constant 320 : i32
    %broadcast_in_dim3A_260 = vector.broadcast %jit3A_259 : i32 to vector<16xi32>
    %select_n3A_261 = arith.select %lt3A_258, %add3A_255, %broadcast_in_dim3A_260 : vector<16xi1>, vector<16xi32>
    %swap3A_262 = arith.constant 1 : i32
    %swap3A_263 = arith.index_cast %swap3A_262 : i32 to index
    %swap3A_264 = arith.constant 96 : index
    %swap3A_265 = tpu.vector_load %arg14[%swap3A_263, %swap3A_264] {strides = array<i32>} : memref<3x128xi32, #tpu.memory_space<vmem>>, vector<16xi32>,
    tpu.vector_store %arg14[%swap3A_263, %swap3A_264], %select_n3A_261 {strides = array<i32>} : memref<3x128xi32, #tpu.memory_space<vmem>>, vector<16xi32>,
    %add3A_266 = arith.constant 240 : i32
    %add3A_267 = vector.broadcast %add3A_266 : i32 to vector<16xi32>
    %add3A_268 = arith.addi %add3A_267, %iota3A : vector<16xi32>
    %lt3A_269 = arith.constant 320 : i32
    %lt3A_270 = vector.broadcast %lt3A_269 : i32 to vector<16xi32>
    %lt3A_271 = arith.cmpi slt, %add3A_268, %lt3A_270 : vector<16xi32>
    %jit3A_272 = arith.constant 320 : i32
    %broadcast_in_dim3A_273 = vector.broadcast %jit3A_272 : i32 to vector<16xi32>
    %select_n3A_274 = arith.select %lt3A_271, %add3A_268, %broadcast_in_dim3A_273 : vector<16xi1>, vector<16xi32>
    %swap3A_275 = arith.constant 1 : i32
    %swap3A_276 = arith.index_cast %swap3A_275 : i32 to index
    %swap3A_277 = arith.constant 112 : index
    %swap3A_278 = tpu.vector_load %arg14[%swap3A_276, %swap3A_277] {strides = array<i32>} : memref<3x128xi32, #tpu.memory_space<vmem>>, vector<16xi32>,
    tpu.vector_store %arg14[%swap3A_276, %swap3A_277], %select_n3A_274 {strides = array<i32>} : memref<3x128xi32, #tpu.memory_space<vmem>>, vector<16xi32>,
    %add3A_279 = arith.constant 256 : i32
    %add3A_280 = vector.broadcast %add3A_279 : i32 to vector<16xi32>
    %add3A_281 = arith.addi %add3A_280, %iota3A : vector<16xi32>
    %lt3A_282 = arith.constant 320 : i32
    %lt3A_283 = vector.broadcast %lt3A_282 : i32 to vector<16xi32>
    %lt3A_284 = arith.cmpi slt, %add3A_281, %lt3A_283 : vector<16xi32>
    %jit3A_285 = arith.constant 320 : i32
    %broadcast_in_dim3A_286 = vector.broadcast %jit3A_285 : i32 to vector<16xi32>
    %select_n3A_287 = arith.select %lt3A_284, %add3A_281, %broadcast_in_dim3A_286 : vector<16xi1>, vector<16xi32>
    %swap3A_288 = arith.constant 2 : i32
    %swap3A_289 = arith.index_cast %swap3A_288 : i32 to index
    %swap3A_290 = arith.constant 0 : index
    %swap3A_291 = tpu.vector_load %arg14[%swap3A_289, %swap3A_290] {strides = array<i32>} : memref<3x128xi32, #tpu.memory_space<vmem>>, vector<16xi32>,
    tpu.vector_store %arg14[%swap3A_289, %swap3A_290], %select_n3A_287 {strides = array<i32>} : memref<3x128xi32, #tpu.memory_space<vmem>>, vector<16xi32>,
    %add3A_292 = arith.constant 272 : i32
    %add3A_293 = vector.broadcast %add3A_292 : i32 to vector<16xi32>
    %add3A_294 = arith.addi %add3A_293, %iota3A : vector<16xi32>
    %lt3A_295 = arith.constant 320 : i32
    %lt3A_296 = vector.broadcast %lt3A_295 : i32 to vector<16xi32>
    %lt3A_297 = arith.cmpi slt, %add3A_294, %lt3A_296 : vector<16xi32>
    %jit3A_298 = arith.constant 320 : i32
    %broadcast_in_dim3A_299 = vector.broadcast %jit3A_298 : i32 to vector<16xi32>
    %select_n3A_300 = arith.select %lt3A_297, %add3A_294, %broadcast_in_dim3A_299 : vector<16xi1>, vector<16xi32>
    %swap3A_301 = arith.constant 2 : i32
    %swap3A_302 = arith.index_cast %swap3A_301 : i32 to index
    %swap3A_303 = arith.constant 16 : index
    %swap3A_304 = tpu.vector_load %arg14[%swap3A_302, %swap3A_303] {strides = array<i32>} : memref<3x128xi32, #tpu.memory_space<vmem>>, vector<16xi32>,
    tpu.vector_store %arg14[%swap3A_302, %swap3A_303], %select_n3A_300 {strides = array<i32>} : memref<3x128xi32, #tpu.memory_space<vmem>>, vector<16xi32>,
    %add3A_305 = arith.constant 288 : i32
    %add3A_306 = vector.broadcast %add3A_305 : i32 to vector<16xi32>
    %add3A_307 = arith.addi %add3A_306, %iota3A : vector<16xi32>
    %lt3A_308 = arith.constant 320 : i32
    %lt3A_309 = vector.broadcast %lt3A_308 : i32 to vector<16xi32>
    %lt3A_310 = arith.cmpi slt, %add3A_307, %lt3A_309 : vector<16xi32>
    %jit3A_311 = arith.constant 320 : i32
    %broadcast_in_dim3A_312 = vector.broadcast %jit3A_311 : i32 to vector<16xi32>
    %select_n3A_313 = arith.select %lt3A_310, %add3A_307, %broadcast_in_dim3A_312 : vector<16xi1>, vector<16xi32>
    %swap3A_314 = arith.constant 2 : i32
    %swap3A_315 = arith.index_cast %swap3A_314 : i32 to index
    %swap3A_316 = arith.constant 32 : index
    %swap3A_317 = tpu.vector_load %arg14[%swap3A_315, %swap3A_316] {strides = array<i32>} : memref<3x128xi32, #tpu.memory_space<vmem>>, vector<16xi32>,
    tpu.vector_store %arg14[%swap3A_315, %swap3A_316], %select_n3A_313 {strides = array<i32>} : memref<3x128xi32, #tpu.memory_space<vmem>>, vector<16xi32>,
    %add3A_318 = arith.constant 304 : i32
    %add3A_319 = vector.broadcast %add3A_318 : i32 to vector<16xi32>
    %add3A_320 = arith.addi %add3A_319, %iota3A : vector<16xi32>
    %lt3A_321 = arith.constant 320 : i32
    %lt3A_322 = vector.broadcast %lt3A_321 : i32 to vector<16xi32>
    %lt3A_323 = arith.cmpi slt, %add3A_320, %lt3A_322 : vector<16xi32>
    %jit3A_324 = arith.constant 320 : i32
    %broadcast_in_dim3A_325 = vector.broadcast %jit3A_324 : i32 to vector<16xi32>
    %select_n3A_326 = arith.select %lt3A_323, %add3A_320, %broadcast_in_dim3A_325 : vector<16xi1>, vector<16xi32>
    %swap3A_327 = arith.constant 2 : i32
    %swap3A_328 = arith.index_cast %swap3A_327 : i32 to index
    %swap3A_329 = arith.constant 48 : index
    %swap3A_330 = tpu.vector_load %arg14[%swap3A_328, %swap3A_329] {strides = array<i32>} : memref<3x128xi32, #tpu.memory_space<vmem>>, vector<16xi32>,
    tpu.vector_store %arg14[%swap3A_328, %swap3A_329], %select_n3A_326 {strides = array<i32>} : memref<3x128xi32, #tpu.memory_space<vmem>>, vector<16xi32>,
    %add3A_331 = arith.constant 320 : i32
    %add3A_332 = vector.broadcast %add3A_331 : i32 to vector<16xi32>
    %add3A_333 = arith.addi %add3A_332, %iota3A : vector<16xi32>
    %lt3A_334 = arith.constant 320 : i32
    %lt3A_335 = vector.broadcast %lt3A_334 : i32 to vector<16xi32>
    %lt3A_336 = arith.cmpi slt, %add3A_333, %lt3A_335 : vector<16xi32>
    %jit3A_337 = arith.constant 320 : i32
    %broadcast_in_dim3A_338 = vector.broadcast %jit3A_337 : i32 to vector<16xi32>
    %select_n3A_339 = arith.select %lt3A_336, %add3A_333, %broadcast_in_dim3A_338 : vector<16xi1>, vector<16xi32>
    %swap3A_340 = arith.constant 2 : i32
    %swap3A_341 = arith.index_cast %swap3A_340 : i32 to index
    %swap3A_342 = arith.constant 64 : index
    %swap3A_343 = tpu.vector_load %arg14[%swap3A_341, %swap3A_342] {strides = array<i32>} : memref<3x128xi32, #tpu.memory_space<vmem>>, vector<16xi32>,
    tpu.vector_store %arg14[%swap3A_341, %swap3A_342], %select_n3A_339 {strides = array<i32>} : memref<3x128xi32, #tpu.memory_space<vmem>>, vector<16xi32>,
    %add3A_344 = arith.constant 336 : i32
    %add3A_345 = vector.broadcast %add3A_344 : i32 to vector<16xi32>
    %add3A_346 = arith.addi %add3A_345, %iota3A : vector<16xi32>
    %lt3A_347 = arith.constant 320 : i32
    %lt3A_348 = vector.broadcast %lt3A_347 : i32 to vector<16xi32>
    %lt3A_349 = arith.cmpi slt, %add3A_346, %lt3A_348 : vector<16xi32>
    %jit3A_350 = arith.constant 320 : i32
    %broadcast_in_dim3A_351 = vector.broadcast %jit3A_350 : i32 to vector<16xi32>
    %select_n3A_352 = arith.select %lt3A_349, %add3A_346, %broadcast_in_dim3A_351 : vector<16xi1>, vector<16xi32>
    %swap3A_353 = arith.constant 2 : i32
    %swap3A_354 = arith.index_cast %swap3A_353 : i32 to index
    %swap3A_355 = arith.constant 80 : index
    %swap3A_356 = tpu.vector_load %arg14[%swap3A_354, %swap3A_355] {strides = array<i32>} : memref<3x128xi32, #tpu.memory_space<vmem>>, vector<16xi32>,
    tpu.vector_store %arg14[%swap3A_354, %swap3A_355], %select_n3A_352 {strides = array<i32>} : memref<3x128xi32, #tpu.memory_space<vmem>>, vector<16xi32>,
    %add3A_357 = arith.constant 352 : i32
    %add3A_358 = vector.broadcast %add3A_357 : i32 to vector<16xi32>
    %add3A_359 = arith.addi %add3A_358, %iota3A : vector<16xi32>
    %lt3A_360 = arith.constant 320 : i32
    %lt3A_361 = vector.broadcast %lt3A_360 : i32 to vector<16xi32>
    %lt3A_362 = arith.cmpi slt, %add3A_359, %lt3A_361 : vector<16xi32>
    %jit3A_363 = arith.constant 320 : i32
    %broadcast_in_dim3A_364 = vector.broadcast %jit3A_363 : i32 to vector<16xi32>
    %select_n3A_365 = arith.select %lt3A_362, %add3A_359, %broadcast_in_dim3A_364 : vector<16xi1>, vector<16xi32>
    %swap3A_366 = arith.constant 2 : i32
    %swap3A_367 = arith.index_cast %swap3A_366 : i32 to index
    %swap3A_368 = arith.constant 96 : index
    %swap3A_369 = tpu.vector_load %arg14[%swap3A_367, %swap3A_368] {strides = array<i32>} : memref<3x128xi32, #tpu.memory_space<vmem>>, vector<16xi32>,
    tpu.vector_store %arg14[%swap3A_367, %swap3A_368], %select_n3A_365 {strides = array<i32>} : memref<3x128xi32, #tpu.memory_space<vmem>>, vector<16xi32>,
    %add3A_370 = arith.constant 368 : i32
    %add3A_371 = vector.broadcast %add3A_370 : i32 to vector<16xi32>
    %add3A_372 = arith.addi %add3A_371, %iota3A : vector<16xi32>
    %lt3A_373 = arith.constant 320 : i32
    %lt3A_374 = vector.broadcast %lt3A_373 : i32 to vector<16xi32>
    %lt3A_375 = arith.cmpi slt, %add3A_372, %lt3A_374 : vector<16xi32>
    %jit3A_376 = arith.constant 320 : i32
    %broadcast_in_dim3A_377 = vector.broadcast %jit3A_376 : i32 to vector<16xi32>
    %select_n3A_378 = arith.select %lt3A_375, %add3A_372, %broadcast_in_dim3A_377 : vector<16xi1>, vector<16xi32>
    %swap3A_379 = arith.constant 2 : i32
    %swap3A_380 = arith.index_cast %swap3A_379 : i32 to index
    %swap3A_381 = arith.constant 112 : index
    %swap3A_382 = tpu.vector_load %arg14[%swap3A_380, %swap3A_381] {strides = array<i32>} : memref<3x128xi32, #tpu.memory_space<vmem>>, vector<16xi32>,
    tpu.vector_store %arg14[%swap3A_380, %swap3A_381], %select_n3A_378 {strides = array<i32>} : memref<3x128xi32, #tpu.memory_space<vmem>>, vector<16xi32>,
    %mul3A_383 = arith.constant 20 : i32
    %mul3A_384 = arith.muli %arg1, %mul3A_383 : i32
    "tpu.region"() ({
      %run_scoped3A_590 = tpu.sem_alloc : memref<!tpu.dma_semaphore, #tpu.memory_space<semaphore_mem>>
      %dma_start3A_591 = arith.constant 0 : i32
      %dma_start3A_592 = arith.constant 0 : i32
      %dma_start3A_593 = tpu.memref_slice %arg13[%dma_start3A_591, %dma_start3A_592] : memref<384x16xf32, #tpu.memory_space<vmem>> -> memref<20x16xf32, #tpu.memory_space<vmem>>
      %dma_start3A_594 = arith.constant 0 : i32
      %dma_start3A_595 = tpu.memref_slice %arg20[%mul3A_384, %dma_start3A_594] : memref<328x16xf32, #tpu.memory_space<vmem_shared>> -> memref<20x16xf32, #tpu.memory_space<vmem_shared>>
      %dma_start3A_596 = arith.constant 0 : i32
      %dma_start3A_597 = tpu.memref_slice %arg20[%mul3A_384, %dma_start3A_596] : memref<328x16xf32, #tpu.memory_space<vmem_shared>> -> memref<20x16xf32, #tpu.memory_space<vmem_shared>>
      %dma_start3A_598 = arith.constant 0 : i32
      %dma_start3A_599 = arith.constant 0 : i32
      %dma_start3A_600 = tpu.memref_slice %arg13[%dma_start3A_598, %dma_start3A_599] : memref<384x16xf32, #tpu.memory_space<vmem>> -> memref<20x16xf32, #tpu.memory_space<vmem>>
      tpu.enqueue_dma source(%dma_start3A_600 : memref<20x16xf32, #tpu.memory_space<vmem>>) target(%dma_start3A_597 : memref<20x16xf32, #tpu.memory_space<vmem_shared>>) target_semaphore(%run_scoped3A_590 : memref<!tpu.dma_semaphore, #tpu.memory_space<semaphore_mem>>)
      %dma_wait3A = arith.constant 0 : i32
      %dma_wait3A_601 = arith.constant 0 : i32
      %dma_wait3A_602 = tpu.memref_slice %arg13[%dma_wait3A, %dma_wait3A_601] : memref<384x16xf32, #tpu.memory_space<vmem>> -> memref<20x16xf32, #tpu.memory_space<vmem>>
      %dma_wait3A_603 = arith.constant 0 : i32
      %dma_wait3A_604 = tpu.memref_slice %arg20[%mul3A_384, %dma_wait3A_603] : memref<328x16xf32, #tpu.memory_space<vmem_shared>> -> memref<20x16xf32, #tpu.memory_space<vmem_shared>>
      %dma_wait3A_605 = arith.constant 0 : i32
      %dma_wait3A_606 = tpu.memref_slice %arg20[%mul3A_384, %dma_wait3A_605] : memref<328x16xf32, #tpu.memory_space<vmem_shared>> -> memref<20x16xf32, #tpu.memory_space<vmem_shared>>
      %dma_wait3A_607 = arith.constant 0 : i32
      %dma_wait3A_608 = arith.constant 0 : i32
      %dma_wait3A_609 = tpu.memref_slice %arg13[%dma_wait3A_607, %dma_wait3A_608] : memref<384x16xf32, #tpu.memory_space<vmem>> -> memref<20x16xf32, #tpu.memory_space<vmem>>
      tpu.wait_dma2 semaphore(%run_scoped3A_590 : memref<!tpu.dma_semaphore, #tpu.memory_space<semaphore_mem>>) src(%dma_wait3A_609 : memref<20x16xf32, #tpu.memory_space<vmem>>) dst(%dma_wait3A_606 : memref<20x16xf32, #tpu.memory_space<vmem_shared>>)
      tpu.yield
    }) : () -> ()
    %eq3A = arith.constant 0 : i32
    %eq3A_385 = arith.cmpi eq, %arg1, %eq3A : i32
    %convert_element_type3A = arith.extui %eq3A_385 : i1 to i32
    %cond3A = arith.constant 0 : i32
    %cond3A_386 = arith.cmpi ne, %convert_element_type3A, %cond3A : i32
    scf.if %cond3A_386 {
      %run_scoped3A_590 = arith.constant 0 : i32
      "tpu.region"() ({
        %run_scoped3A_591 = tpu.sem_alloc : memref<!tpu.dma_semaphore, #tpu.memory_space<semaphore_mem>>
        %dma_start3A_592 = arith.constant 0 : i32
        %dma_start3A_593 = arith.constant 0 : i32
        %dma_start3A_594 = tpu.memref_slice %arg12[%run_scoped3A_590, %dma_start3A_592, %dma_start3A_593] : memref<2x48x256xf32, #tpu.memory_space<vmem>> -> memref<1x16x256xf32, #tpu.memory_space<vmem>>
        %dma_start3A_595 = tpu.memref_squeeze %dma_start3A_594 : memref<1x16x256xf32, #tpu.memory_space<vmem>> -> memref<16x256xf32, #tpu.memory_space<vmem>>
        %dma_start3A_596 = arith.constant 5120 : i32
        %dma_start3A_597 = arith.constant 0 : i32
        %dma_start3A_598 = tpu.memref_slice %arg19[%dma_start3A_596, %dma_start3A_597] : memref<5136x256xf32, #tpu.memory_space<vmem_shared>> -> memref<16x256xf32, #tpu.memory_space<vmem_shared>>
        %dma_start3A_599 = arith.constant 5120 : i32
        %dma_start3A_600 = arith.constant 0 : i32
        %dma_start3A_601 = tpu.memref_slice %arg19[%dma_start3A_599, %dma_start3A_600] : memref<5136x256xf32, #tpu.memory_space<vmem_shared>> -> memref<16x256xf32, #tpu.memory_space<vmem_shared>>
        %dma_start3A_602 = arith.constant 0 : i32
        %dma_start3A_603 = arith.constant 0 : i32
        %dma_start3A_604 = tpu.memref_slice %arg12[%run_scoped3A_590, %dma_start3A_602, %dma_start3A_603] : memref<2x48x256xf32, #tpu.memory_space<vmem>> -> memref<1x16x256xf32, #tpu.memory_space<vmem>>
        %dma_start3A_605 = tpu.memref_squeeze %dma_start3A_604 : memref<1x16x256xf32, #tpu.memory_space<vmem>> -> memref<16x256xf32, #tpu.memory_space<vmem>>
        tpu.enqueue_dma source(%dma_start3A_605 : memref<16x256xf32, #tpu.memory_space<vmem>>) target(%dma_start3A_601 : memref<16x256xf32, #tpu.memory_space<vmem_shared>>) target_semaphore(%run_scoped3A_591 : memref<!tpu.dma_semaphore, #tpu.memory_space<semaphore_mem>>)
        %dma_wait3A = arith.constant 0 : i32
        %dma_wait3A_606 = arith.constant 0 : i32
        %dma_wait3A_607 = tpu.memref_slice %arg12[%run_scoped3A_590, %dma_wait3A, %dma_wait3A_606] : memref<2x48x256xf32, #tpu.memory_space<vmem>> -> memref<1x16x256xf32, #tpu.memory_space<vmem>>
        %dma_wait3A_608 = tpu.memref_squeeze %dma_wait3A_607 : memref<1x16x256xf32, #tpu.memory_space<vmem>> -> memref<16x256xf32, #tpu.memory_space<vmem>>
        %dma_wait3A_609 = arith.constant 5120 : i32
        %dma_wait3A_610 = arith.constant 0 : i32
        %dma_wait3A_611 = tpu.memref_slice %arg19[%dma_wait3A_609, %dma_wait3A_610] : memref<5136x256xf32, #tpu.memory_space<vmem_shared>> -> memref<16x256xf32, #tpu.memory_space<vmem_shared>>
        %dma_wait3A_612 = arith.constant 5120 : i32
        %dma_wait3A_613 = arith.constant 0 : i32
        %dma_wait3A_614 = tpu.memref_slice %arg19[%dma_wait3A_612, %dma_wait3A_613] : memref<5136x256xf32, #tpu.memory_space<vmem_shared>> -> memref<16x256xf32, #tpu.memory_space<vmem_shared>>
        %dma_wait3A_615 = arith.constant 0 : i32
        %dma_wait3A_616 = arith.constant 0 : i32
        %dma_wait3A_617 = tpu.memref_slice %arg12[%run_scoped3A_590, %dma_wait3A_615, %dma_wait3A_616] : memref<2x48x256xf32, #tpu.memory_space<vmem>> -> memref<1x16x256xf32, #tpu.memory_space<vmem>>
        %dma_wait3A_618 = tpu.memref_squeeze %dma_wait3A_617 : memref<1x16x256xf32, #tpu.memory_space<vmem>> -> memref<16x256xf32, #tpu.memory_space<vmem>>
        tpu.wait_dma2 semaphore(%run_scoped3A_591 : memref<!tpu.dma_semaphore, #tpu.memory_space<semaphore_mem>>) src(%dma_wait3A_618 : memref<16x256xf32, #tpu.memory_space<vmem>>) dst(%dma_wait3A_614 : memref<16x256xf32, #tpu.memory_space<vmem_shared>>)
        tpu.yield
      }) : () -> ()
      "tpu.region"() ({
        %run_scoped3A_591 = tpu.sem_alloc : memref<!tpu.dma_semaphore, #tpu.memory_space<semaphore_mem>>
        %dma_start3A_592 = arith.constant 0 : i32
        %dma_start3A_593 = arith.constant 0 : i32
        %dma_start3A_594 = tpu.memref_slice %arg13[%dma_start3A_592, %dma_start3A_593] : memref<384x16xf32, #tpu.memory_space<vmem>> -> memref<8x16xf32, #tpu.memory_space<vmem>>
        %dma_start3A_595 = arith.constant 320 : i32
        %dma_start3A_596 = arith.constant 0 : i32
        %dma_start3A_597 = tpu.memref_slice %arg20[%dma_start3A_595, %dma_start3A_596] : memref<328x16xf32, #tpu.memory_space<vmem_shared>> -> memref<8x16xf32, #tpu.memory_space<vmem_shared>>
        %dma_start3A_598 = arith.constant 320 : i32
        %dma_start3A_599 = arith.constant 0 : i32
        %dma_start3A_600 = tpu.memref_slice %arg20[%dma_start3A_598, %dma_start3A_599] : memref<328x16xf32, #tpu.memory_space<vmem_shared>> -> memref<8x16xf32, #tpu.memory_space<vmem_shared>>
        %dma_start3A_601 = arith.constant 0 : i32
        %dma_start3A_602 = arith.constant 0 : i32
        %dma_start3A_603 = tpu.memref_slice %arg13[%dma_start3A_601, %dma_start3A_602] : memref<384x16xf32, #tpu.memory_space<vmem>> -> memref<8x16xf32, #tpu.memory_space<vmem>>
        tpu.enqueue_dma source(%dma_start3A_603 : memref<8x16xf32, #tpu.memory_space<vmem>>) target(%dma_start3A_600 : memref<8x16xf32, #tpu.memory_space<vmem_shared>>) target_semaphore(%run_scoped3A_591 : memref<!tpu.dma_semaphore, #tpu.memory_space<semaphore_mem>>)
        %dma_wait3A = arith.constant 0 : i32
        %dma_wait3A_604 = arith.constant 0 : i32
        %dma_wait3A_605 = tpu.memref_slice %arg13[%dma_wait3A, %dma_wait3A_604] : memref<384x16xf32, #tpu.memory_space<vmem>> -> memref<8x16xf32, #tpu.memory_space<vmem>>
        %dma_wait3A_606 = arith.constant 320 : i32
        %dma_wait3A_607 = arith.constant 0 : i32
        %dma_wait3A_608 = tpu.memref_slice %arg20[%dma_wait3A_606, %dma_wait3A_607] : memref<328x16xf32, #tpu.memory_space<vmem_shared>> -> memref<8x16xf32, #tpu.memory_space<vmem_shared>>
        %dma_wait3A_609 = arith.constant 320 : i32
        %dma_wait3A_610 = arith.constant 0 : i32
        %dma_wait3A_611 = tpu.memref_slice %arg20[%dma_wait3A_609, %dma_wait3A_610] : memref<328x16xf32, #tpu.memory_space<vmem_shared>> -> memref<8x16xf32, #tpu.memory_space<vmem_shared>>
        %dma_wait3A_612 = arith.constant 0 : i32
        %dma_wait3A_613 = arith.constant 0 : i32
        %dma_wait3A_614 = tpu.memref_slice %arg13[%dma_wait3A_612, %dma_wait3A_613] : memref<384x16xf32, #tpu.memory_space<vmem>> -> memref<8x16xf32, #tpu.memory_space<vmem>>
        tpu.wait_dma2 semaphore(%run_scoped3A_591 : memref<!tpu.dma_semaphore, #tpu.memory_space<semaphore_mem>>) src(%dma_wait3A_614 : memref<8x16xf32, #tpu.memory_space<vmem>>) dst(%dma_wait3A_611 : memref<8x16xf32, #tpu.memory_space<vmem_shared>>)
        tpu.yield
      }) : () -> ()
    } else {
    }
    %mul3A_387 = arith.constant 160 : i32
    %mul3A_388 = arith.muli %arg1, %mul3A_387 : i32
    %dma_start3A = arith.constant 0 : i32
    %dma_start3A_389 = arith.constant 0 : i32
    %dma_start3A_390 = arith.constant 0 : i32
    %dma_start3A_391 = arith.constant 0 : i32
    %dma_start3A_392 = tpu.memref_slice %arg10[%dma_start3A, %dma_start3A_390, %dma_start3A_391] : memref<2x16x64xi32, #tpu.memory_space<vmem>> -> memref<1x16x64xi32, #tpu.memory_space<vmem>>
    %dma_start3A_393 = tpu.memref_squeeze %dma_start3A_392 : memref<1x16x64xi32, #tpu.memory_space<vmem>> -> memref<16x64xi32, #tpu.memory_space<vmem>>
    %dma_start3A_394 = arith.constant 0 : i32
    %dma_start3A_395 = tpu.memref_slice %arg3[%mul3A_388, %dma_start3A_394] : memref<2560x64xi32, #tpu.memory_space<hbm>> -> memref<16x64xi32, #tpu.memory_space<hbm>>
    %dma_start3A_396 = tpu.memref_slice %arg15[%dma_start3A_389] : memref<2x!tpu.dma_semaphore, #tpu.memory_space<semaphore_mem>> -> memref<1x!tpu.dma_semaphore, #tpu.memory_space<semaphore_mem>>
    %dma_start3A_397 = tpu.memref_squeeze %dma_start3A_396 : memref<1x!tpu.dma_semaphore, #tpu.memory_space<semaphore_mem>> -> memref<!tpu.dma_semaphore, #tpu.memory_space<semaphore_mem>>
    %dma_start3A_398 = arith.constant 0 : i32
    %dma_start3A_399 = arith.constant 0 : i32
    %dma_start3A_400 = tpu.memref_slice %arg10[%dma_start3A, %dma_start3A_398, %dma_start3A_399] : memref<2x16x64xi32, #tpu.memory_space<vmem>> -> memref<1x16x64xi32, #tpu.memory_space<vmem>>
    %dma_start3A_401 = tpu.memref_squeeze %dma_start3A_400 : memref<1x16x64xi32, #tpu.memory_space<vmem>> -> memref<16x64xi32, #tpu.memory_space<vmem>>
    %dma_start3A_402 = arith.constant 0 : i32
    %dma_start3A_403 = tpu.memref_slice %arg3[%mul3A_388, %dma_start3A_402] : memref<2560x64xi32, #tpu.memory_space<hbm>> -> memref<16x64xi32, #tpu.memory_space<hbm>>
    tpu.enqueue_dma source(%dma_start3A_403 : memref<16x64xi32, #tpu.memory_space<hbm>>) target(%dma_start3A_401 : memref<16x64xi32, #tpu.memory_space<vmem>>) target_semaphore(%dma_start3A_397 : memref<!tpu.dma_semaphore, #tpu.memory_space<semaphore_mem>>)
    %mul3A_404 = arith.constant 160 : i32
    %mul3A_405 = arith.muli %arg1, %mul3A_404 : i32
    %dma_start3A_406 = arith.constant 0 : i32
    %dma_start3A_407 = arith.constant 0 : i32
    %dma_start3A_408 = arith.constant 0 : i32
    %dma_start3A_409 = arith.constant 0 : i32
    %dma_start3A_410 = tpu.memref_slice %arg11[%dma_start3A_406, %dma_start3A_408, %dma_start3A_409] : memref<2x16x64xi32, #tpu.memory_space<vmem>> -> memref<1x16x64xi32, #tpu.memory_space<vmem>>
    %dma_start3A_411 = tpu.memref_squeeze %dma_start3A_410 : memref<1x16x64xi32, #tpu.memory_space<vmem>> -> memref<16x64xi32, #tpu.memory_space<vmem>>
    %dma_start3A_412 = arith.constant 0 : i32
    %dma_start3A_413 = tpu.memref_slice %arg4[%mul3A_405, %dma_start3A_412] : memref<2560x64xi32, #tpu.memory_space<hbm>> -> memref<16x64xi32, #tpu.memory_space<hbm>>
    %dma_start3A_414 = tpu.memref_slice %arg16[%dma_start3A_407] : memref<2x!tpu.dma_semaphore, #tpu.memory_space<semaphore_mem>> -> memref<1x!tpu.dma_semaphore, #tpu.memory_space<semaphore_mem>>
    %dma_start3A_415 = tpu.memref_squeeze %dma_start3A_414 : memref<1x!tpu.dma_semaphore, #tpu.memory_space<semaphore_mem>> -> memref<!tpu.dma_semaphore, #tpu.memory_space<semaphore_mem>>
    %dma_start3A_416 = arith.constant 0 : i32
    %dma_start3A_417 = arith.constant 0 : i32
    %dma_start3A_418 = tpu.memref_slice %arg11[%dma_start3A_406, %dma_start3A_416, %dma_start3A_417] : memref<2x16x64xi32, #tpu.memory_space<vmem>> -> memref<1x16x64xi32, #tpu.memory_space<vmem>>
    %dma_start3A_419 = tpu.memref_squeeze %dma_start3A_418 : memref<1x16x64xi32, #tpu.memory_space<vmem>> -> memref<16x64xi32, #tpu.memory_space<vmem>>
    %dma_start3A_420 = arith.constant 0 : i32
    %dma_start3A_421 = tpu.memref_slice %arg4[%mul3A_405, %dma_start3A_420] : memref<2560x64xi32, #tpu.memory_space<hbm>> -> memref<16x64xi32, #tpu.memory_space<hbm>>
    tpu.enqueue_dma source(%dma_start3A_421 : memref<16x64xi32, #tpu.memory_space<hbm>>) target(%dma_start3A_419 : memref<16x64xi32, #tpu.memory_space<vmem>>) target_semaphore(%dma_start3A_415 : memref<!tpu.dma_semaphore, #tpu.memory_space<semaphore_mem>>)
    %add3A_422 = arith.constant 5120 : i32
    %add3A_423 = arith.addi %add3A_422, %arg1 : i32
    %scan3A_424 = arith.constant 0 : i32
    %scan3A_425 = arith.constant 0 : i32
    %scan3A_426 = arith.constant 10 : i32
    %scan3A_427 = arith.addi %scan3A_425, %scan3A_426 : i32
    %scan3A_428 = arith.constant 1 : i32
    %scan3A_429 = scf.for %scan3A_590 = %scan3A_425 to %scan3A_427 step %scan3A_428 iter_args(%scan3A_591 = %scan3A_424) -> (i32)  : i32 {
      %jit3A_592 = arith.constant 2 : i32
      %eq3A_593 = arith.constant 0 : i32
      %eq3A_594 = arith.cmpi eq, %jit3A_592, %eq3A_593 : i32
      %jit3A_595 = arith.constant 1 : i32
      %select_n3A_596 = arith.select %eq3A_594, %jit3A_595, %jit3A_592 : i32
      %rem3A = arith.remsi %scan3A_590, %select_n3A_596 : i32
      %ne3A = arith.constant 0 : i32
      %ne3A_597 = arith.cmpi ne, %rem3A, %ne3A : i32
      %lt3A_598 = arith.constant 0 : i32
      %lt3A_599 = arith.cmpi slt, %rem3A, %lt3A_598 : i32
      %lt3A_600 = arith.constant 0 : i32
      %lt3A_601 = arith.cmpi slt, %select_n3A_596, %lt3A_600 : i32
      %ne3A_602 = arith.xori %lt3A_599, %lt3A_601 : i1
      %and3A_603 = arith.andi %ne3A_602, %ne3A_597 : i1
      %add3A_604 = arith.addi %rem3A, %select_n3A_596 : i32
      %select_n3A_605 = arith.select %and3A_603, %add3A_604, %rem3A : i32
      %mul3A_606 = arith.constant 160 : i32
      %mul3A_607 = arith.muli %arg1, %mul3A_606 : i32
      %mul3A_608 = arith.constant 16 : i32
      %mul3A_609 = arith.muli %scan3A_590, %mul3A_608 : i32
      %add3A_610 = arith.addi %mul3A_607, %mul3A_609 : i32
      %dma_wait3A = arith.constant 0 : i32
      %dma_wait3A_611 = arith.constant 0 : i32
      %dma_wait3A_612 = tpu.memref_slice %arg10[%select_n3A_605, %dma_wait3A, %dma_wait3A_611] : memref<2x16x64xi32, #tpu.memory_space<vmem>> -> memref<1x16x64xi32, #tpu.memory_space<vmem>>
      %dma_wait3A_613 = tpu.memref_squeeze %dma_wait3A_612 : memref<1x16x64xi32, #tpu.memory_space<vmem>> -> memref<16x64xi32, #tpu.memory_space<vmem>>
      %dma_wait3A_614 = arith.constant 0 : i32
      %dma_wait3A_615 = tpu.memref_slice %arg3[%add3A_610, %dma_wait3A_614] : memref<2560x64xi32, #tpu.memory_space<hbm>> -> memref<16x64xi32, #tpu.memory_space<hbm>>
      %dma_wait3A_616 = tpu.memref_slice %arg15[%select_n3A_605] : memref<2x!tpu.dma_semaphore, #tpu.memory_space<semaphore_mem>> -> memref<1x!tpu.dma_semaphore, #tpu.memory_space<semaphore_mem>>
      %dma_wait3A_617 = tpu.memref_squeeze %dma_wait3A_616 : memref<1x!tpu.dma_semaphore, #tpu.memory_space<semaphore_mem>> -> memref<!tpu.dma_semaphore, #tpu.memory_space<semaphore_mem>>
      %dma_wait3A_618 = arith.constant 0 : i32
      %dma_wait3A_619 = arith.constant 0 : i32
      %dma_wait3A_620 = tpu.memref_slice %arg10[%select_n3A_605, %dma_wait3A_618, %dma_wait3A_619] : memref<2x16x64xi32, #tpu.memory_space<vmem>> -> memref<1x16x64xi32, #tpu.memory_space<vmem>>
      %dma_wait3A_621 = tpu.memref_squeeze %dma_wait3A_620 : memref<1x16x64xi32, #tpu.memory_space<vmem>> -> memref<16x64xi32, #tpu.memory_space<vmem>>
      %dma_wait3A_622 = arith.constant 0 : i32
      %dma_wait3A_623 = tpu.memref_slice %arg3[%add3A_610, %dma_wait3A_622] : memref<2560x64xi32, #tpu.memory_space<hbm>> -> memref<16x64xi32, #tpu.memory_space<hbm>>
      tpu.wait_dma2 semaphore(%dma_wait3A_617 : memref<!tpu.dma_semaphore, #tpu.memory_space<semaphore_mem>>) src(%dma_wait3A_623 : memref<16x64xi32, #tpu.memory_space<hbm>>) dst(%dma_wait3A_621 : memref<16x64xi32, #tpu.memory_space<vmem>>)
      %mul3A_624 = arith.constant 160 : i32
      %mul3A_625 = arith.muli %arg1, %mul3A_624 : i32
      %mul3A_626 = arith.constant 16 : i32
      %mul3A_627 = arith.muli %scan3A_590, %mul3A_626 : i32
      %add3A_628 = arith.addi %mul3A_625, %mul3A_627 : i32
      %dma_wait3A_629 = arith.constant 0 : i32
      %dma_wait3A_630 = arith.constant 0 : i32
      %dma_wait3A_631 = tpu.memref_slice %arg11[%select_n3A_605, %dma_wait3A_629, %dma_wait3A_630] : memref<2x16x64xi32, #tpu.memory_space<vmem>> -> memref<1x16x64xi32, #tpu.memory_space<vmem>>
      %dma_wait3A_632 = tpu.memref_squeeze %dma_wait3A_631 : memref<1x16x64xi32, #tpu.memory_space<vmem>> -> memref<16x64xi32, #tpu.memory_space<vmem>>
      %dma_wait3A_633 = arith.constant 0 : i32
      %dma_wait3A_634 = tpu.memref_slice %arg4[%add3A_628, %dma_wait3A_633] : memref<2560x64xi32, #tpu.memory_space<hbm>> -> memref<16x64xi32, #tpu.memory_space<hbm>>
      %dma_wait3A_635 = tpu.memref_slice %arg16[%select_n3A_605] : memref<2x!tpu.dma_semaphore, #tpu.memory_space<semaphore_mem>> -> memref<1x!tpu.dma_semaphore, #tpu.memory_space<semaphore_mem>>
      %dma_wait3A_636 = tpu.memref_squeeze %dma_wait3A_635 : memref<1x!tpu.dma_semaphore, #tpu.memory_space<semaphore_mem>> -> memref<!tpu.dma_semaphore, #tpu.memory_space<semaphore_mem>>
      %dma_wait3A_637 = arith.constant 0 : i32
      %dma_wait3A_638 = arith.constant 0 : i32
      %dma_wait3A_639 = tpu.memref_slice %arg11[%select_n3A_605, %dma_wait3A_637, %dma_wait3A_638] : memref<2x16x64xi32, #tpu.memory_space<vmem>> -> memref<1x16x64xi32, #tpu.memory_space<vmem>>
      %dma_wait3A_640 = tpu.memref_squeeze %dma_wait3A_639 : memref<1x16x64xi32, #tpu.memory_space<vmem>> -> memref<16x64xi32, #tpu.memory_space<vmem>>
      %dma_wait3A_641 = arith.constant 0 : i32
      %dma_wait3A_642 = tpu.memref_slice %arg4[%add3A_628, %dma_wait3A_641] : memref<2560x64xi32, #tpu.memory_space<hbm>> -> memref<16x64xi32, #tpu.memory_space<hbm>>
      tpu.wait_dma2 semaphore(%dma_wait3A_636 : memref<!tpu.dma_semaphore, #tpu.memory_space<semaphore_mem>>) src(%dma_wait3A_642 : memref<16x64xi32, #tpu.memory_space<hbm>>) dst(%dma_wait3A_640 : memref<16x64xi32, #tpu.memory_space<vmem>>)
      %add3A_643 = arith.constant 1 : i32
      %add3A_644 = arith.addi %scan3A_590, %add3A_643 : i32
      %lt3A_645 = arith.constant 10 : i32
      %lt3A_646 = arith.cmpi slt, %add3A_644, %lt3A_645 : i32
      %convert_element_type3A_647 = arith.extui %lt3A_646 : i1 to i32
      %cond3A_648 = arith.constant 0 : i32
      %cond3A_649 = arith.cmpi ne, %convert_element_type3A_647, %cond3A_648 : i32
      scf.if %cond3A_649 {
        %add3A_656 = arith.constant 1 : i32
        %add3A_657 = arith.addi %scan3A_590, %add3A_656 : i32
        %mul3A_658 = arith.constant 160 : i32
        %mul3A_659 = arith.muli %arg1, %mul3A_658 : i32
        %mul3A_660 = arith.constant 16 : i32
        %mul3A_661 = arith.muli %add3A_657, %mul3A_660 : i32
        %add3A_662 = arith.addi %mul3A_659, %mul3A_661 : i32
        %sub3A = arith.constant 1 : i32
        %sub3A_663 = arith.subi %sub3A, %select_n3A_605 : i32
        %sub3A_664 = arith.constant 1 : i32
        %sub3A_665 = arith.subi %sub3A_664, %select_n3A_605 : i32
        %dma_start3A_666 = arith.constant 0 : i32
        %dma_start3A_667 = arith.constant 0 : i32
        %dma_start3A_668 = tpu.memref_slice %arg10[%sub3A_663, %dma_start3A_666, %dma_start3A_667] : memref<2x16x64xi32, #tpu.memory_space<vmem>> -> memref<1x16x64xi32, #tpu.memory_space<vmem>>
        %dma_start3A_669 = tpu.memref_squeeze %dma_start3A_668 : memref<1x16x64xi32, #tpu.memory_space<vmem>> -> memref<16x64xi32, #tpu.memory_space<vmem>>
        %dma_start3A_670 = arith.constant 0 : i32
        %dma_start3A_671 = tpu.memref_slice %arg3[%add3A_662, %dma_start3A_670] : memref<2560x64xi32, #tpu.memory_space<hbm>> -> memref<16x64xi32, #tpu.memory_space<hbm>>
        %dma_start3A_672 = tpu.memref_slice %arg15[%sub3A_665] : memref<2x!tpu.dma_semaphore, #tpu.memory_space<semaphore_mem>> -> memref<1x!tpu.dma_semaphore, #tpu.memory_space<semaphore_mem>>
        %dma_start3A_673 = tpu.memref_squeeze %dma_start3A_672 : memref<1x!tpu.dma_semaphore, #tpu.memory_space<semaphore_mem>> -> memref<!tpu.dma_semaphore, #tpu.memory_space<semaphore_mem>>
        %dma_start3A_674 = arith.constant 0 : i32
        %dma_start3A_675 = arith.constant 0 : i32
        %dma_start3A_676 = tpu.memref_slice %arg10[%sub3A_663, %dma_start3A_674, %dma_start3A_675] : memref<2x16x64xi32, #tpu.memory_space<vmem>> -> memref<1x16x64xi32, #tpu.memory_space<vmem>>
        %dma_start3A_677 = tpu.memref_squeeze %dma_start3A_676 : memref<1x16x64xi32, #tpu.memory_space<vmem>> -> memref<16x64xi32, #tpu.memory_space<vmem>>
        %dma_start3A_678 = arith.constant 0 : i32
        %dma_start3A_679 = tpu.memref_slice %arg3[%add3A_662, %dma_start3A_678] : memref<2560x64xi32, #tpu.memory_space<hbm>> -> memref<16x64xi32, #tpu.memory_space<hbm>>
        tpu.enqueue_dma source(%dma_start3A_679 : memref<16x64xi32, #tpu.memory_space<hbm>>) target(%dma_start3A_677 : memref<16x64xi32, #tpu.memory_space<vmem>>) target_semaphore(%dma_start3A_673 : memref<!tpu.dma_semaphore, #tpu.memory_space<semaphore_mem>>)
        %mul3A_680 = arith.constant 160 : i32
        %mul3A_681 = arith.muli %arg1, %mul3A_680 : i32
        %mul3A_682 = arith.constant 16 : i32
        %mul3A_683 = arith.muli %add3A_657, %mul3A_682 : i32
        %add3A_684 = arith.addi %mul3A_681, %mul3A_683 : i32
        %sub3A_685 = arith.constant 1 : i32
        %sub3A_686 = arith.subi %sub3A_685, %select_n3A_605 : i32
        %sub3A_687 = arith.constant 1 : i32
        %sub3A_688 = arith.subi %sub3A_687, %select_n3A_605 : i32
        %dma_start3A_689 = arith.constant 0 : i32
        %dma_start3A_690 = arith.constant 0 : i32
        %dma_start3A_691 = tpu.memref_slice %arg11[%sub3A_686, %dma_start3A_689, %dma_start3A_690] : memref<2x16x64xi32, #tpu.memory_space<vmem>> -> memref<1x16x64xi32, #tpu.memory_space<vmem>>
        %dma_start3A_692 = tpu.memref_squeeze %dma_start3A_691 : memref<1x16x64xi32, #tpu.memory_space<vmem>> -> memref<16x64xi32, #tpu.memory_space<vmem>>
        %dma_start3A_693 = arith.constant 0 : i32
        %dma_start3A_694 = tpu.memref_slice %arg4[%add3A_684, %dma_start3A_693] : memref<2560x64xi32, #tpu.memory_space<hbm>> -> memref<16x64xi32, #tpu.memory_space<hbm>>
        %dma_start3A_695 = tpu.memref_slice %arg16[%sub3A_688] : memref<2x!tpu.dma_semaphore, #tpu.memory_space<semaphore_mem>> -> memref<1x!tpu.dma_semaphore, #tpu.memory_space<semaphore_mem>>
        %dma_start3A_696 = tpu.memref_squeeze %dma_start3A_695 : memref<1x!tpu.dma_semaphore, #tpu.memory_space<semaphore_mem>> -> memref<!tpu.dma_semaphore, #tpu.memory_space<semaphore_mem>>
        %dma_start3A_697 = arith.constant 0 : i32
        %dma_start3A_698 = arith.constant 0 : i32
        %dma_start3A_699 = tpu.memref_slice %arg11[%sub3A_686, %dma_start3A_697, %dma_start3A_698] : memref<2x16x64xi32, #tpu.memory_space<vmem>> -> memref<1x16x64xi32, #tpu.memory_space<vmem>>
        %dma_start3A_700 = tpu.memref_squeeze %dma_start3A_699 : memref<1x16x64xi32, #tpu.memory_space<vmem>> -> memref<16x64xi32, #tpu.memory_space<vmem>>
        %dma_start3A_701 = arith.constant 0 : i32
        %dma_start3A_702 = tpu.memref_slice %arg4[%add3A_684, %dma_start3A_701] : memref<2560x64xi32, #tpu.memory_space<hbm>> -> memref<16x64xi32, #tpu.memory_space<hbm>>
        tpu.enqueue_dma source(%dma_start3A_702 : memref<16x64xi32, #tpu.memory_space<hbm>>) target(%dma_start3A_700 : memref<16x64xi32, #tpu.memory_space<vmem>>) target_semaphore(%dma_start3A_696 : memref<!tpu.dma_semaphore, #tpu.memory_space<semaphore_mem>>)
      } else {
      }
      %scan3A_650 = arith.constant 0 : i32
      %scan3A_651 = arith.constant 16 : i32
      %scan3A_652 = arith.addi %scan3A_650, %scan3A_651 : i32
      %scan3A_653 = arith.constant 1 : i32
      %scan3A_654 = scf.for %scan3A_656 = %scan3A_650 to %scan3A_652 step %scan3A_653 iter_args(%scan3A_657 = %scan3A_591) -> (i32)  : i32 {
        %get3A_658 = arith.index_cast %select_n3A_605 : i32 to index
        %get3A_659 = arith.index_cast %scan3A_656 : i32 to index
        %get3A_660 = arith.constant 0 : index
        %get3A_661 = tpu.vector_load %arg10[%get3A_658, %get3A_659, %get3A_660] {strides = array<i32>} : memref<2x16x64xi32, #tpu.memory_space<vmem>>, vector<16xi32>,
        %get3A_662 = arith.index_cast %select_n3A_605 : i32 to index
        %get3A_663 = arith.index_cast %scan3A_656 : i32 to index
        %get3A_664 = arith.constant 0 : index
        %get3A_665 = tpu.vector_load %arg11[%get3A_662, %get3A_663, %get3A_664] {strides = array<i32>} : memref<2x16x64xi32, #tpu.memory_space<vmem>>, vector<16xi32>,
        %sub3A = vector.broadcast %mul3A_0 : i32 to vector<16xi32>
        %sub3A_666 = arith.subi %get3A_665, %sub3A : vector<16xi32>
        %ge3A = arith.constant 0 : i32
        %ge3A_667 = vector.broadcast %ge3A : i32 to vector<16xi32>
        %ge3A_668 = arith.cmpi sge, %sub3A_666, %ge3A_667 : vector<16xi32>
        %lt3A_669 = arith.constant 5120 : i32
        %lt3A_670 = vector.broadcast %lt3A_669 : i32 to vector<16xi32>
        %lt3A_671 = arith.cmpi slt, %sub3A_666, %lt3A_670 : vector<16xi32>
        %and3A_672 = arith.andi %ge3A_668, %lt3A_671 : vector<16xi1>
        %jit3A_673 = arith.constant 0 : i32
        %broadcast_in_dim3A_674 = vector.broadcast %jit3A_673 : i32 to vector<16xi32>
        %select_n3A_675 = arith.select %and3A_672, %sub3A_666, %broadcast_in_dim3A_674 : vector<16xi1>, vector<16xi32>
        %shift_right_logical3A_676 = arith.constant 4 : i32
        %shift_right_logical3A_677 = vector.broadcast %shift_right_logical3A_676 : i32 to vector<16xi32>
        %shift_right_logical3A_678 = arith.shrui %select_n3A_675, %shift_right_logical3A_677 : vector<16xi32>
        %and3A_679 = arith.constant 15 : i32
        %and3A_680 = vector.broadcast %and3A_679 : i32 to vector<16xi32>
        %and3A_681 = arith.andi %select_n3A_675, %and3A_680 : vector<16xi32>
        tpu.vector_store_idx %arg13[%shift_right_logical3A_678, %and3A_681], %broadcast_in_dim3A_3 masked %and3A_672 {add = true} : memref<384x16xf32, #tpu.memory_space<vmem>>[vector<16xi32>, vector<16xi32>], vector<16xf32>, vector<16xi1>
        %shift_left3A_682 = arith.constant 14 : i32
        %shift_left3A_683 = vector.broadcast %shift_left3A_682 : i32 to vector<16xi32>
        %shift_left3A_684 = arith.shli %sub3A_666, %shift_left3A_683 : vector<16xi32>
        %or3A_685 = arith.ori %get3A_661, %shift_left3A_684 : vector<16xi32>
        %swap3A_686 = arith.index_cast %scan3A_657 : i32 to index
        %swap3A_687 = tpu.vector_load %arg7[%swap3A_686] masked %and3A_672 {strides = array<i32>} : memref<10288xi32, #tpu.memory_space<vmem>>, vector<16xi32>, vector<16xi1>
        tpu.vector_store %arg7[%swap3A_686], %or3A_685 masked %and3A_672 {strides = array<i32>} : memref<10288xi32, #tpu.memory_space<vmem>>, vector<16xi32>, vector<16xi1>
        %convert_element_type3A_688 = arith.extui %and3A_672 : vector<16xi1> to vector<16xi32>
        %reduce_sum3A = arith.constant true
        %reduce_sum3A_689 = vector.broadcast %reduce_sum3A : i1 to vector<16xi1>
        %reduce_sum3A_690 = tpu.scan <sum>, %convert_element_type3A_688 masked %reduce_sum3A_689 : vector<16xi32>, vector<16xi1> -> vector<16xi32>
        %reduce_sum3A_691 = vector.extract %reduce_sum3A_690[15] : i32 from vector<16xi32>
        %add3A_692 = arith.addi %scan3A_657, %reduce_sum3A_691 : i32
        %get3A_693 = arith.index_cast %select_n3A_605 : i32 to index
        %get3A_694 = arith.index_cast %scan3A_656 : i32 to index
        %get3A_695 = arith.constant 16 : index
        %get3A_696 = tpu.vector_load %arg10[%get3A_693, %get3A_694, %get3A_695] {strides = array<i32>} : memref<2x16x64xi32, #tpu.memory_space<vmem>>, vector<16xi32>,
        %get3A_697 = arith.index_cast %select_n3A_605 : i32 to index
        %get3A_698 = arith.index_cast %scan3A_656 : i32 to index
        %get3A_699 = arith.constant 16 : index
        %get3A_700 = tpu.vector_load %arg11[%get3A_697, %get3A_698, %get3A_699] {strides = array<i32>} : memref<2x16x64xi32, #tpu.memory_space<vmem>>, vector<16xi32>,
        %sub3A_701 = vector.broadcast %mul3A_0 : i32 to vector<16xi32>
        %sub3A_702 = arith.subi %get3A_700, %sub3A_701 : vector<16xi32>
        %ge3A_703 = arith.constant 0 : i32
        %ge3A_704 = vector.broadcast %ge3A_703 : i32 to vector<16xi32>
        %ge3A_705 = arith.cmpi sge, %sub3A_702, %ge3A_704 : vector<16xi32>
        %lt3A_706 = arith.constant 5120 : i32
        %lt3A_707 = vector.broadcast %lt3A_706 : i32 to vector<16xi32>
        %lt3A_708 = arith.cmpi slt, %sub3A_702, %lt3A_707 : vector<16xi32>
        %and3A_709 = arith.andi %ge3A_705, %lt3A_708 : vector<16xi1>
        %jit3A_710 = arith.constant 0 : i32
        %broadcast_in_dim3A_711 = vector.broadcast %jit3A_710 : i32 to vector<16xi32>
        %select_n3A_712 = arith.select %and3A_709, %sub3A_702, %broadcast_in_dim3A_711 : vector<16xi1>, vector<16xi32>
        %shift_right_logical3A_713 = arith.constant 4 : i32
        %shift_right_logical3A_714 = vector.broadcast %shift_right_logical3A_713 : i32 to vector<16xi32>
        %shift_right_logical3A_715 = arith.shrui %select_n3A_712, %shift_right_logical3A_714 : vector<16xi32>
        %and3A_716 = arith.constant 15 : i32
        %and3A_717 = vector.broadcast %and3A_716 : i32 to vector<16xi32>
        %and3A_718 = arith.andi %select_n3A_712, %and3A_717 : vector<16xi32>
        tpu.vector_store_idx %arg13[%shift_right_logical3A_715, %and3A_718], %broadcast_in_dim3A_3 masked %and3A_709 {add = true} : memref<384x16xf32, #tpu.memory_space<vmem>>[vector<16xi32>, vector<16xi32>], vector<16xf32>, vector<16xi1>
        %shift_left3A_719 = arith.constant 14 : i32
        %shift_left3A_720 = vector.broadcast %shift_left3A_719 : i32 to vector<16xi32>
        %shift_left3A_721 = arith.shli %sub3A_702, %shift_left3A_720 : vector<16xi32>
        %or3A_722 = arith.ori %get3A_696, %shift_left3A_721 : vector<16xi32>
        %swap3A_723 = arith.index_cast %add3A_692 : i32 to index
        %swap3A_724 = tpu.vector_load %arg7[%swap3A_723] masked %and3A_709 {strides = array<i32>} : memref<10288xi32, #tpu.memory_space<vmem>>, vector<16xi32>, vector<16xi1>
        tpu.vector_store %arg7[%swap3A_723], %or3A_722 masked %and3A_709 {strides = array<i32>} : memref<10288xi32, #tpu.memory_space<vmem>>, vector<16xi32>, vector<16xi1>
        %convert_element_type3A_725 = arith.extui %and3A_709 : vector<16xi1> to vector<16xi32>
        %reduce_sum3A_726 = arith.constant true
        %reduce_sum3A_727 = vector.broadcast %reduce_sum3A_726 : i1 to vector<16xi1>
        %reduce_sum3A_728 = tpu.scan <sum>, %convert_element_type3A_725 masked %reduce_sum3A_727 : vector<16xi32>, vector<16xi1> -> vector<16xi32>
        %reduce_sum3A_729 = vector.extract %reduce_sum3A_728[15] : i32 from vector<16xi32>
        %add3A_730 = arith.addi %add3A_692, %reduce_sum3A_729 : i32
        %get3A_731 = arith.index_cast %select_n3A_605 : i32 to index
        %get3A_732 = arith.index_cast %scan3A_656 : i32 to index
        %get3A_733 = arith.constant 32 : index
        %get3A_734 = tpu.vector_load %arg10[%get3A_731, %get3A_732, %get3A_733] {strides = array<i32>} : memref<2x16x64xi32, #tpu.memory_space<vmem>>, vector<16xi32>,
        %get3A_735 = arith.index_cast %select_n3A_605 : i32 to index
        %get3A_736 = arith.index_cast %scan3A_656 : i32 to index
        %get3A_737 = arith.constant 32 : index
        %get3A_738 = tpu.vector_load %arg11[%get3A_735, %get3A_736, %get3A_737] {strides = array<i32>} : memref<2x16x64xi32, #tpu.memory_space<vmem>>, vector<16xi32>,
        %sub3A_739 = vector.broadcast %mul3A_0 : i32 to vector<16xi32>
        %sub3A_740 = arith.subi %get3A_738, %sub3A_739 : vector<16xi32>
        %ge3A_741 = arith.constant 0 : i32
        %ge3A_742 = vector.broadcast %ge3A_741 : i32 to vector<16xi32>
        %ge3A_743 = arith.cmpi sge, %sub3A_740, %ge3A_742 : vector<16xi32>
        %lt3A_744 = arith.constant 5120 : i32
        %lt3A_745 = vector.broadcast %lt3A_744 : i32 to vector<16xi32>
        %lt3A_746 = arith.cmpi slt, %sub3A_740, %lt3A_745 : vector<16xi32>
        %and3A_747 = arith.andi %ge3A_743, %lt3A_746 : vector<16xi1>
        %jit3A_748 = arith.constant 0 : i32
        %broadcast_in_dim3A_749 = vector.broadcast %jit3A_748 : i32 to vector<16xi32>
        %select_n3A_750 = arith.select %and3A_747, %sub3A_740, %broadcast_in_dim3A_749 : vector<16xi1>, vector<16xi32>
        %shift_right_logical3A_751 = arith.constant 4 : i32
        %shift_right_logical3A_752 = vector.broadcast %shift_right_logical3A_751 : i32 to vector<16xi32>
        %shift_right_logical3A_753 = arith.shrui %select_n3A_750, %shift_right_logical3A_752 : vector<16xi32>
        %and3A_754 = arith.constant 15 : i32
        %and3A_755 = vector.broadcast %and3A_754 : i32 to vector<16xi32>
        %and3A_756 = arith.andi %select_n3A_750, %and3A_755 : vector<16xi32>
        tpu.vector_store_idx %arg13[%shift_right_logical3A_753, %and3A_756], %broadcast_in_dim3A_3 masked %and3A_747 {add = true} : memref<384x16xf32, #tpu.memory_space<vmem>>[vector<16xi32>, vector<16xi32>], vector<16xf32>, vector<16xi1>
        %shift_left3A_757 = arith.constant 14 : i32
        %shift_left3A_758 = vector.broadcast %shift_left3A_757 : i32 to vector<16xi32>
        %shift_left3A_759 = arith.shli %sub3A_740, %shift_left3A_758 : vector<16xi32>
        %or3A_760 = arith.ori %get3A_734, %shift_left3A_759 : vector<16xi32>
        %swap3A_761 = arith.index_cast %add3A_730 : i32 to index
        %swap3A_762 = tpu.vector_load %arg7[%swap3A_761] masked %and3A_747 {strides = array<i32>} : memref<10288xi32, #tpu.memory_space<vmem>>, vector<16xi32>, vector<16xi1>
        tpu.vector_store %arg7[%swap3A_761], %or3A_760 masked %and3A_747 {strides = array<i32>} : memref<10288xi32, #tpu.memory_space<vmem>>, vector<16xi32>, vector<16xi1>
        %convert_element_type3A_763 = arith.extui %and3A_747 : vector<16xi1> to vector<16xi32>
        %reduce_sum3A_764 = arith.constant true
        %reduce_sum3A_765 = vector.broadcast %reduce_sum3A_764 : i1 to vector<16xi1>
        %reduce_sum3A_766 = tpu.scan <sum>, %convert_element_type3A_763 masked %reduce_sum3A_765 : vector<16xi32>, vector<16xi1> -> vector<16xi32>
        %reduce_sum3A_767 = vector.extract %reduce_sum3A_766[15] : i32 from vector<16xi32>
        %add3A_768 = arith.addi %add3A_730, %reduce_sum3A_767 : i32
        %get3A_769 = arith.index_cast %select_n3A_605 : i32 to index
        %get3A_770 = arith.index_cast %scan3A_656 : i32 to index
        %get3A_771 = arith.constant 48 : index
        %get3A_772 = tpu.vector_load %arg10[%get3A_769, %get3A_770, %get3A_771] {strides = array<i32>} : memref<2x16x64xi32, #tpu.memory_space<vmem>>, vector<16xi32>,
        %get3A_773 = arith.index_cast %select_n3A_605 : i32 to index
        %get3A_774 = arith.index_cast %scan3A_656 : i32 to index
        %get3A_775 = arith.constant 48 : index
        %get3A_776 = tpu.vector_load %arg11[%get3A_773, %get3A_774, %get3A_775] {strides = array<i32>} : memref<2x16x64xi32, #tpu.memory_space<vmem>>, vector<16xi32>,
        %sub3A_777 = vector.broadcast %mul3A_0 : i32 to vector<16xi32>
        %sub3A_778 = arith.subi %get3A_776, %sub3A_777 : vector<16xi32>
        %ge3A_779 = arith.constant 0 : i32
        %ge3A_780 = vector.broadcast %ge3A_779 : i32 to vector<16xi32>
        %ge3A_781 = arith.cmpi sge, %sub3A_778, %ge3A_780 : vector<16xi32>
        %lt3A_782 = arith.constant 5120 : i32
        %lt3A_783 = vector.broadcast %lt3A_782 : i32 to vector<16xi32>
        %lt3A_784 = arith.cmpi slt, %sub3A_778, %lt3A_783 : vector<16xi32>
        %and3A_785 = arith.andi %ge3A_781, %lt3A_784 : vector<16xi1>
        %jit3A_786 = arith.constant 0 : i32
        %broadcast_in_dim3A_787 = vector.broadcast %jit3A_786 : i32 to vector<16xi32>
        %select_n3A_788 = arith.select %and3A_785, %sub3A_778, %broadcast_in_dim3A_787 : vector<16xi1>, vector<16xi32>
        %shift_right_logical3A_789 = arith.constant 4 : i32
        %shift_right_logical3A_790 = vector.broadcast %shift_right_logical3A_789 : i32 to vector<16xi32>
        %shift_right_logical3A_791 = arith.shrui %select_n3A_788, %shift_right_logical3A_790 : vector<16xi32>
        %and3A_792 = arith.constant 15 : i32
        %and3A_793 = vector.broadcast %and3A_792 : i32 to vector<16xi32>
        %and3A_794 = arith.andi %select_n3A_788, %and3A_793 : vector<16xi32>
        tpu.vector_store_idx %arg13[%shift_right_logical3A_791, %and3A_794], %broadcast_in_dim3A_3 masked %and3A_785 {add = true} : memref<384x16xf32, #tpu.memory_space<vmem>>[vector<16xi32>, vector<16xi32>], vector<16xf32>, vector<16xi1>
        %shift_left3A_795 = arith.constant 14 : i32
        %shift_left3A_796 = vector.broadcast %shift_left3A_795 : i32 to vector<16xi32>
        %shift_left3A_797 = arith.shli %sub3A_778, %shift_left3A_796 : vector<16xi32>
        %or3A_798 = arith.ori %get3A_772, %shift_left3A_797 : vector<16xi32>
        %swap3A_799 = arith.index_cast %add3A_768 : i32 to index
        %swap3A_800 = tpu.vector_load %arg7[%swap3A_799] masked %and3A_785 {strides = array<i32>} : memref<10288xi32, #tpu.memory_space<vmem>>, vector<16xi32>, vector<16xi1>
        tpu.vector_store %arg7[%swap3A_799], %or3A_798 masked %and3A_785 {strides = array<i32>} : memref<10288xi32, #tpu.memory_space<vmem>>, vector<16xi32>, vector<16xi1>
        %convert_element_type3A_801 = arith.extui %and3A_785 : vector<16xi1> to vector<16xi32>
        %reduce_sum3A_802 = arith.constant true
        %reduce_sum3A_803 = vector.broadcast %reduce_sum3A_802 : i1 to vector<16xi1>
        %reduce_sum3A_804 = tpu.scan <sum>, %convert_element_type3A_801 masked %reduce_sum3A_803 : vector<16xi32>, vector<16xi1> -> vector<16xi32>
        %reduce_sum3A_805 = vector.extract %reduce_sum3A_804[15] : i32 from vector<16xi32>
        %add3A_806 = arith.addi %add3A_768, %reduce_sum3A_805 : i32
        scf.yield %add3A_806 : i32
      }
      %scan3A_655 = arith.constant 16 : i32
      scf.yield %scan3A_654 : i32
    }
    %scan3A_430 = arith.constant 10 : i32
    %broadcast_in_dim3A_431 = arith.constant 0 : i32
    %broadcast_in_dim3A_432 = vector.broadcast %broadcast_in_dim3A_431 : i32 to vector<16xi32>
    %shift_left3A = arith.constant 14 : i32
    %shift_left3A_433 = arith.shli %add3A_423, %shift_left3A : i32
    %or3A = vector.broadcast %shift_left3A_433 : i32 to vector<16xi32>
    %or3A_434 = arith.ori %broadcast_in_dim3A_432, %or3A : vector<16xi32>
    %add3A_435 = arith.constant 0 : i32
    %add3A_436 = arith.addi %scan3A_429, %add3A_435 : i32
    %swap3A_437 = arith.index_cast %add3A_436 : i32 to index
    %swap3A_438 = tpu.vector_load %arg7[%swap3A_437] {strides = array<i32>} : memref<10288xi32, #tpu.memory_space<vmem>>, vector<16xi32>,
    tpu.vector_store %arg7[%swap3A_437], %or3A_434 {strides = array<i32>} : memref<10288xi32, #tpu.memory_space<vmem>>, vector<16xi32>,
    %broadcast_in_dim3A_439 = arith.constant 0 : i32
    %broadcast_in_dim3A_440 = vector.broadcast %broadcast_in_dim3A_439 : i32 to vector<16xi32>
    %shift_left3A_441 = arith.constant 14 : i32
    %shift_left3A_442 = arith.shli %add3A_423, %shift_left3A_441 : i32
    %or3A_443 = vector.broadcast %shift_left3A_442 : i32 to vector<16xi32>
    %or3A_444 = arith.ori %broadcast_in_dim3A_440, %or3A_443 : vector<16xi32>
    %add3A_445 = arith.constant 16 : i32
    %add3A_446 = arith.addi %scan3A_429, %add3A_445 : i32
    %swap3A_447 = arith.index_cast %add3A_446 : i32 to index
    %swap3A_448 = tpu.vector_load %arg7[%swap3A_447] {strides = array<i32>} : memref<10288xi32, #tpu.memory_space<vmem>>, vector<16xi32>,
    tpu.vector_store %arg7[%swap3A_447], %or3A_444 {strides = array<i32>} : memref<10288xi32, #tpu.memory_space<vmem>>, vector<16xi32>,
    %broadcast_in_dim3A_449 = arith.constant 0 : i32
    %broadcast_in_dim3A_450 = vector.broadcast %broadcast_in_dim3A_449 : i32 to vector<16xi32>
    %shift_left3A_451 = arith.constant 14 : i32
    %shift_left3A_452 = arith.shli %add3A_423, %shift_left3A_451 : i32
    %or3A_453 = vector.broadcast %shift_left3A_452 : i32 to vector<16xi32>
    %or3A_454 = arith.ori %broadcast_in_dim3A_450, %or3A_453 : vector<16xi32>
    %add3A_455 = arith.constant 32 : i32
    %add3A_456 = arith.addi %scan3A_429, %add3A_455 : i32
    %swap3A_457 = arith.index_cast %add3A_456 : i32 to index
    %swap3A_458 = tpu.vector_load %arg7[%swap3A_457] {strides = array<i32>} : memref<10288xi32, #tpu.memory_space<vmem>>, vector<16xi32>,
    tpu.vector_store %arg7[%swap3A_457], %or3A_454 {strides = array<i32>} : memref<10288xi32, #tpu.memory_space<vmem>>, vector<16xi32>,
    %add3A_459 = arith.constant 47 : i32
    %add3A_460 = arith.addi %scan3A_429, %add3A_459 : i32
    %div3A = arith.constant 48 : i32
    %div3A_461 = arith.divsi %add3A_460, %div3A : i32
    %barrier3A = arith.constant 0 : index
    tpu.barrier barrier_id(%barrier3A)
    %max3A = arith.constant 1 : i32
    %max3A_462 = arith.maxsi %div3A_461, %max3A : i32
    %get3A = arith.constant 0 : index
    %get3A_463 = tpu.vector_load %arg7[%get3A] {strides = array<i32>} : memref<10288xi32, #tpu.memory_space<vmem>>, vector<16xi32>,
    %and3A = arith.constant 16383 : i32
    %and3A_464 = vector.broadcast %and3A : i32 to vector<16xi32>
    %and3A_465 = arith.andi %get3A_463, %and3A_464 : vector<16xi32>
    %swap3A_466 = arith.constant 0 : i32
    %swap3A_467 = arith.index_cast %swap3A_466 : i32 to index
    %swap3A_468 = arith.constant 0 : index
    %swap3A_469 = tpu.vector_load %arg8[%swap3A_467, %swap3A_468] {strides = array<i32>} : memref<2x48xi32, #tpu.memory_space<vmem>>, vector<16xi32>,
    tpu.vector_store %arg8[%swap3A_467, %swap3A_468], %and3A_465 {strides = array<i32>} : memref<2x48xi32, #tpu.memory_space<vmem>>, vector<16xi32>,
    %shift_right_logical3A = arith.constant 14 : i32
    %shift_right_logical3A_470 = vector.broadcast %shift_right_logical3A : i32 to vector<16xi32>
    %shift_right_logical3A_471 = arith.shrui %get3A_463, %shift_right_logical3A_470 : vector<16xi32>
    %swap3A_472 = arith.constant 0 : i32
    %swap3A_473 = arith.index_cast %swap3A_472 : i32 to index
    %swap3A_474 = arith.constant 0 : index
    %swap3A_475 = tpu.vector_load %arg9[%swap3A_473, %swap3A_474] {strides = array<i32>} : memref<2x48xi32, #tpu.memory_space<vmem>>, vector<16xi32>,
    tpu.vector_store %arg9[%swap3A_473, %swap3A_474], %shift_right_logical3A_471 {strides = array<i32>} : memref<2x48xi32, #tpu.memory_space<vmem>>, vector<16xi32>,
    %get3A_476 = arith.constant 16 : index
    %get3A_477 = tpu.vector_load %arg7[%get3A_476] {strides = array<i32>} : memref<10288xi32, #tpu.memory_space<vmem>>, vector<16xi32>,
    %and3A_478 = arith.constant 16383 : i32
    %and3A_479 = vector.broadcast %and3A_478 : i32 to vector<16xi32>
    %and3A_480 = arith.andi %get3A_477, %and3A_479 : vector<16xi32>
    %swap3A_481 = arith.constant 0 : i32
    %swap3A_482 = arith.index_cast %swap3A_481 : i32 to index
    %swap3A_483 = arith.constant 16 : index
    %swap3A_484 = tpu.vector_load %arg8[%swap3A_482, %swap3A_483] {strides = array<i32>} : memref<2x48xi32, #tpu.memory_space<vmem>>, vector<16xi32>,
    tpu.vector_store %arg8[%swap3A_482, %swap3A_483], %and3A_480 {strides = array<i32>} : memref<2x48xi32, #tpu.memory_space<vmem>>, vector<16xi32>,
    %shift_right_logical3A_485 = arith.constant 14 : i32
    %shift_right_logical3A_486 = vector.broadcast %shift_right_logical3A_485 : i32 to vector<16xi32>
    %shift_right_logical3A_487 = arith.shrui %get3A_477, %shift_right_logical3A_486 : vector<16xi32>
    %swap3A_488 = arith.constant 0 : i32
    %swap3A_489 = arith.index_cast %swap3A_488 : i32 to index
    %swap3A_490 = arith.constant 16 : index
    %swap3A_491 = tpu.vector_load %arg9[%swap3A_489, %swap3A_490] {strides = array<i32>} : memref<2x48xi32, #tpu.memory_space<vmem>>, vector<16xi32>,
    tpu.vector_store %arg9[%swap3A_489, %swap3A_490], %shift_right_logical3A_487 {strides = array<i32>} : memref<2x48xi32, #tpu.memory_space<vmem>>, vector<16xi32>,
    %get3A_492 = arith.constant 32 : index
    %get3A_493 = tpu.vector_load %arg7[%get3A_492] {strides = array<i32>} : memref<10288xi32, #tpu.memory_space<vmem>>, vector<16xi32>,
    %and3A_494 = arith.constant 16383 : i32
    %and3A_495 = vector.broadcast %and3A_494 : i32 to vector<16xi32>
    %and3A_496 = arith.andi %get3A_493, %and3A_495 : vector<16xi32>
    %swap3A_497 = arith.constant 0 : i32
    %swap3A_498 = arith.index_cast %swap3A_497 : i32 to index
    %swap3A_499 = arith.constant 32 : index
    %swap3A_500 = tpu.vector_load %arg8[%swap3A_498, %swap3A_499] {strides = array<i32>} : memref<2x48xi32, #tpu.memory_space<vmem>>, vector<16xi32>,
    tpu.vector_store %arg8[%swap3A_498, %swap3A_499], %and3A_496 {strides = array<i32>} : memref<2x48xi32, #tpu.memory_space<vmem>>, vector<16xi32>,
    %shift_right_logical3A_501 = arith.constant 14 : i32
    %shift_right_logical3A_502 = vector.broadcast %shift_right_logical3A_501 : i32 to vector<16xi32>
    %shift_right_logical3A_503 = arith.shrui %get3A_493, %shift_right_logical3A_502 : vector<16xi32>
    %swap3A_504 = arith.constant 0 : i32
    %swap3A_505 = arith.index_cast %swap3A_504 : i32 to index
    %swap3A_506 = arith.constant 32 : index
    %swap3A_507 = tpu.vector_load %arg9[%swap3A_505, %swap3A_506] {strides = array<i32>} : memref<2x48xi32, #tpu.memory_space<vmem>>, vector<16xi32>,
    tpu.vector_store %arg9[%swap3A_505, %swap3A_506], %shift_right_logical3A_503 {strides = array<i32>} : memref<2x48xi32, #tpu.memory_space<vmem>>, vector<16xi32>,
    %dma_start3A_508 = arith.constant 0 : i32
    %dma_start3A_509 = arith.constant 0 : i32
    %dma_start3A_510 = arith.constant 0 : i32
    %dma_start3A_511 = arith.constant 0 : i32
    %dma_start3A_512 = arith.constant 0 : i32
    %dma_start3A_513 = tpu.memref_slice %arg12[%dma_start3A_509, %dma_start3A_511, %dma_start3A_512] : memref<2x48x256xf32, #tpu.memory_space<vmem>> -> memref<1x48x256xf32, #tpu.memory_space<vmem>>
    %dma_start3A_514 = tpu.memref_squeeze %dma_start3A_513 : memref<1x48x256xf32, #tpu.memory_space<vmem>> -> memref<48x256xf32, #tpu.memory_space<vmem>>
    %dma_start3A_515 = arith.constant 0 : i32
    %dma_start3A_516 = tpu.memref_slice %arg8[%dma_start3A_508, %dma_start3A_515] : memref<2x48xi32, #tpu.memory_space<vmem>> -> memref<1x48xi32, #tpu.memory_space<vmem>>
    %dma_start3A_517 = tpu.memref_squeeze %dma_start3A_516 : memref<1x48xi32, #tpu.memory_space<vmem>> -> memref<48xi32, #tpu.memory_space<vmem>>
    %dma_start3A_518 = arith.constant 0 : i32
    %dma_start3A_519 = arith.constant 0 : i32
    %dma_start3A_520 = tpu.memref_slice %arg2[%dma_start3A_518, %dma_start3A_519] : memref<10240x256xf32, #tpu.memory_space<hbm>> -> memref<10240x256xf32, #tpu.memory_space<hbm>>
    %dma_start3A_521 = tpu.memref_slice %arg17[%dma_start3A_510] : memref<2x!tpu.dma_semaphore, #tpu.memory_space<semaphore_mem>> -> memref<1x!tpu.dma_semaphore, #tpu.memory_space<semaphore_mem>>
    %dma_start3A_522 = tpu.memref_squeeze %dma_start3A_521 : memref<1x!tpu.dma_semaphore, #tpu.memory_space<semaphore_mem>> -> memref<!tpu.dma_semaphore, #tpu.memory_space<semaphore_mem>>
    tpu.enqueue_indirect_dma source(%dma_start3A_520 : memref<10240x256xf32, #tpu.memory_space<hbm>>) target(%dma_start3A_514 : memref<48x256xf32, #tpu.memory_space<vmem>>) offsets(%dma_start3A_517 : memref<48xi32, #tpu.memory_space<vmem>>) semaphore(%dma_start3A_522 : memref<!tpu.dma_semaphore, #tpu.memory_space<semaphore_mem>>)
    %while3A = arith.constant 0 : i32
    %while3A_523 = arith.constant 0 : i32
    %while3A_524 = arith.subi %max3A_462, %while3A : i32
    %while3A_525 = arith.addi %while3A, %while3A_524 : i32
    %while3A_526 = arith.constant 1 : i32
    %while3A_527 = arith.divsi %while3A_524, %while3A_526 : i32
    %while3A_528 = arith.muli %while3A_527, %while3A_526 : i32
    %while3A_529 = arith.addi %while3A, %while3A_528 : i32
    %while3A_530 = arith.constant 1 : i32
    %while3A_531 = scf.for %while3A_590 = %while3A to %while3A_529 step %while3A_530 iter_args(%while3A_591 = %while3A_523) -> (i32)  : i32 {
      %jit3A_592 = arith.constant 2 : i32
      %eq3A_593 = arith.constant 0 : i32
      %eq3A_594 = arith.cmpi eq, %jit3A_592, %eq3A_593 : i32
      %jit3A_595 = arith.constant 1 : i32
      %select_n3A_596 = arith.select %eq3A_594, %jit3A_595, %jit3A_592 : i32
      %rem3A = arith.remsi %while3A_590, %select_n3A_596 : i32
      %ne3A = arith.constant 0 : i32
      %ne3A_597 = arith.cmpi ne, %rem3A, %ne3A : i32
      %lt3A_598 = arith.constant 0 : i32
      %lt3A_599 = arith.cmpi slt, %rem3A, %lt3A_598 : i32
      %lt3A_600 = arith.constant 0 : i32
      %lt3A_601 = arith.cmpi slt, %select_n3A_596, %lt3A_600 : i32
      %ne3A_602 = arith.xori %lt3A_599, %lt3A_601 : i1
      %and3A_603 = arith.andi %ne3A_602, %ne3A_597 : i1
      %add3A_604 = arith.addi %rem3A, %select_n3A_596 : i32
      %select_n3A_605 = arith.select %and3A_603, %add3A_604, %rem3A : i32
      %add3A_606 = arith.constant 1 : i32
      %add3A_607 = arith.addi %while3A_590, %add3A_606 : i32
      %lt3A_608 = arith.cmpi slt, %add3A_607, %max3A_462 : i32
      %convert_element_type3A_609 = arith.extui %lt3A_608 : i1 to i32
      %cond3A_610 = arith.constant 0 : i32
      %cond3A_611 = arith.cmpi ne, %convert_element_type3A_609, %cond3A_610 : i32
      scf.if %cond3A_611 {
        %add3A_624 = arith.constant 1 : i32
        %add3A_625 = arith.addi %while3A_590, %add3A_624 : i32
        %sub3A = arith.constant 1 : i32
        %sub3A_626 = arith.subi %sub3A, %select_n3A_605 : i32
        %mul3A_627 = arith.constant 48 : i32
        %mul3A_628 = arith.muli %add3A_625, %mul3A_627 : i32
        %add3A_629 = arith.constant 0 : i32
        %add3A_630 = arith.addi %mul3A_628, %add3A_629 : i32
        %get3A_631 = arith.index_cast %add3A_630 : i32 to index
        %get3A_632 = tpu.vector_load %arg7[%get3A_631] {strides = array<i32>} : memref<10288xi32, #tpu.memory_space<vmem>>, vector<16xi32>,
        %and3A_633 = arith.constant 16383 : i32
        %and3A_634 = vector.broadcast %and3A_633 : i32 to vector<16xi32>
        %and3A_635 = arith.andi %get3A_632, %and3A_634 : vector<16xi32>
        %swap3A_636 = arith.index_cast %sub3A_626 : i32 to index
        %swap3A_637 = arith.constant 0 : index
        %swap3A_638 = tpu.vector_load %arg8[%swap3A_636, %swap3A_637] {strides = array<i32>} : memref<2x48xi32, #tpu.memory_space<vmem>>, vector<16xi32>,
        tpu.vector_store %arg8[%swap3A_636, %swap3A_637], %and3A_635 {strides = array<i32>} : memref<2x48xi32, #tpu.memory_space<vmem>>, vector<16xi32>,
        %shift_right_logical3A_639 = arith.constant 14 : i32
        %shift_right_logical3A_640 = vector.broadcast %shift_right_logical3A_639 : i32 to vector<16xi32>
        %shift_right_logical3A_641 = arith.shrui %get3A_632, %shift_right_logical3A_640 : vector<16xi32>
        %swap3A_642 = arith.index_cast %sub3A_626 : i32 to index
        %swap3A_643 = arith.constant 0 : index
        %swap3A_644 = tpu.vector_load %arg9[%swap3A_642, %swap3A_643] {strides = array<i32>} : memref<2x48xi32, #tpu.memory_space<vmem>>, vector<16xi32>,
        tpu.vector_store %arg9[%swap3A_642, %swap3A_643], %shift_right_logical3A_641 {strides = array<i32>} : memref<2x48xi32, #tpu.memory_space<vmem>>, vector<16xi32>,
        %mul3A_645 = arith.constant 48 : i32
        %mul3A_646 = arith.muli %add3A_625, %mul3A_645 : i32
        %add3A_647 = arith.constant 16 : i32
        %add3A_648 = arith.addi %mul3A_646, %add3A_647 : i32
        %get3A_649 = arith.index_cast %add3A_648 : i32 to index
        %get3A_650 = tpu.vector_load %arg7[%get3A_649] {strides = array<i32>} : memref<10288xi32, #tpu.memory_space<vmem>>, vector<16xi32>,
        %and3A_651 = arith.constant 16383 : i32
        %and3A_652 = vector.broadcast %and3A_651 : i32 to vector<16xi32>
        %and3A_653 = arith.andi %get3A_650, %and3A_652 : vector<16xi32>
        %swap3A_654 = arith.index_cast %sub3A_626 : i32 to index
        %swap3A_655 = arith.constant 16 : index
        %swap3A_656 = tpu.vector_load %arg8[%swap3A_654, %swap3A_655] {strides = array<i32>} : memref<2x48xi32, #tpu.memory_space<vmem>>, vector<16xi32>,
        tpu.vector_store %arg8[%swap3A_654, %swap3A_655], %and3A_653 {strides = array<i32>} : memref<2x48xi32, #tpu.memory_space<vmem>>, vector<16xi32>,
        %shift_right_logical3A_657 = arith.constant 14 : i32
        %shift_right_logical3A_658 = vector.broadcast %shift_right_logical3A_657 : i32 to vector<16xi32>
        %shift_right_logical3A_659 = arith.shrui %get3A_650, %shift_right_logical3A_658 : vector<16xi32>
        %swap3A_660 = arith.index_cast %sub3A_626 : i32 to index
        %swap3A_661 = arith.constant 16 : index
        %swap3A_662 = tpu.vector_load %arg9[%swap3A_660, %swap3A_661] {strides = array<i32>} : memref<2x48xi32, #tpu.memory_space<vmem>>, vector<16xi32>,
        tpu.vector_store %arg9[%swap3A_660, %swap3A_661], %shift_right_logical3A_659 {strides = array<i32>} : memref<2x48xi32, #tpu.memory_space<vmem>>, vector<16xi32>,
        %mul3A_663 = arith.constant 48 : i32
        %mul3A_664 = arith.muli %add3A_625, %mul3A_663 : i32
        %add3A_665 = arith.constant 32 : i32
        %add3A_666 = arith.addi %mul3A_664, %add3A_665 : i32
        %get3A_667 = arith.index_cast %add3A_666 : i32 to index
        %get3A_668 = tpu.vector_load %arg7[%get3A_667] {strides = array<i32>} : memref<10288xi32, #tpu.memory_space<vmem>>, vector<16xi32>,
        %and3A_669 = arith.constant 16383 : i32
        %and3A_670 = vector.broadcast %and3A_669 : i32 to vector<16xi32>
        %and3A_671 = arith.andi %get3A_668, %and3A_670 : vector<16xi32>
        %swap3A_672 = arith.index_cast %sub3A_626 : i32 to index
        %swap3A_673 = arith.constant 32 : index
        %swap3A_674 = tpu.vector_load %arg8[%swap3A_672, %swap3A_673] {strides = array<i32>} : memref<2x48xi32, #tpu.memory_space<vmem>>, vector<16xi32>,
        tpu.vector_store %arg8[%swap3A_672, %swap3A_673], %and3A_671 {strides = array<i32>} : memref<2x48xi32, #tpu.memory_space<vmem>>, vector<16xi32>,
        %shift_right_logical3A_675 = arith.constant 14 : i32
        %shift_right_logical3A_676 = vector.broadcast %shift_right_logical3A_675 : i32 to vector<16xi32>
        %shift_right_logical3A_677 = arith.shrui %get3A_668, %shift_right_logical3A_676 : vector<16xi32>
        %swap3A_678 = arith.index_cast %sub3A_626 : i32 to index
        %swap3A_679 = arith.constant 32 : index
        %swap3A_680 = tpu.vector_load %arg9[%swap3A_678, %swap3A_679] {strides = array<i32>} : memref<2x48xi32, #tpu.memory_space<vmem>>, vector<16xi32>,
        tpu.vector_store %arg9[%swap3A_678, %swap3A_679], %shift_right_logical3A_677 {strides = array<i32>} : memref<2x48xi32, #tpu.memory_space<vmem>>, vector<16xi32>,
        %sub3A_681 = arith.constant 1 : i32
        %sub3A_682 = arith.subi %sub3A_681, %select_n3A_605 : i32
        %sub3A_683 = arith.constant 1 : i32
        %sub3A_684 = arith.subi %sub3A_683, %select_n3A_605 : i32
        %sub3A_685 = arith.constant 1 : i32
        %sub3A_686 = arith.subi %sub3A_685, %select_n3A_605 : i32
        %dma_start3A_687 = arith.constant 0 : i32
        %dma_start3A_688 = arith.constant 0 : i32
        %dma_start3A_689 = tpu.memref_slice %arg12[%sub3A_684, %dma_start3A_687, %dma_start3A_688] : memref<2x48x256xf32, #tpu.memory_space<vmem>> -> memref<1x48x256xf32, #tpu.memory_space<vmem>>
        %dma_start3A_690 = tpu.memref_squeeze %dma_start3A_689 : memref<1x48x256xf32, #tpu.memory_space<vmem>> -> memref<48x256xf32, #tpu.memory_space<vmem>>
        %dma_start3A_691 = arith.constant 0 : i32
        %dma_start3A_692 = tpu.memref_slice %arg8[%sub3A_682, %dma_start3A_691] : memref<2x48xi32, #tpu.memory_space<vmem>> -> memref<1x48xi32, #tpu.memory_space<vmem>>
        %dma_start3A_693 = tpu.memref_squeeze %dma_start3A_692 : memref<1x48xi32, #tpu.memory_space<vmem>> -> memref<48xi32, #tpu.memory_space<vmem>>
        %dma_start3A_694 = arith.constant 0 : i32
        %dma_start3A_695 = arith.constant 0 : i32
        %dma_start3A_696 = tpu.memref_slice %arg2[%dma_start3A_694, %dma_start3A_695] : memref<10240x256xf32, #tpu.memory_space<hbm>> -> memref<10240x256xf32, #tpu.memory_space<hbm>>
        %dma_start3A_697 = tpu.memref_slice %arg17[%sub3A_686] : memref<2x!tpu.dma_semaphore, #tpu.memory_space<semaphore_mem>> -> memref<1x!tpu.dma_semaphore, #tpu.memory_space<semaphore_mem>>
        %dma_start3A_698 = tpu.memref_squeeze %dma_start3A_697 : memref<1x!tpu.dma_semaphore, #tpu.memory_space<semaphore_mem>> -> memref<!tpu.dma_semaphore, #tpu.memory_space<semaphore_mem>>
        tpu.enqueue_indirect_dma source(%dma_start3A_696 : memref<10240x256xf32, #tpu.memory_space<hbm>>) target(%dma_start3A_690 : memref<48x256xf32, #tpu.memory_space<vmem>>) offsets(%dma_start3A_693 : memref<48xi32, #tpu.memory_space<vmem>>) semaphore(%dma_start3A_698 : memref<!tpu.dma_semaphore, #tpu.memory_space<semaphore_mem>>)
      } else {
      }
      %dma_wait3A = arith.constant 0 : i32
      %dma_wait3A_612 = arith.constant 0 : i32
      %dma_wait3A_613 = tpu.memref_slice %arg12[%select_n3A_605, %dma_wait3A, %dma_wait3A_612] : memref<2x48x256xf32, #tpu.memory_space<vmem>> -> memref<1x48x256xf32, #tpu.memory_space<vmem>>
      %dma_wait3A_614 = tpu.memref_squeeze %dma_wait3A_613 : memref<1x48x256xf32, #tpu.memory_space<vmem>> -> memref<48x256xf32, #tpu.memory_space<vmem>>
      %dma_wait3A_615 = arith.constant 0 : i32
      %dma_wait3A_616 = tpu.memref_slice %arg8[%select_n3A_605, %dma_wait3A_615] : memref<2x48xi32, #tpu.memory_space<vmem>> -> memref<1x48xi32, #tpu.memory_space<vmem>>
      %dma_wait3A_617 = tpu.memref_squeeze %dma_wait3A_616 : memref<1x48xi32, #tpu.memory_space<vmem>> -> memref<48xi32, #tpu.memory_space<vmem>>
      %dma_wait3A_618 = arith.constant 0 : i32
      %dma_wait3A_619 = arith.constant 0 : i32
      %dma_wait3A_620 = tpu.memref_slice %arg2[%dma_wait3A_618, %dma_wait3A_619] : memref<10240x256xf32, #tpu.memory_space<hbm>> -> memref<10240x256xf32, #tpu.memory_space<hbm>>
      %dma_wait3A_621 = tpu.memref_slice %arg17[%select_n3A_605] : memref<2x!tpu.dma_semaphore, #tpu.memory_space<semaphore_mem>> -> memref<1x!tpu.dma_semaphore, #tpu.memory_space<semaphore_mem>>
      %dma_wait3A_622 = tpu.memref_squeeze %dma_wait3A_621 : memref<1x!tpu.dma_semaphore, #tpu.memory_space<semaphore_mem>> -> memref<!tpu.dma_semaphore, #tpu.memory_space<semaphore_mem>>
      tpu.wait_indirect_dma semaphore(%dma_wait3A_622 : memref<!tpu.dma_semaphore, #tpu.memory_space<semaphore_mem>>) src(%dma_wait3A_620 : memref<10240x256xf32, #tpu.memory_space<hbm>>) dst(%dma_wait3A_614 : memref<48x256xf32, #tpu.memory_space<vmem>>)
      "tpu.region"() ({
        %run_scoped3A_624 = tpu.sem_alloc : memref<!tpu.dma_semaphore, #tpu.memory_space<semaphore_mem>>
        %dma_start3A_625 = arith.constant 0 : i32
        %dma_start3A_626 = arith.constant 0 : i32
        %dma_start3A_627 = tpu.memref_slice %arg12[%select_n3A_605, %dma_start3A_625, %dma_start3A_626] : memref<2x48x256xf32, #tpu.memory_space<vmem>> -> memref<1x48x256xf32, #tpu.memory_space<vmem>>
        %dma_start3A_628 = tpu.memref_squeeze %dma_start3A_627 : memref<1x48x256xf32, #tpu.memory_space<vmem>> -> memref<48x256xf32, #tpu.memory_space<vmem>>
        %dma_start3A_629 = arith.constant 0 : i32
        %dma_start3A_630 = tpu.memref_slice %arg9[%select_n3A_605, %dma_start3A_629] : memref<2x48xi32, #tpu.memory_space<vmem>> -> memref<1x48xi32, #tpu.memory_space<vmem>>
        %dma_start3A_631 = tpu.memref_squeeze %dma_start3A_630 : memref<1x48xi32, #tpu.memory_space<vmem>> -> memref<48xi32, #tpu.memory_space<vmem>>
        %dma_start3A_632 = arith.constant 0 : i32
        %dma_start3A_633 = arith.constant 0 : i32
        %dma_start3A_634 = tpu.memref_slice %arg19[%dma_start3A_632, %dma_start3A_633] : memref<5136x256xf32, #tpu.memory_space<vmem_shared>> -> memref<5136x256xf32, #tpu.memory_space<vmem_shared>>
        tpu.enqueue_indirect_dma source(%dma_start3A_628 : memref<48x256xf32, #tpu.memory_space<vmem>>) target(%dma_start3A_634 : memref<5136x256xf32, #tpu.memory_space<vmem_shared>>) offsets(%dma_start3A_631 : memref<48xi32, #tpu.memory_space<vmem>>) semaphore(%run_scoped3A_624 : memref<!tpu.dma_semaphore, #tpu.memory_space<semaphore_mem>>) {add = true}
        %dma_wait3A_635 = arith.constant 0 : i32
        %dma_wait3A_636 = arith.constant 0 : i32
        %dma_wait3A_637 = tpu.memref_slice %arg12[%select_n3A_605, %dma_wait3A_635, %dma_wait3A_636] : memref<2x48x256xf32, #tpu.memory_space<vmem>> -> memref<1x48x256xf32, #tpu.memory_space<vmem>>
        %dma_wait3A_638 = tpu.memref_squeeze %dma_wait3A_637 : memref<1x48x256xf32, #tpu.memory_space<vmem>> -> memref<48x256xf32, #tpu.memory_space<vmem>>
        %dma_wait3A_639 = arith.constant 0 : i32
        %dma_wait3A_640 = tpu.memref_slice %arg9[%select_n3A_605, %dma_wait3A_639] : memref<2x48xi32, #tpu.memory_space<vmem>> -> memref<1x48xi32, #tpu.memory_space<vmem>>
        %dma_wait3A_641 = tpu.memref_squeeze %dma_wait3A_640 : memref<1x48xi32, #tpu.memory_space<vmem>> -> memref<48xi32, #tpu.memory_space<vmem>>
        %dma_wait3A_642 = arith.constant 0 : i32
        %dma_wait3A_643 = arith.constant 0 : i32
        %dma_wait3A_644 = tpu.memref_slice %arg19[%dma_wait3A_642, %dma_wait3A_643] : memref<5136x256xf32, #tpu.memory_space<vmem_shared>> -> memref<5136x256xf32, #tpu.memory_space<vmem_shared>>
        tpu.wait_indirect_dma semaphore(%run_scoped3A_624 : memref<!tpu.dma_semaphore, #tpu.memory_space<semaphore_mem>>) src(%dma_wait3A_638 : memref<48x256xf32, #tpu.memory_space<vmem>>) dst(%dma_wait3A_644 : memref<5136x256xf32, #tpu.memory_space<vmem_shared>>)
        tpu.yield
      }) : () -> ()
      %while3A_623 = arith.constant 0 : i32
      scf.yield %while3A_623 : i32
    }
    %while3A_532 = arith.constant 1 : i32
    %while3A_533 = scf.for %while3A_590 = %while3A_529 to %while3A_525 step %while3A_532 iter_args(%while3A_591 = %while3A_531) -> (i32)  : i32 {
      %jit3A_592 = arith.constant 2 : i32
      %eq3A_593 = arith.constant 0 : i32
      %eq3A_594 = arith.cmpi eq, %jit3A_592, %eq3A_593 : i32
      %jit3A_595 = arith.constant 1 : i32
      %select_n3A_596 = arith.select %eq3A_594, %jit3A_595, %jit3A_592 : i32
      %rem3A = arith.remsi %while3A_590, %select_n3A_596 : i32
      %ne3A = arith.constant 0 : i32
      %ne3A_597 = arith.cmpi ne, %rem3A, %ne3A : i32
      %lt3A_598 = arith.constant 0 : i32
      %lt3A_599 = arith.cmpi slt, %rem3A, %lt3A_598 : i32
      %lt3A_600 = arith.constant 0 : i32
      %lt3A_601 = arith.cmpi slt, %select_n3A_596, %lt3A_600 : i32
      %ne3A_602 = arith.xori %lt3A_599, %lt3A_601 : i1
      %and3A_603 = arith.andi %ne3A_602, %ne3A_597 : i1
      %add3A_604 = arith.addi %rem3A, %select_n3A_596 : i32
      %select_n3A_605 = arith.select %and3A_603, %add3A_604, %rem3A : i32
      %add3A_606 = arith.constant 1 : i32
      %add3A_607 = arith.addi %while3A_590, %add3A_606 : i32
      %lt3A_608 = arith.cmpi slt, %add3A_607, %max3A_462 : i32
      %convert_element_type3A_609 = arith.extui %lt3A_608 : i1 to i32
      %cond3A_610 = arith.constant 0 : i32
      %cond3A_611 = arith.cmpi ne, %convert_element_type3A_609, %cond3A_610 : i32
      scf.if %cond3A_611 {
        %add3A_624 = arith.constant 1 : i32
        %add3A_625 = arith.addi %while3A_590, %add3A_624 : i32
        %sub3A = arith.constant 1 : i32
        %sub3A_626 = arith.subi %sub3A, %select_n3A_605 : i32
        %mul3A_627 = arith.constant 48 : i32
        %mul3A_628 = arith.muli %add3A_625, %mul3A_627 : i32
        %add3A_629 = arith.constant 0 : i32
        %add3A_630 = arith.addi %mul3A_628, %add3A_629 : i32
        %get3A_631 = arith.index_cast %add3A_630 : i32 to index
        %get3A_632 = tpu.vector_load %arg7[%get3A_631] {strides = array<i32>} : memref<10288xi32, #tpu.memory_space<vmem>>, vector<16xi32>,
        %and3A_633 = arith.constant 16383 : i32
        %and3A_634 = vector.broadcast %and3A_633 : i32 to vector<16xi32>
        %and3A_635 = arith.andi %get3A_632, %and3A_634 : vector<16xi32>
        %swap3A_636 = arith.index_cast %sub3A_626 : i32 to index
        %swap3A_637 = arith.constant 0 : index
        %swap3A_638 = tpu.vector_load %arg8[%swap3A_636, %swap3A_637] {strides = array<i32>} : memref<2x48xi32, #tpu.memory_space<vmem>>, vector<16xi32>,
        tpu.vector_store %arg8[%swap3A_636, %swap3A_637], %and3A_635 {strides = array<i32>} : memref<2x48xi32, #tpu.memory_space<vmem>>, vector<16xi32>,
        %shift_right_logical3A_639 = arith.constant 14 : i32
        %shift_right_logical3A_640 = vector.broadcast %shift_right_logical3A_639 : i32 to vector<16xi32>
        %shift_right_logical3A_641 = arith.shrui %get3A_632, %shift_right_logical3A_640 : vector<16xi32>
        %swap3A_642 = arith.index_cast %sub3A_626 : i32 to index
        %swap3A_643 = arith.constant 0 : index
        %swap3A_644 = tpu.vector_load %arg9[%swap3A_642, %swap3A_643] {strides = array<i32>} : memref<2x48xi32, #tpu.memory_space<vmem>>, vector<16xi32>,
        tpu.vector_store %arg9[%swap3A_642, %swap3A_643], %shift_right_logical3A_641 {strides = array<i32>} : memref<2x48xi32, #tpu.memory_space<vmem>>, vector<16xi32>,
        %mul3A_645 = arith.constant 48 : i32
        %mul3A_646 = arith.muli %add3A_625, %mul3A_645 : i32
        %add3A_647 = arith.constant 16 : i32
        %add3A_648 = arith.addi %mul3A_646, %add3A_647 : i32
        %get3A_649 = arith.index_cast %add3A_648 : i32 to index
        %get3A_650 = tpu.vector_load %arg7[%get3A_649] {strides = array<i32>} : memref<10288xi32, #tpu.memory_space<vmem>>, vector<16xi32>,
        %and3A_651 = arith.constant 16383 : i32
        %and3A_652 = vector.broadcast %and3A_651 : i32 to vector<16xi32>
        %and3A_653 = arith.andi %get3A_650, %and3A_652 : vector<16xi32>
        %swap3A_654 = arith.index_cast %sub3A_626 : i32 to index
        %swap3A_655 = arith.constant 16 : index
        %swap3A_656 = tpu.vector_load %arg8[%swap3A_654, %swap3A_655] {strides = array<i32>} : memref<2x48xi32, #tpu.memory_space<vmem>>, vector<16xi32>,
        tpu.vector_store %arg8[%swap3A_654, %swap3A_655], %and3A_653 {strides = array<i32>} : memref<2x48xi32, #tpu.memory_space<vmem>>, vector<16xi32>,
        %shift_right_logical3A_657 = arith.constant 14 : i32
        %shift_right_logical3A_658 = vector.broadcast %shift_right_logical3A_657 : i32 to vector<16xi32>
        %shift_right_logical3A_659 = arith.shrui %get3A_650, %shift_right_logical3A_658 : vector<16xi32>
        %swap3A_660 = arith.index_cast %sub3A_626 : i32 to index
        %swap3A_661 = arith.constant 16 : index
        %swap3A_662 = tpu.vector_load %arg9[%swap3A_660, %swap3A_661] {strides = array<i32>} : memref<2x48xi32, #tpu.memory_space<vmem>>, vector<16xi32>,
        tpu.vector_store %arg9[%swap3A_660, %swap3A_661], %shift_right_logical3A_659 {strides = array<i32>} : memref<2x48xi32, #tpu.memory_space<vmem>>, vector<16xi32>,
        %mul3A_663 = arith.constant 48 : i32
        %mul3A_664 = arith.muli %add3A_625, %mul3A_663 : i32
        %add3A_665 = arith.constant 32 : i32
        %add3A_666 = arith.addi %mul3A_664, %add3A_665 : i32
        %get3A_667 = arith.index_cast %add3A_666 : i32 to index
        %get3A_668 = tpu.vector_load %arg7[%get3A_667] {strides = array<i32>} : memref<10288xi32, #tpu.memory_space<vmem>>, vector<16xi32>,
        %and3A_669 = arith.constant 16383 : i32
        %and3A_670 = vector.broadcast %and3A_669 : i32 to vector<16xi32>
        %and3A_671 = arith.andi %get3A_668, %and3A_670 : vector<16xi32>
        %swap3A_672 = arith.index_cast %sub3A_626 : i32 to index
        %swap3A_673 = arith.constant 32 : index
        %swap3A_674 = tpu.vector_load %arg8[%swap3A_672, %swap3A_673] {strides = array<i32>} : memref<2x48xi32, #tpu.memory_space<vmem>>, vector<16xi32>,
        tpu.vector_store %arg8[%swap3A_672, %swap3A_673], %and3A_671 {strides = array<i32>} : memref<2x48xi32, #tpu.memory_space<vmem>>, vector<16xi32>,
        %shift_right_logical3A_675 = arith.constant 14 : i32
        %shift_right_logical3A_676 = vector.broadcast %shift_right_logical3A_675 : i32 to vector<16xi32>
        %shift_right_logical3A_677 = arith.shrui %get3A_668, %shift_right_logical3A_676 : vector<16xi32>
        %swap3A_678 = arith.index_cast %sub3A_626 : i32 to index
        %swap3A_679 = arith.constant 32 : index
        %swap3A_680 = tpu.vector_load %arg9[%swap3A_678, %swap3A_679] {strides = array<i32>} : memref<2x48xi32, #tpu.memory_space<vmem>>, vector<16xi32>,
        tpu.vector_store %arg9[%swap3A_678, %swap3A_679], %shift_right_logical3A_677 {strides = array<i32>} : memref<2x48xi32, #tpu.memory_space<vmem>>, vector<16xi32>,
        %sub3A_681 = arith.constant 1 : i32
        %sub3A_682 = arith.subi %sub3A_681, %select_n3A_605 : i32
        %sub3A_683 = arith.constant 1 : i32
        %sub3A_684 = arith.subi %sub3A_683, %select_n3A_605 : i32
        %sub3A_685 = arith.constant 1 : i32
        %sub3A_686 = arith.subi %sub3A_685, %select_n3A_605 : i32
        %dma_start3A_687 = arith.constant 0 : i32
        %dma_start3A_688 = arith.constant 0 : i32
        %dma_start3A_689 = tpu.memref_slice %arg12[%sub3A_684, %dma_start3A_687, %dma_start3A_688] : memref<2x48x256xf32, #tpu.memory_space<vmem>> -> memref<1x48x256xf32, #tpu.memory_space<vmem>>
        %dma_start3A_690 = tpu.memref_squeeze %dma_start3A_689 : memref<1x48x256xf32, #tpu.memory_space<vmem>> -> memref<48x256xf32, #tpu.memory_space<vmem>>
        %dma_start3A_691 = arith.constant 0 : i32
        %dma_start3A_692 = tpu.memref_slice %arg8[%sub3A_682, %dma_start3A_691] : memref<2x48xi32, #tpu.memory_space<vmem>> -> memref<1x48xi32, #tpu.memory_space<vmem>>
        %dma_start3A_693 = tpu.memref_squeeze %dma_start3A_692 : memref<1x48xi32, #tpu.memory_space<vmem>> -> memref<48xi32, #tpu.memory_space<vmem>>
        %dma_start3A_694 = arith.constant 0 : i32
        %dma_start3A_695 = arith.constant 0 : i32
        %dma_start3A_696 = tpu.memref_slice %arg2[%dma_start3A_694, %dma_start3A_695] : memref<10240x256xf32, #tpu.memory_space<hbm>> -> memref<10240x256xf32, #tpu.memory_space<hbm>>
        %dma_start3A_697 = tpu.memref_slice %arg17[%sub3A_686] : memref<2x!tpu.dma_semaphore, #tpu.memory_space<semaphore_mem>> -> memref<1x!tpu.dma_semaphore, #tpu.memory_space<semaphore_mem>>
        %dma_start3A_698 = tpu.memref_squeeze %dma_start3A_697 : memref<1x!tpu.dma_semaphore, #tpu.memory_space<semaphore_mem>> -> memref<!tpu.dma_semaphore, #tpu.memory_space<semaphore_mem>>
        tpu.enqueue_indirect_dma source(%dma_start3A_696 : memref<10240x256xf32, #tpu.memory_space<hbm>>) target(%dma_start3A_690 : memref<48x256xf32, #tpu.memory_space<vmem>>) offsets(%dma_start3A_693 : memref<48xi32, #tpu.memory_space<vmem>>) semaphore(%dma_start3A_698 : memref<!tpu.dma_semaphore, #tpu.memory_space<semaphore_mem>>)
      } else {
      }
      %dma_wait3A = arith.constant 0 : i32
      %dma_wait3A_612 = arith.constant 0 : i32
      %dma_wait3A_613 = tpu.memref_slice %arg12[%select_n3A_605, %dma_wait3A, %dma_wait3A_612] : memref<2x48x256xf32, #tpu.memory_space<vmem>> -> memref<1x48x256xf32, #tpu.memory_space<vmem>>
      %dma_wait3A_614 = tpu.memref_squeeze %dma_wait3A_613 : memref<1x48x256xf32, #tpu.memory_space<vmem>> -> memref<48x256xf32, #tpu.memory_space<vmem>>
      %dma_wait3A_615 = arith.constant 0 : i32
      %dma_wait3A_616 = tpu.memref_slice %arg8[%select_n3A_605, %dma_wait3A_615] : memref<2x48xi32, #tpu.memory_space<vmem>> -> memref<1x48xi32, #tpu.memory_space<vmem>>
      %dma_wait3A_617 = tpu.memref_squeeze %dma_wait3A_616 : memref<1x48xi32, #tpu.memory_space<vmem>> -> memref<48xi32, #tpu.memory_space<vmem>>
      %dma_wait3A_618 = arith.constant 0 : i32
      %dma_wait3A_619 = arith.constant 0 : i32
      %dma_wait3A_620 = tpu.memref_slice %arg2[%dma_wait3A_618, %dma_wait3A_619] : memref<10240x256xf32, #tpu.memory_space<hbm>> -> memref<10240x256xf32, #tpu.memory_space<hbm>>
      %dma_wait3A_621 = tpu.memref_slice %arg17[%select_n3A_605] : memref<2x!tpu.dma_semaphore, #tpu.memory_space<semaphore_mem>> -> memref<1x!tpu.dma_semaphore, #tpu.memory_space<semaphore_mem>>
      %dma_wait3A_622 = tpu.memref_squeeze %dma_wait3A_621 : memref<1x!tpu.dma_semaphore, #tpu.memory_space<semaphore_mem>> -> memref<!tpu.dma_semaphore, #tpu.memory_space<semaphore_mem>>
      tpu.wait_indirect_dma semaphore(%dma_wait3A_622 : memref<!tpu.dma_semaphore, #tpu.memory_space<semaphore_mem>>) src(%dma_wait3A_620 : memref<10240x256xf32, #tpu.memory_space<hbm>>) dst(%dma_wait3A_614 : memref<48x256xf32, #tpu.memory_space<vmem>>)
      "tpu.region"() ({
        %run_scoped3A_624 = tpu.sem_alloc : memref<!tpu.dma_semaphore, #tpu.memory_space<semaphore_mem>>
        %dma_start3A_625 = arith.constant 0 : i32
        %dma_start3A_626 = arith.constant 0 : i32
        %dma_start3A_627 = tpu.memref_slice %arg12[%select_n3A_605, %dma_start3A_625, %dma_start3A_626] : memref<2x48x256xf32, #tpu.memory_space<vmem>> -> memref<1x48x256xf32, #tpu.memory_space<vmem>>
        %dma_start3A_628 = tpu.memref_squeeze %dma_start3A_627 : memref<1x48x256xf32, #tpu.memory_space<vmem>> -> memref<48x256xf32, #tpu.memory_space<vmem>>
        %dma_start3A_629 = arith.constant 0 : i32
        %dma_start3A_630 = tpu.memref_slice %arg9[%select_n3A_605, %dma_start3A_629] : memref<2x48xi32, #tpu.memory_space<vmem>> -> memref<1x48xi32, #tpu.memory_space<vmem>>
        %dma_start3A_631 = tpu.memref_squeeze %dma_start3A_630 : memref<1x48xi32, #tpu.memory_space<vmem>> -> memref<48xi32, #tpu.memory_space<vmem>>
        %dma_start3A_632 = arith.constant 0 : i32
        %dma_start3A_633 = arith.constant 0 : i32
        %dma_start3A_634 = tpu.memref_slice %arg19[%dma_start3A_632, %dma_start3A_633] : memref<5136x256xf32, #tpu.memory_space<vmem_shared>> -> memref<5136x256xf32, #tpu.memory_space<vmem_shared>>
        tpu.enqueue_indirect_dma source(%dma_start3A_628 : memref<48x256xf32, #tpu.memory_space<vmem>>) target(%dma_start3A_634 : memref<5136x256xf32, #tpu.memory_space<vmem_shared>>) offsets(%dma_start3A_631 : memref<48xi32, #tpu.memory_space<vmem>>) semaphore(%run_scoped3A_624 : memref<!tpu.dma_semaphore, #tpu.memory_space<semaphore_mem>>) {add = true}
        %dma_wait3A_635 = arith.constant 0 : i32
        %dma_wait3A_636 = arith.constant 0 : i32
        %dma_wait3A_637 = tpu.memref_slice %arg12[%select_n3A_605, %dma_wait3A_635, %dma_wait3A_636] : memref<2x48x256xf32, #tpu.memory_space<vmem>> -> memref<1x48x256xf32, #tpu.memory_space<vmem>>
        %dma_wait3A_638 = tpu.memref_squeeze %dma_wait3A_637 : memref<1x48x256xf32, #tpu.memory_space<vmem>> -> memref<48x256xf32, #tpu.memory_space<vmem>>
        %dma_wait3A_639 = arith.constant 0 : i32
        %dma_wait3A_640 = tpu.memref_slice %arg9[%select_n3A_605, %dma_wait3A_639] : memref<2x48xi32, #tpu.memory_space<vmem>> -> memref<1x48xi32, #tpu.memory_space<vmem>>
        %dma_wait3A_641 = tpu.memref_squeeze %dma_wait3A_640 : memref<1x48xi32, #tpu.memory_space<vmem>> -> memref<48xi32, #tpu.memory_space<vmem>>
        %dma_wait3A_642 = arith.constant 0 : i32
        %dma_wait3A_643 = arith.constant 0 : i32
        %dma_wait3A_644 = tpu.memref_slice %arg19[%dma_wait3A_642, %dma_wait3A_643] : memref<5136x256xf32, #tpu.memory_space<vmem_shared>> -> memref<5136x256xf32, #tpu.memory_space<vmem_shared>>
        tpu.wait_indirect_dma semaphore(%run_scoped3A_624 : memref<!tpu.dma_semaphore, #tpu.memory_space<semaphore_mem>>) src(%dma_wait3A_638 : memref<48x256xf32, #tpu.memory_space<vmem>>) dst(%dma_wait3A_644 : memref<5136x256xf32, #tpu.memory_space<vmem_shared>>)
        tpu.yield
      }) : () -> ()
      %while3A_623 = arith.constant 0 : i32
      scf.yield %while3A_623 : i32
    }
    %run_scoped3A_534 = arith.constant 0 : i32
    "tpu.region"() ({
      %run_scoped3A_590 = tpu.sem_alloc : memref<!tpu.dma_semaphore, #tpu.memory_space<semaphore_mem>>
      %dma_start3A_591 = arith.constant 0 : i32
      %dma_start3A_592 = arith.constant 0 : i32
      %dma_start3A_593 = tpu.memref_slice %arg13[%dma_start3A_591, %dma_start3A_592] : memref<384x16xf32, #tpu.memory_space<vmem>> -> memref<128x16xf32, #tpu.memory_space<vmem>>
      %dma_start3A_594 = arith.constant 0 : i32
      %dma_start3A_595 = tpu.memref_slice %arg14[%run_scoped3A_534, %dma_start3A_594] : memref<3x128xi32, #tpu.memory_space<vmem>> -> memref<1x128xi32, #tpu.memory_space<vmem>>
      %dma_start3A_596 = tpu.memref_squeeze %dma_start3A_595 : memref<1x128xi32, #tpu.memory_space<vmem>> -> memref<128xi32, #tpu.memory_space<vmem>>
      %dma_start3A_597 = arith.constant 0 : i32
      %dma_start3A_598 = arith.constant 0 : i32
      %dma_start3A_599 = tpu.memref_slice %arg20[%dma_start3A_597, %dma_start3A_598] : memref<328x16xf32, #tpu.memory_space<vmem_shared>> -> memref<328x16xf32, #tpu.memory_space<vmem_shared>>
      tpu.enqueue_indirect_dma source(%dma_start3A_593 : memref<128x16xf32, #tpu.memory_space<vmem>>) target(%dma_start3A_599 : memref<328x16xf32, #tpu.memory_space<vmem_shared>>) offsets(%dma_start3A_596 : memref<128xi32, #tpu.memory_space<vmem>>) semaphore(%run_scoped3A_590 : memref<!tpu.dma_semaphore, #tpu.memory_space<semaphore_mem>>) {add = true}
      %dma_wait3A = arith.constant 0 : i32
      %dma_wait3A_600 = arith.constant 0 : i32
      %dma_wait3A_601 = tpu.memref_slice %arg13[%dma_wait3A, %dma_wait3A_600] : memref<384x16xf32, #tpu.memory_space<vmem>> -> memref<128x16xf32, #tpu.memory_space<vmem>>
      %dma_wait3A_602 = arith.constant 0 : i32
      %dma_wait3A_603 = tpu.memref_slice %arg14[%run_scoped3A_534, %dma_wait3A_602] : memref<3x128xi32, #tpu.memory_space<vmem>> -> memref<1x128xi32, #tpu.memory_space<vmem>>
      %dma_wait3A_604 = tpu.memref_squeeze %dma_wait3A_603 : memref<1x128xi32, #tpu.memory_space<vmem>> -> memref<128xi32, #tpu.memory_space<vmem>>
      %dma_wait3A_605 = arith.constant 0 : i32
      %dma_wait3A_606 = arith.constant 0 : i32
      %dma_wait3A_607 = tpu.memref_slice %arg20[%dma_wait3A_605, %dma_wait3A_606] : memref<328x16xf32, #tpu.memory_space<vmem_shared>> -> memref<328x16xf32, #tpu.memory_space<vmem_shared>>
      tpu.wait_indirect_dma semaphore(%run_scoped3A_590 : memref<!tpu.dma_semaphore, #tpu.memory_space<semaphore_mem>>) src(%dma_wait3A_601 : memref<128x16xf32, #tpu.memory_space<vmem>>) dst(%dma_wait3A_607 : memref<328x16xf32, #tpu.memory_space<vmem_shared>>)
      tpu.yield
    }) : () -> ()
    %run_scoped3A_535 = arith.constant 1 : i32
    "tpu.region"() ({
      %run_scoped3A_590 = tpu.sem_alloc : memref<!tpu.dma_semaphore, #tpu.memory_space<semaphore_mem>>
      %dma_start3A_591 = arith.constant 128 : i32
      %dma_start3A_592 = arith.constant 0 : i32
      %dma_start3A_593 = tpu.memref_slice %arg13[%dma_start3A_591, %dma_start3A_592] : memref<384x16xf32, #tpu.memory_space<vmem>> -> memref<128x16xf32, #tpu.memory_space<vmem>>
      %dma_start3A_594 = arith.constant 0 : i32
      %dma_start3A_595 = tpu.memref_slice %arg14[%run_scoped3A_535, %dma_start3A_594] : memref<3x128xi32, #tpu.memory_space<vmem>> -> memref<1x128xi32, #tpu.memory_space<vmem>>
      %dma_start3A_596 = tpu.memref_squeeze %dma_start3A_595 : memref<1x128xi32, #tpu.memory_space<vmem>> -> memref<128xi32, #tpu.memory_space<vmem>>
      %dma_start3A_597 = arith.constant 0 : i32
      %dma_start3A_598 = arith.constant 0 : i32
      %dma_start3A_599 = tpu.memref_slice %arg20[%dma_start3A_597, %dma_start3A_598] : memref<328x16xf32, #tpu.memory_space<vmem_shared>> -> memref<328x16xf32, #tpu.memory_space<vmem_shared>>
      tpu.enqueue_indirect_dma source(%dma_start3A_593 : memref<128x16xf32, #tpu.memory_space<vmem>>) target(%dma_start3A_599 : memref<328x16xf32, #tpu.memory_space<vmem_shared>>) offsets(%dma_start3A_596 : memref<128xi32, #tpu.memory_space<vmem>>) semaphore(%run_scoped3A_590 : memref<!tpu.dma_semaphore, #tpu.memory_space<semaphore_mem>>) {add = true}
      %dma_wait3A = arith.constant 128 : i32
      %dma_wait3A_600 = arith.constant 0 : i32
      %dma_wait3A_601 = tpu.memref_slice %arg13[%dma_wait3A, %dma_wait3A_600] : memref<384x16xf32, #tpu.memory_space<vmem>> -> memref<128x16xf32, #tpu.memory_space<vmem>>
      %dma_wait3A_602 = arith.constant 0 : i32
      %dma_wait3A_603 = tpu.memref_slice %arg14[%run_scoped3A_535, %dma_wait3A_602] : memref<3x128xi32, #tpu.memory_space<vmem>> -> memref<1x128xi32, #tpu.memory_space<vmem>>
      %dma_wait3A_604 = tpu.memref_squeeze %dma_wait3A_603 : memref<1x128xi32, #tpu.memory_space<vmem>> -> memref<128xi32, #tpu.memory_space<vmem>>
      %dma_wait3A_605 = arith.constant 0 : i32
      %dma_wait3A_606 = arith.constant 0 : i32
      %dma_wait3A_607 = tpu.memref_slice %arg20[%dma_wait3A_605, %dma_wait3A_606] : memref<328x16xf32, #tpu.memory_space<vmem_shared>> -> memref<328x16xf32, #tpu.memory_space<vmem_shared>>
      tpu.wait_indirect_dma semaphore(%run_scoped3A_590 : memref<!tpu.dma_semaphore, #tpu.memory_space<semaphore_mem>>) src(%dma_wait3A_601 : memref<128x16xf32, #tpu.memory_space<vmem>>) dst(%dma_wait3A_607 : memref<328x16xf32, #tpu.memory_space<vmem_shared>>)
      tpu.yield
    }) : () -> ()
    %run_scoped3A_536 = arith.constant 2 : i32
    "tpu.region"() ({
      %run_scoped3A_590 = tpu.sem_alloc : memref<!tpu.dma_semaphore, #tpu.memory_space<semaphore_mem>>
      %dma_start3A_591 = arith.constant 256 : i32
      %dma_start3A_592 = arith.constant 0 : i32
      %dma_start3A_593 = tpu.memref_slice %arg13[%dma_start3A_591, %dma_start3A_592] : memref<384x16xf32, #tpu.memory_space<vmem>> -> memref<128x16xf32, #tpu.memory_space<vmem>>
      %dma_start3A_594 = arith.constant 0 : i32
      %dma_start3A_595 = tpu.memref_slice %arg14[%run_scoped3A_536, %dma_start3A_594] : memref<3x128xi32, #tpu.memory_space<vmem>> -> memref<1x128xi32, #tpu.memory_space<vmem>>
      %dma_start3A_596 = tpu.memref_squeeze %dma_start3A_595 : memref<1x128xi32, #tpu.memory_space<vmem>> -> memref<128xi32, #tpu.memory_space<vmem>>
      %dma_start3A_597 = arith.constant 0 : i32
      %dma_start3A_598 = arith.constant 0 : i32
      %dma_start3A_599 = tpu.memref_slice %arg20[%dma_start3A_597, %dma_start3A_598] : memref<328x16xf32, #tpu.memory_space<vmem_shared>> -> memref<328x16xf32, #tpu.memory_space<vmem_shared>>
      tpu.enqueue_indirect_dma source(%dma_start3A_593 : memref<128x16xf32, #tpu.memory_space<vmem>>) target(%dma_start3A_599 : memref<328x16xf32, #tpu.memory_space<vmem_shared>>) offsets(%dma_start3A_596 : memref<128xi32, #tpu.memory_space<vmem>>) semaphore(%run_scoped3A_590 : memref<!tpu.dma_semaphore, #tpu.memory_space<semaphore_mem>>) {add = true}
      %dma_wait3A = arith.constant 256 : i32
      %dma_wait3A_600 = arith.constant 0 : i32
      %dma_wait3A_601 = tpu.memref_slice %arg13[%dma_wait3A, %dma_wait3A_600] : memref<384x16xf32, #tpu.memory_space<vmem>> -> memref<128x16xf32, #tpu.memory_space<vmem>>
      %dma_wait3A_602 = arith.constant 0 : i32
      %dma_wait3A_603 = tpu.memref_slice %arg14[%run_scoped3A_536, %dma_wait3A_602] : memref<3x128xi32, #tpu.memory_space<vmem>> -> memref<1x128xi32, #tpu.memory_space<vmem>>
      %dma_wait3A_604 = tpu.memref_squeeze %dma_wait3A_603 : memref<1x128xi32, #tpu.memory_space<vmem>> -> memref<128xi32, #tpu.memory_space<vmem>>
      %dma_wait3A_605 = arith.constant 0 : i32
      %dma_wait3A_606 = arith.constant 0 : i32
      %dma_wait3A_607 = tpu.memref_slice %arg20[%dma_wait3A_605, %dma_wait3A_606] : memref<328x16xf32, #tpu.memory_space<vmem_shared>> -> memref<328x16xf32, #tpu.memory_space<vmem_shared>>
      tpu.wait_indirect_dma semaphore(%run_scoped3A_590 : memref<!tpu.dma_semaphore, #tpu.memory_space<semaphore_mem>>) src(%dma_wait3A_601 : memref<128x16xf32, #tpu.memory_space<vmem>>) dst(%dma_wait3A_607 : memref<328x16xf32, #tpu.memory_space<vmem_shared>>)
      tpu.yield
    }) : () -> ()
    %barrier3A_537 = arith.constant 0 : index
    tpu.barrier barrier_id(%barrier3A_537)
    %mul3A_538 = arith.constant 320 : i32
    %mul3A_539 = arith.muli %arg1, %mul3A_538 : i32
    %add3A_540 = arith.constant 0 : i32
    %add3A_541 = arith.addi %mul3A_539, %add3A_540 : i32
    %mul3A_542 = arith.constant 320 : i32
    %mul3A_543 = arith.muli %arg1, %mul3A_542 : i32
    %add3A_544 = arith.addi %mul3A_0, %mul3A_543 : i32
    %add3A_545 = arith.constant 0 : i32
    %add3A_546 = arith.addi %add3A_544, %add3A_545 : i32
    "tpu.region"() ({
      %run_scoped3A_590 = tpu.sem_alloc : memref<!tpu.dma_semaphore, #tpu.memory_space<semaphore_mem>>
      %dma_start3A_591 = arith.constant 0 : i32
      %dma_start3A_592 = tpu.memref_slice %arg5[%add3A_546, %dma_start3A_591] : memref<10240x256xf32, #tpu.memory_space<hbm>> -> memref<64x256xf32, #tpu.memory_space<hbm>>
      %dma_start3A_593 = arith.constant 0 : i32
      %dma_start3A_594 = tpu.memref_slice %arg19[%add3A_541, %dma_start3A_593] : memref<5136x256xf32, #tpu.memory_space<vmem_shared>> -> memref<64x256xf32, #tpu.memory_space<vmem_shared>>
      tpu.enqueue_dma source(%dma_start3A_594 : memref<64x256xf32, #tpu.memory_space<vmem_shared>>) target(%dma_start3A_592 : memref<64x256xf32, #tpu.memory_space<hbm>>) target_semaphore(%run_scoped3A_590 : memref<!tpu.dma_semaphore, #tpu.memory_space<semaphore_mem>>)
      %dma_wait3A = arith.constant 0 : i32
      %dma_wait3A_595 = tpu.memref_slice %arg5[%add3A_546, %dma_wait3A] : memref<10240x256xf32, #tpu.memory_space<hbm>> -> memref<64x256xf32, #tpu.memory_space<hbm>>
      %dma_wait3A_596 = arith.constant 0 : i32
      %dma_wait3A_597 = tpu.memref_slice %arg19[%add3A_541, %dma_wait3A_596] : memref<5136x256xf32, #tpu.memory_space<vmem_shared>> -> memref<64x256xf32, #tpu.memory_space<vmem_shared>>
      tpu.wait_dma2 semaphore(%run_scoped3A_590 : memref<!tpu.dma_semaphore, #tpu.memory_space<semaphore_mem>>) src(%dma_wait3A_597 : memref<64x256xf32, #tpu.memory_space<vmem_shared>>) dst(%dma_wait3A_595 : memref<64x256xf32, #tpu.memory_space<hbm>>)
      tpu.yield
    }) : () -> ()
    %mul3A_547 = arith.constant 320 : i32
    %mul3A_548 = arith.muli %arg1, %mul3A_547 : i32
    %add3A_549 = arith.constant 64 : i32
    %add3A_550 = arith.addi %mul3A_548, %add3A_549 : i32
    %mul3A_551 = arith.constant 320 : i32
    %mul3A_552 = arith.muli %arg1, %mul3A_551 : i32
    %add3A_553 = arith.addi %mul3A_0, %mul3A_552 : i32
    %add3A_554 = arith.constant 64 : i32
    %add3A_555 = arith.addi %add3A_553, %add3A_554 : i32
    "tpu.region"() ({
      %run_scoped3A_590 = tpu.sem_alloc : memref<!tpu.dma_semaphore, #tpu.memory_space<semaphore_mem>>
      %dma_start3A_591 = arith.constant 0 : i32
      %dma_start3A_592 = tpu.memref_slice %arg5[%add3A_555, %dma_start3A_591] : memref<10240x256xf32, #tpu.memory_space<hbm>> -> memref<64x256xf32, #tpu.memory_space<hbm>>
      %dma_start3A_593 = arith.constant 0 : i32
      %dma_start3A_594 = tpu.memref_slice %arg19[%add3A_550, %dma_start3A_593] : memref<5136x256xf32, #tpu.memory_space<vmem_shared>> -> memref<64x256xf32, #tpu.memory_space<vmem_shared>>
      tpu.enqueue_dma source(%dma_start3A_594 : memref<64x256xf32, #tpu.memory_space<vmem_shared>>) target(%dma_start3A_592 : memref<64x256xf32, #tpu.memory_space<hbm>>) target_semaphore(%run_scoped3A_590 : memref<!tpu.dma_semaphore, #tpu.memory_space<semaphore_mem>>)
      %dma_wait3A = arith.constant 0 : i32
      %dma_wait3A_595 = tpu.memref_slice %arg5[%add3A_555, %dma_wait3A] : memref<10240x256xf32, #tpu.memory_space<hbm>> -> memref<64x256xf32, #tpu.memory_space<hbm>>
      %dma_wait3A_596 = arith.constant 0 : i32
      %dma_wait3A_597 = tpu.memref_slice %arg19[%add3A_550, %dma_wait3A_596] : memref<5136x256xf32, #tpu.memory_space<vmem_shared>> -> memref<64x256xf32, #tpu.memory_space<vmem_shared>>
      tpu.wait_dma2 semaphore(%run_scoped3A_590 : memref<!tpu.dma_semaphore, #tpu.memory_space<semaphore_mem>>) src(%dma_wait3A_597 : memref<64x256xf32, #tpu.memory_space<vmem_shared>>) dst(%dma_wait3A_595 : memref<64x256xf32, #tpu.memory_space<hbm>>)
      tpu.yield
    }) : () -> ()
    %mul3A_556 = arith.constant 320 : i32
    %mul3A_557 = arith.muli %arg1, %mul3A_556 : i32
    %add3A_558 = arith.constant 128 : i32
    %add3A_559 = arith.addi %mul3A_557, %add3A_558 : i32
    %mul3A_560 = arith.constant 320 : i32
    %mul3A_561 = arith.muli %arg1, %mul3A_560 : i32
    %add3A_562 = arith.addi %mul3A_0, %mul3A_561 : i32
    %add3A_563 = arith.constant 128 : i32
    %add3A_564 = arith.addi %add3A_562, %add3A_563 : i32
    "tpu.region"() ({
      %run_scoped3A_590 = tpu.sem_alloc : memref<!tpu.dma_semaphore, #tpu.memory_space<semaphore_mem>>
      %dma_start3A_591 = arith.constant 0 : i32
      %dma_start3A_592 = tpu.memref_slice %arg5[%add3A_564, %dma_start3A_591] : memref<10240x256xf32, #tpu.memory_space<hbm>> -> memref<64x256xf32, #tpu.memory_space<hbm>>
      %dma_start3A_593 = arith.constant 0 : i32
      %dma_start3A_594 = tpu.memref_slice %arg19[%add3A_559, %dma_start3A_593] : memref<5136x256xf32, #tpu.memory_space<vmem_shared>> -> memref<64x256xf32, #tpu.memory_space<vmem_shared>>
      tpu.enqueue_dma source(%dma_start3A_594 : memref<64x256xf32, #tpu.memory_space<vmem_shared>>) target(%dma_start3A_592 : memref<64x256xf32, #tpu.memory_space<hbm>>) target_semaphore(%run_scoped3A_590 : memref<!tpu.dma_semaphore, #tpu.memory_space<semaphore_mem>>)
      %dma_wait3A = arith.constant 0 : i32
      %dma_wait3A_595 = tpu.memref_slice %arg5[%add3A_564, %dma_wait3A] : memref<10240x256xf32, #tpu.memory_space<hbm>> -> memref<64x256xf32, #tpu.memory_space<hbm>>
      %dma_wait3A_596 = arith.constant 0 : i32
      %dma_wait3A_597 = tpu.memref_slice %arg19[%add3A_559, %dma_wait3A_596] : memref<5136x256xf32, #tpu.memory_space<vmem_shared>> -> memref<64x256xf32, #tpu.memory_space<vmem_shared>>
      tpu.wait_dma2 semaphore(%run_scoped3A_590 : memref<!tpu.dma_semaphore, #tpu.memory_space<semaphore_mem>>) src(%dma_wait3A_597 : memref<64x256xf32, #tpu.memory_space<vmem_shared>>) dst(%dma_wait3A_595 : memref<64x256xf32, #tpu.memory_space<hbm>>)
      tpu.yield
    }) : () -> ()
    %mul3A_565 = arith.constant 320 : i32
    %mul3A_566 = arith.muli %arg1, %mul3A_565 : i32
    %add3A_567 = arith.constant 192 : i32
    %add3A_568 = arith.addi %mul3A_566, %add3A_567 : i32
    %mul3A_569 = arith.constant 320 : i32
    %mul3A_570 = arith.muli %arg1, %mul3A_569 : i32
    %add3A_571 = arith.addi %mul3A_0, %mul3A_570 : i32
    %add3A_572 = arith.constant 192 : i32
    %add3A_573 = arith.addi %add3A_571, %add3A_572 : i32
    "tpu.region"() ({
      %run_scoped3A_590 = tpu.sem_alloc : memref<!tpu.dma_semaphore, #tpu.memory_space<semaphore_mem>>
      %dma_start3A_591 = arith.constant 0 : i32
      %dma_start3A_592 = tpu.memref_slice %arg5[%add3A_573, %dma_start3A_591] : memref<10240x256xf32, #tpu.memory_space<hbm>> -> memref<64x256xf32, #tpu.memory_space<hbm>>
      %dma_start3A_593 = arith.constant 0 : i32
      %dma_start3A_594 = tpu.memref_slice %arg19[%add3A_568, %dma_start3A_593] : memref<5136x256xf32, #tpu.memory_space<vmem_shared>> -> memref<64x256xf32, #tpu.memory_space<vmem_shared>>
      tpu.enqueue_dma source(%dma_start3A_594 : memref<64x256xf32, #tpu.memory_space<vmem_shared>>) target(%dma_start3A_592 : memref<64x256xf32, #tpu.memory_space<hbm>>) target_semaphore(%run_scoped3A_590 : memref<!tpu.dma_semaphore, #tpu.memory_space<semaphore_mem>>)
      %dma_wait3A = arith.constant 0 : i32
      %dma_wait3A_595 = tpu.memref_slice %arg5[%add3A_573, %dma_wait3A] : memref<10240x256xf32, #tpu.memory_space<hbm>> -> memref<64x256xf32, #tpu.memory_space<hbm>>
      %dma_wait3A_596 = arith.constant 0 : i32
      %dma_wait3A_597 = tpu.memref_slice %arg19[%add3A_568, %dma_wait3A_596] : memref<5136x256xf32, #tpu.memory_space<vmem_shared>> -> memref<64x256xf32, #tpu.memory_space<vmem_shared>>
      tpu.wait_dma2 semaphore(%run_scoped3A_590 : memref<!tpu.dma_semaphore, #tpu.memory_space<semaphore_mem>>) src(%dma_wait3A_597 : memref<64x256xf32, #tpu.memory_space<vmem_shared>>) dst(%dma_wait3A_595 : memref<64x256xf32, #tpu.memory_space<hbm>>)
      tpu.yield
    }) : () -> ()
    %mul3A_574 = arith.constant 320 : i32
    %mul3A_575 = arith.muli %arg1, %mul3A_574 : i32
    %add3A_576 = arith.constant 256 : i32
    %add3A_577 = arith.addi %mul3A_575, %add3A_576 : i32
    %mul3A_578 = arith.constant 320 : i32
    %mul3A_579 = arith.muli %arg1, %mul3A_578 : i32
    %add3A_580 = arith.addi %mul3A_0, %mul3A_579 : i32
    %add3A_581 = arith.constant 256 : i32
    %add3A_582 = arith.addi %add3A_580, %add3A_581 : i32
    "tpu.region"() ({
      %run_scoped3A_590 = tpu.sem_alloc : memref<!tpu.dma_semaphore, #tpu.memory_space<semaphore_mem>>
      %dma_start3A_591 = arith.constant 0 : i32
      %dma_start3A_592 = tpu.memref_slice %arg5[%add3A_582, %dma_start3A_591] : memref<10240x256xf32, #tpu.memory_space<hbm>> -> memref<64x256xf32, #tpu.memory_space<hbm>>
      %dma_start3A_593 = arith.constant 0 : i32
      %dma_start3A_594 = tpu.memref_slice %arg19[%add3A_577, %dma_start3A_593] : memref<5136x256xf32, #tpu.memory_space<vmem_shared>> -> memref<64x256xf32, #tpu.memory_space<vmem_shared>>
      tpu.enqueue_dma source(%dma_start3A_594 : memref<64x256xf32, #tpu.memory_space<vmem_shared>>) target(%dma_start3A_592 : memref<64x256xf32, #tpu.memory_space<hbm>>) target_semaphore(%run_scoped3A_590 : memref<!tpu.dma_semaphore, #tpu.memory_space<semaphore_mem>>)
      %dma_wait3A = arith.constant 0 : i32
      %dma_wait3A_595 = tpu.memref_slice %arg5[%add3A_582, %dma_wait3A] : memref<10240x256xf32, #tpu.memory_space<hbm>> -> memref<64x256xf32, #tpu.memory_space<hbm>>
      %dma_wait3A_596 = arith.constant 0 : i32
      %dma_wait3A_597 = tpu.memref_slice %arg19[%add3A_577, %dma_wait3A_596] : memref<5136x256xf32, #tpu.memory_space<vmem_shared>> -> memref<64x256xf32, #tpu.memory_space<vmem_shared>>
      tpu.wait_dma2 semaphore(%run_scoped3A_590 : memref<!tpu.dma_semaphore, #tpu.memory_space<semaphore_mem>>) src(%dma_wait3A_597 : memref<64x256xf32, #tpu.memory_space<vmem_shared>>) dst(%dma_wait3A_595 : memref<64x256xf32, #tpu.memory_space<hbm>>)
      tpu.yield
    }) : () -> ()
    %mul3A_583 = arith.constant 20 : i32
    %mul3A_584 = arith.muli %arg1, %mul3A_583 : i32
    %mul3A_585 = arith.constant 320 : i32
    %mul3A_586 = arith.muli %arg0, %mul3A_585 : i32
    %mul3A_587 = arith.constant 20 : i32
    %mul3A_588 = arith.muli %arg1, %mul3A_587 : i32
    %add3A_589 = arith.addi %mul3A_586, %mul3A_588 : i32
    "tpu.region"() ({
      %run_scoped3A_590 = tpu.sem_alloc : memref<!tpu.dma_semaphore, #tpu.memory_space<semaphore_mem>>
      %dma_start3A_591 = arith.constant 0 : i32
      %dma_start3A_592 = tpu.memref_slice %arg6[%add3A_589, %dma_start3A_591] : memref<640x16xf32, #tpu.memory_space<hbm>> -> memref<20x16xf32, #tpu.memory_space<hbm>>
      %dma_start3A_593 = arith.constant 0 : i32
      %dma_start3A_594 = tpu.memref_slice %arg20[%mul3A_584, %dma_start3A_593] : memref<328x16xf32, #tpu.memory_space<vmem_shared>> -> memref<20x16xf32, #tpu.memory_space<vmem_shared>>
      tpu.enqueue_dma source(%dma_start3A_594 : memref<20x16xf32, #tpu.memory_space<vmem_shared>>) target(%dma_start3A_592 : memref<20x16xf32, #tpu.memory_space<hbm>>) target_semaphore(%run_scoped3A_590 : memref<!tpu.dma_semaphore, #tpu.memory_space<semaphore_mem>>)
      %dma_wait3A = arith.constant 0 : i32
      %dma_wait3A_595 = tpu.memref_slice %arg6[%add3A_589, %dma_wait3A] : memref<640x16xf32, #tpu.memory_space<hbm>> -> memref<20x16xf32, #tpu.memory_space<hbm>>
      %dma_wait3A_596 = arith.constant 0 : i32
      %dma_wait3A_597 = tpu.memref_slice %arg20[%mul3A_584, %dma_wait3A_596] : memref<328x16xf32, #tpu.memory_space<vmem_shared>> -> memref<20x16xf32, #tpu.memory_space<vmem_shared>>
      tpu.wait_dma2 semaphore(%run_scoped3A_590 : memref<!tpu.dma_semaphore, #tpu.memory_space<semaphore_mem>>) src(%dma_wait3A_597 : memref<20x16xf32, #tpu.memory_space<vmem_shared>>) dst(%dma_wait3A_595 : memref<20x16xf32, #tpu.memory_space<hbm>>)
      tpu.yield
    }) : () -> ()
    return
  }
}

module attributes {stable_mosaic.version = 14 : i64} {
  func.func @_tc1_body(%arg0: i32, %arg1: memref<1024x256xf32, #tpu.memory_space<vmem>>, %arg2: memref<256x256xf32, #tpu.memory_space<vmem>>, %arg3: memref<256xf32, #tpu.memory_space<vmem>>, %arg4: memref<1024x256xf32, #tpu.memory_space<vmem>>) attributes {dimension_semantics = [#tpu.dimension_semantics<arbitrary>], iteration_bounds = array<i64: 10>, scalar_prefetch = 0 : i64, scratch_operands = 0 : i64, tpu.core_type = #tpu.core_type<tc>, window_params = [{transform_indices = @transform_0, window_bounds = array<i64: 1024, 256>}, {pipeline_mode = #tpu.pipeline_mode<synchronous>, transform_indices = @transform_1, window_bounds = array<i64: 256, 256>}, {pipeline_mode = #tpu.pipeline_mode<synchronous>, transform_indices = @transform_2, window_bounds = array<i64: 256>}, {transform_indices = @transform_3, window_bounds = array<i64: 1024, 256>}]} {
    %get3A = arith.constant 0 : index
    %get3A_0 = arith.constant 0 : index
    %get3A_1 = vector.load %arg1[%get3A, %get3A_0] : memref<1024x256xf32, #tpu.memory_space<vmem>>, vector<1024x256xf32>
    %get3A_2 = arith.constant 0 : index
    %get3A_3 = arith.constant 0 : index
    %get3A_4 = vector.load %arg2[%get3A_2, %get3A_3] : memref<256x256xf32, #tpu.memory_space<vmem>>, vector<256x256xf32>
    %dot_general3A = arith.constant dense<0.000000e+00> : vector<1024x256xf32>
    %dot_general3A_5 = tpu.matmul %get3A_1, %get3A_4, %dot_general3A {dimension_numbers = #tpu.dot_dimension_numbers<[1], [0], [0], [1], [0, 0, 1, 1], [], []>, transpose_lhs_hint = false} : vector<1024x256xf32>, vector<256x256xf32>, vector<1024x256xf32> -> vector<1024x256xf32>
    %get3A_6 = arith.constant 0 : index
    %get3A_7 = vector.load %arg3[%get3A_6] : memref<256xf32, #tpu.memory_space<vmem>>, vector<256xf32>
    %broadcast_in_dim3A = vector.shape_cast %get3A_7 : vector<256xf32> to vector<1x256xf32>
    %add3A = vector.broadcast %broadcast_in_dim3A : vector<1x256xf32> to vector<1024x256xf32>
    %add3A_8 = arith.addf %dot_general3A_5, %add3A : vector<1024x256xf32>
    %swap3A = arith.constant 0 : index
    %swap3A_9 = arith.constant 0 : index
    %swap3A_10 = vector.load %arg4[%swap3A, %swap3A_9] : memref<1024x256xf32, #tpu.memory_space<vmem>>, vector<1024x256xf32>
    tpu.vector_store %arg4[%swap3A, %swap3A_9], %add3A_8 {strides = array<i32>} : memref<1024x256xf32, #tpu.memory_space<vmem>>, vector<1024x256xf32>,
    return
  }
  func.func @transform_0(%arg0: i32) -> (i32, i32) {
    %c0_i32 = arith.constant 0 : i32
    %c0_i32_0 = arith.constant 0 : i32
    return %arg0, %c0_i32 : i32, i32
  }
  func.func @transform_1(%arg0: i32) -> (i32, i32) {
    %c0_i32 = arith.constant 0 : i32
    %c0_i32_0 = arith.constant 0 : i32
    %c0_i32_1 = arith.constant 0 : i32
    return %c0_i32, %c0_i32_0 : i32, i32
  }
  func.func @transform_2(%arg0: i32) -> i32 {
    %c0_i32 = arith.constant 0 : i32
    %c0_i32_0 = arith.constant 0 : i32
    return %c0_i32 : i32
  }
  func.func @transform_3(%arg0: i32) -> (i32, i32) {
    %c0_i32 = arith.constant 0 : i32
    %c0_i32_0 = arith.constant 0 : i32
    return %arg0, %c0_i32 : i32, i32
  }
}

module attributes {stable_mosaic.version = 14 : i64} {
  func.func @_tc2_body(%arg0: i32, %arg1: memref<1024x256xf32, #tpu.memory_space<vmem>>, %arg2: memref<1024x256xf32, #tpu.memory_space<vmem>>, %arg3: memref<1024xf32, #tpu.memory_space<vmem>>, %arg4: memref<256x128xf32, #tpu.memory_space<vmem>>, %arg5: memref<1024x256xf32, #tpu.memory_space<vmem>>, %arg6: memref<1024xi32, #tpu.memory_space<vmem>>, %arg7: memref<256xf32, #tpu.memory_space<vmem>>) attributes {dimension_semantics = [#tpu.dimension_semantics<arbitrary>], iteration_bounds = array<i64: 10>, scalar_prefetch = 0 : i64, scratch_operands = 0 : i64, tpu.core_type = #tpu.core_type<tc>, window_params = [{transform_indices = @transform_0, window_bounds = array<i64: 1024, 256>}, {transform_indices = @transform_1, window_bounds = array<i64: 1024, 256>}, {transform_indices = @transform_2, window_bounds = array<i64: 1024>}, {pipeline_mode = #tpu.pipeline_mode<synchronous>, transform_indices = @transform_3, window_bounds = array<i64: 256, 128>}, {transform_indices = @transform_4, window_bounds = array<i64: 1024, 256>}, {transform_indices = @transform_5, window_bounds = array<i64: 1024>}, {pipeline_mode = #tpu.pipeline_mode<synchronous>, transform_indices = @transform_6, window_bounds = array<i64: 256>}]} {
    %get3A = arith.constant 0 : index
    %get3A_0 = vector.load %arg3[%get3A] : memref<1024xf32, #tpu.memory_space<vmem>>, vector<1024xf32>
    %get3A_1 = arith.constant 0 : index
    %get3A_2 = arith.constant 0 : index
    %get3A_3 = vector.load %arg1[%get3A_1, %get3A_2] : memref<1024x256xf32, #tpu.memory_space<vmem>>, vector<1024x256xf32>
    %get3A_4 = arith.constant 0 : index
    %get3A_5 = arith.constant 0 : index
    %get3A_6 = vector.load %arg2[%get3A_4, %get3A_5] : memref<1024x256xf32, #tpu.memory_space<vmem>>, vector<1024x256xf32>
    %add3A = arith.addf %get3A_3, %get3A_6 : vector<1024x256xf32>
    %broadcast_in_dim3A = vector.shape_cast %get3A_0 : vector<1024xf32> to vector<1024x1xf32>
    %add3A_7 = arith.constant 1.000000e+00 : f32
    %add3A_8 = vector.broadcast %add3A_7 : f32 to vector<1024x1xf32>
    %add3A_9 = arith.addf %broadcast_in_dim3A, %add3A_8 : vector<1024x1xf32>
    %div3A = vector.broadcast %add3A_9 : vector<1024x1xf32> to vector<1024x256xf32>
    %div3A_10 = arith.divf %add3A, %div3A : vector<1024x256xf32>
    %swap3A = arith.constant 0 : index
    %swap3A_11 = arith.constant 0 : index
    %swap3A_12 = vector.load %arg5[%swap3A, %swap3A_11] : memref<1024x256xf32, #tpu.memory_space<vmem>>, vector<1024x256xf32>
    tpu.vector_store %arg5[%swap3A, %swap3A_11], %div3A_10 {strides = array<i32>} : memref<1024x256xf32, #tpu.memory_space<vmem>>, vector<1024x256xf32>,
    %gt3A = arith.constant 0.000000e+00 : f32
    %gt3A_13 = vector.broadcast %gt3A : f32 to vector<1024x256xf32>
    %gt3A_14 = arith.cmpf ogt, %div3A_10, %gt3A_13 : vector<1024x256xf32>
    %convert_element_type3A = arith.extui %gt3A_14 : vector<1024x256xi1> to vector<1024x256xi32>
    %convert_element_type3A_15 = arith.sitofp %convert_element_type3A : vector<1024x256xi32> to vector<1024x256xf32>
    %get3A_16 = arith.constant 0 : index
    %get3A_17 = arith.constant 0 : index
    %get3A_18 = vector.load %arg4[%get3A_16, %get3A_17] : memref<256x128xf32, #tpu.memory_space<vmem>>, vector<256x128xf32>
    %dot_general3A = arith.constant dense<0.000000e+00> : vector<1024x128xf32>
    %dot_general3A_19 = tpu.matmul %convert_element_type3A_15, %get3A_18, %dot_general3A {dimension_numbers = #tpu.dot_dimension_numbers<[1], [0], [0], [1], [0, 0, 1, 1], [], []>, transpose_lhs_hint = false} : vector<1024x256xf32>, vector<256x128xf32>, vector<1024x128xf32> -> vector<1024x128xf32>
    %slice3A = vector.extract_strided_slice %dot_general3A_19 {offsets = [0, 0], sizes = [1024, 1], strides = [1, 1]} : vector<1024x128xf32> to vector<1024x1xf32>
    %squeeze3A = vector.shape_cast %slice3A : vector<1024x1xf32> to vector<1024xf32>
    %convert_element_type3A_20 = arith.fptosi %squeeze3A : vector<1024xf32> to vector<1024xi32>
    %swap3A_21 = arith.constant 0 : index
    %swap3A_22 = vector.load %arg6[%swap3A_21] : memref<1024xi32, #tpu.memory_space<vmem>>, vector<1024xi32>
    tpu.vector_store %arg6[%swap3A_21], %convert_element_type3A_20 {strides = array<i32>} : memref<1024xi32, #tpu.memory_space<vmem>>, vector<1024xi32>,
    %mul3A = arith.constant 1024 : i32
    %mul3A_23 = arith.muli %arg0, %mul3A : i32
    %iota3A = tpu.iota {dimensions = array<i32: 0>} : vector<1024x1xi32>
    %add3A_24 = vector.broadcast %mul3A_23 : i32 to vector<1024x1xi32>
    %add3A_25 = arith.addi %add3A_24, %iota3A : vector<1024x1xi32>
    %broadcast_in_dim3A_26 = vector.shape_cast %convert_element_type3A_20 : vector<1024xi32> to vector<1024x1xi32>
    %iota3A_27 = tpu.iota {dimensions = array<i32: 1>} : vector<1024x256xi32>
    %eq3A = vector.broadcast %broadcast_in_dim3A_26 : vector<1024x1xi32> to vector<1024x256xi32>
    %eq3A_28 = arith.cmpi eq, %eq3A, %iota3A_27 : vector<1024x256xi32>
    %lt3A = arith.constant 10000 : i32
    %lt3A_29 = vector.broadcast %lt3A : i32 to vector<1024x1xi32>
    %lt3A_30 = arith.cmpi slt, %add3A_25, %lt3A_29 : vector<1024x1xi32>
    %and3A = vector.broadcast %lt3A_30 : vector<1024x1xi1> to vector<1024x256xi1>
    %and3A_31 = arith.andi %eq3A_28, %and3A : vector<1024x256xi1>
    %convert_element_type3A_32 = arith.extui %and3A_31 : vector<1024x256xi1> to vector<1024x256xi32>
    %convert_element_type3A_33 = arith.sitofp %convert_element_type3A_32 : vector<1024x256xi32> to vector<1024x256xf32>
    %reduce_sum3A = arith.constant dense<0.000000e+00> : vector<256xf32>
    %reduce_sum3A_34 = vector.multi_reduction <add>, %convert_element_type3A_33, %reduce_sum3A [0] : vector<1024x256xf32> to vector<256xf32>
    %eq3A_35 = arith.constant 0 : i32
    %eq3A_36 = arith.cmpi eq, %arg0, %eq3A_35 : i32
    %convert_element_type3A_37 = arith.extui %eq3A_36 : i1 to i32
    %cond3A = arith.constant 0 : i32
    %cond3A_38 = arith.cmpi ne, %convert_element_type3A_37, %cond3A : i32
    scf.if %cond3A_38 {
      %broadcast_in_dim3A_44 = arith.constant 0.000000e+00 : f32
      %broadcast_in_dim3A_45 = vector.broadcast %broadcast_in_dim3A_44 : f32 to vector<256xf32>
      %swap3A_46 = arith.constant 0 : index
      %swap3A_47 = vector.load %arg7[%swap3A_46] : memref<256xf32, #tpu.memory_space<vmem>>, vector<256xf32>
      tpu.vector_store %arg7[%swap3A_46], %broadcast_in_dim3A_45 {strides = array<i32>} : memref<256xf32, #tpu.memory_space<vmem>>, vector<256xf32>,
    } else {
    }
    %get3A_39 = arith.constant 0 : index
    %get3A_40 = vector.load %arg7[%get3A_39] : memref<256xf32, #tpu.memory_space<vmem>>, vector<256xf32>
    %add3A_41 = arith.addf %get3A_40, %reduce_sum3A_34 : vector<256xf32>
    %swap3A_42 = arith.constant 0 : index
    %swap3A_43 = vector.load %arg7[%swap3A_42] : memref<256xf32, #tpu.memory_space<vmem>>, vector<256xf32>
    tpu.vector_store %arg7[%swap3A_42], %add3A_41 {strides = array<i32>} : memref<256xf32, #tpu.memory_space<vmem>>, vector<256xf32>,
    return
  }
  func.func @transform_0(%arg0: i32) -> (i32, i32) {
    %c0_i32 = arith.constant 0 : i32
    %c0_i32_0 = arith.constant 0 : i32
    return %arg0, %c0_i32 : i32, i32
  }
  func.func @transform_1(%arg0: i32) -> (i32, i32) {
    %c0_i32 = arith.constant 0 : i32
    %c0_i32_0 = arith.constant 0 : i32
    return %arg0, %c0_i32 : i32, i32
  }
  func.func @transform_2(%arg0: i32) -> i32 {
    %c0_i32 = arith.constant 0 : i32
    return %arg0 : i32
  }
  func.func @transform_3(%arg0: i32) -> (i32, i32) {
    %c0_i32 = arith.constant 0 : i32
    %c0_i32_0 = arith.constant 0 : i32
    %c0_i32_1 = arith.constant 0 : i32
    return %c0_i32, %c0_i32_0 : i32, i32
  }
  func.func @transform_4(%arg0: i32) -> (i32, i32) {
    %c0_i32 = arith.constant 0 : i32
    %c0_i32_0 = arith.constant 0 : i32
    return %arg0, %c0_i32 : i32, i32
  }
  func.func @transform_5(%arg0: i32) -> i32 {
    %c0_i32 = arith.constant 0 : i32
    return %arg0 : i32
  }
  func.func @transform_6(%arg0: i32) -> i32 {
    %c0_i32 = arith.constant 0 : i32
    %c0_i32_0 = arith.constant 0 : i32
    return %c0_i32 : i32
  }
}

module attributes {stable_mosaic.version = 14 : i64} {
  func.func @_tc3_body(%arg0: i32, %arg1: memref<1024x256xf32, #tpu.memory_space<vmem>>, %arg2: memref<1024xf32, #tpu.memory_space<vmem>>, %arg3: memref<2x384x256xf32, #tpu.memory_space<vmem>>, %arg4: memref<256xf32, #tpu.memory_space<vmem>>, %arg5: memref<256x128xf32, #tpu.memory_space<vmem>>, %arg6: memref<128xf32, #tpu.memory_space<vmem>>, %arg7: memref<1024x128xf32, #tpu.memory_space<vmem>>) attributes {dimension_semantics = [#tpu.dimension_semantics<arbitrary>], iteration_bounds = array<i64: 10>, scalar_prefetch = 0 : i64, scratch_operands = 0 : i64, tpu.core_type = #tpu.core_type<tc>, window_params = [{transform_indices = @transform_0, window_bounds = array<i64: 1024, 256>}, {transform_indices = @transform_1, window_bounds = array<i64: 1024>}, {pipeline_mode = #tpu.pipeline_mode<synchronous>, transform_indices = @transform_2, window_bounds = array<i64: 2, 384, 256>}, {pipeline_mode = #tpu.pipeline_mode<synchronous>, transform_indices = @transform_3, window_bounds = array<i64: 256>}, {pipeline_mode = #tpu.pipeline_mode<synchronous>, transform_indices = @transform_4, window_bounds = array<i64: 256, 128>}, {pipeline_mode = #tpu.pipeline_mode<synchronous>, transform_indices = @transform_5, window_bounds = array<i64: 128>}, {transform_indices = @transform_6, window_bounds = array<i64: 1024, 128>}]} {
    %get3A = arith.constant 0 : index
    %get3A_0 = arith.constant 0 : index
    %get3A_1 = arith.constant 0 : index
    %get3A_2 = vector.load %arg3[%get3A, %get3A_0, %get3A_1] : memref<2x384x256xf32, #tpu.memory_space<vmem>>, vector<1x256x256xf32>
    %get3A_3 = vector.shape_cast %get3A_2 : vector<1x256x256xf32> to vector<256x256xf32>
    %get3A_4 = arith.constant 1 : index
    %get3A_5 = arith.constant 0 : index
    %get3A_6 = arith.constant 0 : index
    %get3A_7 = vector.load %arg3[%get3A_4, %get3A_5, %get3A_6] : memref<2x384x256xf32, #tpu.memory_space<vmem>>, vector<1x256x256xf32>
    %get3A_8 = vector.shape_cast %get3A_7 : vector<1x256x256xf32> to vector<256x256xf32>
    %add3A = arith.addf %get3A_3, %get3A_8 : vector<256x256xf32>
    %get3A_9 = arith.constant 0 : index
    %get3A_10 = vector.load %arg4[%get3A_9] : memref<256xf32, #tpu.memory_space<vmem>>, vector<256xf32>
    %max3A = arith.constant 1.000000e+00 : f32
    %max3A_11 = vector.broadcast %max3A : f32 to vector<256xf32>
    %max3A_12 = arith.maximumf %get3A_10, %max3A_11 : vector<256xf32>
    %broadcast_in_dim3A = vector.shape_cast %max3A_12 : vector<256xf32> to vector<256x1xf32>
    %div3A = vector.broadcast %broadcast_in_dim3A : vector<256x1xf32> to vector<256x256xf32>
    %div3A_13 = arith.divf %add3A, %div3A : vector<256x256xf32>
    %get3A_14 = arith.constant 0 : index
    %get3A_15 = arith.constant 0 : index
    %get3A_16 = vector.load %arg5[%get3A_14, %get3A_15] : memref<256x128xf32, #tpu.memory_space<vmem>>, vector<256x128xf32>
    %dot_general3A = arith.constant dense<0.000000e+00> : vector<256x128xf32>
    %dot_general3A_17 = tpu.matmul %div3A_13, %get3A_16, %dot_general3A {dimension_numbers = #tpu.dot_dimension_numbers<[1], [0], [0], [1], [0, 0, 1, 1], [], []>, transpose_lhs_hint = false} : vector<256x256xf32>, vector<256x128xf32>, vector<256x128xf32> -> vector<256x128xf32>
    %get3A_18 = arith.constant 0 : index
    %get3A_19 = vector.load %arg6[%get3A_18] : memref<128xf32, #tpu.memory_space<vmem>>, vector<128xf32>
    %broadcast_in_dim3A_20 = vector.shape_cast %get3A_19 : vector<128xf32> to vector<1x128xf32>
    %add3A_21 = vector.broadcast %broadcast_in_dim3A_20 : vector<1x128xf32> to vector<256x128xf32>
    %add3A_22 = arith.addf %dot_general3A_17, %add3A_21 : vector<256x128xf32>
    %get3A_23 = arith.constant 0 : index
    %get3A_24 = arith.constant 0 : index
    %get3A_25 = vector.load %arg1[%get3A_23, %get3A_24] : memref<1024x256xf32, #tpu.memory_space<vmem>>, vector<1024x256xf32>
    %dot_general3A_26 = arith.constant dense<0.000000e+00> : vector<1024x128xf32>
    %dot_general3A_27 = tpu.matmul %get3A_25, %add3A_22, %dot_general3A_26 {dimension_numbers = #tpu.dot_dimension_numbers<[1], [0], [0], [1], [0, 0, 1, 1], [], []>, transpose_lhs_hint = false} : vector<1024x256xf32>, vector<256x128xf32>, vector<1024x128xf32> -> vector<1024x128xf32>
    %get3A_28 = arith.constant 0 : index
    %get3A_29 = vector.load %arg2[%get3A_28] : memref<1024xf32, #tpu.memory_space<vmem>>, vector<1024xf32>
    %broadcast_in_dim3A_30 = vector.shape_cast %get3A_29 : vector<1024xf32> to vector<1024x1xf32>
    %add3A_31 = arith.constant 1.000000e+00 : f32
    %add3A_32 = vector.broadcast %add3A_31 : f32 to vector<1024x1xf32>
    %add3A_33 = arith.addf %broadcast_in_dim3A_30, %add3A_32 : vector<1024x1xf32>
    %div3A_34 = vector.broadcast %add3A_33 : vector<1024x1xf32> to vector<1024x128xf32>
    %div3A_35 = arith.divf %dot_general3A_27, %div3A_34 : vector<1024x128xf32>
    %swap3A = arith.constant 0 : index
    %swap3A_36 = arith.constant 0 : index
    %swap3A_37 = vector.load %arg7[%swap3A, %swap3A_36] : memref<1024x128xf32, #tpu.memory_space<vmem>>, vector<1024x128xf32>
    tpu.vector_store %arg7[%swap3A, %swap3A_36], %div3A_35 {strides = array<i32>} : memref<1024x128xf32, #tpu.memory_space<vmem>>, vector<1024x128xf32>,
    return
  }
  func.func @transform_0(%arg0: i32) -> (i32, i32) {
    %c0_i32 = arith.constant 0 : i32
    %c0_i32_0 = arith.constant 0 : i32
    return %arg0, %c0_i32 : i32, i32
  }
  func.func @transform_1(%arg0: i32) -> i32 {
    %c0_i32 = arith.constant 0 : i32
    return %arg0 : i32
  }
  func.func @transform_2(%arg0: i32) -> (i32, i32, i32) {
    %c0_i32 = arith.constant 0 : i32
    %c0_i32_0 = arith.constant 0 : i32
    %c0_i32_1 = arith.constant 0 : i32
    %c0_i32_2 = arith.constant 0 : i32
    return %c0_i32, %c0_i32_0, %c0_i32_1 : i32, i32, i32
  }
  func.func @transform_3(%arg0: i32) -> i32 {
    %c0_i32 = arith.constant 0 : i32
    %c0_i32_0 = arith.constant 0 : i32
    return %c0_i32 : i32
  }
  func.func @transform_4(%arg0: i32) -> (i32, i32) {
    %c0_i32 = arith.constant 0 : i32
    %c0_i32_0 = arith.constant 0 : i32
    %c0_i32_1 = arith.constant 0 : i32
    return %c0_i32, %c0_i32_0 : i32, i32
  }
  func.func @transform_5(%arg0: i32) -> i32 {
    %c0_i32 = arith.constant 0 : i32
    %c0_i32_0 = arith.constant 0 : i32
    return %c0_i32 : i32
  }
  func.func @transform_6(%arg0: i32) -> (i32, i32) {
    %c0_i32 = arith.constant 0 : i32
    %c0_i32_0 = arith.constant 0 : i32
    return %arg0, %c0_i32 : i32, i32
  }
}

</mosaic_0001>

<sc_bundles>
// kernel: kernel.10.cloned.1.call-start
scs
__scs_entry_jumppad:
0x0: {  	(pc) =	sbr.rel $0x88, $3  }
0x1: {  	(tag) =	ssettag $0x0;
	lr =	simm.s32 $0x1  }
0x2: {  	[smem:$0x3F9B] =	sst lr;
	_ =	strace $0xD0000000  }
0x3: {  	_ = 	snop  }
0x4: {  	_ = 	snop  }
0x5: {  	_ = 	snop  }
0x6: {  	_ = 	snop  }
0x7: {  	_ = 	snop  }
__scs_overlays_trampoline_lowered:
0x8: {  	[smem:$0x3FAA] =	sst s0  }
0x9: {  	[smem:$0x3FAB] =	sst s1  }
0xa: {  	[smem:$0x3FAC] =	sst s2  }
0xb: {  	[smem:$0x3FAD] =	sst s3  }
0xc: {  	[smem:$0x3FAE] =	sst s4  }
0xd: {  	[smem:$0x3FAF] =	sst s5  }
0xe: {  	[smem:$0x3FB0] =	sst s6  }
0xf: {  	[smem:$0x3FB1] =	sst s7  }
0x10: {  	[smem:$0x3FB2] =	sst s8  }
0x11: {  	[smem:$0x3FB3] =	sst s9;
	s0 =	simm.s32 @!p0 $0x0  }
0x12: {  	s1 =	sld [smem:$0x3F99];
	s0 =	simm.s32 @p0 $0x1  }
0x13: {  	[smem:$0x3FB4] =	sst s0;
	s0 =	simm.s32 @!p1 $0x0  }
0x14: {  	s2 =	sld [smem:$0x3F98];
	s0 =	simm.s32 @p1 $0x1  }
0x15: {  	[smem:$0x3FB5] =	sst s0;
	s0 =	simm.s32 @!p2 $0x0  }
0x16: {  	s3 =	sld [smem:$0x3FDB];
	s0 =	simm.s32 @p2 $0x1  }
0x17: {  	s4 =	simm.s32 $0x1BF5;
	[smem:$0x3FB7] =	sst s0  }
0x18: {  	s0 =	sld [smem:$0x3F9A];
	_ =	swait.ge [sflag:s4], $0x0  }
0x19: {  	s7 =	sld [smem:$0x3F9B]  }
0x1a: {  	s8 =	sadd.s32 $0xFFFFE003, lr  }
0x1b: {  	s9 =	sadd.s32 $0xFFFFFEF7, lr;
	s5 =	simm.s32 $0xFFFFFFFF;
	p2 =	slt.u32 s8, $0xFFFFF086  }
0x1c: {  	p1 =	slt.u32 s9, $0xF7A;
	s5 =	simm.s32 @!p2 $0x0  }
0x1d: {  	s5 =	simm.s32 @p1 $0x1;
	p0 =	seq.s32 s7, s2  }
0x1e: {  	s7 =	smul.u32 @!p0 $0xF7A, s2;
	p2 =	seq.s32 @!p0 s5, $0x0  }
0x1f: {  	s9 =	smul.u32 $0xF7A, s1;
	s8 =	simm.s32 @!p0 $0x1BF5;
	p2 =	por !p2, p0  }
0x20: {  	[sflag:s8] =	ssyncset.s32 @!p0 $0xFFFFF086;
	s6 =	sadd.s32 @!p0 s3, s7;
	s7 =	simm.s32 @!p0 $0x108  }
0x21: {  	s3 =	sadd.s32 s3, s9;
	s6 =	sadd.s32 @!p0 $0x88, s6;
	s7 =	simm.s32 @p2 $0x1082  }
0x22: {  	[simem:s7], [sflag:s8] =	dma.local @!p0 [hbm:s6], $0xF7A  }
0x23: {  	s9 =	sor.u32 $0xD0000000, s2;
	s6 =	simm.s32 $0x108;
	_ =	swait.ge @!p0 [sflag:s8], $0x0  }
0x24: {  	s3 =	sadd.s32 $0x88, s3;
	s6 =	simm.s32 @!p1 $0x1082;
	[sflag:s4] =	ssyncset.s32 $0xFFFFF086  }
0x25: {  	[simem:s6], [sflag:s4] =	dma.local [hbm:s3], $0xF7A  }
0x26: {  	[smem:$0x3F9B] =	sst s1;
	(tag) =	ssettag s2;
	_ =	strace s9  }
0x27: {  	s1 =	sld [smem:$0x3FAB]  }
0x28: {  	s2 =	sld [smem:$0x3FAC]  }
0x29: {  	s4 =	sld [smem:$0x3FAE]  }
0x2a: {  	p0 =	seq.s32 s5, $0x0;
	s5 =	sld [smem:$0x3FAF]  }
0x2b: {  	s6 =	sld [smem:$0x3FB0]  }
0x2c: {  	s7 =	sld [smem:$0x3FB1]  }
0x2d: {  	s3 =	simm.s32 $0x108;
	s8 =	sld [smem:$0x3FB2]  }
0x2e: {  	s3 =	simm.s32 @!p0 $0x1082;
	s9 =	sld [smem:$0x3FB3]  }
0x2f: {  	lr =	sadd.s32 s0, s3;
	s0 =	sld [smem:$0x3FAA]  }
0x30: {  	s3 =	sld [smem:$0x3FAD]  }
0x31: {  	[smem:$0x3FB6] =	sst s10  }
0x32: {  	s10 =	sld [smem:$0x3FB4];
	_ =	sdelay $0x3  }
0x33: {  	p0 =	seq.s32 s10, $0x1;
	s10 =	sld [smem:$0x3FB6];
	_ =	sdelay $0x3  }
0x34: {  	[smem:$0x3FB6] =	sst s10  }
0x35: {  	s10 =	sld [smem:$0x3FB5];
	_ =	sdelay $0x3  }
0x36: {  	p1 =	seq.s32 s10, $0x1;
	s10 =	sld [smem:$0x3FB6];
	_ =	sdelay $0x3  }
0x37: {  	[smem:$0x3FB6] =	sst s10  }
0x38: {  	s10 =	sld [smem:$0x3FB7]  }
0x39: {  	_ = 	snop;
	(pc) =	sbr.ind lr, $3  }
0x3a: {  	_ = 	snop  }
0x3b: {  	_ = 	snop  }
0x3c: {  	p2 =	seq.s32 s10, $0x1;
	s10 =	sld [smem:$0x3FB6]  }
0x3d: {  	_ =	shalt  }
0x3e: {  	_ =	shalt  }
0x3f: {  	_ =	shalt  }
0x40: {  	_ =	shalt  }
0x41: {  	_ =	shalt  }
0x42: {  	_ =	shalt  }
0x43: {  	_ =	shalt  }
0x44: {  	_ =	shalt  }
0x45: {  	_ =	shalt  }
0x46: {  	_ =	shalt  }
0x47: {  	_ =	shalt  }
0x48: {  	_ =	shalt  }
0x49: {  	_ =	shalt  }
0x4a: {  	_ =	shalt  }
0x4b: {  	_ =	shalt  }
0x4c: {  	_ =	shalt  }
0x4d: {  	_ =	shalt  }
0x4e: {  	_ =	shalt  }
0x4f: {  	_ =	shalt  }
0x50: {  	_ =	shalt  }
0x51: {  	_ =	shalt  }
0x52: {  	_ =	shalt  }
0x53: {  	_ =	shalt  }
0x54: {  	_ =	shalt  }
0x55: {  	_ =	shalt  }
0x56: {  	_ =	shalt  }
0x57: {  	_ =	shalt  }
0x58: {  	_ =	shalt  }
0x59: {  	_ =	shalt  }
0x5a: {  	_ =	shalt  }
0x5b: {  	_ =	shalt  }
0x5c: {  	_ =	shalt  }
0x5d: {  	_ =	shalt  }
0x5e: {  	_ =	shalt  }
0x5f: {  	_ =	shalt  }
0x60: {  	_ =	shalt  }
0x61: {  	_ =	shalt  }
0x62: {  	_ =	shalt  }
0x63: {  	_ =	shalt  }
0x64: {  	_ =	shalt  }
0x65: {  	_ =	shalt  }
0x66: {  	_ =	shalt  }
0x67: {  	_ =	shalt  }
0x68: {  	_ =	shalt  }
0x69: {  	_ =	shalt  }
0x6a: {  	_ =	shalt  }
0x6b: {  	_ =	shalt  }
0x6c: {  	_ =	shalt  }
0x6d: {  	_ =	shalt  }
0x6e: {  	_ =	shalt  }
0x6f: {  	_ =	shalt  }
0x70: {  	_ =	shalt  }
0x71: {  	_ =	shalt  }
0x72: {  	_ =	shalt  }
0x73: {  	_ =	shalt  }
0x74: {  	_ =	shalt  }
0x75: {  	_ =	shalt  }
0x76: {  	_ =	shalt  }
0x77: {  	_ =	shalt  }
0x78: {  	_ =	shalt  }
0x79: {  	_ =	shalt  }
0x7a: {  	_ =	shalt  }
0x7b: {  	_ =	shalt  }
0x7c: {  	_ =	shalt  }
0x7d: {  	_ =	shalt  }
0x7e: {  	_ =	shalt  }
0x7f: {  	_ =	shalt  }
0x80: {  	_ =	shalt  }
0x81: {  	_ =	shalt  }
0x82: {  	_ =	shalt  }
0x83: {  	_ =	shalt  }
0x84: {  	_ =	shalt  }
0x85: {  	_ =	shalt  }
0x86: {  	_ =	shalt  }
0x87: {  	_ =	shalt  }
.Lfunc_end0:
.L_simem_size_0:
called_computation.1_lowered:
.L_overlay_start_0:
0x88: {  	s2 =	sld [smem:$0x3FD9]  }
0x89: {  	s3 =	sld [smem:$0x3FFE];
	_ =	sdelay $0x1  }
0x8a: {  	s1 =	srdreg.scid  }
0x8b: {  	s0 =	sand.u32 $0x1, s1  }
0x8c: {  	s17 =	sshll.u32 s0, $0xA;
	s2 =	sadd.s32 s3, s2  }
0x8d: {  	s2 =	sadd.s32 s2, s17  }
0x8e: {  	[smem:$0x3FC2] =	sst s2  }
0x8f: {  	_ = 	snop  }
0x90: {  	s2 =	sld [smem:$0x3FD0];
	(tm) =	ssettm $0x1  }
0x91: {  	s18 =	sld [smem:$0x3FFB];
	_ =	sdelay $0x3  }
0x92: {  	_ =	strace s18  }
0x93: {  	s3 =	sld [smem:$0x3FFC];
	_ =	sdelay $0x3  }
0x94: {  	_ =	strace s3  }
0x95: {  	s3 =	sld [smem:$0x3FFD];
	_ =	sdelay $0x3  }
0x96: {  	_ =	strace s3  }
0x97: {  	_ =	strace $0x8FFFFFFF  }
0x98: {  	s19 =	sld [smem:$0x3FDB];
	_ =	sdelay $0x1  }
0x99: {  	s4 =	simm.s32 $_scs_section_size  }
0x9a: {  	s5 =	simm.s32 $_size__tile_overlayer_lowered;
	s6 =	simm.s32 $_tile_overlayer_lowered  }
0x9b: {  	s22 =	simm.s32 $0x1BFF;
	s21 =	sshll.u32 s6, $0x1;
	s3 =	sadd.s32 s4, s19  }
0x9c: {  	s7 =	simm.s32 $0x0;
	s20 =	sshll.u32 s5, $0x1;
	s5 =	sadd.s32 s21, s3  }
0x9d: {  	[timem:s7], [sflag:s22] =	dma.local [hbm:s5], s20  }
0x9e: {  	_ =	swait.ge [sflag:s22], s20  }
0x9f: {  	s4 =	ssub.s32 $0x0, s20;
	[sflag:s22] =	ssyncset.done $0x0  }
0xa0: {  	[sflag:s22] =	ssyncadd.s32 s4;
	_ =	sdelay $0x1  }
0xa1: {  	s23 =	simm.s32 $0x1B8B  }
0xa2: {  	_ =	swait.ge [sflag:s23], $0x1  }
0xa3: {  	[sflag:s23] =	ssyncset.done $0x0  }
0xa4: {  	s25 =	simm.s32 $0x1B8E;
	s24 =	sld [smem:$0x3FFE];
	[sflag:s23] =	ssyncadd.s32 $0xFFFFFFFF  }
0xa5: {  	s26 =	simm.s32 $execute0_lowered;
	[smem:$0x3FD2] =	sst s25  }
0xa6: {  	s5 =	sshll.u32 s26, $0x1;
	_ =	strace $0x80000049;
	[dreg:$0x1] =	wrdreg $0xFFFFFFFF  }
0xa7: {  	s28 =	simm.s32 $_size_execute0_lowered;
	s3 =	sadd.s32 s3, s5;
	[dreg:$0x0] =	wrdreg $0x0  }
0xa8: {  	s5 =	sshll.u32 s28, $0x1;
	[dreg:$0x2] =	wrdreg s3  }
0xa9: {  	[dreg:$0x3] =	wrdreg s5  }
0xaa: {  	[dreg:$0x4] =	wrdreg $0xC0  }
0xab: {  	_ =	task [dreg:s7], $0x5FFFF  }
0xac: {  	[dreg:$0x1] =	wrdreg $0xFFFFFFFF  }
0xad: {  	[dreg:$0x0] =	wrdreg $0x60  }
0xae: {  	[dreg:$0x2] =	wrdreg s24  }
0xaf: {  	[dreg:$0x3] =	wrdreg s2  }
0xb0: {  	[dreg:$0x4] =	wrdreg $0x1CD400  }
0xb1: {  	[dreg:$0x5] =	wrdreg $0x9  }
0xb2: {  	_ =	task.clear_ibuf [dreg:s7], $0x6FFFF;
	_ =	strace $0x90000049  }
0xb3: {  	s29 =	simm.s32 $0x9;
	_ =	strace $0x8000004B  }
0xb4: {  	_ =	swait.ge [sflag:s29], $0x1  }
0xb5: {  	[sflag:s29] =	ssyncadd.s32 $0xFFFFFFFF  }
0xb6: {  	_ =	strace $0x9000004B  }
0xb7: {  	_ =	sfence  }
0xb8: {  	s30 =	sld [smem:$0x0];
	_ =	sdelay $0x2  }
0xb9: {  	s31 =	sshll.u32 s1, $0xD;
	s1 =	sshrl.u32 s1, $0x2  }
0xba: {  	s3 =	sand.u32 $0x4000, s31;
	s1 =	sadd.s32 s1, s30  }
0xbb: {  	s0 =	sor.u32 s3, s0;
	s1 =	sshll.u32 s1, $0x11  }
0xbc: {  	s0 =	sor.u32 s1, s0  }
0xbd: {  	s0 =	sadd.s32 $0x8F2B, s0  }
0xbe: {  	[sflag:s0] =	ssyncadd.remote.s32 $0x1  }
0xbf: {  	_ =	sfence.sel $0xFFFF  }
0xc0: {  	[dreg:$0x0] =	wrdreg $0xFFFFFFFF;
	(pc) =	sbr.abs _section_cstart, $3  }
0xc1: {  	[dreg:$0x1] =	wrdreg $0xFFFFFFFF  }
0xc2: {  	_ =	task.clear_ibuf [dreg:s7], $0x2FFFF;
	_ =	strace $0x9FFFFFFF  }
0xc3: {  	(tm) =	ssettm $0x7FFFFFFF  }
tec
execute0_lowered:
.L_overlay_start_1:
0x0: {  	(tag) =	ssettag $0x1  }
0x1: {  	s2 =	rddreg [dreg:$0x0]  }
0x2: {  	s0 =	rddreg [dreg:$0x1]  }
0x3: {  	s1 =	rddreg [dreg:$0x2];
	s4 =	srdreg.scid  }
0x4: {  	s3 =	simm.s32 $0x0;
	s25 =	stileid.u32;
	s13 =	sand.u32 $0x1, s4  }
0x5: {  	[smem:$0x7FF] =	sst s3;
	s14 =	sadd.s32 $0x2000, s2;
	s4 =	sshll.u32 s13, $0x4  }
0x6: {  	s22 =	sadd.s32 $0x1A00, s2;
	s16 =	smul.u32 $0x1800, s25;
	s10 =	sor.u32 s25, s4  }
0x7: {  	s5 =	sadd.s32 $0xA6A00, s2;
	s6 =	sadd.s32 $0xA1A00, s2;
	s15 =	smul.u32 $0x14000, s10  }
0x8: {  	_ =	strace $0x8000004A;
	s9 =	ssub.s32 $0x2, s13;
	s7 =	smul.u32 $0x140, s10  }
0x9: {  	[dreg:$0x4] =	wrdreg s22;
	s11 =	sshrl.u32 s9, $0x1;
	s10 =	smul.u32 $0x2800, s10  }
0xa: {  	s8 =	sshrl.u32 s15, $0x3;
	s12 =	sadd.s32 $0x50, s7;
	s23 =	sadd.s32 $0x60, s7  }
0xb: {  	s17 =	sadd.s32 $0x70, s7;
	s24 =	sadd.s32 $0x90, s7;
	s26 =	sadd.s32 $0xA0, s7  }
0xc: {  	s28 =	sadd.s32 $0xB0, s7;
	s18 =	sadd.s32 $0xD0, s7;
	s20 =	sadd.s32 $0xC0, s7  }
0xd: {  	s29 =	sadd.s32 $0xE0, s7;
	s30 =	sadd.s32 $0xF0, s7;
	s21 =	sadd.s32 $0x100, s7  }
0xe: {  	s22 =	sadd.s32 $0x110, s7;
	s31 =	sadd.s32 s14, s10;
	s19 =	sadd.s32 s8, s2  }
0xf: {  	s8 =	sadd.s32 $0x52000, s2;
	s2 =	ssub.s32 s9, s11;
	s9 =	sadd.s32 s16, s1  }
0x10: {  	s11 =	sadd.s32 $0x40, s7;
	p0 =	slt.u32 s12, $0x2710;
	p1 =	slt.u32 s23, $0x2710  }
0x11: {  	p2 =	slt.u32 s17, $0x2710;
	s17 =	sadd.s32 $0x80, s7;
	p5 =	slt.u32 s24, $0x2710  }
0x12: {  	p3 =	slt.u32 s26, $0x2710;
	p4 =	slt.u32 s28, $0x2710;
	p6 =	slt.u32 s18, $0x2710  }
0x13: {  	s23 =	sadd.s32 $0x120, s7;
	s24 =	sadd.s32 $0x130, s7;
	[dreg:$0x5] =	wrdreg s31  }
0x14: {  	s26 =	sshll.u32 s21, $0x5;
	s28 =	smul.u32 $0x18000, s13;
	s4 =	simm.s32 @!p4 $0x0  }
0x15: {  	s11 =	sshll.u32 s11, $0x5;
	s10 =	sshll.u32 s17, $0x5;
	s4 =	simm.s32 @p4 $0x1  }
0x16: {  	vm0 =	vmxor vm0, vm0;
	p4 =	slt.u32 s29, $0x2710;
	s11 =	sadd.s32 s14, s11;
	[smem:$0x7FA] =	sst s4  }
0x17: {  	vm1 =	vmmov vm0;
	s12 =	sadd.s32 s14, s10;
	s4 =	simm.s32 @!p0 $0x0;
	[dreg:$0x6] =	wrdreg s11  }
0x18: {  	vm1 =	vmneg @p0 vm1;
	s4 =	simm.s32 @p0 $0x1;
	p0 =	slt.u32 s17, $0x2710;
	s17 =	sld [smem:$0x7FA]  }
0x19: {  	v0 =	vlaneseq.u32;
	v2 =	vimm.f32 $0.0e+00;
	v3 =	vimm.f32 $1.000000000e+00;
	s29 =	smul.u32 $0x500, s25;
	[smem:$0x7F4] =	sst s4;
	s4 =	simm.s32 @!p1 $0x0  }
0x1a: {  	vm2 =	vmmov vm0;
	vm3 =	vmmov vm0;
	vm4 =	vmmov vm0;
	s19 =	sadd.s32 $0xABA00, s19;
	[dreg:$0x7] =	wrdreg s12;
	s4 =	simm.s32 @p1 $0x1  }
0x1b: {  	vm5 =	vmmov vm0;
	vm6 =	vmmov vm0;
	v1 =	vmov s15;
	s15 =	sadd.s32 s5, s29;
	[smem:$0x7F5] =	sst s4;
	s4 =	simm.s32 @!p2 $0x0  }
0x1c: {  	vm7 =	vmmov vm0;
	vm8 =	vmmov vm0;
	vm2 =	vmneg @p1 vm2;
	p1 =	seq.s32 s17, $0x1;
	s17 =	smul.u32 $0x2800, s25;
	s4 =	simm.s32 @p2 $0x1  }
0x1d: {  	vm9 =	vmmov vm0;
	vm10 =	vmmov vm0;
	v0 =	vmul.u32 $0x100, v0;
	s25 =	simm.s32 $0x0;
	[smem:$0x7F6] =	sst s4;
	s4 =	simm.s32 @!p0 $0x0  }
0x1e: {  	vm11 =	vmmov vm0;
	vm12 =	vmmov vm0;
	vm4 =	vmneg @p0 vm4;
	s4 =	simm.s32 @p0 $0x1;
	p0 =	slt.u32 s20, $0x2710;
	s20 =	sshll.u32 s20, $0x5  }
0x1f: {  	vm13 =	vmmov vm0;
	vm14 =	vmmov vm0;
	v4 =	vor.u32 $0x1000, v0;
	[smem:$0x7F7] =	sst s4;
	s4 =	simm.s32 @!p5 $0x0;
	s13 =	sadd.s32 s14, s20  }
0x20: {  	v5 =	vor.u32 $0x2000, v0;
	v6 =	vor.u32 $0x3000, v0;
	v7 =	vor.u32 $0x4000, v0;
	s14 =	sadd.s32 s14, s26;
	s20 =	smax.u32 s2, $0x1;
	s4 =	simm.s32 @p5 $0x1  }
0x21: {  	v8 =	vor.u32 $0x5000, v0;
	v9 =	vor.u32 $0x6000, v0;
	v10 =	vor.u32 $0x7000, v0;
	s2 =	simm.s32 $0x2800;
	[smem:$0x7F8] =	sst s4;
	s4 =	simm.s32 @!p3 $0x0  }
0x22: {  	v11 =	vor.u32 $0x8000, v0;
	v12 =	vor.u32 $0x9000, v0;
	vm5 =	vmneg @p5 vm5;
	p5 =	slt.u32 s22, $0x2710;
	s22 =	simm.s32 $0x16800;
	s4 =	simm.s32 @p3 $0x1  }
0x23: {  	v13 =	vor.u32 $0xA000, v0;
	v14 =	vor.u32 $0xB000, v0;
	vm6 =	vmneg @p3 vm6;
	p3 =	slt.u32 s30, $0x2710;
	[smem:$0x7F9] =	sst s4;
	s4 =	simm.s32 @!p0 $0x0  }
0x24: {  	v15 =	vor.u32 $0xC000, v0;
	v16 =	vor.u32 $0xD000, v0;
	v17 =	vor.u32 $0xE000, v0;
	s30 =	sadd.s32 s16, s28;
	s16 =	sadd.s32 s6, s29;
	s4 =	simm.s32 @p0 $0x1  }
0x25: {  	v18 =	vor.u32 $0xF000, v0;
	v19 =	vor.u32 $0x10000, v0;
	v20 =	vor.u32 $0x11000, v0;
	s31 =	sshrl.u32 s30, $0x3;
	[smem:$0x7FB] =	sst s4;
	s4 =	simm.s32 @!p6 $0x0  }
0x26: {  	v21 =	vor.u32 $0x12000, v0;
	v22 =	vor.u32 $0x13000, v0;
	vm8 =	vmneg @p0 vm8;
	p0 =	slt.u32 s24, $0x2710;
	s18 =	sadd.s32 s0, s31;
	s4 =	simm.s32 @p6 $0x1  }
0x27: {  	vm3 =	vmneg @p2 vm3;
	vm9 =	vmneg @p6 vm9;
	vm10 =	vmneg @p4 vm10;
	s0 =	simm.s32 $0x1B940;
	[smem:$0x7FC] =	sst s4;
	s4 =	simm.s32 @!p4 $0x0  }
0x28: {  	vm7 =	vmneg @p1 vm7;
	vm13 =	vmneg @p5 vm13;
	vm11 =	vmneg @p3 vm11;
	p6 =	slt.u32 s23, $0x2710;
	s4 =	simm.s32 @p4 $0x1;
	p4 =	slt.u32 s21, $0x2710  }
0x29: {  	vm0 =	vmneg @p0 vm0;
	s23 =	simm.s32 $0x40;
	vm14 =	vmneg @p6 vm14;
	s21 =	simm.s32 $0x7;
	[smem:$0x7FD] =	sst s4;
	vm12 =	vmneg @p4 vm12  }
.LBB2_1:
0x2a: {  	s4 =	rddreg [dreg:$0x4]  }
0x2b: {  	[tilespmem:s3], [sflag:$0x7] =	stream.linear.gather [hbm4b:s4+s3], $0x2800, $0x38;
	[tilespmem:$0x1E540] =	vst v63  }
0x2c: {  	_ =	swait.ge [sflag:s21], $0x2800  }
0x2d: {  	[sflag:s21] =	ssyncset.done $0x0  }
0x2e: {  	s26 =	simm.s32 $0x0;
	s28 =	simm.s32 $0x400;
	[sflag:s21] =	ssyncadd.s32 $0xFFFFD800  }
.LBB2_2:
0x2f: {  	p1 =	sne.s32 s28, $0xFC00;
	[tilespmem:s26+$0x168F0] =	vst v2  }
0x30: {  	[tilespmem:s26+$0x16800] =	vst v2  }
0x31: {  	[tilespmem:s26+$0x16810] =	vst v2  }
0x32: {  	[tilespmem:s26+$0x16820] =	vst v2  }
0x33: {  	[tilespmem:s26+$0x16830] =	vst v2  }
0x34: {  	[tilespmem:s26+$0x16840] =	vst v2  }
0x35: {  	[tilespmem:s26+$0x16850] =	vst v2  }
0x36: {  	[tilespmem:s26+$0x16860] =	vst v2  }
0x37: {  	[tilespmem:s26+$0x16870] =	vst v2  }
0x38: {  	[tilespmem:s26+$0x16880] =	vst v2  }
0x39: {  	[tilespmem:s26+$0x16890] =	vst v2  }
.Ltmp0:
0x3a: {  	[tilespmem:s26+$0x168A0] =	vst v2;
	(pc) =	sbr.rel @p1 .LBB2_2-.Ltmp0, $4  }
0x3b: {  	[tilespmem:s26+$0x168B0] =	vst v2  }
0x3c: {  	[tilespmem:s26+$0x168C0] =	vst v2  }
0x3d: {  	[tilespmem:s26+$0x168D0] =	vst v2  }
0x3e: {  	[tilespmem:s26+$0x168E0] =	vst v2;
	s26 =	sshra.s32 s28, $0x2;
	s28 =	sadd.s32 $0x400, s28  }
0x3f: {  	[tilespmem:s26+$0x168F0] =	vst v2  }
0x40: {  	[tilespmem:s26+$0x16800] =	vst v2  }
0x41: {  	[tilespmem:s26+$0x16810] =	vst v2  }
0x42: {  	[tilespmem:s26+$0x16820] =	vst v2  }
0x43: {  	[tilespmem:s26+$0x16830] =	vst v2  }
0x44: {  	[tilespmem:s26+$0x16840] =	vst v2  }
0x45: {  	[tilespmem:s26+$0x16850] =	vst v2  }
0x46: {  	[tilespmem:s26+$0x16860] =	vst v2  }
0x47: {  	[tilespmem:s26+$0x16870] =	vst v2  }
0x48: {  	[tilespmem:s26+$0x16880] =	vst v2  }
0x49: {  	[tilespmem:s26+$0x16890] =	vst v2  }
0x4a: {  	[tilespmem:s26+$0x168A0] =	vst v2  }
0x4b: {  	[tilespmem:s26+$0x168B0] =	vst v2  }
0x4c: {  	[tilespmem:s26+$0x168C0] =	vst v2  }
0x4d: {  	[tilespmem:s26+$0x168D0] =	vst v2  }
0x4e: {  	[tilespmem:s26+$0x168E0] =	vst v2  }
0x4f: {  	[spmem:s9] =	stream.linear.scatter [tilespmem:s22], [sflag:$0x7], $0x1800, $0x38;
	[tilespmem:$0x1E540] =	vst v63  }
0x50: {  	_ =	swait.ge [sflag:s21], $0x1800  }
0x51: {  	[sflag:s21] =	ssyncset.done $0x0  }
0x52: {  	[sflag:s21] =	ssyncadd.s32 $0xFFFFE800  }
0x53: {  	v23 =	vld [tilespmem:s7+$0x0];
	_ =	sdelay $0x4  }
0x54: {  	[tilespmem:$0x1A800] =	vst v23  }
0x55: {  	v23 =	vld [tilespmem:s7+$0x10];
	_ =	sdelay $0x4  }
0x56: {  	[tilespmem:$0x1A810] =	vst v23  }
0x57: {  	v23 =	vld [tilespmem:s7+$0x20];
	_ =	sdelay $0x4  }
0x58: {  	[tilespmem:$0x1A820] =	vst v23  }
0x59: {  	v23 =	vld [tilespmem:s7+$0x30];
	_ =	sdelay $0x4  }
0x5a: {  	[tilespmem:$0x1A830] =	vst v23  }
0x5b: {  	v23 =	vld [tilespmem:s7+$0x40];
	_ =	sdelay $0x4  }
0x5c: {  	[tilespmem:$0x1A840] =	vst v23  }
0x5d: {  	v23 =	vld [tilespmem:s7+$0x50]  }
0x5e: {  	s4 =	sld [smem:$0x7F4];
	_ =	sdelay $0x2  }
0x5f: {  	p1 =	seq.s32 s4, $0x1  }
0x60: {  	v23 =	vpsel !p1, $0x100, v23  }
0x61: {  	[tilespmem:$0x1A850] =	vst v23  }
0x62: {  	v23 =	vld [tilespmem:s7+$0x60]  }
0x63: {  	s30 =	sld [smem:$0x7F5];
	_ =	sdelay $0x2  }
0x64: {  	p2 =	seq.s32 s30, $0x1  }
0x65: {  	v23 =	vpsel !p2, $0x100, v23  }
0x66: {  	[tilespmem:$0x1A860] =	vst v23  }
0x67: {  	v23 =	vld [tilespmem:s7+$0x70]  }
0x68: {  	s31 =	sld [smem:$0x7F6];
	_ =	sdelay $0x2  }
0x69: {  	p2 =	seq.s32 s31, $0x1  }
0x6a: {  	v23 =	vpsel !p2, $0x100, v23  }
0x6b: {  	[tilespmem:$0x1A870] =	vst v23  }
0x6c: {  	v23 =	vld [tilespmem:s7+$0x80]  }
0x6d: {  	s10 =	sld [smem:$0x7F7];
	_ =	sdelay $0x2  }
0x6e: {  	p2 =	seq.s32 s10, $0x1  }
0x6f: {  	v23 =	vpsel !p2, $0x100, v23  }
0x70: {  	[tilespmem:$0x1A880] =	vst v23  }
0x71: {  	v23 =	vld [tilespmem:s7+$0x90]  }
0x72: {  	s11 =	sld [smem:$0x7F8];
	_ =	sdelay $0x2  }
0x73: {  	p2 =	seq.s32 s11, $0x1  }
0x74: {  	v23 =	vpsel !p2, $0x100, v23  }
0x75: {  	[tilespmem:$0x1A890] =	vst v23  }
0x76: {  	v23 =	vld [tilespmem:s7+$0xA0]  }
0x77: {  	s12 =	sld [smem:$0x7F9];
	_ =	sdelay $0x2  }
0x78: {  	p2 =	seq.s32 s12, $0x1  }
0x79: {  	v23 =	vpsel !p2, $0x100, v23  }
0x7a: {  	[tilespmem:$0x1A8A0] =	vst v23  }
0x7b: {  	v23 =	vld [tilespmem:s7+$0xB0]  }
0x7c: {  	s24 =	sld [smem:$0x7FA];
	_ =	sdelay $0x2  }
0x7d: {  	p2 =	seq.s32 s24, $0x1  }
0x7e: {  	v23 =	vpsel !p2, $0x100, v23  }
0x7f: {  	[tilespmem:$0x1A8B0] =	vst v23  }
0x80: {  	v23 =	vld [tilespmem:s7+$0xC0]  }
0x81: {  	s26 =	sld [smem:$0x7FB];
	_ =	sdelay $0x2  }
0x82: {  	p2 =	seq.s32 s26, $0x1  }
0x83: {  	v23 =	vpsel !p2, $0x100, v23  }
0x84: {  	[tilespmem:$0x1A8C0] =	vst v23  }
0x85: {  	v23 =	vld [tilespmem:s7+$0xD0]  }
0x86: {  	s28 =	sld [smem:$0x7FC];
	_ =	sdelay $0x2  }
0x87: {  	p2 =	seq.s32 s28, $0x1  }
0x88: {  	v23 =	vpsel !p2, $0x100, v23  }
0x89: {  	[tilespmem:$0x1A8D0] =	vst v23  }
0x8a: {  	v23 =	vld [tilespmem:s7+$0xE0]  }
0x8b: {  	s29 =	sld [smem:$0x7FD];
	_ =	sdelay $0x2  }
0x8c: {  	p2 =	seq.s32 s29, $0x1  }
0x8d: {  	v23 =	vpsel !p2, $0x100, v23  }
0x8e: {  	[tilespmem:$0x1A8E0] =	vst v23  }
0x8f: {  	v23 =	vld [tilespmem:s7+$0xF0];
	_ =	sdelay $0x4  }
0x90: {  	v23 =	vpsel !p3, $0x100, v23  }
0x91: {  	[tilespmem:$0x1A8F0] =	vst v23  }
0x92: {  	v23 =	vld [tilespmem:s7+$0x100];
	_ =	sdelay $0x4  }
0x93: {  	v23 =	vpsel !p4, $0x100, v23  }
0x94: {  	[tilespmem:$0x1A900] =	vst v23  }
0x95: {  	v23 =	vld [tilespmem:s7+$0x110];
	_ =	sdelay $0x4  }
0x96: {  	v23 =	vpsel !p5, $0x100, v23  }
0x97: {  	[tilespmem:$0x1A910] =	vst v23  }
0x98: {  	v23 =	vld [tilespmem:s7+$0x120];
	_ =	sdelay $0x4  }
0x99: {  	v23 =	vpsel !p6, $0x100, v23  }
0x9a: {  	[tilespmem:$0x1A920] =	vst v23  }
0x9b: {  	v23 =	vld [tilespmem:s7+$0x130];
	_ =	sdelay $0x4  }
0x9c: {  	v23 =	vpsel !p0, $0x100, v23  }
0x9d: {  	[tilespmem:$0x1A930] =	vst v23  }
0x9e: {  	[bflag:$0x0] =	sbarrier.arrive $0xFFFF  }
0x9f: {  	s26 =	simm.s32 $0x0;
	s30 =	rddreg [dreg:$0x5]  }
0xa0: {  	[tilespmem:s22], [sflag:$0x7] =	stream.linear.gather [hbm4b:s30+s26], $0x4000, $0x38;
	[tilespmem:$0x1E540] =	vst v63  }
0xa1: {  	_ =	swait.ge [sflag:s21], $0x4000  }
0xa2: {  	[sflag:s21] =	ssyncset.done $0x0  }
0xa3: {  	s31 =	simm.s32 $0x1A800;
	[sflag:s21] =	ssyncadd.s32 $0xFFFFC000  }
0xa4: {  	[spmem:s1] =	stream.indirect.scatter.add.f32 [tilespmem:s22], [sflag:$0x7], $0x100, s31, s23, $0xb8;
	[tilespmem:$0x1E540] =	vst v63  }
0xa5: {  	_ =	swait.ge [sflag:s21], $0x4000  }
0xa6: {  	[sflag:s21] =	ssyncset.done $0x0  }
0xa7: {  	s10 =	rddreg [dreg:$0x6];
	[sflag:s21] =	ssyncadd.s32 $0xFFFFC000  }
0xa8: {  	[tilespmem:s22], [sflag:$0x7] =	stream.linear.gather [hbm4b:s10+s26], $0x4000, $0x38;
	[tilespmem:$0x1E540] =	vst v63  }
0xa9: {  	_ =	swait.ge [sflag:s21], $0x4000  }
0xaa: {  	[sflag:s21] =	ssyncset.done $0x0  }
0xab: {  	s11 =	simm.s32 $0x1A840;
	[sflag:s21] =	ssyncadd.s32 $0xFFFFC000  }
0xac: {  	[spmem:s1] =	stream.indirect.scatter.add.f32 [tilespmem:s22], [sflag:$0x7], $0x100, s11, s23, $0xb8;
	[tilespmem:$0x1E540] =	vst v63  }
0xad: {  	_ =	swait.ge [sflag:s21], $0x4000  }
0xae: {  	[sflag:s21] =	ssyncset.done $0x0  }
0xaf: {  	s12 =	rddreg [dreg:$0x7];
	[sflag:s21] =	ssyncadd.s32 $0xFFFFC000  }
0xb0: {  	[tilespmem:s22], [sflag:$0x7] =	stream.linear.gather [hbm4b:s12+s26], $0x4000, $0x38;
	[tilespmem:$0x1E540] =	vst v63  }
0xb1: {  	_ =	swait.ge [sflag:s21], $0x4000  }
0xb2: {  	[sflag:s21] =	ssyncset.done $0x0  }
0xb3: {  	s24 =	simm.s32 $0x1A880;
	[sflag:s21] =	ssyncadd.s32 $0xFFFFC000  }
0xb4: {  	[spmem:s1] =	stream.indirect.scatter.add.f32 [tilespmem:s22], [sflag:$0x7], $0x100, s24, s23, $0xb8;
	[tilespmem:$0x1E540] =	vst v63  }
0xb5: {  	_ =	swait.ge [sflag:s21], $0x4000  }
0xb6: {  	[sflag:s21] =	ssyncset.done $0x0  }
0xb7: {  	[sflag:s21] =	ssyncadd.s32 $0xFFFFC000  }
0xb8: {  	[tilespmem:s22], [sflag:$0x7] =	stream.linear.gather [hbm4b:s13+s26], $0x4000, $0x38;
	[tilespmem:$0x1E540] =	vst v63  }
0xb9: {  	_ =	swait.ge [sflag:s21], $0x4000  }
0xba: {  	[sflag:s21] =	ssyncset.done $0x0  }
0xbb: {  	s28 =	simm.s32 $0x1A8C0;
	[sflag:s21] =	ssyncadd.s32 $0xFFFFC000  }
0xbc: {  	[spmem:s1] =	stream.indirect.scatter.add.f32 [tilespmem:s22], [sflag:$0x7], $0x100, s28, s23, $0xb8;
	[tilespmem:$0x1E540] =	vst v63  }
0xbd: {  	_ =	swait.ge [sflag:s21], $0x4000  }
0xbe: {  	[sflag:s21] =	ssyncset.done $0x0  }
0xbf: {  	[sflag:s21] =	ssyncadd.s32 $0xFFFFC000  }
0xc0: {  	[tilespmem:s22], [sflag:$0x7] =	stream.linear.gather [hbm4b:s14+s26], $0x4000, $0x38;
	[tilespmem:$0x1E540] =	vst v63  }
0xc1: {  	_ =	swait.ge [sflag:s21], $0x4000  }
0xc2: {  	[sflag:s21] =	ssyncset.done $0x0  }
0xc3: {  	s29 =	simm.s32 $0x1A900;
	[sflag:s21] =	ssyncadd.s32 $0xFFFFC000  }
0xc4: {  	[spmem:s1] =	stream.indirect.scatter.add.f32 [tilespmem:s22], [sflag:$0x7], $0x100, s29, s23, $0xb8;
	[tilespmem:$0x1E540] =	vst v63  }
0xc5: {  	_ =	swait.ge [sflag:s21], $0x4000  }
0xc6: {  	[sflag:s21] =	ssyncset.done $0x0  }
0xc7: {  	s30 =	simm.s32 $0x1A940;
	[sflag:s21] =	ssyncadd.s32 $0xFFFFC000  }
0xc8: {  	[tilespmem:s30], [sflag:$0x1] =	stream.linear.gather [hbm4b:s15+s26], $0x400, $0x38;
	[tilespmem:$0x1E540] =	vst v63  }
0xc9: {  	p1 =	por $0x0, $0x0;
	s31 =	simm.s32 $0x1B140  }
0xca: {  	[tilespmem:s31], [sflag:$0x3] =	stream.linear.gather [hbm4b:s16+s26], $0x400, $0x38;
	[tilespmem:$0x1E540] =	vst v63  }
.LBB2_4:
0xcb: {  	s29 =	sand.u32 $0x1, s26  }
0xcc: {  	s28 =	sadd.s32 $0x1, s29  }
0xcd: {  	s30 =	simm.s32 $0x1;
	p2 =	seq.s32 s26, $0x9;
	_ =	swait.ge [sflag:s28], $0x400  }
0xce: {  	s30 =	simm.s32 @!p1 $0x0;
	s31 =	sadd.s32 $0x3, s29;
	[sflag:s28] =	ssyncset.done $0x0  }
0xcf: {  	s29 =	sxor.u32 @!p2 $0x1, s29;
	[sflag:s28] =	ssyncadd.s32 $0xFFFFFC00;
	s28 =	sadd.s32 $0x1, s26  }
0xd0: {  	s12 =	simm.s32 @!p2 $0x0;
	s30 =	sshll.u32 s30, $0xA;
	s24 =	sshll.u32 @!p2 s28, $0xA  }
0xd1: {  	s4 =	sshll.u32 @!p2 s29, $0xA;
	_ =	swait.ge [sflag:s31], $0x400;
	s24 =	sadd.s32 @!p2 s17, s24  }
0xd2: {  	s10 =	sadd.s32 @!p2 $0x1, s29;
	[sflag:s31] =	ssyncset.done $0x0;
	s24 =	sshrl.u32 @!p2 s24, $0x3  }
0xd3: {  	[sflag:s31] =	ssyncadd.s32 $0xFFFFFC00;
	s31 =	sor.u32 @!p2 $0x1A940, s4;
	s11 =	sadd.s32 @!p2 s5, s24  }
0xd4: {  	[tilespmem:s31], [sflag:s10] =	stream.linear.gather @!p2 [hbm4b:s11+s12], $0x400, $0x38;
	[tilespmem:$0x1E540] =	vst v63  }
0xd5: {  	s31 =	sor.u32 $0x1A960, s30  }
0xd6: {  	v23 =	vmov s31  }
0xd7: {  	s4 =	sor.u32 @!p2 $0x1B140, s4;
	s10 =	sadd.s32 @!p2 $0x3, s29  }
0xd8: {  	s11 =	sadd.s32 @!p2 s6, s24;
	s24 =	sor.u32 $0x1B160, s30;
	s29 =	simm.s32 $0x0  }
0xd9: {  	v24 =	vmov s24;
	[tilespmem:s4], [sflag:s10] =	stream.linear.gather @!p2 [hbm4b:s11+s12], $0x400, $0x38;
	[tilespmem:$0x1E540] =	vst v63  }
.LBB2_5:
0xda: {  	s4 =	sshra.s32 s29, $0x2  }
0xdb: {  	v25 =	vld.idx.msk [tilespmem:v23+s4+$0xFFFFFFE0 ss:$0x1], $0xffff;
	_ =	sdelay $0x6  }
0xdc: {  	v26 =	vld.idx.msk [tilespmem:v24+s4+$0xFFFFFFE0 ss:$0x1], $0xffff  }
0xdd: {  	v25 =	vld.idx.msk [tilespmem:v25+s3+$0x0], $0xffff;
	_ =	sdelay $0x3  }
0xde: {  	v26 =	vshll.u32 v26, $0x8  }
0xdf: {  	v25 =	vadd.s32 v25, v26  }
0xe0: {  	[tilespmem:s4+$0x1B940] =	vst v25  }
0xe1: {  	v25 =	vld.idx.msk [tilespmem:v23+s4+$0xFFFFFFF0 ss:$0x1], $0xffff;
	_ =	sdelay $0x6  }
0xe2: {  	v26 =	vld.idx.msk [tilespmem:v24+s4+$0xFFFFFFF0 ss:$0x1], $0xffff  }
0xe3: {  	v25 =	vld.idx.msk [tilespmem:v25+s3+$0x0], $0xffff;
	_ =	sdelay $0x3  }
0xe4: {  	v26 =	vshll.u32 v26, $0x8  }
0xe5: {  	v25 =	vadd.s32 v25, v26  }
0xe6: {  	[tilespmem:s4+$0x1B950] =	vst v25  }
0xe7: {  	v25 =	vld.idx.msk [tilespmem:v23+s4+$0x0 ss:$0x1], $0xffff;
	_ =	sdelay $0x6  }
0xe8: {  	v26 =	vld.idx.msk [tilespmem:v24+s4+$0x0 ss:$0x1], $0xffff  }
0xe9: {  	v25 =	vld.idx.msk [tilespmem:v25+s3+$0x0], $0xffff;
	_ =	sdelay $0x3  }
0xea: {  	v26 =	vshll.u32 v26, $0x8  }
0xeb: {  	v25 =	vadd.s32 v25, v26  }
0xec: {  	[tilespmem:s4+$0x1B960] =	vst v25  }
0xed: {  	v25 =	vld.idx.msk [tilespmem:v23+s4+$0x10 ss:$0x1], $0xffff;
	_ =	sdelay $0x6  }
0xee: {  	v26 =	vld.idx.msk [tilespmem:v24+s4+$0x10 ss:$0x1], $0xffff  }
0xef: {  	v25 =	vld.idx.msk [tilespmem:v25+s3+$0x0], $0xffff  }
0xf0: {  	p2 =	sne.s32 s29, $0xF00  }
.Ltmp1:
0xf1: {  	_ = 	snop;
	(pc) =	sbr.rel @p2 .LBB2_5-.Ltmp1, $4  }
0xf2: {  	_ = 	snop  }
0xf3: {  	v26 =	vshll.u32 v26, $0x8  }
0xf4: {  	v25 =	vadd.s32 v25, v26  }
0xf5: {  	s29 =	sadd.s32 $0x100, s29;
	[tilespmem:s4+$0x1B970] =	vst v25  }
0xf6: {  	s4 =	sshll.u32 s26, $0xA  }
0xf7: {  	s4 =	sadd.s32 s17, s4  }
0xf8: {  	p2 =	sne.s32 s28, $0xA;
	s4 =	sshrl.u32 s4, $0x3  }
.Ltmp2:
0xf9: {  	s29 =	simm.s32 $0x0;
	s4 =	sadd.s32 s8, s4;
	(pc) =	sbr.rel @p2 .LBB2_4-.Ltmp2, $4  }
0xfa: {  	[hbm4b:s4+s29] =	stream.linear.scatter [tilespmem:s0], [sflag:$0x7], $0x400, $0x38;
	[tilespmem:$0x1E540] =	vst v63  }
0xfb: {  	_ =	swait.ge [sflag:s21], $0x400  }
0xfc: {  	[sflag:s21] =	ssyncset.done $0x0  }
0xfd: {  	p1 =	por !p1, !p1;
	s26 =	smov.u32 s28;
	[sflag:s21] =	ssyncadd.s32 $0xFFFFFC00  }
0xfe: {  	s26 =	sshra.s32 s29, $0x2;
	s28 =	sadd.s32 $0x200, s29  }
.LBB2_8:
0xff: {  	p1 =	sne.s32 s28, $0x4FE00;
	[tilespmem:s26+$0x2870] =	vst v2  }
0x100: {  	[tilespmem:s26+$0x2800] =	vst v2  }
0x101: {  	[tilespmem:s26+$0x2810] =	vst v2  }
.Ltmp3:
0x102: {  	[tilespmem:s26+$0x2820] =	vst v2;
	(pc) =	sbr.rel @p1 .LBB2_8-.Ltmp3, $4  }
0x103: {  	[tilespmem:s26+$0x2830] =	vst v2  }
0x104: {  	[tilespmem:s26+$0x2840] =	vst v2  }
0x105: {  	[tilespmem:s26+$0x2850] =	vst v2  }
0x106: {  	[tilespmem:s26+$0x2860] =	vst v2;
	s26 =	sshra.s32 s28, $0x2;
	s28 =	sadd.s32 $0x200, s28  }
0x107: {  	[tilespmem:s26+$0x2870] =	vst v2  }
0x108: {  	[tilespmem:s26+$0x2800] =	vst v2  }
0x109: {  	[tilespmem:s26+$0x2810] =	vst v2  }
0x10a: {  	[tilespmem:s26+$0x2820] =	vst v2  }
0x10b: {  	[tilespmem:s26+$0x2830] =	vst v2  }
0x10c: {  	[tilespmem:s26+$0x2840] =	vst v2  }
0x10d: {  	[tilespmem:s26+$0x2850] =	vst v2  }
0x10e: {  	[tilespmem:s26+$0x2860] =	vst v2  }
0x10f: {  	v23 =	vld [tilespmem:s7+$0x0];
	_ =	sdelay $0x4  }
0x110: {  	v23 =	vadd.s32 v0, v23;
	_ =	sdelay $0x4  }
0x111: {  	[tilespmem:v23+s2+$0x0] =	vst.idx.add.f32.msk $0xffff, v3  }
0x112: {  	v23 =	vld [tilespmem:s7+$0x10];
	_ =	sdelay $0x4  }
0x113: {  	v23 =	vadd.s32 v4, v23;
	_ =	sdelay $0x4  }
0x114: {  	[tilespmem:v23+s2+$0x0] =	vst.idx.add.f32.msk $0xffff, v3  }
0x115: {  	v23 =	vld [tilespmem:s7+$0x20];
	_ =	sdelay $0x4  }
0x116: {  	v23 =	vadd.s32 v5, v23;
	_ =	sdelay $0x4  }
0x117: {  	[tilespmem:v23+s2+$0x0] =	vst.idx.add.f32.msk $0xffff, v3  }
0x118: {  	v23 =	vld [tilespmem:s7+$0x30];
	_ =	sdelay $0x4  }
0x119: {  	v23 =	vadd.s32 v6, v23;
	_ =	sdelay $0x4  }
0x11a: {  	[tilespmem:v23+s2+$0x0] =	vst.idx.add.f32.msk $0xffff, v3  }
0x11b: {  	v23 =	vld [tilespmem:s7+$0x40];
	_ =	sdelay $0x4  }
0x11c: {  	v23 =	vadd.s32 v7, v23;
	_ =	sdelay $0x4  }
0x11d: {  	[tilespmem:v23+s2+$0x0] =	vst.idx.add.f32.msk $0xffff, v3  }
0x11e: {  	v23 =	vld [tilespmem:s7+$0x50];
	_ =	sdelay $0x4  }
0x11f: {  	v23 =	vadd.s32 v8, v23;
	_ =	sdelay $0x4  }
0x120: {  	[tilespmem:v23+s2+$0x0] =	vst.idx.add.f32.msk vm1, v3  }
0x121: {  	v23 =	vld [tilespmem:s7+$0x60];
	_ =	sdelay $0x4  }
0x122: {  	v23 =	vadd.s32 v9, v23;
	_ =	sdelay $0x4  }
0x123: {  	[tilespmem:v23+s2+$0x0] =	vst.idx.add.f32.msk vm2, v3  }
0x124: {  	v23 =	vld [tilespmem:s7+$0x70];
	_ =	sdelay $0x4  }
0x125: {  	v23 =	vadd.s32 v10, v23;
	_ =	sdelay $0x4  }
0x126: {  	[tilespmem:v23+s2+$0x0] =	vst.idx.add.f32.msk vm3, v3  }
0x127: {  	v23 =	vld [tilespmem:s7+$0x80];
	_ =	sdelay $0x4  }
0x128: {  	v23 =	vadd.s32 v11, v23;
	_ =	sdelay $0x4  }
0x129: {  	[tilespmem:v23+s2+$0x0] =	vst.idx.add.f32.msk vm4, v3  }
0x12a: {  	v23 =	vld [tilespmem:s7+$0x90];
	_ =	sdelay $0x4  }
0x12b: {  	v23 =	vadd.s32 v12, v23;
	_ =	sdelay $0x4  }
0x12c: {  	[tilespmem:v23+s2+$0x0] =	vst.idx.add.f32.msk vm5, v3  }
0x12d: {  	v23 =	vld [tilespmem:s7+$0xA0];
	_ =	sdelay $0x4  }
0x12e: {  	v23 =	vadd.s32 v13, v23;
	_ =	sdelay $0x4  }
0x12f: {  	[tilespmem:v23+s2+$0x0] =	vst.idx.add.f32.msk vm6, v3  }
0x130: {  	v23 =	vld [tilespmem:s7+$0xB0];
	_ =	sdelay $0x4  }
0x131: {  	v23 =	vadd.s32 v14, v23;
	_ =	sdelay $0x4  }
0x132: {  	[tilespmem:v23+s2+$0x0] =	vst.idx.add.f32.msk vm7, v3  }
0x133: {  	v23 =	vld [tilespmem:s7+$0xC0];
	_ =	sdelay $0x4  }
0x134: {  	v23 =	vadd.s32 v15, v23;
	_ =	sdelay $0x4  }
0x135: {  	[tilespmem:v23+s2+$0x0] =	vst.idx.add.f32.msk vm8, v3  }
0x136: {  	v23 =	vld [tilespmem:s7+$0xD0];
	_ =	sdelay $0x4  }
0x137: {  	v23 =	vadd.s32 v16, v23;
	_ =	sdelay $0x4  }
0x138: {  	[tilespmem:v23+s2+$0x0] =	vst.idx.add.f32.msk vm9, v3  }
0x139: {  	v23 =	vld [tilespmem:s7+$0xE0];
	_ =	sdelay $0x4  }
0x13a: {  	v23 =	vadd.s32 v17, v23;
	_ =	sdelay $0x4  }
0x13b: {  	[tilespmem:v23+s2+$0x0] =	vst.idx.add.f32.msk vm10, v3  }
0x13c: {  	v23 =	vld [tilespmem:s7+$0xF0];
	_ =	sdelay $0x4  }
0x13d: {  	v23 =	vadd.s32 v18, v23;
	_ =	sdelay $0x4  }
0x13e: {  	[tilespmem:v23+s2+$0x0] =	vst.idx.add.f32.msk vm11, v3  }
0x13f: {  	v23 =	vld [tilespmem:s7+$0x100];
	_ =	sdelay $0x4  }
0x140: {  	v23 =	vadd.s32 v19, v23;
	_ =	sdelay $0x4  }
0x141: {  	[tilespmem:v23+s2+$0x0] =	vst.idx.add.f32.msk vm12, v3  }
0x142: {  	v23 =	vld [tilespmem:s7+$0x110];
	_ =	sdelay $0x4  }
0x143: {  	v23 =	vadd.s32 v20, v23;
	_ =	sdelay $0x4  }
0x144: {  	[tilespmem:v23+s2+$0x0] =	vst.idx.add.f32.msk vm13, v3  }
0x145: {  	v23 =	vld [tilespmem:s7+$0x120];
	_ =	sdelay $0x4  }
0x146: {  	v23 =	vadd.s32 v21, v23;
	_ =	sdelay $0x4  }
0x147: {  	[tilespmem:v23+s2+$0x0] =	vst.idx.add.f32.msk vm14, v3  }
0x148: {  	v23 =	vld [tilespmem:s7+$0x130];
	_ =	sdelay $0x4  }
0x149: {  	v23 =	vadd.s32 v22, v23;
	_ =	sdelay $0x4  }
0x14a: {  	s26 =	simm.s32 $0x0;
	[tilespmem:v23+s2+$0x0] =	vst.idx.add.f32.msk vm0, v3  }
0x14b: {  	s4 =	simm.s32 $0x1BD40;
	p1 =	por $0x0, $0x0;
	[bflag:$0x0] =	sbarrier.arrive $0xFFFF  }
0x14c: {  	[tilespmem:s4], [sflag:$0x5] =	stream.linear.gather [hbm4b:s8+s26], $0x800, $0x38;
	[tilespmem:$0x1E540] =	vst v63  }
.LBB2_11:
0x14d: {  	s4 =	simm.s32 $0x1  }
0x14e: {  	s10 =	sand.u32 $0x1, s26;
	p2 =	seq.s32 s26, $0x4F;
	s4 =	simm.s32 @!p1 $0x0  }
0x14f: {  	s26 =	sadd.s32 $0x1, s26;
	s11 =	sadd.s32 $0x5, s10;
	s4 =	sshll.u32 s4, $0xB  }
0x150: {  	s10 =	sxor.u32 @!p2 $0x1, s10;
	_ =	swait.ge [sflag:s11], $0x800;
	s4 =	sadd.s32 $0x1BD60, s4  }
0x151: {  	s28 =	simm.s32 $0x0;
	s12 =	sshll.u32 @!p2 s10, $0xB;
	[sflag:s11] =	ssyncset.done $0x0;
	v23 =	vmov s4  }
0x152: {  	[sflag:s11] =	ssyncadd.s32 $0xFFFFF800;
	s11 =	sadd.s32 @!p2 $0x1BD40, s12;
	s12 =	sshll.u32 @!p2 s26, $0x8  }
0x153: {  	s24 =	simm.s32 @!p2 $0x0;
	s10 =	sadd.s32 @!p2 $0x5, s10;
	s12 =	sadd.s32 @!p2 s8, s12  }
0x154: {  	[tilespmem:s11], [sflag:s10] =	stream.linear.gather @!p2 [hbm4b:s12+s24], $0x800, $0x38;
	[tilespmem:$0x1E540] =	vst v63  }
.LBB2_12:
0x155: {  	s4 =	sshra.s32 s28, $0x2  }
0x156: {  	v24 =	vld.idx.msk [tilespmem:v23+s4+$0xFFFFFFE0 ss:$0x1], $0xffff;
	_ =	sdelay $0x4  }
0x157: {  	v24 =	vsub.s32 v24, v1  }
0x158: {  	vm15 =	vlt.u32 v24, $0x14000  }
0x159: {  	v24 =	vnsel vm15, $0x0, v24;
	_ =	sdelay $0x4  }
0x15a: {  	[tilespmem:v24+s2+$0x0] =	vst.idx.add.f32.msk vm15, v3  }
0x15b: {  	v24 =	vld.idx.msk [tilespmem:v23+s4+$0xFFFFFFF0 ss:$0x1], $0xffff;
	_ =	sdelay $0x4  }
0x15c: {  	v24 =	vsub.s32 v24, v1  }
0x15d: {  	vm15 =	vlt.u32 v24, $0x14000  }
0x15e: {  	v24 =	vnsel vm15, $0x0, v24;
	_ =	sdelay $0x4  }
0x15f: {  	[tilespmem:v24+s2+$0x0] =	vst.idx.add.f32.msk vm15, v3  }
0x160: {  	v24 =	vld.idx.msk [tilespmem:v23+s4+$0x0 ss:$0x1], $0xffff;
	_ =	sdelay $0x4  }
0x161: {  	v24 =	vsub.s32 v24, v1  }
0x162: {  	vm15 =	vlt.u32 v24, $0x14000  }
0x163: {  	v24 =	vnsel vm15, $0x0, v24;
	_ =	sdelay $0x4  }
0x164: {  	[tilespmem:v24+s2+$0x0] =	vst.idx.add.f32.msk vm15, v3  }
0x165: {  	v24 =	vld.idx.msk [tilespmem:v23+s4+$0x10 ss:$0x1], $0xffff;
	_ =	sdelay $0x4  }
0x166: {  	v24 =	vsub.s32 v24, v1  }
0x167: {  	vm15 =	vlt.u32 v24, $0x14000  }
0x168: {  	p2 =	seq.s32 s28, $0x1F00;
	v24 =	vnsel vm15, $0x0, v24  }
.Ltmp4:
0x169: {  	_ = 	snop;
	(pc) =	sbr.rel @!p2 .LBB2_12-.Ltmp4, $2  }
0x16a: {  	_ =	sdelay $0x2  }
0x16b: {  	s28 =	sadd.s32 $0x100, s28;
	[tilespmem:v24+s2+$0x0] =	vst.idx.add.f32.msk vm15, v3  }
0x16c: {  	p2 =	seq.s32 s26, $0x50  }
.Ltmp5:
0x16d: {  	_ = 	snop;
	(pc) =	sbr.rel @!p2 .LBB2_11-.Ltmp5, $2  }
0x16e: {  	_ =	sdelay $0x2  }
0x16f: {  	p1 =	por !p1, !p1  }
0x170: {  	s4 =	stileid.u32  }
0x171: {  	s4 =	sshll.u32 s4, $0x6  }
0x172: {  	[bflag:$0x0] =	sbarrier.arrive $0xFFFF;
	s10 =	sshrl.u32 s9, $0x3;
	s4 =	sor.u32 $0x1C07, s4  }
0x173: {  	[hbm:s18], [sflag:s4] =	dma.local [spmem:s10], $0x300  }
0x174: {  	s25 =	sadd.s32 $0x1, s25;
	_ =	swait.ge [sflag:s21], $0x300  }
0x175: {  	p1 =	sne.s32 s25, s20;
	[sflag:s21] =	ssyncset.done $0x0  }
.Ltmp6:
0x176: {  	[sflag:s21] =	ssyncadd.s32 $0xFFFFFD00;
	(pc) =	sbr.rel @p1 .LBB2_1-.Ltmp6, $4  }
0x177: {  	[hbm4b:s19+s3] =	stream.linear.scatter [tilespmem:s2], [sflag:$0x7], $0x14000, $0x38;
	[tilespmem:$0x1E540] =	vst v63  }
0x178: {  	_ =	swait.ge [sflag:s21], $0x14000  }
0x179: {  	[sflag:s21] =	ssyncset.done $0x0  }
0x17a: {  	[sflag:s21] =	ssyncadd.s32 $0xFFFEC000  }
0x17b: {  	_ =	sfence.sel $0x180000  }
0x17c: {  	[bflag:$0x0] =	sbarrier.arrive $0xFFFF  }
0x17d: {  	_ =	strace $0x9000004A  }
0x17e: {  	s0 =	stileid.u32;
	[bflag:$0x2] =	sbarrier.arrive $0xFFFF  }
0x17f: {  	p0 =	sne.s32 s0, $0x0;
	s0 =	rddreg [dreg:$0x3]  }
0x180: {  	s0 =	sadd.s32 @!p0 $0x100000, s0  }
0x181: {  	[sflag:s0] =	ssyncadd.tile.s32 @!p0 $0x1;
	_ =	shalt  }
.Lfunc_end2:
_tile_overlayer_lowered:
.L_overlay_start_2:
0x182: {  	(tag) =	ssettag $0x2  }
0x183: {  	s0 =	rddreg [dreg:$0x0];
	s2 =	stileid.u32  }
0x184: {  	s1 =	rddreg [dreg:$0x1];
	p0 =	sne.s32 s2, $0x0  }
0x185: {  	s3 =	rddreg [dreg:$0x2];
	[bflag:$0x3] =	sbarrier.arrive $0xFFFF;
	s2 =	simm.s32 @!p0 $0x1C07  }
0x186: {  	[timem:s3], [sflag:s2] =	dma.local @!p0 [hbm:s0], s1  }
0x187: {  	s0 =	simm.s32 @!p0 $0x7  }
0x188: {  	_ =	swait.ge @!p0 [sflag:s0], s1  }
0x189: {  	s1 =	ssub.s32 @!p0 $0x0, s1;
	[sflag:s0] =	ssyncset.done @!p0 $0x0  }
0x18a: {  	[sflag:s0] =	ssyncadd.s32 @!p0 s1  }
0x18b: {  	[bflag:$0x3] =	sbarrier.arrive $0xFFFF  }
0x18c: {  	_ =	shalt  }

// kernel: kernel.7.cloned.1.call-start
scs
__scs_entry_jumppad:
0x0: {  	(pc) =	sbr.rel $0x88, $3  }
0x1: {  	(tag) =	ssettag $0x0;
	lr =	simm.s32 $0x1  }
0x2: {  	[smem:$0x3F9B] =	sst lr;
	_ =	strace $0xD0000000  }
0x3: {  	_ = 	snop  }
0x4: {  	_ = 	snop  }
0x5: {  	_ = 	snop  }
0x6: {  	_ = 	snop  }
0x7: {  	_ = 	snop  }
__scs_overlays_trampoline_lowered:
0x8: {  	[smem:$0x3FAA] =	sst s0  }
0x9: {  	[smem:$0x3FAB] =	sst s1  }
0xa: {  	[smem:$0x3FAC] =	sst s2  }
0xb: {  	[smem:$0x3FAD] =	sst s3  }
0xc: {  	[smem:$0x3FAE] =	sst s4  }
0xd: {  	[smem:$0x3FAF] =	sst s5  }
0xe: {  	[smem:$0x3FB0] =	sst s6  }
0xf: {  	[smem:$0x3FB1] =	sst s7  }
0x10: {  	[smem:$0x3FB2] =	sst s8  }
0x11: {  	[smem:$0x3FB3] =	sst s9;
	s0 =	simm.s32 @!p0 $0x0  }
0x12: {  	s1 =	sld [smem:$0x3F99];
	s0 =	simm.s32 @p0 $0x1  }
0x13: {  	[smem:$0x3FB4] =	sst s0;
	s0 =	simm.s32 @!p1 $0x0  }
0x14: {  	s2 =	sld [smem:$0x3F98];
	s0 =	simm.s32 @p1 $0x1  }
0x15: {  	[smem:$0x3FB5] =	sst s0;
	s0 =	simm.s32 @!p2 $0x0  }
0x16: {  	s3 =	sld [smem:$0x3FDB];
	s0 =	simm.s32 @p2 $0x1  }
0x17: {  	s4 =	simm.s32 $0x1BF5;
	[smem:$0x3FB7] =	sst s0  }
0x18: {  	s0 =	sld [smem:$0x3F9A];
	_ =	swait.ge [sflag:s4], $0x0  }
0x19: {  	s7 =	sld [smem:$0x3F9B]  }
0x1a: {  	s8 =	sadd.s32 $0xFFFFE003, lr  }
0x1b: {  	s9 =	sadd.s32 $0xFFFFFEF7, lr;
	s5 =	simm.s32 $0xFFFFFFFF;
	p2 =	slt.u32 s8, $0xFFFFF086  }
0x1c: {  	p1 =	slt.u32 s9, $0xF7A;
	s5 =	simm.s32 @!p2 $0x0  }
0x1d: {  	s5 =	simm.s32 @p1 $0x1;
	p0 =	seq.s32 s7, s2  }
0x1e: {  	s7 =	smul.u32 @!p0 $0xF7A, s2;
	p2 =	seq.s32 @!p0 s5, $0x0  }
0x1f: {  	s9 =	smul.u32 $0xF7A, s1;
	s8 =	simm.s32 @!p0 $0x1BF5;
	p2 =	por !p2, p0  }
0x20: {  	[sflag:s8] =	ssyncset.s32 @!p0 $0xFFFFF086;
	s6 =	sadd.s32 @!p0 s3, s7;
	s7 =	simm.s32 @!p0 $0x108  }
0x21: {  	s3 =	sadd.s32 s3, s9;
	s6 =	sadd.s32 @!p0 $0x88, s6;
	s7 =	simm.s32 @p2 $0x1082  }
0x22: {  	[simem:s7], [sflag:s8] =	dma.local @!p0 [hbm:s6], $0xF7A  }
0x23: {  	s9 =	sor.u32 $0xD0000000, s2;
	s6 =	simm.s32 $0x108;
	_ =	swait.ge @!p0 [sflag:s8], $0x0  }
0x24: {  	s3 =	sadd.s32 $0x88, s3;
	s6 =	simm.s32 @!p1 $0x1082;
	[sflag:s4] =	ssyncset.s32 $0xFFFFF086  }
0x25: {  	[simem:s6], [sflag:s4] =	dma.local [hbm:s3], $0xF7A  }
0x26: {  	[smem:$0x3F9B] =	sst s1;
	(tag) =	ssettag s2;
	_ =	strace s9  }
0x27: {  	s1 =	sld [smem:$0x3FAB]  }
0x28: {  	s2 =	sld [smem:$0x3FAC]  }
0x29: {  	s4 =	sld [smem:$0x3FAE]  }
0x2a: {  	p0 =	seq.s32 s5, $0x0;
	s5 =	sld [smem:$0x3FAF]  }
0x2b: {  	s6 =	sld [smem:$0x3FB0]  }
0x2c: {  	s7 =	sld [smem:$0x3FB1]  }
0x2d: {  	s3 =	simm.s32 $0x108;
	s8 =	sld [smem:$0x3FB2]  }
0x2e: {  	s3 =	simm.s32 @!p0 $0x1082;
	s9 =	sld [smem:$0x3FB3]  }
0x2f: {  	lr =	sadd.s32 s0, s3;
	s0 =	sld [smem:$0x3FAA]  }
0x30: {  	s3 =	sld [smem:$0x3FAD]  }
0x31: {  	[smem:$0x3FB6] =	sst s10  }
0x32: {  	s10 =	sld [smem:$0x3FB4];
	_ =	sdelay $0x3  }
0x33: {  	p0 =	seq.s32 s10, $0x1;
	s10 =	sld [smem:$0x3FB6];
	_ =	sdelay $0x3  }
0x34: {  	[smem:$0x3FB6] =	sst s10  }
0x35: {  	s10 =	sld [smem:$0x3FB5];
	_ =	sdelay $0x3  }
0x36: {  	p1 =	seq.s32 s10, $0x1;
	s10 =	sld [smem:$0x3FB6];
	_ =	sdelay $0x3  }
0x37: {  	[smem:$0x3FB6] =	sst s10  }
0x38: {  	s10 =	sld [smem:$0x3FB7]  }
0x39: {  	_ = 	snop;
	(pc) =	sbr.ind lr, $3  }
0x3a: {  	_ = 	snop  }
0x3b: {  	_ = 	snop  }
0x3c: {  	p2 =	seq.s32 s10, $0x1;
	s10 =	sld [smem:$0x3FB6]  }
0x3d: {  	_ =	shalt  }
0x3e: {  	_ =	shalt  }
0x3f: {  	_ =	shalt  }
0x40: {  	_ =	shalt  }
0x41: {  	_ =	shalt  }
0x42: {  	_ =	shalt  }
0x43: {  	_ =	shalt  }
0x44: {  	_ =	shalt  }
0x45: {  	_ =	shalt  }
0x46: {  	_ =	shalt  }
0x47: {  	_ =	shalt  }
0x48: {  	_ =	shalt  }
0x49: {  	_ =	shalt  }
0x4a: {  	_ =	shalt  }
0x4b: {  	_ =	shalt  }
0x4c: {  	_ =	shalt  }
0x4d: {  	_ =	shalt  }
0x4e: {  	_ =	shalt  }
0x4f: {  	_ =	shalt  }
0x50: {  	_ =	shalt  }
0x51: {  	_ =	shalt  }
0x52: {  	_ =	shalt  }
0x53: {  	_ =	shalt  }
0x54: {  	_ =	shalt  }
0x55: {  	_ =	shalt  }
0x56: {  	_ =	shalt  }
0x57: {  	_ =	shalt  }
0x58: {  	_ =	shalt  }
0x59: {  	_ =	shalt  }
0x5a: {  	_ =	shalt  }
0x5b: {  	_ =	shalt  }
0x5c: {  	_ =	shalt  }
0x5d: {  	_ =	shalt  }
0x5e: {  	_ =	shalt  }
0x5f: {  	_ =	shalt  }
0x60: {  	_ =	shalt  }
0x61: {  	_ =	shalt  }
0x62: {  	_ =	shalt  }
0x63: {  	_ =	shalt  }
0x64: {  	_ =	shalt  }
0x65: {  	_ =	shalt  }
0x66: {  	_ =	shalt  }
0x67: {  	_ =	shalt  }
0x68: {  	_ =	shalt  }
0x69: {  	_ =	shalt  }
0x6a: {  	_ =	shalt  }
0x6b: {  	_ =	shalt  }
0x6c: {  	_ =	shalt  }
0x6d: {  	_ =	shalt  }
0x6e: {  	_ =	shalt  }
0x6f: {  	_ =	shalt  }
0x70: {  	_ =	shalt  }
0x71: {  	_ =	shalt  }
0x72: {  	_ =	shalt  }
0x73: {  	_ =	shalt  }
0x74: {  	_ =	shalt  }
0x75: {  	_ =	shalt  }
0x76: {  	_ =	shalt  }
0x77: {  	_ =	shalt  }
0x78: {  	_ =	shalt  }
0x79: {  	_ =	shalt  }
0x7a: {  	_ =	shalt  }
0x7b: {  	_ =	shalt  }
0x7c: {  	_ =	shalt  }
0x7d: {  	_ =	shalt  }
0x7e: {  	_ =	shalt  }
0x7f: {  	_ =	shalt  }
0x80: {  	_ =	shalt  }
0x81: {  	_ =	shalt  }
0x82: {  	_ =	shalt  }
0x83: {  	_ =	shalt  }
0x84: {  	_ =	shalt  }
0x85: {  	_ =	shalt  }
0x86: {  	_ =	shalt  }
0x87: {  	_ =	shalt  }
.Lfunc_end0:
.L_simem_size_0:
called_computation_lowered:
.L_overlay_start_0:
0x88: {  	s2 =	sld [smem:$0x3FD9]  }
0x89: {  	s3 =	sld [smem:$0x3FFE];
	_ =	sdelay $0x1  }
0x8a: {  	s1 =	srdreg.scid  }
0x8b: {  	s0 =	sand.u32 $0x1, s1  }
0x8c: {  	s17 =	sshll.u32 s0, $0xA;
	s2 =	sadd.s32 s3, s2  }
0x8d: {  	s2 =	sadd.s32 s2, s17  }
0x8e: {  	[smem:$0x3FC2] =	sst s2  }
0x8f: {  	_ = 	snop  }
0x90: {  	s2 =	sld [smem:$0x3FD0];
	(tm) =	ssettm $0x1  }
0x91: {  	s18 =	sld [smem:$0x3FFB];
	_ =	sdelay $0x3  }
0x92: {  	_ =	strace s18  }
0x93: {  	s3 =	sld [smem:$0x3FFC];
	_ =	sdelay $0x3  }
0x94: {  	_ =	strace s3  }
0x95: {  	s3 =	sld [smem:$0x3FFD];
	_ =	sdelay $0x3  }
0x96: {  	_ =	strace s3  }
0x97: {  	_ =	strace $0x8FFFFFFF  }
0x98: {  	s19 =	sld [smem:$0x3FDB];
	_ =	sdelay $0x1  }
0x99: {  	s4 =	simm.s32 $_scs_section_size  }
0x9a: {  	s5 =	simm.s32 $_size__tile_overlayer_lowered;
	s6 =	simm.s32 $_tile_overlayer_lowered  }
0x9b: {  	s22 =	simm.s32 $0x1BFF;
	s21 =	sshll.u32 s6, $0x1;
	s3 =	sadd.s32 s4, s19  }
0x9c: {  	s7 =	simm.s32 $0x0;
	s20 =	sshll.u32 s5, $0x1;
	s5 =	sadd.s32 s21, s3  }
0x9d: {  	[timem:s7], [sflag:s22] =	dma.local [hbm:s5], s20  }
0x9e: {  	_ =	swait.ge [sflag:s22], s20  }
0x9f: {  	s4 =	ssub.s32 $0x0, s20;
	[sflag:s22] =	ssyncset.done $0x0  }
0xa0: {  	[sflag:s22] =	ssyncadd.s32 s4;
	_ =	sdelay $0x1  }
0xa1: {  	s23 =	simm.s32 $0x1B8B  }
0xa2: {  	_ =	swait.ge [sflag:s23], $0x1  }
0xa3: {  	[sflag:s23] =	ssyncset.done $0x0  }
0xa4: {  	s25 =	simm.s32 $0x1B8E;
	s24 =	sld [smem:$0x3FFE];
	[sflag:s23] =	ssyncadd.s32 $0xFFFFFFFF  }
0xa5: {  	s26 =	simm.s32 $execute0_lowered;
	[smem:$0x3FD2] =	sst s25  }
0xa6: {  	s5 =	sshll.u32 s26, $0x1;
	_ =	strace $0x80000046;
	[dreg:$0x1] =	wrdreg $0xFFFFFFFF  }
0xa7: {  	s28 =	simm.s32 $_size_execute0_lowered;
	s3 =	sadd.s32 s3, s5;
	[dreg:$0x0] =	wrdreg $0x0  }
0xa8: {  	s5 =	sshll.u32 s28, $0x1;
	[dreg:$0x2] =	wrdreg s3  }
0xa9: {  	[dreg:$0x3] =	wrdreg s5  }
0xaa: {  	[dreg:$0x4] =	wrdreg $0xC0  }
0xab: {  	_ =	task [dreg:s7], $0x5FFFF  }
0xac: {  	[dreg:$0x1] =	wrdreg $0xFFFFFFFF  }
0xad: {  	[dreg:$0x0] =	wrdreg $0x60  }
0xae: {  	[dreg:$0x2] =	wrdreg s24  }
0xaf: {  	[dreg:$0x3] =	wrdreg s2  }
0xb0: {  	[dreg:$0x4] =	wrdreg $0xB2700  }
0xb1: {  	[dreg:$0x5] =	wrdreg $0x1F3700  }
0xb2: {  	[dreg:$0x6] =	wrdreg $0x9  }
0xb3: {  	_ =	task.clear_ibuf [dreg:s7], $0x7FFFF;
	_ =	strace $0x90000046  }
0xb4: {  	s29 =	simm.s32 $0x9;
	_ =	strace $0x80000048  }
0xb5: {  	_ =	swait.ge [sflag:s29], $0x1  }
0xb6: {  	[sflag:s29] =	ssyncadd.s32 $0xFFFFFFFF  }
0xb7: {  	_ =	strace $0x90000048  }
0xb8: {  	_ =	sfence  }
0xb9: {  	s30 =	sld [smem:$0x0];
	_ =	sdelay $0x2  }
0xba: {  	s31 =	sshll.u32 s1, $0xD;
	s1 =	sshrl.u32 s1, $0x2  }
0xbb: {  	s3 =	sand.u32 $0x4000, s31;
	s1 =	sadd.s32 s1, s30  }
0xbc: {  	s0 =	sor.u32 s3, s0;
	s1 =	sshll.u32 s1, $0x11  }
0xbd: {  	s0 =	sor.u32 s1, s0  }
0xbe: {  	s0 =	sadd.s32 $0x8F2B, s0  }
0xbf: {  	[sflag:s0] =	ssyncadd.remote.s32 $0x1  }
0xc0: {  	_ =	sfence.sel $0xFFFF  }
0xc1: {  	[dreg:$0x0] =	wrdreg $0xFFFFFFFF;
	(pc) =	sbr.abs _section_cstart, $3  }
0xc2: {  	[dreg:$0x1] =	wrdreg $0xFFFFFFFF  }
0xc3: {  	_ =	task.clear_ibuf [dreg:s7], $0x2FFFF;
	_ =	strace $0x9FFFFFFF  }
0xc4: {  	(tm) =	ssettm $0x7FFFFFFF  }
0xc5: {  	_ =	shalt  }
tec
execute0_lowered:
.L_overlay_start_1:
0x0: {  	(tag) =	ssettag $0x1  }
0x1: {  	s0 =	rddreg [dreg:$0x0]  }
0x2: {  	s4 =	rddreg [dreg:$0x1]  }
0x3: {  	s1 =	rddreg [dreg:$0x2]  }
0x4: {  	s2 =	rddreg [dreg:$0x3];
	s19 =	stileid.u32  }
0x5: {  	s3 =	srdreg.scid;
	s8 =	smul.u32 $0x140, s19  }
0x6: {  	s9 =	sand.u32 $0x1, s3;
	s3 =	simm.s32 $0x0;
	s10 =	smul.u32 $0x50000, s19  }
0x7: {  	s5 =	sadd.s32 $0x51A00, s0;
	s6 =	sadd.s32 $0xA6A00, s0;
	s15 =	smul.u32 $0x500, s19  }
0x8: {  	s7 =	sadd.s32 $0xA1A00, s0;
	s30 =	smul.u32 $0x28, s19;
	s20 =	sshll.u32 s19, $0xE  }
0x9: {  	p0 =	sne.s32 s19, $0x0;
	s11 =	smul.u32 $0x1400, s9;
	[smem:$0x7FF] =	sst s3  }
0xa: {  	s12 =	ssub.s32 $0x2, s9;
	s9 =	smul.u32 $0x280, s9;
	_ =	strace $0x80000047  }
0xb: {  	s10 =	sshrl.u32 s10, $0x2;
	s13 =	sshrl.u32 s12, $0x1;
	s18 =	sadd.s32 s6, s15  }
0xc: {  	s16 =	sshrl.u32 s15, $0x2;
	s15 =	sadd.s32 s7, s15;
	[dreg:$0x9] =	wrdreg s18  }
0xd: {  	s8 =	sadd.s32 s8, s11;
	s13 =	ssub.s32 s12, s13;
	[dreg:$0xa] =	wrdreg s15  }
0xe: {  	s9 =	sadd.s32 s30, s9;
	s30 =	sadd.s32 $0x1400, s2;
	s8 =	sshll.u32 s8, $0x5  }
0xf: {  	s4 =	sadd.s32 s4, s9;
	s26 =	smax.u32 s13, $0x1;
	[dreg:$0x14] =	wrdreg s30  }
0x10: {  	s0 =	sadd.s32 s8, s0;
	s8 =	sadd.s32 s10, s1;
	[dreg:$0xe] =	wrdreg s4  }
0x11: {  	s31 =	smul.u32 $0x2800, s19;
	[dreg:$0x11] =	wrdreg s26;
	s10 =	sadd.s32 $0x3000, s8  }
0x12: {  	s21 =	sor.u32 $0x5000000, s20;
	s29 =	sadd.s32 $0x7000, s8;
	[dreg:$0x5] =	wrdreg s10  }
0x13: {  	s16 =	sadd.s32 s16, s2;
	s14 =	sadd.s32 $0xB000, s8;
	[dreg:$0x6] =	wrdreg s29  }
0x14: {  	v1 =	vlaneseq.u32;
	v0 =	vmov s11;
	s11 =	simm.s32 $0x98F0;
	s17 =	sadd.s32 $0xF000, s8;
	[dreg:$0x7] =	wrdreg s14  }
0x15: {  	v3 =	vimm.f32 $0.0e+00;
	v23 =	vimm.s32 $0x140;
	v24 =	vimm.f32 $1.000000000e+00;
	s15 =	simm.s32 $0x80;
	s22 =	sadd.s32 $0xABA00, s0;
	[dreg:$0x8] =	wrdreg s17  }
0x16: {  	v25 =	vimm.s32 $0x0;
	v4 =	vor.u32 $0x10, v1;
	v5 =	vor.u32 $0x20, v1;
	s9 =	simm.s32 $0x68F0;
	s23 =	sadd.s32 $0xAC200, s0;
	[dreg:$0xb] =	wrdreg s22  }
0x17: {  	v6 =	vor.u32 $0x30, v1;
	v7 =	vor.u32 $0x40, v1;
	v8 =	vor.u32 $0x50, v1;
	s13 =	simm.s32 $0x30;
	s24 =	sadd.s32 $0xACA00, s0;
	[dreg:$0xc] =	wrdreg s23  }
0x18: {  	v9 =	vor.u32 $0x60, v1;
	v10 =	vor.u32 $0x70, v1;
	v11 =	vor.u32 $0x80, v1;
	s4 =	simm.s32 $0x7;
	s25 =	sadd.s32 $0xAD200, s0;
	[dreg:$0xd] =	wrdreg s24  }
0x19: {  	v12 =	vor.u32 $0x90, v1;
	v13 =	vor.u32 $0xA0, v1;
	v14 =	vor.u32 $0xB0, v1;
	s12 =	sadd.s32 $0x8000, s8;
	s0 =	sadd.s32 $0xADA00, s0;
	[dreg:$0xf] =	wrdreg s25  }
0x1a: {  	v15 =	vor.u32 $0xC0, v1;
	v16 =	vor.u32 $0xD0, v1;
	v17 =	vor.u32 $0xE0, v1;
	s26 =	sadd.s32 $0x10000, s8;
	s28 =	sadd.s32 $0x13000, s8;
	[dreg:$0x10] =	wrdreg s0  }
0x1b: {  	v18 =	vor.u32 $0xF0, v1;
	v19 =	vor.u32 $0x100, v1;
	v20 =	vor.u32 $0x110, v1;
	s10 =	sadd.s32 $0x4000, s8;
	[dreg:$0x12] =	wrdreg s28;
	s29 =	sadd.s32 $0x140000, s1  }
0x1c: {  	v21 =	vor.u32 $0x120, v1;
	v22 =	vor.u32 $0x130, v1;
	v2 =	vmov s21;
	s14 =	sadd.s32 $0xC000, s8;
	s0 =	simm.s32 $0x38F0;
	[dreg:$0x13] =	wrdreg s29  }
.LBB2_1:
0x1d: {  	s17 =	simm.s32 $0x80;
	s18 =	simm.s32 $0x600  }
.LBB2_2:
0x1e: {  	p1 =	sne.s32 s18, $0xBE00;
	[tilespmem:s17+$0x6960] =	vst v3  }
0x1f: {  	[tilespmem:s17+$0x3870] =	vst v3  }
0x20: {  	[tilespmem:s17+$0x3880] =	vst v3  }
0x21: {  	[tilespmem:s17+$0x3890] =	vst v3  }
0x22: {  	[tilespmem:s17+$0x38A0] =	vst v3  }
0x23: {  	[tilespmem:s17+$0x38B0] =	vst v3  }
0x24: {  	[tilespmem:s17+$0x38C0] =	vst v3  }
0x25: {  	[tilespmem:s17+$0x38D0] =	vst v3  }
0x26: {  	[tilespmem:s17+$0x38E0] =	vst v3  }
0x27: {  	[tilespmem:s17+$0x38F0] =	vst v3  }
0x28: {  	[tilespmem:s17+$0x3900] =	vst v3  }
0x29: {  	[tilespmem:s17+$0x3910] =	vst v3  }
0x2a: {  	[tilespmem:s17+$0x3920] =	vst v3  }
0x2b: {  	[tilespmem:s17+$0x3930] =	vst v3  }
0x2c: {  	[tilespmem:s17+$0x3940] =	vst v3  }
0x2d: {  	[tilespmem:s17+$0x3950] =	vst v3  }
0x2e: {  	[tilespmem:s17+$0x3960] =	vst v3  }
0x2f: {  	[tilespmem:s17+$0x6870] =	vst v3  }
0x30: {  	[tilespmem:s17+$0x6880] =	vst v3  }
0x31: {  	[tilespmem:s17+$0x6890] =	vst v3  }
0x32: {  	[tilespmem:s17+$0x68A0] =	vst v3  }
0x33: {  	[tilespmem:s17+$0x68B0] =	vst v3  }
0x34: {  	[tilespmem:s17+$0x68C0] =	vst v3  }
0x35: {  	[tilespmem:s17+$0x68D0] =	vst v3  }
0x36: {  	[tilespmem:s17+$0x68E0] =	vst v3  }
0x37: {  	[tilespmem:s17+$0x68F0] =	vst v3  }
0x38: {  	[tilespmem:s17+$0x6900] =	vst v3  }
.Ltmp0:
0x39: {  	[tilespmem:s17+$0x6910] =	vst v3;
	(pc) =	sbr.rel @p1 .LBB2_2-.Ltmp0, $4  }
0x3a: {  	[tilespmem:s17+$0x6920] =	vst v3  }
0x3b: {  	[tilespmem:s17+$0x6930] =	vst v3  }
0x3c: {  	[tilespmem:s17+$0x6940] =	vst v3  }
0x3d: {  	[tilespmem:s17+$0x6950] =	vst v3;
	s17 =	sshra.s32 s18, $0x2;
	s18 =	sadd.s32 $0x400, s18  }
0x3e: {  	[tilespmem:s17+$0x6960] =	vst v3  }
0x3f: {  	[tilespmem:s17+$0x3870] =	vst v3  }
0x40: {  	[tilespmem:s17+$0x3880] =	vst v3  }
0x41: {  	[tilespmem:s17+$0x3890] =	vst v3  }
0x42: {  	[tilespmem:s17+$0x38A0] =	vst v3  }
0x43: {  	[tilespmem:s17+$0x38B0] =	vst v3  }
0x44: {  	[tilespmem:s17+$0x38C0] =	vst v3  }
0x45: {  	[tilespmem:s17+$0x38D0] =	vst v3  }
0x46: {  	[tilespmem:s17+$0x38E0] =	vst v3  }
0x47: {  	[tilespmem:s17+$0x38F0] =	vst v3  }
0x48: {  	[tilespmem:s17+$0x3900] =	vst v3  }
0x49: {  	[tilespmem:s17+$0x3910] =	vst v3  }
0x4a: {  	[tilespmem:s17+$0x3920] =	vst v3  }
0x4b: {  	[tilespmem:s17+$0x3930] =	vst v3  }
0x4c: {  	[tilespmem:s17+$0x3940] =	vst v3  }
0x4d: {  	[tilespmem:s17+$0x3950] =	vst v3  }
0x4e: {  	[tilespmem:s17+$0x3960] =	vst v3  }
0x4f: {  	[tilespmem:s17+$0x6870] =	vst v3  }
0x50: {  	[tilespmem:s17+$0x6880] =	vst v3  }
0x51: {  	[tilespmem:s17+$0x6890] =	vst v3  }
0x52: {  	[tilespmem:s17+$0x68A0] =	vst v3  }
0x53: {  	[tilespmem:s17+$0x68B0] =	vst v3  }
0x54: {  	[tilespmem:s17+$0x68C0] =	vst v3  }
0x55: {  	[tilespmem:s17+$0x68D0] =	vst v3  }
0x56: {  	[tilespmem:s17+$0x68E0] =	vst v3  }
0x57: {  	[tilespmem:s17+$0x68F0] =	vst v3  }
0x58: {  	[tilespmem:s17+$0x6900] =	vst v3  }
0x59: {  	[tilespmem:s17+$0x6910] =	vst v3  }
0x5a: {  	[tilespmem:s17+$0x6920] =	vst v3  }
0x5b: {  	[tilespmem:s17+$0x6930] =	vst v3  }
0x5c: {  	[tilespmem:s17+$0x6940] =	vst v3  }
0x5d: {  	[tilespmem:s17+$0x6950] =	vst v3  }
0x5e: {  	[spmem:s8] =	stream.linear.scatter [tilespmem:s0], [sflag:$0x7], $0x3000, $0x38;
	[tilespmem:$0x1F4B8] =	vst v63  }
0x5f: {  	_ =	swait.ge [sflag:s4], $0x3000  }
0x60: {  	[sflag:s4] =	ssyncset.done $0x0  }
0x61: {  	s24 =	rddreg [dreg:$0x5];
	[sflag:s4] =	ssyncadd.s32 $0xFFFFD000  }
0x62: {  	[spmem:s24] =	stream.linear.scatter [tilespmem:s9], [sflag:$0x7], $0x1000, $0x38;
	[tilespmem:$0x1F4B8] =	vst v63  }
0x63: {  	_ =	swait.ge [sflag:s4], $0x1000  }
0x64: {  	[sflag:s4] =	ssyncset.done $0x0  }
0x65: {  	[sflag:s4] =	ssyncadd.s32 $0xFFFFF000  }
0x66: {  	[spmem:s10] =	stream.linear.scatter [tilespmem:s0], [sflag:$0x7], $0x3000, $0x38;
	[tilespmem:$0x1F4B8] =	vst v63  }
0x67: {  	_ =	swait.ge [sflag:s4], $0x3000  }
0x68: {  	[sflag:s4] =	ssyncset.done $0x0  }
0x69: {  	s25 =	rddreg [dreg:$0x6];
	[sflag:s4] =	ssyncadd.s32 $0xFFFFD000  }
0x6a: {  	[spmem:s25] =	stream.linear.scatter [tilespmem:s9], [sflag:$0x7], $0x1000, $0x38;
	[tilespmem:$0x1F4B8] =	vst v63  }
0x6b: {  	_ =	swait.ge [sflag:s4], $0x1000  }
0x6c: {  	[sflag:s4] =	ssyncset.done $0x0  }
0x6d: {  	[sflag:s4] =	ssyncadd.s32 $0xFFFFF000  }
0x6e: {  	[spmem:s12] =	stream.linear.scatter [tilespmem:s0], [sflag:$0x7], $0x3000, $0x38;
	[tilespmem:$0x1F4B8] =	vst v63  }
0x6f: {  	_ =	swait.ge [sflag:s4], $0x3000  }
0x70: {  	[sflag:s4] =	ssyncset.done $0x0  }
0x71: {  	s28 =	rddreg [dreg:$0x7];
	[sflag:s4] =	ssyncadd.s32 $0xFFFFD000  }
0x72: {  	[spmem:s28] =	stream.linear.scatter [tilespmem:s9], [sflag:$0x7], $0x1000, $0x38;
	[tilespmem:$0x1F4B8] =	vst v63  }
0x73: {  	_ =	swait.ge [sflag:s4], $0x1000  }
0x74: {  	[sflag:s4] =	ssyncset.done $0x0  }
0x75: {  	[sflag:s4] =	ssyncadd.s32 $0xFFFFF000  }
0x76: {  	[spmem:s14] =	stream.linear.scatter [tilespmem:s0], [sflag:$0x7], $0x3000, $0x38;
	[tilespmem:$0x1F4B8] =	vst v63  }
0x77: {  	_ =	swait.ge [sflag:s4], $0x3000  }
0x78: {  	[sflag:s4] =	ssyncset.done $0x0  }
0x79: {  	s29 =	rddreg [dreg:$0x8];
	[sflag:s4] =	ssyncadd.s32 $0xFFFFD000  }
0x7a: {  	[spmem:s29] =	stream.linear.scatter [tilespmem:s9], [sflag:$0x7], $0x1000, $0x38;
	[tilespmem:$0x1F4B8] =	vst v63  }
0x7b: {  	_ =	swait.ge [sflag:s4], $0x1000  }
0x7c: {  	[sflag:s4] =	ssyncset.done $0x0  }
0x7d: {  	[sflag:s4] =	ssyncadd.s32 $0xFFFFF000  }
0x7e: {  	[spmem:s26] =	stream.linear.scatter [tilespmem:s0], [sflag:$0x7], $0x3000, $0x38;
	[tilespmem:$0x1F4B8] =	vst v63  }
0x7f: {  	_ =	swait.ge [sflag:s4], $0x3000  }
0x80: {  	[sflag:s4] =	ssyncset.done $0x0  }
0x81: {  	s30 =	rddreg [dreg:$0x12];
	[sflag:s4] =	ssyncadd.s32 $0xFFFFD000  }
0x82: {  	[spmem:s30] =	stream.linear.scatter [tilespmem:s9], [sflag:$0x7], $0x1000, $0x38;
	[tilespmem:$0x1F4B8] =	vst v63  }
0x83: {  	_ =	swait.ge [sflag:s4], $0x1000  }
0x84: {  	[sflag:s4] =	ssyncset.done $0x0  }
0x85: {  	s17 =	simm.s32 $0x40;
	s18 =	simm.s32 $0x0;
	[sflag:s4] =	ssyncadd.s32 $0xFFFFF000  }
.LBB2_4:
0x86: {  	p1 =	sne.s32 s17, $0x5FC0;
	[tilespmem:s18+$0x98F0] =	vst v3;
	s18 =	smov.u32 s17;
	s17 =	sadd.s32 $0x40, s17  }
.Ltmp1:
0x87: {  	(pc) =	sbr.rel @p1 .LBB2_4-.Ltmp1, $2  }
0x88: {  	_ =	sdelay $0x2  }
0x89: {  	s18 =	sshra.s32 s18, $0x2  }
0x8a: {  	[tilespmem:s18+$0x98F0] =	vst v3  }
0x8b: {  	[tilespmem:$0xB0F0] =	vst v1  }
0x8c: {  	[tilespmem:$0xB100] =	vst v4  }
0x8d: {  	[tilespmem:$0xB110] =	vst v5  }
0x8e: {  	[tilespmem:$0xB120] =	vst v6  }
0x8f: {  	[tilespmem:$0xB130] =	vst v7  }
0x90: {  	[tilespmem:$0xB140] =	vst v8  }
0x91: {  	[tilespmem:$0xB150] =	vst v9  }
0x92: {  	[tilespmem:$0xB160] =	vst v10  }
0x93: {  	[tilespmem:$0xB170] =	vst v11  }
0x94: {  	[tilespmem:$0xB180] =	vst v12  }
0x95: {  	[tilespmem:$0xB190] =	vst v13  }
0x96: {  	[tilespmem:$0xB1A0] =	vst v14  }
0x97: {  	[tilespmem:$0xB1B0] =	vst v15  }
0x98: {  	[tilespmem:$0xB1C0] =	vst v16  }
0x99: {  	[tilespmem:$0xB1D0] =	vst v17  }
0x9a: {  	[tilespmem:$0xB1E0] =	vst v18  }
0x9b: {  	[tilespmem:$0xB1F0] =	vst v19  }
0x9c: {  	[tilespmem:$0xB200] =	vst v20  }
0x9d: {  	[tilespmem:$0xB210] =	vst v21  }
0x9e: {  	[tilespmem:$0xB220] =	vst v22  }
0x9f: {  	[tilespmem:$0xB230] =	vst v23  }
0xa0: {  	[tilespmem:$0xB240] =	vst v23  }
0xa1: {  	[tilespmem:$0xB250] =	vst v23  }
0xa2: {  	[tilespmem:$0xB260] =	vst v23  }
0xa3: {  	[spmem:s16] =	stream.linear.scatter [tilespmem:s11], [sflag:$0x7], $0x140, $0x38;
	[tilespmem:$0x1F4B8] =	vst v63  }
0xa4: {  	_ =	swait.ge [sflag:s4], $0x140  }
0xa5: {  	[sflag:s4] =	ssyncset.done $0x0  }
0xa6: {  	s17 =	simm.s32 @!p0 $0x38F0;
	s18 =	rddreg [dreg:$0x13];
	[sflag:s4] =	ssyncadd.s32 $0xFFFFFEC0  }
0xa7: {  	[spmem:s18] =	stream.linear.scatter @!p0 [tilespmem:s17], [sflag:$0x7], $0x1000, $0x38;
	[tilespmem:$0x1F4B8] =	vst v63  }
0xa8: {  	s17 =	simm.s32 @!p0 $0x7  }
0xa9: {  	_ =	swait.ge @!p0 [sflag:s17], $0x1000  }
0xaa: {  	[sflag:s17] =	ssyncset.done @!p0 $0x0  }
0xab: {  	s18 =	simm.s32 @!p0 $0x98F0;
	s19 =	rddreg [dreg:$0x14];
	[sflag:s17] =	ssyncadd.s32 @!p0 $0xFFFFF000  }
0xac: {  	[spmem:s19] =	stream.linear.scatter @!p0 [tilespmem:s18], [sflag:$0x7], $0x80, $0x38;
	[tilespmem:$0x1F4B8] =	vst v63  }
0xad: {  	_ =	swait.ge @!p0 [sflag:s17], $0x80  }
0xae: {  	s28 =	simm.s32 $0x28F0;
	s30 =	simm.s32 $0x30F0;
	[sflag:s17] =	ssyncset.done @!p0 $0x0  }
0xaf: {  	s25 =	rddreg [dreg:$0x9];
	[sflag:s17] =	ssyncadd.s32 @!p0 $0xFFFFFF80;
	s17 =	simm.s32 $0x0  }
0xb0: {  	[tilespmem:s28], [sflag:$0x1] =	stream.linear.gather [hbm4b:s25+s17], $0x400, $0x38;
	[tilespmem:$0x1F4B8] =	vst v63  }
0xb1: {  	p1 =	por $0x0, $0x0;
	s18 =	simm.s32 $0x0;
	s29 =	rddreg [dreg:$0xa]  }
0xb2: {  	[tilespmem:s30], [sflag:$0x3] =	stream.linear.gather [hbm4b:s29+s17], $0x400, $0x38;
	[tilespmem:$0x1F4B8] =	vst v63  }
.LBB2_7:
0xb3: {  	s19 =	smov.u32 s17;
	s20 =	sand.u32 $0x1, s17;
	s17 =	simm.s32 $0x1  }
0xb4: {  	s21 =	sadd.s32 $0x1, s20;
	s17 =	simm.s32 @!p1 $0x0  }
0xb5: {  	s30 =	sadd.s32 $0x3, s20;
	p2 =	seq.s32 s19, $0x9;
	_ =	swait.ge [sflag:s21], $0x400  }
0xb6: {  	s22 =	sshll.u32 s17, $0xA;
	s17 =	sadd.s32 $0x1, s19;
	s20 =	sxor.u32 @!p2 $0x1, s20  }
0xb7: {  	s29 =	simm.s32 @!p2 $0x0;
	[sflag:s21] =	ssyncset.done $0x0;
	s23 =	sor.u32 $0x3120, s22  }
0xb8: {  	s19 =	sshll.u32 @!p2 s17, $0xA;
	s24 =	sshll.u32 @!p2 s20, $0xA;
	[sflag:s21] =	ssyncadd.s32 $0xFFFFFC00  }
0xb9: {  	s25 =	sadd.s32 @!p2 $0x1, s20;
	s19 =	sadd.s32 @!p2 s31, s19;
	_ =	swait.ge [sflag:s30], $0x400  }
0xba: {  	s20 =	sadd.s32 @!p2 $0x3, s20;
	v27 =	vmov s23;
	s19 =	sshrl.u32 @!p2 s19, $0x3;
	[sflag:s30] =	ssyncset.done $0x0  }
0xbb: {  	s21 =	sor.u32 @!p2 $0x28F0, s24;
	s28 =	sadd.s32 @!p2 s6, s19;
	[sflag:s30] =	ssyncadd.s32 $0xFFFFFC00  }
0xbc: {  	[tilespmem:s21], [sflag:s25] =	stream.linear.gather @!p2 [hbm4b:s28+s29], $0x400, $0x38;
	[tilespmem:$0x1F4B8] =	vst v63  }
0xbd: {  	s23 =	simm.s32 $0x0;
	s19 =	sadd.s32 @!p2 s7, s19;
	s21 =	sor.u32 @!p2 $0x30F0, s24  }
0xbe: {  	[tilespmem:s21], [sflag:s20] =	stream.linear.gather @!p2 [hbm4b:s19+s29], $0x400, $0x38;
	[tilespmem:$0x1F4B8] =	vst v63  }
0xbf: {  	v28 =	vld.idx.msk [tilespmem:v27+s23+$0xFFFFFFD0 ss:$0x1], $0xffff  }
0xc0: {  	s24 =	sor.u32 $0x2910, s22  }
0xc1: {  	v26 =	vmov s24;
	_ =	sdelay $0x2  }
0xc2: {  	v28 =	vsub.s32 v28, v0  }
0xc3: {  	vm0 =	vlt.u32 v28, $0x1400  }
0xc4: {  	v29 =	vld.idx.msk [tilespmem:v26+s23+$0xFFFFFFE0 ss:$0x1], $0xffff;
	v30 =	vnsel vm0, $0x0, v28;
	v31 =	vsel vm0, $0x1, v25  }
0xc5: {  	(xrf0) =	vadd.scan.msk.s32 $0xffff, v31;
	_ =	sdelay $0x2  }
0xc6: {  	v28 =	vshll.u32 v28, $0xE  }
0xc7: {  	v28 =	vor.u32 v29, v28;
	[tilespmem:v30+s11+$0x0] =	vst.idx.add.f32.msk vm0, v24  }
0xc8: {  	[tilespmem:s18+$0x0] =	vst.msk vm0, v28  }
0xc9: {  	v28 =	vld.idx.msk [tilespmem:v27+s23+$0xFFFFFFE0 ss:$0x1], $0xffff;
	v29, _, _ =	vpop (xrf0)  }
0xca: {  	(v2sf) =	vpush v29, $0xF;
	_ =	sdelay $0x3  }
0xcb: {  	v28 =	vsub.s32 v28, v0  }
0xcc: {  	vm0 =	vlt.u32 v28, $0x1400  }
0xcd: {  	v29 =	vsel vm0, $0x1, v25  }
0xce: {  	(xrf0) =	vadd.scan.msk.s32 $0xffff, v29;
	_ =	sdelay $0x3  }
0xcf: {  	v30 =	vld.idx.msk [tilespmem:v26+s23+$0xFFFFFFF0 ss:$0x1], $0xffff;
	v29 =	vnsel vm0, $0x0, v28;
	_ =	sdelay $0x1  }
0xd0: {  	v31, _, _ =	vpop (xrf0)  }
0xd1: {  	(v2sf) =	vpush v31, $0xF  }
0xd2: {  	v28 =	vshll.u32 v28, $0xE;
	s25 =	spop (v2sf)  }
0xd3: {  	v28 =	vor.u32 v30, v28;
	[tilespmem:v29+s11+$0x0] =	vst.idx.add.f32.msk vm0, v24;
	s28 =	sadd.s32 s18, s25  }
0xd4: {  	[tilespmem:s28+$0x0] =	vst.msk vm0, v28  }
0xd5: {  	v28 =	vld.idx.msk [tilespmem:v27+s23+$0xFFFFFFF0 ss:$0x1], $0xffff;
	_ =	sdelay $0x4  }
0xd6: {  	v28 =	vsub.s32 v28, v0  }
0xd7: {  	vm0 =	vlt.u32 v28, $0x1400  }
0xd8: {  	v29 =	vld.idx.msk [tilespmem:v26+s23+$0x0 ss:$0x1], $0xffff;
	v30 =	vnsel vm0, $0x0, v28  }
0xd9: {  	v31 =	vsel vm0, $0x1, v25  }
0xda: {  	(xrf0) =	vadd.scan.msk.s32 $0xffff, v31;
	_ =	sdelay $0x1  }
0xdb: {  	v28 =	vshll.u32 v28, $0xE;
	s29 =	spop (v2sf)  }
0xdc: {  	v28 =	vor.u32 v29, v28;
	s18 =	sadd.s32 s28, s29;
	[tilespmem:v30+s11+$0x0] =	vst.idx.add.f32.msk vm0, v24  }
0xdd: {  	[tilespmem:s18+$0x0] =	vst.msk vm0, v28  }
0xde: {  	v28 =	vld.idx.msk [tilespmem:v27+s23+$0x0 ss:$0x1], $0xffff  }
0xdf: {  	v29, _, _ =	vpop (xrf0)  }
0xe0: {  	(v2sf) =	vpush v29, $0xF;
	_ =	sdelay $0x2  }
0xe1: {  	v28 =	vsub.s32 v28, v0  }
0xe2: {  	vm0 =	vlt.u32 v28, $0x1400  }
0xe3: {  	v29 =	vsel vm0, $0x1, v25  }
0xe4: {  	(xrf0) =	vadd.scan.msk.s32 $0xffff, v29;
	_ =	sdelay $0x4  }
0xe5: {  	v30 =	vld.idx.msk [tilespmem:v26+s23+$0x10 ss:$0x1], $0xffff;
	v31 =	vnsel vm0, $0x0, v28  }
0xe6: {  	v29, _, _ =	vpop (xrf0)  }
0xe7: {  	(v2sf) =	vpush v29, $0xF;
	_ =	sdelay $0x1  }
0xe8: {  	v28 =	vshll.u32 v28, $0xE;
	s30 =	spop (v2sf)  }
0xe9: {  	v28 =	vor.u32 v30, v28;
	[tilespmem:v31+s11+$0x0] =	vst.idx.add.f32.msk vm0, v24;
	s21 =	sadd.s32 s18, s30  }
0xea: {  	s18 =	simm.s32 $0x40;
	[tilespmem:s21+$0x0] =	vst.msk vm0, v28  }
0xeb: {  	v28 =	vld.idx.msk [tilespmem:v27+s18+$0xFFFFFFD0 ss:$0x1], $0xffff;
	_ =	sdelay $0x4  }
0xec: {  	v30 =	vld.idx.msk [tilespmem:v26+s18+$0xFFFFFFE0 ss:$0x1], $0xffff;
	v28 =	vsub.s32 v28, v0  }
0xed: {  	vm0 =	vlt.u32 v28, $0x1400  }
0xee: {  	v32 =	vsel vm0, $0x1, v25;
	v29 =	vnsel vm0, $0x0, v28  }
0xef: {  	(xrf0) =	vadd.scan.msk.s32 $0xffff, v32  }
0xf0: {  	v31 =	vshll.u32 v28, $0xE  }
0xf1: {  	s19 =	simm.s32 $0x200;
	v28 =	vor.u32 v30, v31;
	s20 =	spop (v2sf)  }
.LBB2_8:
0xf2: {  	p2 =	seq.s32 s19, $0xF00  }
0xf3: {  	[tilespmem:v29+s11+$0x0] =	vst.idx.add.f32.msk vm0, v24;
	s21 =	sadd.s32 s21, s20;
	s20 =	smov.u32 s19;
	s19 =	sadd.s32 $0x100, s19  }
0xf4: {  	[tilespmem:s21+$0x0] =	vst.msk vm0, v28  }
0xf5: {  	v28 =	vld.idx.msk [tilespmem:v27+s18+$0xFFFFFFE0 ss:$0x1], $0xffff;
	v29, _, _ =	vpop (xrf0)  }
0xf6: {  	(v2sf) =	vpush v29, $0xF;
	_ =	sdelay $0x4  }
0xf7: {  	v28 =	vsub.s32 v28, v0  }
0xf8: {  	vm0 =	vlt.u32 v28, $0x1400;
	v29 =	vshll.u32 v28, $0xE  }
0xf9: {  	v28 =	vnsel vm0, $0x0, v28;
	v30 =	vsel vm0, $0x1, v25  }
0xfa: {  	(xrf0) =	vadd.scan.msk.s32 $0xffff, v30;
	_ =	sdelay $0x1  }
0xfb: {  	v30 =	vld.idx.msk [tilespmem:v26+s18+$0xFFFFFFF0 ss:$0x1], $0xffff;
	_ =	sdelay $0x3  }
0xfc: {  	v31, _, _ =	vpop (xrf0)  }
0xfd: {  	s22 =	spop (v2sf);
	(v2sf) =	vpush v31, $0xF  }
0xfe: {  	s21 =	sadd.s32 s21, s22;
	[tilespmem:v28+s11+$0x0] =	vst.idx.add.f32.msk vm0, v24;
	v28 =	vor.u32 v30, v29  }
0xff: {  	[tilespmem:s21+$0x0] =	vst.msk vm0, v28  }
0x100: {  	v28 =	vld.idx.msk [tilespmem:v27+s18+$0xFFFFFFF0 ss:$0x1], $0xffff;
	_ =	sdelay $0x5  }
0x101: {  	v28 =	vsub.s32 v28, v0  }
0x102: {  	vm0 =	vlt.u32 v28, $0x1400;
	v30 =	vshll.u32 v28, $0xE;
	v29 =	vld.idx.msk [tilespmem:v26+s18+$0x0 ss:$0x1], $0xffff  }
0x103: {  	v28 =	vnsel vm0, $0x0, v28;
	v31 =	vsel vm0, $0x1, v25  }
0x104: {  	(xrf0) =	vadd.scan.msk.s32 $0xffff, v31;
	_ =	sdelay $0x2  }
0x105: {  	s22 =	spop (v2sf)  }
0x106: {  	s21 =	sadd.s32 s21, s22;
	[tilespmem:v28+s11+$0x0] =	vst.idx.add.f32.msk vm0, v24;
	v28 =	vor.u32 v29, v30  }
0x107: {  	[tilespmem:s21+$0x0] =	vst.msk vm0, v28  }
0x108: {  	v28 =	vld.idx.msk [tilespmem:v27+s18+$0x0 ss:$0x1], $0xffff;
	v29, _, _ =	vpop (xrf0)  }
0x109: {  	v30 =	vld.idx.msk [tilespmem:v26+s18+$0x10 ss:$0x1], $0xffff;
	(v2sf) =	vpush v29, $0xF;
	_ =	sdelay $0x4  }
0x10a: {  	v28 =	vsub.s32 v28, v0  }
0x10b: {  	vm0 =	vlt.u32 v28, $0x1400;
	v29 =	vshll.u32 v28, $0xE  }
0x10c: {  	v28 =	vnsel vm0, $0x0, v28;
	v31 =	vsel vm0, $0x1, v25  }
0x10d: {  	(xrf0) =	vadd.scan.msk.s32 $0xffff, v31;
	_ =	sdelay $0x3  }
0x10e: {  	[tilespmem:v28+s11+$0x0] =	vst.idx.add.f32.msk vm0, v24;
	_ =	sdelay $0x1  }
0x10f: {  	v28, _, _ =	vpop (xrf0)  }
0x110: {  	s18 =	spop (v2sf);
	(v2sf) =	vpush v28, $0xF  }
0x111: {  	v28 =	vor.u32 v30, v29;
	s21 =	sadd.s32 s21, s18  }
0x112: {  	s18 =	sshra.s32 s20, $0x2;
	[tilespmem:s21+$0x0] =	vst.msk vm0, v28  }
0x113: {  	v28 =	vld.idx.msk [tilespmem:v27+s18+$0xFFFFFFD0 ss:$0x1], $0xffff;
	_ =	sdelay $0x1  }
0x114: {  	v30 =	vld.idx.msk [tilespmem:v26+s18+$0xFFFFFFE0 ss:$0x1], $0xffff;
	_ =	sdelay $0x3  }
0x115: {  	v28 =	vsub.s32 v28, v0  }
0x116: {  	vm0 =	vlt.u32 v28, $0x1400;
	v31 =	vshll.u32 v28, $0xE  }
.Ltmp2:
0x117: {  	v29 =	vnsel vm0, $0x0, v28;
	v28 =	vor.u32 v30, v31;
	v30 =	vsel vm0, $0x1, v25;
	(pc) =	sbr.rel @!p2 .LBB2_8-.Ltmp2, $2  }
0x118: {  	(xrf0) =	vadd.scan.msk.s32 $0xffff, v30;
	_ =	sdelay $0x2  }
0x119: {  	s20 =	spop (v2sf)  }
0x11a: {  	_ =	sdelay $0x4  }
0x11b: {  	[tilespmem:v29+s11+$0x0] =	vst.idx.add.f32.msk vm0, v24;
	s19 =	sadd.s32 s21, s20  }
0x11c: {  	[tilespmem:s19+$0x0] =	vst.msk vm0, v28  }
0x11d: {  	v28 =	vld.idx.msk [tilespmem:v27+s18+$0xFFFFFFE0 ss:$0x1], $0xffff;
	v55, _, _ =	vpop (xrf0)  }
0x11e: {  	(v2sf) =	vpush v55, $0xF;
	_ =	sdelay $0x3  }
0x11f: {  	v28 =	vsub.s32 v28, v0  }
0x120: {  	vm13 =	vlt.u32 v28, $0x1400  }
0x121: {  	v56 =	vsel vm13, $0x1, v25  }
0x122: {  	(xrf0) =	vadd.scan.msk.s32 $0xffff, v56;
	_ =	sdelay $0x3  }
0x123: {  	v30 =	vld.idx.msk [tilespmem:v26+s18+$0xFFFFFFF0 ss:$0x1], $0xffff;
	v57 =	vnsel vm13, $0x0, v28;
	_ =	sdelay $0x1  }
0x124: {  	v31, _, _ =	vpop (xrf0)  }
0x125: {  	(v2sf) =	vpush v31, $0xF  }
0x126: {  	v28 =	vshll.u32 v28, $0xE;
	s25 =	spop (v2sf)  }
0x127: {  	v28 =	vor.u32 v30, v28;
	[tilespmem:v57+s11+$0x0] =	vst.idx.add.f32.msk vm13, v24;
	s19 =	sadd.s32 s19, s25  }
0x128: {  	[tilespmem:s19+$0x0] =	vst.msk vm13, v28  }
0x129: {  	v28 =	vld.idx.msk [tilespmem:v27+s18+$0xFFFFFFF0 ss:$0x1], $0xffff;
	_ =	sdelay $0x4  }
0x12a: {  	v28 =	vsub.s32 v28, v0  }
0x12b: {  	vm14 =	vlt.u32 v28, $0x1400  }
0x12c: {  	v29 =	vld.idx.msk [tilespmem:v26+s18+$0x0 ss:$0x1], $0xffff;
	v58 =	vnsel vm14, $0x0, v28;
	_ =	sdelay $0x3  }
0x12d: {  	v28 =	vshll.u32 v28, $0xE;
	s28 =	spop (v2sf)  }
0x12e: {  	v28 =	vor.u32 v29, v28;
	s19 =	sadd.s32 s19, s28;
	[tilespmem:v58+s11+$0x0] =	vst.idx.add.f32.msk vm14, v24  }
0x12f: {  	[tilespmem:s19+$0x0] =	vst.msk vm14, v28  }
0x130: {  	v27 =	vld.idx.msk [tilespmem:v27+s18+$0x0 ss:$0x1], $0xffff;
	_ =	sdelay $0x4  }
0x131: {  	v27 =	vsub.s32 v27, v0  }
0x132: {  	v59 =	vsel vm14, $0x1, v25;
	vm15 =	vlt.u32 v27, $0x1400  }
0x133: {  	(xrf0) =	vadd.scan.msk.s32 $0xffff, v59;
	v60 =	vsel vm15, $0x1, v25  }
0x134: {  	(xrf0) =	vadd.scan.msk.s32 $0xffff, v60;
	_ =	sdelay $0x4  }
0x135: {  	v61, _, _ =	vpop (xrf0)  }
0x136: {  	(v2sf) =	vpush v61, $0xF;
	v62, _, _ =	vpop (xrf0)  }
0x137: {  	(v2sf) =	vpush v62, $0xF;
	_ =	sdelay $0x9  }
0x138: {  	v26 =	vld.idx.msk [tilespmem:v26+s18+$0x10 ss:$0x1], $0xffff;
	v63 =	vnsel vm15, $0x0, v27;
	_ =	sdelay $0x3  }
0x139: {  	v27 =	vshll.u32 v27, $0xE;
	s29 =	spop (v2sf)  }
0x13a: {  	v26 =	vor.u32 v26, v27;
	[tilespmem:v63+s11+$0x0] =	vst.idx.add.f32.msk vm15, v24;
	s18 =	sadd.s32 s19, s29;
	s30 =	spop (v2sf)  }
0x13b: {  	[tilespmem:s18+$0x0] =	vst.msk vm15, v26;
	s18 =	sadd.s32 s18, s30  }
0x13c: {  	p2 =	seq.s32 s17, $0xA  }
.Ltmp3:
0x13d: {  	_ = 	snop;
	(pc) =	sbr.rel @!p2 .LBB2_7-.Ltmp3, $2  }
0x13e: {  	_ =	sdelay $0x2  }
0x13f: {  	p1 =	por !p1, !p1  }
0x140: {  	[tilespmem:s18+$0x0] =	vst v2  }
0x141: {  	[tilespmem:s18+$0x10] =	vst v2  }
0x142: {  	[tilespmem:s18+$0x20] =	vst v2  }
0x143: {  	[bflag:$0x0] =	sbarrier.arrive $0xFFFF  }
0x144: {  	v26 =	vld [tilespmem:$0x0];
	_ =	sdelay $0x1  }
0x145: {  	v27 =	vld [tilespmem:$0x10];
	_ =	sdelay $0x1  }
0x146: {  	s17 =	sadd.s32 $0x2F, s18;
	v28 =	vld [tilespmem:$0x20]  }
0x147: {  	s18 =	smulhi.u32 $0x2AAAAAAB, s17;
	s17 =	sshra.s32 s17, $0x1F;
	v29 =	vand.u32 $0x3FFF, v26  }
0x148: {  	s17 =	smul.u32 $0x2AAAAAAB, s17;
	v26 =	vshrl.u32 v26, $0xE;
	[tilespmem:$0x2830] =	vst v29  }
0x149: {  	[tilespmem:$0x2890] =	vst v26;
	v26 =	vand.u32 $0x3FFF, v27  }
0x14a: {  	s17 =	sadd.s32 s17, s18;
	[tilespmem:$0x2840] =	vst v26;
	v26 =	vshrl.u32 v27, $0xE  }
0x14b: {  	s18 =	sshrl.u32 s17, $0x1F;
	s17 =	sshra.s32 s17, $0x3;
	[tilespmem:$0x28A0] =	vst v26;
	v26 =	vand.u32 $0x3FFF, v28  }
0x14c: {  	s17 =	sadd.s32 s18, s17;
	[tilespmem:$0x2850] =	vst v26;
	v26 =	vshrl.u32 v28, $0xE  }
0x14d: {  	s28 =	simm.s32 $0x2830;
	s18 =	simm.s32 $0x50;
	p1 =	sle.s32 s17, $0x1;
	[tilespmem:$0x28B0] =	vst v26  }
0x14e: {  	[tilespmem:s0], [sflag:$0x5] =	stream.indirect.gather [hbm4b:s5+s13], $0x100, s28, s13, $0xb8;
	[tilespmem:$0x1F4B8] =	vst v63  }
0x14f: {  	v26 =	vld @!p1 [tilespmem:s18+$0xFFFFFFE0]  }
0x150: {  	s19 =	simm.s32 $0x0  }
0x151: {  	s19 =	sand.u32 $0x1, s19  }
0x152: {  	s20 =	sxor.u32 @!p1 $0x1, s19  }
0x153: {  	s21 =	smul.u32 @!p1 $0x30, s20  }
0x154: {  	v27 =	vand.u32 @!p1 $0x3FFF, v26  }
0x155: {  	v26 =	vshrl.u32 @!p1 v26, $0xE;
	[tilespmem:s21+$0x2830] =	vst @!p1 v27  }
0x156: {  	[tilespmem:s21+$0x2890] =	vst @!p1 v26  }
0x157: {  	v26 =	vld @!p1 [tilespmem:s18+$0xFFFFFFF0];
	_ =	sdelay $0x4  }
0x158: {  	v27 =	vand.u32 @!p1 $0x3FFF, v26  }
0x159: {  	v26 =	vshrl.u32 @!p1 v26, $0xE;
	[tilespmem:s21+$0x2840] =	vst @!p1 v27  }
0x15a: {  	[tilespmem:s21+$0x28A0] =	vst @!p1 v26  }
0x15b: {  	v26 =	vld @!p1 [tilespmem:s18+$0x0];
	_ =	sdelay $0x2  }
0x15c: {  	s22 =	smul.u32 @!p1 $0xC000, s20  }
0x15d: {  	s23 =	smul.u32 $0xC000, s19  }
0x15e: {  	s24 =	smul.u32 $0xC0, s19;
	p2 =	sgt.s32 s17, $0x1;
	s22 =	sshrl.u32 @!p1 s22, $0x2;
	v27 =	vand.u32 @!p1 $0x3FFF, v26  }
0x15f: {  	s20 =	sadd.s32 @!p1 $0x5, s20;
	s25 =	sadd.s32 @!p1 $0x2830, s21;
	s22 =	sadd.s32 @!p1 $0x38F0, s22;
	v26 =	vshrl.u32 @!p1 v26, $0xE;
	[tilespmem:s21+$0x2850] =	vst @!p1 v27  }
0x160: {  	s28 =	simm.s32 @!p1 $0x30;
	[tilespmem:s21+$0x28B0] =	vst @!p1 v26;
	s21 =	sadd.s32 $0x5, s19;
	s19 =	smov.u32 s17  }
0x161: {  	[tilespmem:s22], [sflag:s20] =	stream.indirect.gather @!p1 [hbm4b:s5+s28], $0x100, s25, s28, $0xb8;
	[tilespmem:$0x1F4B8] =	vst v63  }
0x162: {  	s19 =	simm.s32 @!p2 $0x1  }
0x163: {  	p1 =	sne.s32 s19, $0x1  }
.Ltmp4:
0x164: {  	_ =	swait.ge [sflag:s21], $0x3000;
	(pc) =	sbr.rel @!p1 .LBB2_12-.Ltmp4, $4  }
0x165: {  	s29 =	sshrl.u32 s23, $0x2;
	s30 =	sshrl.u32 s24, $0x2;
	[sflag:s21] =	ssyncset.done $0x0  }
0x166: {  	s20 =	sadd.s32 $0x38F0, s29;
	s22 =	sadd.s32 $0x2890, s30;
	[sflag:s21] =	ssyncadd.s32 $0xFFFFD000  }
0x167: {  	[spmem:s1] =	stream.indirect.scatter.add.f32 [tilespmem:s20], [sflag:$0x7], $0x100, s22, s13, $0xb8;
	[tilespmem:$0x1F4B8] =	vst v63  }
0x168: {  	s20 =	simm.s32 $0x1;
	_ =	swait.ge [sflag:s4], $0x3000  }
.LBB2_11:
0x169: {  	[sflag:s4] =	ssyncset.done $0x0  }
0x16a: {  	s18 =	sadd.s32 $0x30, s18;
	s21 =	smov.u32 s20;
	s20 =	sadd.s32 $0x1, s20  }
0x16b: {  	s21 =	sand.u32 $0x1, s21;
	p2 =	sle.s32 s17, s20;
	[sflag:s4] =	ssyncadd.s32 $0xFFFFD000  }
0x16c: {  	p1 =	sne.s32 s19, s20;
	s22 =	sxor.u32 @!p2 $0x1, s21;
	v26 =	vld @!p2 [tilespmem:s18+$0xFFFFFFE0];
	s23 =	smul.u32 $0xC000, s21  }
0x16d: {  	s24 =	smul.u32 @!p2 $0xC000, s22;
	s25 =	sadd.s32 @!p2 $0x5, s22  }
0x16e: {  	s28 =	smul.u32 $0xC0, s21;
	s23 =	sshrl.u32 s23, $0x2  }
0x16f: {  	s24 =	sshrl.u32 @!p2 s24, $0x2  }
0x170: {  	s22 =	smul.u32 @!p2 $0x30, s22;
	s28 =	sshrl.u32 s28, $0x2;
	s24 =	sadd.s32 @!p2 $0x38F0, s24  }
0x171: {  	v27 =	vand.u32 @!p2 $0x3FFF, v26;
	v26 =	vshrl.u32 @!p2 v26, $0xE  }
0x172: {  	s29 =	sadd.s32 @!p2 $0x2830, s22;
	[tilespmem:s22+$0x2830] =	vst @!p2 v27  }
0x173: {  	[tilespmem:s22+$0x2890] =	vst @!p2 v26  }
0x174: {  	v26 =	vld @!p2 [tilespmem:s18+$0xFFFFFFF0];
	_ =	sdelay $0x4  }
0x175: {  	v27 =	vand.u32 @!p2 $0x3FFF, v26;
	v26 =	vshrl.u32 @!p2 v26, $0xE  }
0x176: {  	[tilespmem:s22+$0x2840] =	vst @!p2 v27  }
0x177: {  	[tilespmem:s22+$0x28A0] =	vst @!p2 v26  }
0x178: {  	v26 =	vld @!p2 [tilespmem:s18+$0x0];
	_ =	sdelay $0x4  }
0x179: {  	v27 =	vand.u32 @!p2 $0x3FFF, v26;
	v26 =	vshrl.u32 @!p2 v26, $0xE  }
0x17a: {  	s30 =	simm.s32 @!p2 $0x30;
	[tilespmem:s22+$0x2850] =	vst @!p2 v27  }
0x17b: {  	s21 =	sadd.s32 $0x5, s21;
	[tilespmem:s22+$0x28B0] =	vst @!p2 v26  }
0x17c: {  	[tilespmem:s24], [sflag:s25] =	stream.indirect.gather @!p2 [hbm4b:s5+s30], $0x100, s29, s30, $0xb8;
	[tilespmem:$0x1F4B8] =	vst v63  }
.Ltmp5:
0x17d: {  	_ =	swait.ge [sflag:s21], $0x3000;
	(pc) =	sbr.rel @p1 .LBB2_11-.Ltmp5, $4  }
0x17e: {  	s22 =	sadd.s32 $0x38F0, s23;
	s23 =	sadd.s32 $0x2890, s28;
	[sflag:s21] =	ssyncset.done $0x0  }
0x17f: {  	[sflag:s21] =	ssyncadd.s32 $0xFFFFD000  }
0x180: {  	[spmem:s1] =	stream.indirect.scatter.add.f32 [tilespmem:s22], [sflag:$0x7], $0x100, s23, s13, $0xb8;
	[tilespmem:$0x1F4B8] =	vst v63  }
0x181: {  	_ =	swait.ge [sflag:s4], $0x3000  }
.LBB2_12:
0x182: {  	[sflag:s4] =	ssyncset.done $0x0  }
0x183: {  	s17 =	simm.s32 $0xB0F0;
	[sflag:s4] =	ssyncadd.s32 $0xFFFFD000  }
0x184: {  	[spmem:s2] =	stream.indirect.scatter.add.f32 [tilespmem:s11], [sflag:$0x7], $0x10, s17, s15, $0xb8;
	[tilespmem:$0x1F4B8] =	vst v63  }
0x185: {  	_ =	swait.ge [sflag:s4], $0x800  }
0x186: {  	[sflag:s4] =	ssyncset.done $0x0  }
0x187: {  	s22 =	simm.s32 $0xB170;
	s18 =	simm.s32 $0xA0F0;
	[sflag:s4] =	ssyncadd.s32 $0xFFFFF800  }
0x188: {  	[spmem:s2] =	stream.indirect.scatter.add.f32 [tilespmem:s18], [sflag:$0x7], $0x10, s22, s15, $0xb8;
	[tilespmem:$0x1F4B8] =	vst v63  }
0x189: {  	_ =	swait.ge [sflag:s4], $0x800  }
0x18a: {  	[sflag:s4] =	ssyncset.done $0x0  }
0x18b: {  	s23 =	simm.s32 $0xB1F0;
	s24 =	simm.s32 $0xA8F0;
	[sflag:s4] =	ssyncadd.s32 $0xFFFFF800  }
0x18c: {  	[spmem:s2] =	stream.indirect.scatter.add.f32 [tilespmem:s24], [sflag:$0x7], $0x10, s23, s15, $0xb8;
	[tilespmem:$0x1F4B8] =	vst v63  }
0x18d: {  	_ =	swait.ge [sflag:s4], $0x800  }
0x18e: {  	[sflag:s4] =	ssyncset.done $0x0  }
0x18f: {  	s25 =	stileid.u32;
	[sflag:s4] =	ssyncadd.s32 $0xFFFFF800  }
0x190: {  	s17 =	sshll.u32 s25, $0x6;
	[bflag:$0x0] =	sbarrier.arrive $0xFFFF  }
0x191: {  	s28 =	sshrl.u32 s8, $0x3;
	s17 =	sor.u32 $0x1C07, s17;
	s19 =	rddreg [dreg:$0xb]  }
0x192: {  	[hbm:s19], [sflag:s17] =	dma.local [spmem:s28], $0x800  }
0x193: {  	_ =	swait.ge [sflag:s4], $0x800  }
0x194: {  	[sflag:s4] =	ssyncset.done $0x0  }
0x195: {  	s29 =	sshrl.u32 s10, $0x3;
	s30 =	rddreg [dreg:$0xc];
	[sflag:s4] =	ssyncadd.s32 $0xFFFFF800  }
0x196: {  	[hbm:s30], [sflag:s17] =	dma.local [spmem:s29], $0x800  }
0x197: {  	_ =	swait.ge [sflag:s4], $0x800  }
0x198: {  	[sflag:s4] =	ssyncset.done $0x0  }
0x199: {  	s20 =	sshrl.u32 s12, $0x3;
	s21 =	rddreg [dreg:$0xd];
	[sflag:s4] =	ssyncadd.s32 $0xFFFFF800  }
0x19a: {  	[hbm:s21], [sflag:s17] =	dma.local [spmem:s20], $0x800  }
0x19b: {  	_ =	swait.ge [sflag:s4], $0x800  }
0x19c: {  	[sflag:s4] =	ssyncset.done $0x0  }
0x19d: {  	s22 =	sshrl.u32 s14, $0x3;
	s23 =	rddreg [dreg:$0xf];
	[sflag:s4] =	ssyncadd.s32 $0xFFFFF800  }
0x19e: {  	[hbm:s23], [sflag:s17] =	dma.local [spmem:s22], $0x800  }
0x19f: {  	_ =	swait.ge [sflag:s4], $0x800  }
0x1a0: {  	[sflag:s4] =	ssyncset.done $0x0  }
0x1a1: {  	s24 =	sshrl.u32 s26, $0x3;
	s25 =	rddreg [dreg:$0x10];
	[sflag:s4] =	ssyncadd.s32 $0xFFFFF800  }
0x1a2: {  	[hbm:s25], [sflag:s17] =	dma.local [spmem:s24], $0x800  }
0x1a3: {  	_ =	swait.ge [sflag:s4], $0x800  }
0x1a4: {  	[sflag:s4] =	ssyncset.done $0x0  }
0x1a5: {  	s28 =	sshrl.u32 s16, $0x3;
	s29 =	rddreg [dreg:$0xe];
	[sflag:s4] =	ssyncadd.s32 $0xFFFFF800  }
0x1a6: {  	[hbm:s29], [sflag:s17] =	dma.local [spmem:s28], $0x28  }
0x1a7: {  	_ =	swait.ge [sflag:s4], $0x28  }
0x1a8: {  	s3 =	sadd.s32 $0x1, s3;
	s30 =	rddreg [dreg:$0x11]  }
0x1a9: {  	p1 =	sne.s32 s3, s30  }
.Ltmp6:
0x1aa: {  	_ = 	snop;
	(pc) =	sbr.rel @p1 .LBB2_1-.Ltmp6, $3  }
0x1ab: {  	_ =	sdelay $0x1  }
0x1ac: {  	[sflag:s4] =	ssyncset.done $0x0  }
0x1ad: {  	[sflag:s4] =	ssyncadd.s32 $0xFFFFFFD8  }
0x1ae: {  	_ =	sfence.sel $0x180000  }
0x1af: {  	[bflag:$0x0] =	sbarrier.arrive $0xFFFF  }
0x1b0: {  	_ =	strace $0x90000047  }
0x1b1: {  	[bflag:$0x2] =	sbarrier.arrive $0xFFFF  }
0x1b2: {  	s0 =	rddreg [dreg:$0x4]  }
0x1b3: {  	s0 =	sadd.s32 @!p0 $0x100000, s0  }
0x1b4: {  	[sflag:s0] =	ssyncadd.tile.s32 @!p0 $0x1;
	_ =	shalt  }
.Lfunc_end2:
_tile_overlayer_lowered:
.L_overlay_start_2:
0x1b5: {  	(tag) =	ssettag $0x2  }
0x1b6: {  	s0 =	rddreg [dreg:$0x0];
	s2 =	stileid.u32  }
0x1b7: {  	s1 =	rddreg [dreg:$0x1];
	p0 =	sne.s32 s2, $0x0  }
0x1b8: {  	s3 =	rddreg [dreg:$0x2];
	[bflag:$0x3] =	sbarrier.arrive $0xFFFF;
	s2 =	simm.s32 @!p0 $0x1C07  }
0x1b9: {  	[timem:s3], [sflag:s2] =	dma.local @!p0 [hbm:s0], s1  }
0x1ba: {  	s0 =	simm.s32 @!p0 $0x7  }
0x1bb: {  	_ =	swait.ge @!p0 [sflag:s0], s1  }
0x1bc: {  	s1 =	ssub.s32 @!p0 $0x0, s1;
	[sflag:s0] =	ssyncset.done @!p0 $0x0  }
0x1bd: {  	[sflag:s0] =	ssyncadd.s32 @!p0 s1  }
0x1be: {  	[bflag:$0x3] =	sbarrier.arrive $0xFFFF  }
0x1bf: {  	_ =	shalt  }

</sc_bundles>
